<compile_context>
chip_gen: v7x
topology: tpu7x:2x2x1
jax: 0.10.2.dev20260603
libtpu: 0.0.44.dev20260713+nightly
codegen_flags: <defaults>
</compile_context>

<pallas_src>
import functools

import jax
import jax.numpy as jnp
from jax import lax
from jax.experimental import pallas as pl
from jax.experimental.pallas import tpu as pltpu
from jax.experimental.pallas import tpu_sc as plsc

f32 = jnp.float32
i32 = jnp.int32

N = 100000
P = 100352
E = 1600000
G = 128
K = 30
HID = 32
HALF = 16
NB = P // 1024
RT = 256
NRT = P // RT
TPB = P // 32
EMB_B = 784
EC = 800
SLOTS = G * K
SLOTS_PAD = 3848
PR = P // 8
PB = PR // 8
SENT = N
BSENT = 999

_HI = jax.lax.Precision.HIGHEST
_mesh = plsc.VectorSubcoreMesh(core_axis_name="c", subcore_axis_name="s")


def _dot(a, b):
    return jnp.dot(a, b, precision=_HI, preferred_element_type=f32)



@functools.partial(
    pl.kernel,
    out_type=jax.ShapeDtypeStruct((P, HID), f32),
    mesh=_mesh,
    compiler_params=pltpu.CompilerParams(use_tc_tiling_on_sc=False),
    scratch_types=[
        pltpu.VMEM((EMB_B,), i32),
        pltpu.VMEM((EMB_B,), i32),
        pltpu.VMEM((EMB_B,), i32),
        pltpu.VMEM((EMB_B, HID), f32),
        pltpu.VMEM((EMB_B, HID), f32),
        pltpu.VMEM((EMB_B, HID), f32),
        pltpu.SemaphoreType.DMA,
    ],
)
def _sc_emb(x0, x1, dep, t1, a1, d1, z1, i0, i1, i2, bt, ba, bd, sem):
    c = lax.axis_index("c")
    s = lax.axis_index("s")
    wid = s * 2 + c
    nb = wid * TPB
    for b in range(4):
        base = nb + b * EMB_B
        pltpu.sync_copy(x0.at[pl.ds(base, EMB_B)], i0)
        pltpu.sync_copy(x1.at[pl.ds(base, EMB_B)], i1)
        pltpu.sync_copy(dep.at[pl.ds(base, EMB_B)], i2)
        pltpu.async_copy(t1.at[i0], bt, sem).wait()
        pltpu.async_copy(a1.at[i1], ba, sem).wait()
        pltpu.async_copy(d1.at[i2], bd, sem).wait()

        def add(e, carry):
            for h in range(2):
                sl = pl.ds(h * HALF, HALF)
                bt[e, sl] = bt[e, sl] + ba[e, sl] + bd[e, sl]
            return carry

        lax.fori_loop(0, EMB_B, add, 0)
        pltpu.sync_copy(bt, z1.at[pl.ds(base, EMB_B)])


@functools.partial(
    pl.kernel,
    out_type=jax.ShapeDtypeStruct((2, P, HALF), f32),
    mesh=_mesh,
    compiler_params=pltpu.CompilerParams(use_tc_tiling_on_sc=False),
    scratch_types=[
        pltpu.VMEM((EC,), i32),
        pltpu.VMEM((EC,), i32),
        pltpu.VMEM((EC, HALF), f32),
        pltpu.VMEM((EC,), i32),
        pltpu.VMEM((EC,), i32),
        pltpu.VMEM((EC, HALF), f32),
        pltpu.VMEM_SHARED((P, HALF), f32),
        pltpu.SemaphoreType.DMA,
        pltpu.SemaphoreType.DMA,
        pltpu.SemaphoreType.DMA,
        pltpu.SemaphoreType.DMA,
    ],
)
def _sc_agg(src, dst, zs2, zeros16, acc_out,
            sbuf0, dbuf0, rows0, sbuf1, dbuf1, rows1, acc,
            gsem0, gsem1, ssem0, ssem1):
    c = lax.axis_index("c")
    s = lax.axis_index("s")
    pltpu.sync_copy(zeros16, acc.at[pl.ds(s * TPB, TPB)])
    plsc.subcore_barrier()
    ebase = s * (E // 16)

    def pair(p, carry):
        e0 = ebase + p * (2 * EC)
        pltpu.sync_copy(src.at[pl.ds(e0, EC)], sbuf0)
        pltpu.sync_copy(dst.at[pl.ds(e0, EC)], dbuf0)
        g0 = pltpu.async_copy(zs2.at[c].at[sbuf0], rows0, gsem0)
        pltpu.sync_copy(src.at[pl.ds(e0 + EC, EC)], sbuf1)
        pltpu.sync_copy(dst.at[pl.ds(e0 + EC, EC)], dbuf1)
        g1 = pltpu.async_copy(zs2.at[c].at[sbuf1], rows1, gsem1)
        g0.wait()
        s0 = pltpu.async_copy(rows0, acc.at[dbuf0], ssem0, add=True)
        g1.wait()
        s1 = pltpu.async_copy(rows1, acc.at[dbuf1], ssem1, add=True)
        s0.wait()
        s1.wait()
        return carry

    npairs = (E // 16) // (2 * EC)
    lax.fori_loop(0, npairs, pair, 0)
    ntail = (E // 16) - npairs * 2 * EC
    if ntail:
        assert ntail == EC
        e0 = ebase + npairs * 2 * EC
        pltpu.sync_copy(src.at[pl.ds(e0, EC)], sbuf0)
        pltpu.sync_copy(dst.at[pl.ds(e0, EC)], dbuf0)
        pltpu.async_copy(zs2.at[c].at[sbuf0], rows0, gsem0).wait()
        pltpu.sync_copy(rows0, acc.at[dbuf0], add=True)
    plsc.subcore_barrier()
    pltpu.sync_copy(acc.at[pl.ds(s * TPB, TPB)], acc_out.at[c, pl.ds(s * TPB, TPB)])


@functools.partial(
    pl.kernel,
    out_type=jax.ShapeDtypeStruct((SLOTS,), i32),
    mesh=_mesh,
    compiler_params=pltpu.CompilerParams(use_tc_tiling_on_sc=False,
                                         needs_layout_passes=False),
    scratch_types=[
        pltpu.VMEM((1024,), i32),
        pltpu.VMEM((SLOTS_PAD,), i32),
    ],
)
def _sc_slots(dest, init, slots_out, dbuf, slots):
    c = lax.axis_index("c")
    s = lax.axis_index("s")

    @pl.when(jnp.logical_and(c == 0, s == 0))
    def _():
        pltpu.sync_copy(init, slots)

        def blk(b, carry):
            pltpu.sync_copy(dest.at[pl.ds(b * 1024, 1024)], dbuf)

            def inner(k, c2):
                iv = dbuf[pl.ds(k * 16, 16)]
                vals = lax.iota(i32, 16) + (b * 1024 + k * 16)
                plsc.store_scatter(slots, [iv], vals)
                return c2

            lax.fori_loop(0, 64, inner, 0)
            return carry

        lax.fori_loop(0, P // 1024, blk, 0)
        pltpu.sync_copy(slots.at[pl.ds(0, SLOTS)], slots_out)


@functools.partial(
    pl.kernel,
    out_type=[jax.ShapeDtypeStruct((SLOTS, HALF), f32) for _ in range(7)],
    mesh=_mesh,
    compiler_params=pltpu.CompilerParams(use_tc_tiling_on_sc=False),
    scratch_types=[
        pltpu.VMEM((SLOTS // 32,), i32),
        pltpu.VMEM((SLOTS // 32, HALF), f32),
        pltpu.SemaphoreType.DMA,
    ],
)
def _sc_pool(slots, h1, h2, h3, h4p, p1l, p1h, p2l, p2h, p3l, p3h, p4,
             ibuf, b16, sem):
    c = lax.axis_index("c")
    s = lax.axis_index("s")
    wid = s * 2 + c
    nb = SLOTS // 32
    base = wid * nb
    pltpu.sync_copy(slots.at[pl.ds(base, nb)], ibuf)
    for arr, plo, phi in ((h1, p1l, p1h), (h2, p2l, p2h), (h3, p3l, p3h)):
        for hh, pref in ((0, plo), (1, phi)):
            pltpu.async_copy(arr.at[hh].at[ibuf], b16, sem).wait()
            pltpu.sync_copy(b16, pref.at[pl.ds(base, nb)])
    pltpu.async_copy(h4p.at[ibuf], b16, sem).wait()
    pltpu.sync_copy(b16, p4.at[pl.ds(base, nb)])



def _premul_body(tt, at_, dt, w1, o1, o2, o3):
    o1[...] = _dot(tt[...], w1[...])
    o2[...] = _dot(at_[...], w1[...])
    o3[...] = _dot(dt[...], w1[...])


def _tc_premul(type_table, attr_table, depth_table, w1):
    nt, na, nd = type_table.shape[0], attr_table.shape[0], depth_table.shape[0]
    return pl.pallas_call(
        _premul_body,
        out_shape=[
            jax.ShapeDtypeStruct((nt, HID), f32),
            jax.ShapeDtypeStruct((na, HID), f32),
            jax.ShapeDtypeStruct((nd, HID), f32),
        ],
    )(type_table, attr_table, depth_table, w1)


def _prep1_body(deg2, z1p, mb, sel, dinvp, zs2):
    d = _dot(deg2[0] + deg2[1], mb[...]) + 1.0
    di = lax.rsqrt(d)
    zcat = _dot(z1p[...], sel[...])
    dinvp[...] = di
    zs2[...] = jnp.stack([di * zcat[:, 0:128], di * zcat[:, 128:256]], axis=0)


def _tc_prep1(deg2p, z1p, mb, sel):
    return pl.pallas_call(
        _prep1_body,
        grid=(8,),
        in_specs=[
            pl.BlockSpec((2, PB, 128), lambda i: (0, i, 0)),
            pl.BlockSpec((PB, 256), lambda i: (i, 0)),
            pl.BlockSpec((128, 128), lambda i: (0, 0)),
            pl.BlockSpec((256, 256), lambda i: (0, 0)),
        ],
        out_specs=[
            pl.BlockSpec((PB, 128), lambda i: (i, 0)),
            pl.BlockSpec((2, PB, 128), lambda i: (0, i, 0)),
        ],
        out_shape=[
            jax.ShapeDtypeStruct((PR, 128), f32),
            jax.ShapeDtypeStruct((2, PR, 128), f32),
        ],
    )(deg2p, z1p, mb, sel)


def _epi_body(acc2, zs2, dinvp, btile, bdw, h_out, zsn2, *, last):
    pid = pl.program_id(0)
    di = dinvp[...]
    hcat = jnp.concatenate([di * (acc2[0] + zs2[0]), di * (acc2[1] + zs2[1])],
                           axis=1)
    hcat = jnp.tanh(hcat + btile[...])
    r = pid * PB + lax.broadcasted_iota(i32, (PB, 256), 0)
    kcol = (lax.broadcasted_iota(i32, (PB, 256), 1) % 128) // 16
    hcat = jnp.where(r * 8 + kcol < N, hcat, 0.0)
    h_out[...] = jnp.stack([hcat[:, 0:128], hcat[:, 128:256]], axis=0)
    zcat = _dot(hcat, bdw[...])
    if last:
        zs = di * zcat
        zsn2[...] = jnp.stack([zs, zs], axis=0)
    else:
        zsn2[...] = jnp.stack([di * zcat[:, 0:128], di * zcat[:, 128:256]],
                              axis=0)


def _tc_epi(acc2p, zs2p, dinvp, btile, bdw, last=False):
    bk = bdw.shape[1]
    return pl.pallas_call(
        functools.partial(_epi_body, last=last),
        grid=(8,),
        in_specs=[
            pl.BlockSpec((2, PB, 128), lambda i: (0, i, 0)),
            pl.BlockSpec((2, PB, 128), lambda i: (0, i, 0)),
            pl.BlockSpec((PB, 128), lambda i: (i, 0)),
            pl.BlockSpec((1, 256), lambda i: (0, 0)),
            pl.BlockSpec((256, bk), lambda i: (0, 0)),
        ],
        out_specs=[
            pl.BlockSpec((2, PB, 128), lambda i: (0, i, 0)),
            pl.BlockSpec((2, PB, 128), lambda i: (0, i, 0)),
        ],
        out_shape=[
            jax.ShapeDtypeStruct((2, PR, 128), f32),
            jax.ShapeDtypeStruct((2, PR, 128), f32),
        ],
    )(acc2p, zs2p, dinvp, btile, bdw)


def _epi4_body(acc2, zs2, dinvp, b4tile, h4p):
    pid = pl.program_id(0)
    h = jnp.tanh(dinvp[...] * (acc2[0] + zs2[0]) + b4tile[...])
    r = pid * PB + lax.broadcasted_iota(i32, (PB, 128), 0)
    kcol = lax.broadcasted_iota(i32, (PB, 128), 1) // 16
    h4p[...] = jnp.where(r * 8 + kcol < N, h, 0.0)


def _tc_epi4(acc2p, zs2p, dinvp, b4tile):
    return pl.pallas_call(
        _epi4_body,
        grid=(8,),
        in_specs=[
            pl.BlockSpec((2, PB, 128), lambda i: (0, i, 0)),
            pl.BlockSpec((2, PB, 128), lambda i: (0, i, 0)),
            pl.BlockSpec((PB, 128), lambda i: (i, 0)),
            pl.BlockSpec((1, 128), lambda i: (0, 0)),
        ],
        out_specs=pl.BlockSpec((PB, 128), lambda i: (i, 0)),
        out_shape=jax.ShapeDtypeStruct((PR, 128), f32),
    )(acc2p, zs2p, dinvp, b4tile)


def _ends_body(bat, st, en):
    g = lax.broadcasted_iota(i32, (G, RT), 0).astype(f32)

    def row(rr, carry):
        stc, enc = carry
        bmat = jnp.broadcast_to(bat[pl.ds(rr, 1), :], (G, RT))
        stc = stc + (bmat < g).astype(f32)
        enc = enc + (bmat <= g).astype(f32)
        return (stc, enc)

    z = jnp.zeros((G, RT), f32)
    stc, enc = lax.fori_loop(0, NRT, row, (z, z))
    st[...] = jnp.sum(stc, axis=1).reshape(1, G)
    en[...] = jnp.sum(enc, axis=1).reshape(1, G)


def _tc_ends(batchf2):
    return pl.pallas_call(
        _ends_body,
        in_specs=[pl.BlockSpec((NRT, RT), lambda: (0, 0))],
        out_specs=[
            pl.BlockSpec((1, G), lambda: (0, 0)),
            pl.BlockSpec((1, G), lambda: (0, 0)),
        ],
        out_shape=[
            jax.ShapeDtypeStruct((1, G), f32),
            jax.ShapeDtypeStruct((1, G), f32),
        ],
        grid=(),
    )(batchf2)


def _rank_body(se, b01, keys, bat, dest):
    t = pl.program_id(0)
    b0 = b01[t, 0]
    b1 = b01[t, 1]
    jlo = se[b0, 0]
    jhi = se[b1, 1]
    c0 = jlo // RT
    c1 = (jhi + RT - 1) // RT
    ki = jnp.transpose(jnp.broadcast_to(keys[pl.ds(t, 1), :], (RT, RT)))
    bi = jnp.transpose(jnp.broadcast_to(bat[pl.ds(t, 1), :], (RT, RT)))
    ii = lax.broadcasted_iota(i32, (RT, RT), 0) + t * RT

    def chunk(cc, cnt):
        kj = jnp.broadcast_to(keys[pl.ds(cc, 1), :], (RT, RT))
        bj = jnp.broadcast_to(bat[pl.ds(cc, 1), :], (RT, RT))
        jj = lax.broadcasted_iota(i32, (RT, RT), 1) + cc * RT
        better = (kj > ki) | ((kj == ki) & (jj < ii))
        m = (bj == bi) & better
        return cnt + m.astype(f32)

    cnt2 = lax.fori_loop(c0, c1, chunk, jnp.zeros((RT, RT), f32))
    rank = jnp.sum(cnt2, axis=1).astype(i32).reshape(1, RT)
    bi_i = bat[pl.ds(t, 1), :].astype(i32)
    valid = (bi_i < G) & (rank < K)
    dest[...] = jnp.where(valid, bi_i * K + rank, SLOTS)[None]


def _tc_rank(se, b01, keys2, batchf2):
    return pl.pallas_call(
        _rank_body,
        grid=(NRT,),
        in_specs=[
            pl.BlockSpec(memory_space=pltpu.SMEM),
            pl.BlockSpec(memory_space=pltpu.SMEM),
            pl.BlockSpec((NRT, RT), lambda i: (0, 0)),
            pl.BlockSpec((NRT, RT), lambda i: (0, 0)),
        ],
        out_specs=pl.BlockSpec((1, 1, RT), lambda i: (i, 0, 0)),
        out_shape=jax.ShapeDtypeStruct((NRT, 1, RT), i32),
    )(se, b01, keys2, batchf2)


def _head1_body(p1l, p1h, p2l, p2h, p3l, p3h, p4, w97, c1b, w2, c2b, cflat):
    c1 = (_dot(p1l[...], w97[0:16, :]) + _dot(p1h[...], w97[16:32, :])
          + _dot(p2l[...], w97[32:48, :]) + _dot(p2h[...], w97[48:64, :])
          + _dot(p3l[...], w97[64:80, :]) + _dot(p3h[...], w97[80:96, :]))
    c1 = c1 + p4[..., 0:1] * w97[96:97, :] + c1b[...]
    c1 = jnp.maximum(c1, 0.0)
    r = c1.reshape(G, K, 16).reshape(G, K // 2, 2, 16).max(axis=2)
    acc = jnp.zeros((G, 11, 32), f32)
    for w in range(5):
        acc = acc + lax.dot_general(
            r[:, w:w + 11, :], w2[w], (((2,), (0,)), ((), ())),
            precision=_HI, preferred_element_type=f32)
    c2 = jnp.maximum(acc + c2b[...], 0.0)
    cflat[...] = jnp.transpose(c2, (0, 2, 1)).reshape(G, 352)


def _tc_head1(pooled, w97, c1b, w2, c2b):
    return pl.pallas_call(
        _head1_body,
        out_shape=jax.ShapeDtypeStruct((G, 352), f32),
    )(*pooled, w97, c1b, w2, c2b)


def _head2_body(cf, w, b, o):
    o[...] = (_dot(cf[...], w[0]) + b[0])[None]


def _tc_head2(cflat, linwr, linb):
    nv = linwr.shape[2]
    return pl.pallas_call(
        _head2_body,
        grid=(5,),
        in_specs=[
            pl.BlockSpec((G, 352), lambda i: (0, 0)),
            pl.BlockSpec((1, 352, nv), lambda i: (i, 0, 0)),
            pl.BlockSpec((1, 1, nv), lambda i: (i, 0, 0)),
        ],
        out_specs=pl.BlockSpec((1, G, nv), lambda i: (i, 0, 0)),
        out_shape=jax.ShapeDtypeStruct((5, G, nv), f32),
    )(cflat, linwr, linb.reshape(5, 1, nv))



def kernel(x, edge_index, node_depth, batch, type_table, attr_table,
           depth_table, W1, b1, W2, b2, W3, b3, W4, b4,
           conv1w, conv1b, conv2w, conv2b, linW, linb):
    x0 = jnp.pad(x[:, 0].astype(i32), (0, P - N))
    x1 = jnp.pad(x[:, 1].astype(i32), (0, P - N))
    dep = jnp.pad(node_depth[:, 0].astype(i32), (0, P - N))
    src = edge_index[0].astype(i32)
    dst = edge_index[1].astype(i32)
    batch_p = jnp.pad(batch.astype(i32), (0, P - N), constant_values=BSENT)
    batchf2 = batch_p.astype(f32).reshape(NRT, RT)
    b01 = jnp.minimum(
        jnp.stack([batch_p.reshape(NRT, RT)[:, 0],
                   batch_p.reshape(NRT, RT)[:, RT - 1]], axis=1), G - 1)
    zeros_small = jnp.zeros((TPB, HALF), f32)
    onesz2 = jnp.zeros((2, P, HALF), f32).at[0, :, 0].set(1.0)
    slots_init = jnp.full((SLOTS_PAD,), SENT, i32)
    w97 = jnp.transpose(conv1w[:, 0, :])
    c1br = conv1b.reshape(1, 16)
    w2t = jnp.transpose(conv2w, (2, 1, 0))
    c2br = conv2b.reshape(1, 1, 32)
    lanes = jnp.arange(128)
    mb = (lanes[:, None] == (lanes[None, :] // 16) * 16).astype(f32)
    cols = jnp.arange(256)
    half = cols // 128
    kk = (cols % 128) // 16
    ch = cols % 16
    src_col = kk * 32 + half * 16 + ch
    sel = (jnp.arange(256)[:, None] == src_col[None, :]).astype(f32)
    e8 = jnp.eye(8, dtype=f32)

    def _bdw(w):
        return jnp.concatenate([
            jnp.concatenate([jnp.kron(e8, w[0:16, 0:16]),
                             jnp.kron(e8, w[0:16, 16:32])], axis=1),
            jnp.concatenate([jnp.kron(e8, w[16:32, 0:16]),
                             jnp.kron(e8, w[16:32, 16:32])], axis=1),
        ], axis=0)

    w4l = jnp.zeros((16, 16), f32).at[:, 0:1].set(W4[0:16])
    w4h = jnp.zeros((16, 16), f32).at[:, 0:1].set(W4[16:32])
    bdw4 = jnp.concatenate([jnp.kron(e8, w4l), jnp.kron(e8, w4h)], axis=0)

    def _btile(b):
        return jnp.concatenate([jnp.tile(b[0:16], 8),
                                jnp.tile(b[16:32], 8)]).reshape(1, 256)

    b4tile = jnp.tile(jnp.concatenate([b4, jnp.zeros((15,), f32)]),
                      8).reshape(1, 128)

    t1, a1, d1 = _tc_premul(type_table, attr_table, depth_table, W1)
    z1 = _sc_emb(x0, x1, dep, t1, a1, d1)
    deg2 = _sc_agg(src, dst, onesz2, zeros_small)
    dinvp, zsp = _tc_prep1(deg2.reshape(2, PR, 128), z1.reshape(PR, 256),
                           mb, sel)

    acc = _sc_agg(src, dst, zsp.reshape(2, P, HALF), zeros_small)
    h1p, zsp = _tc_epi(acc.reshape(2, PR, 128), zsp, dinvp, _btile(b1),
                       _bdw(W2))
    acc = _sc_agg(src, dst, zsp.reshape(2, P, HALF), zeros_small)
    h2p, zsp = _tc_epi(acc.reshape(2, PR, 128), zsp, dinvp, _btile(b2),
                       _bdw(W3))
    acc = _sc_agg(src, dst, zsp.reshape(2, P, HALF), zeros_small)
    h3p, zsp = _tc_epi(acc.reshape(2, PR, 128), zsp, dinvp, _btile(b3),
                       bdw4, last=True)
    acc = _sc_agg(src, dst, zsp.reshape(2, P, HALF), zeros_small)
    h4pp = _tc_epi4(acc.reshape(2, PR, 128), zsp, dinvp, b4tile)

    h4p = h4pp.reshape(P, HALF)
    keys2 = h4p[:, 0].reshape(NRT, RT)
    st, en = _tc_ends(batchf2)
    se = jnp.concatenate([st.reshape(G, 1), en.reshape(G, 1)],
                         axis=1).astype(i32)
    dest2 = _tc_rank(se, b01, keys2, batchf2)
    slots = _sc_slots(dest2.reshape(P), slots_init)
    pooled = _sc_pool(slots, h1p.reshape(2, P, HALF), h2p.reshape(2, P, HALF),
                      h3p.reshape(2, P, HALF), h4p)

    cflat = _tc_head1(pooled, w97, c1br, w2t, c2br)
    out = _tc_head2(cflat, linW, linb)
    return tuple(out[idx] for idx in range(5))

# --- scband reference (transcript-rebuilt; emitter-appended) ---
"""Pipeline reference for scband-dgcnn-26036091748787 (READ-ONLY COPY).

The authoritative reference and input builder live on the scoring server;
editing this copy changes nothing except your own understanding.
"""

import jax, jax.numpy as jnp
import numpy as np

N_NODES = 100000
N_EDGES = 1600000
EMB_DIM = 128
HIDDEN = 32
K = 30
TOTAL_LATENT = HIDDEN * 3 + 1  # 97
NUM_GRAPHS = 128
NUM_VOCAB = 5000
MAX_SEQ_LEN = 5
NUM_NODETYPES = 98
NUM_NODEATTRS = 10030
MAX_DEPTH = 20
CONV1_CH = 16
CONV2_CH = 32
CONV2_KW = 5


def _glorot(key, shape):
    if len(shape) == 2:
        fan_in, fan_out = shape
    elif len(shape) == 3:
        fan_in = shape[1] * shape[2]
        fan_out = shape[0] * shape[2]
    else:
        fan_in = fan_out = int(np.prod(shape))
    limit = float(np.sqrt(6.0 / (fan_in + fan_out)))
    return jax.random.uniform(key, shape, jnp.float32, -limit, limit)


def setup_inputs(seed: int = 0) -> dict:
    key = jax.random.key(seed)
    ks = jax.random.split(key, 24)
    inp = {}
    inp['x'] = jax.random.randint(ks[0], (N_NODES, 2), 0, NUM_NODETYPES, dtype=jnp.int64) if jax.config.jax_enable_x64 else jax.random.randint(ks[0], (N_NODES, 2), 0, NUM_NODETYPES)
    inp['edge_index'] = jax.random.randint(ks[1], (2, N_EDGES), 0, N_NODES)
    inp['node_depth'] = jax.random.randint(ks[2], (N_NODES, 1), 0, MAX_DEPTH + 1)
    inp['batch'] = jnp.sort(jax.random.randint(ks[3], (N_NODES,), 0, NUM_GRAPHS))
    # node encoder embedding tables (ASTNodeEncoder)
    inp['type_table'] = _glorot(ks[4], (NUM_NODETYPES, EMB_DIM))
    inp['attr_table'] = _glorot(ks[5], (NUM_NODEATTRS, EMB_DIM))
    inp['depth_table'] = _glorot(ks[6], (MAX_DEPTH + 1, EMB_DIM))
    # GCN layers: latent_dim = [32, 32, 32, 1]
    inp['W1'] = _glorot(ks[7], (EMB_DIM, HIDDEN)); inp['b1'] = jnp.zeros((HIDDEN,), jnp.float32)
    inp['W2'] = _glorot(ks[8], (HIDDEN, HIDDEN)); inp['b2'] = jnp.zeros((HIDDEN,), jnp.float32)
    inp['W3'] = _glorot(ks[9], (HIDDEN, HIDDEN)); inp['b3'] = jnp.zeros((HIDDEN,), jnp.float32)
    inp['W4'] = _glorot(ks[10], (HIDDEN, 1)); inp['b4'] = jnp.zeros((1,), jnp.float32)
    # conv1d stacks
    inp['conv1w'] = _glorot(ks[11], (CONV1_CH, 1, TOTAL_LATENT)); inp['conv1b'] = jnp.zeros((CONV1_CH,), jnp.float32)
    inp['conv2w'] = _glorot(ks[12], (CONV2_CH, CONV1_CH, CONV2_KW)); inp['conv2b'] = jnp.zeros((CONV2_CH,), jnp.float32)
    dense_dim = (((K - 2) // 2 + 1) - CONV2_KW + 1) * CONV2_CH  # 352
    inp['linW'] = _glorot(ks[13], (MAX_SEQ_LEN, dense_dim, NUM_VOCAB))
    inp['linb'] = jnp.zeros((MAX_SEQ_LEN, NUM_VOCAB), jnp.float32)
    return inp


def _gcn_conv(h, src, dst, W, b, n):
    h = h @ W
    loop = jnp.arange(n)
    s = jnp.concatenate([src, loop])
    d = jnp.concatenate([dst, loop])
    deg = jnp.zeros((n,), h.dtype).at[d].add(1.0)
    dinv = jnp.where(deg > 0, jax.lax.rsqrt(deg), 0.0)
    norm = dinv[s] * dinv[d]
    out = jnp.zeros_like(h).at[d].add(norm[:, None] * h[s])
    return out + b


def _global_sort_pool(x, batch, k, num_graphs):
    n = x.shape[0]
    order = jnp.lexsort((-x[:, -1], batch))
    xs = x[order]
    bs = batch[order]
    counts = jnp.bincount(batch, length=num_graphs)
    starts = jnp.concatenate([jnp.zeros((1,), counts.dtype), jnp.cumsum(counts)[:-1]])
    rank = jnp.arange(n) - starts[bs]
    valid = rank < k
    g = jnp.where(valid, bs, num_graphs)
    r = jnp.where(valid, rank, 0)
    out = jnp.zeros((num_graphs + 1, k, x.shape[1]), x.dtype).at[g, r].set(jnp.where(valid[:, None], xs, 0.0))
    return out[:num_graphs]


def _conv1d(x, w, b, stride):
    out = jax.lax.conv_general_dilated(x, w, (stride,), 'VALID', dimension_numbers=('NCH', 'OIH', 'NCH'))
    return out + b[None, :, None]


def reference(x, edge_index, node_depth, batch, type_table, attr_table, depth_table, W1, b1, W2, b2, W3, b3, W4, b4, conv1w, conv1b, conv2w, conv2b, linW, linb):
    n = x.shape[0]
    depth = jnp.minimum(node_depth.reshape(-1), MAX_DEPTH)
    h = type_table[x[:, 0]] + attr_table[x[:, 1]] + depth_table[depth]
    src, dst = edge_index[0], edge_index[1]
    h1 = jnp.tanh(_gcn_conv(h, src, dst, W1, b1, n))
    h2 = jnp.tanh(_gcn_conv(h1, src, dst, W2, b2, n))
    h3 = jnp.tanh(_gcn_conv(h2, src, dst, W3, b3, n))
    h4 = jnp.tanh(_gcn_conv(h3, src, dst, W4, b4, n))
    msg = jnp.concatenate([h1, h2, h3, h4], axis=1)
    pooled = _global_sort_pool(msg, batch, K, NUM_GRAPHS)
    to_conv = pooled.reshape(NUM_GRAPHS, 1, K * TOTAL_LATENT)
    c1 = jax.nn.relu(_conv1d(to_conv, conv1w, conv1b, TOTAL_LATENT))
    B, C, L = c1.shape
    p1 = c1.reshape(B, C, L // 2, 2).max(axis=-1)
    c2 = jax.nn.relu(_conv1d(p1, conv2w, conv2b, 1))
    dense = c2.reshape(B, -1)
    preds = tuple(dense @ linW[i] + linb[i] for i in range(MAX_SEQ_LEN))
    return preds

if __name__ == "__main__":
    import jax
    _d = setup_inputs()
    print(jax.jit(kernel)(*tuple(_d.values())))

</pallas_src>

<mosaic_0001>
#map = affine_map<(d0, d1) -> (0)>
#map1 = affine_map<(d0, d1) -> (0, 0)>
module attributes {stable_mosaic.version = 14 : i64} {
  func.func @_sc_emb(%arg0: i32, %arg1: i32, %arg2: memref<100352xi32, #tpu.memory_space<hbm>>, %arg3: memref<100352xi32, #tpu.memory_space<hbm>>, %arg4: memref<100352xi32, #tpu.memory_space<hbm>>, %arg5: memref<98x32xf32, #tpu.memory_space<hbm>>, %arg6: memref<10030x32xf32, #tpu.memory_space<hbm>>, %arg7: memref<21x32xf32, #tpu.memory_space<hbm>>, %arg8: memref<100352x32xf32, #tpu.memory_space<hbm>>, %arg9: memref<784xi32, #tpu.memory_space<vmem>>, %arg10: memref<784xi32, #tpu.memory_space<vmem>>, %arg11: memref<784xi32, #tpu.memory_space<vmem>>, %arg12: memref<784x32xf32, #tpu.memory_space<vmem>>, %arg13: memref<784x32xf32, #tpu.memory_space<vmem>>, %arg14: memref<784x32xf32, #tpu.memory_space<vmem>>, %arg15: memref<!tpu.dma_semaphore, #tpu.memory_space<semaphore_mem>>) attributes {dimension_semantics = [#tpu.dimension_semantics<core_parallel>, #tpu.dimension_semantics<subcore_parallel>], iteration_bounds = array<i64: 2, 16>, scalar_prefetch = 0 : i64, scratch_operands = 7 : i64, tpu.core_type = #tpu.core_type<sc_vector_subcore>, window_params = [{transform_indices = #map}, {transform_indices = #map}, {transform_indices = #map}, {transform_indices = #map1}, {transform_indices = #map1}, {transform_indices = #map1}, {transform_indices = #map1}]} {
    %mul3A = arith.constant 2 : i32
    %mul3A_0 = arith.muli %arg1, %mul3A : i32
    %add3A = arith.addi %mul3A_0, %arg0 : i32
    %mul3A_1 = arith.constant 3136 : i32
    %mul3A_2 = arith.muli %add3A, %mul3A_1 : i32
    %add3A_3 = arith.constant 0 : i32
    %add3A_4 = arith.addi %mul3A_2, %add3A_3 : i32
    "tpu.region"() ({
      %run_scoped3A = tpu.sem_alloc : memref<!tpu.dma_semaphore, #tpu.memory_space<semaphore_mem>>
      %dma_start3A_104 = tpu.memref_slice %arg2[%add3A_4] : memref<100352xi32, #tpu.memory_space<hbm>> -> memref<784xi32, #tpu.memory_space<hbm>>
      %dma_start3A_105 = tpu.memref_slice %arg2[%add3A_4] : memref<100352xi32, #tpu.memory_space<hbm>> -> memref<784xi32, #tpu.memory_space<hbm>>
      tpu.enqueue_dma source(%dma_start3A_105 : memref<784xi32, #tpu.memory_space<hbm>>) target(%arg9 : memref<784xi32, #tpu.memory_space<vmem>>) target_semaphore(%run_scoped3A : memref<!tpu.dma_semaphore, #tpu.memory_space<semaphore_mem>>)
      %dma_wait3A_106 = tpu.memref_slice %arg2[%add3A_4] : memref<100352xi32, #tpu.memory_space<hbm>> -> memref<784xi32, #tpu.memory_space<hbm>>
      %dma_wait3A_107 = tpu.memref_slice %arg2[%add3A_4] : memref<100352xi32, #tpu.memory_space<hbm>> -> memref<784xi32, #tpu.memory_space<hbm>>
      tpu.wait_dma2 semaphore(%run_scoped3A : memref<!tpu.dma_semaphore, #tpu.memory_space<semaphore_mem>>) src(%dma_wait3A_107 : memref<784xi32, #tpu.memory_space<hbm>>) dst(%arg9 : memref<784xi32, #tpu.memory_space<vmem>>)
      tpu.yield
    }) : () -> ()
    "tpu.region"() ({
      %run_scoped3A = tpu.sem_alloc : memref<!tpu.dma_semaphore, #tpu.memory_space<semaphore_mem>>
      %dma_start3A_104 = tpu.memref_slice %arg3[%add3A_4] : memref<100352xi32, #tpu.memory_space<hbm>> -> memref<784xi32, #tpu.memory_space<hbm>>
      %dma_start3A_105 = tpu.memref_slice %arg3[%add3A_4] : memref<100352xi32, #tpu.memory_space<hbm>> -> memref<784xi32, #tpu.memory_space<hbm>>
      tpu.enqueue_dma source(%dma_start3A_105 : memref<784xi32, #tpu.memory_space<hbm>>) target(%arg10 : memref<784xi32, #tpu.memory_space<vmem>>) target_semaphore(%run_scoped3A : memref<!tpu.dma_semaphore, #tpu.memory_space<semaphore_mem>>)
      %dma_wait3A_106 = tpu.memref_slice %arg3[%add3A_4] : memref<100352xi32, #tpu.memory_space<hbm>> -> memref<784xi32, #tpu.memory_space<hbm>>
      %dma_wait3A_107 = tpu.memref_slice %arg3[%add3A_4] : memref<100352xi32, #tpu.memory_space<hbm>> -> memref<784xi32, #tpu.memory_space<hbm>>
      tpu.wait_dma2 semaphore(%run_scoped3A : memref<!tpu.dma_semaphore, #tpu.memory_space<semaphore_mem>>) src(%dma_wait3A_107 : memref<784xi32, #tpu.memory_space<hbm>>) dst(%arg10 : memref<784xi32, #tpu.memory_space<vmem>>)
      tpu.yield
    }) : () -> ()
    "tpu.region"() ({
      %run_scoped3A = tpu.sem_alloc : memref<!tpu.dma_semaphore, #tpu.memory_space<semaphore_mem>>
      %dma_start3A_104 = tpu.memref_slice %arg4[%add3A_4] : memref<100352xi32, #tpu.memory_space<hbm>> -> memref<784xi32, #tpu.memory_space<hbm>>
      %dma_start3A_105 = tpu.memref_slice %arg4[%add3A_4] : memref<100352xi32, #tpu.memory_space<hbm>> -> memref<784xi32, #tpu.memory_space<hbm>>
      tpu.enqueue_dma source(%dma_start3A_105 : memref<784xi32, #tpu.memory_space<hbm>>) target(%arg11 : memref<784xi32, #tpu.memory_space<vmem>>) target_semaphore(%run_scoped3A : memref<!tpu.dma_semaphore, #tpu.memory_space<semaphore_mem>>)
      %dma_wait3A_106 = tpu.memref_slice %arg4[%add3A_4] : memref<100352xi32, #tpu.memory_space<hbm>> -> memref<784xi32, #tpu.memory_space<hbm>>
      %dma_wait3A_107 = tpu.memref_slice %arg4[%add3A_4] : memref<100352xi32, #tpu.memory_space<hbm>> -> memref<784xi32, #tpu.memory_space<hbm>>
      tpu.wait_dma2 semaphore(%run_scoped3A : memref<!tpu.dma_semaphore, #tpu.memory_space<semaphore_mem>>) src(%dma_wait3A_107 : memref<784xi32, #tpu.memory_space<hbm>>) dst(%arg11 : memref<784xi32, #tpu.memory_space<vmem>>)
      tpu.yield
    }) : () -> ()
    %dma_start3A = arith.constant 0 : i32
    %dma_start3A_5 = arith.constant 0 : i32
    %dma_start3A_6 = tpu.memref_slice %arg5[%dma_start3A, %dma_start3A_5] : memref<98x32xf32, #tpu.memory_space<hbm>> -> memref<98x32xf32, #tpu.memory_space<hbm>>
    tpu.enqueue_indirect_dma source(%dma_start3A_6 : memref<98x32xf32, #tpu.memory_space<hbm>>) target(%arg12 : memref<784x32xf32, #tpu.memory_space<vmem>>) offsets(%arg9 : memref<784xi32, #tpu.memory_space<vmem>>) semaphore(%arg15 : memref<!tpu.dma_semaphore, #tpu.memory_space<semaphore_mem>>)
    %dma_wait3A = arith.constant 0 : i32
    %dma_wait3A_7 = arith.constant 0 : i32
    %dma_wait3A_8 = tpu.memref_slice %arg5[%dma_wait3A, %dma_wait3A_7] : memref<98x32xf32, #tpu.memory_space<hbm>> -> memref<98x32xf32, #tpu.memory_space<hbm>>
    tpu.wait_indirect_dma semaphore(%arg15 : memref<!tpu.dma_semaphore, #tpu.memory_space<semaphore_mem>>) src(%dma_wait3A_8 : memref<98x32xf32, #tpu.memory_space<hbm>>) dst(%arg12 : memref<784x32xf32, #tpu.memory_space<vmem>>)
    %dma_start3A_9 = arith.constant 0 : i32
    %dma_start3A_10 = arith.constant 0 : i32
    %dma_start3A_11 = tpu.memref_slice %arg6[%dma_start3A_9, %dma_start3A_10] : memref<10030x32xf32, #tpu.memory_space<hbm>> -> memref<10030x32xf32, #tpu.memory_space<hbm>>
    tpu.enqueue_indirect_dma source(%dma_start3A_11 : memref<10030x32xf32, #tpu.memory_space<hbm>>) target(%arg13 : memref<784x32xf32, #tpu.memory_space<vmem>>) offsets(%arg10 : memref<784xi32, #tpu.memory_space<vmem>>) semaphore(%arg15 : memref<!tpu.dma_semaphore, #tpu.memory_space<semaphore_mem>>)
    %dma_wait3A_12 = arith.constant 0 : i32
    %dma_wait3A_13 = arith.constant 0 : i32
    %dma_wait3A_14 = tpu.memref_slice %arg6[%dma_wait3A_12, %dma_wait3A_13] : memref<10030x32xf32, #tpu.memory_space<hbm>> -> memref<10030x32xf32, #tpu.memory_space<hbm>>
    tpu.wait_indirect_dma semaphore(%arg15 : memref<!tpu.dma_semaphore, #tpu.memory_space<semaphore_mem>>) src(%dma_wait3A_14 : memref<10030x32xf32, #tpu.memory_space<hbm>>) dst(%arg13 : memref<784x32xf32, #tpu.memory_space<vmem>>)
    %dma_start3A_15 = arith.constant 0 : i32
    %dma_start3A_16 = arith.constant 0 : i32
    %dma_start3A_17 = tpu.memref_slice %arg7[%dma_start3A_15, %dma_start3A_16] : memref<21x32xf32, #tpu.memory_space<hbm>> -> memref<21x32xf32, #tpu.memory_space<hbm>>
    tpu.enqueue_indirect_dma source(%dma_start3A_17 : memref<21x32xf32, #tpu.memory_space<hbm>>) target(%arg14 : memref<784x32xf32, #tpu.memory_space<vmem>>) offsets(%arg11 : memref<784xi32, #tpu.memory_space<vmem>>) semaphore(%arg15 : memref<!tpu.dma_semaphore, #tpu.memory_space<semaphore_mem>>)
    %dma_wait3A_18 = arith.constant 0 : i32
    %dma_wait3A_19 = arith.constant 0 : i32
    %dma_wait3A_20 = tpu.memref_slice %arg7[%dma_wait3A_18, %dma_wait3A_19] : memref<21x32xf32, #tpu.memory_space<hbm>> -> memref<21x32xf32, #tpu.memory_space<hbm>>
    tpu.wait_indirect_dma semaphore(%arg15 : memref<!tpu.dma_semaphore, #tpu.memory_space<semaphore_mem>>) src(%dma_wait3A_20 : memref<21x32xf32, #tpu.memory_space<hbm>>) dst(%arg14 : memref<784x32xf32, #tpu.memory_space<vmem>>)
    %scan3A = arith.constant 0 : i32
    %scan3A_21 = arith.constant 0 : i32
    %scan3A_22 = arith.constant 784 : i32
    %scan3A_23 = arith.addi %scan3A_21, %scan3A_22 : i32
    %scan3A_24 = arith.constant 1 : i32
    scf.for %scan3A_104 = %scan3A_21 to %scan3A_23 step %scan3A_24  : i32 {
      %get3A = arith.index_cast %scan3A_104 : i32 to index
      %get3A_105 = arith.constant 0 : index
      %get3A_106 = tpu.vector_load %arg12[%get3A, %get3A_105] {strides = array<i32>} : memref<784x32xf32, #tpu.memory_space<vmem>>, vector<1x16xf32>,
      %get3A_107 = vector.shape_cast %get3A_106 : vector<1x16xf32> to vector<16xf32>
      %get3A_108 = arith.index_cast %scan3A_104 : i32 to index
      %get3A_109 = arith.constant 0 : index
      %get3A_110 = tpu.vector_load %arg13[%get3A_108, %get3A_109] {strides = array<i32>} : memref<784x32xf32, #tpu.memory_space<vmem>>, vector<1x16xf32>,
      %get3A_111 = vector.shape_cast %get3A_110 : vector<1x16xf32> to vector<16xf32>
      %add3A_112 = arith.addf %get3A_107, %get3A_111 : vector<16xf32>
      %get3A_113 = arith.index_cast %scan3A_104 : i32 to index
      %get3A_114 = arith.constant 0 : index
      %get3A_115 = tpu.vector_load %arg14[%get3A_113, %get3A_114] {strides = array<i32>} : memref<784x32xf32, #tpu.memory_space<vmem>>, vector<1x16xf32>,
      %get3A_116 = vector.shape_cast %get3A_115 : vector<1x16xf32> to vector<16xf32>
      %add3A_117 = arith.addf %add3A_112, %get3A_116 : vector<16xf32>
      %swap3A = arith.index_cast %scan3A_104 : i32 to index
      %swap3A_118 = arith.constant 0 : index
      %swap3A_119 = tpu.vector_load %arg12[%swap3A, %swap3A_118] {strides = array<i32>} : memref<784x32xf32, #tpu.memory_space<vmem>>, vector<1x16xf32>,
      %swap3A_120 = vector.shape_cast %swap3A_119 : vector<1x16xf32> to vector<16xf32>
      %swap3A_121 = vector.shape_cast %add3A_117 : vector<16xf32> to vector<1x16xf32>
      tpu.vector_store %arg12[%swap3A, %swap3A_118], %swap3A_121 {strides = array<i32>} : memref<784x32xf32, #tpu.memory_space<vmem>>, vector<1x16xf32>,
      %get3A_122 = arith.index_cast %scan3A_104 : i32 to index
      %get3A_123 = arith.constant 16 : index
      %get3A_124 = tpu.vector_load %arg12[%get3A_122, %get3A_123] {strides = array<i32>} : memref<784x32xf32, #tpu.memory_space<vmem>>, vector<1x16xf32>,
      %get3A_125 = vector.shape_cast %get3A_124 : vector<1x16xf32> to vector<16xf32>
      %get3A_126 = arith.index_cast %scan3A_104 : i32 to index
      %get3A_127 = arith.constant 16 : index
      %get3A_128 = tpu.vector_load %arg13[%get3A_126, %get3A_127] {strides = array<i32>} : memref<784x32xf32, #tpu.memory_space<vmem>>, vector<1x16xf32>,
      %get3A_129 = vector.shape_cast %get3A_128 : vector<1x16xf32> to vector<16xf32>
      %add3A_130 = arith.addf %get3A_125, %get3A_129 : vector<16xf32>
      %get3A_131 = arith.index_cast %scan3A_104 : i32 to index
      %get3A_132 = arith.constant 16 : index
      %get3A_133 = tpu.vector_load %arg14[%get3A_131, %get3A_132] {strides = array<i32>} : memref<784x32xf32, #tpu.memory_space<vmem>>, vector<1x16xf32>,
      %get3A_134 = vector.shape_cast %get3A_133 : vector<1x16xf32> to vector<16xf32>
      %add3A_135 = arith.addf %add3A_130, %get3A_134 : vector<16xf32>
      %swap3A_136 = arith.index_cast %scan3A_104 : i32 to index
      %swap3A_137 = arith.constant 16 : index
      %swap3A_138 = tpu.vector_load %arg12[%swap3A_136, %swap3A_137] {strides = array<i32>} : memref<784x32xf32, #tpu.memory_space<vmem>>, vector<1x16xf32>,
      %swap3A_139 = vector.shape_cast %swap3A_138 : vector<1x16xf32> to vector<16xf32>
      %swap3A_140 = vector.shape_cast %add3A_135 : vector<16xf32> to vector<1x16xf32>
      tpu.vector_store %arg12[%swap3A_136, %swap3A_137], %swap3A_140 {strides = array<i32>} : memref<784x32xf32, #tpu.memory_space<vmem>>, vector<1x16xf32>,
    }
    %scan3A_25 = arith.constant 784 : i32
    "tpu.region"() ({
      %run_scoped3A = tpu.sem_alloc : memref<!tpu.dma_semaphore, #tpu.memory_space<semaphore_mem>>
      %dma_start3A_104 = arith.constant 0 : i32
      %dma_start3A_105 = tpu.memref_slice %arg8[%add3A_4, %dma_start3A_104] : memref<100352x32xf32, #tpu.memory_space<hbm>> -> memref<784x32xf32, #tpu.memory_space<hbm>>
      %dma_start3A_106 = arith.constant 0 : i32
      %dma_start3A_107 = tpu.memref_slice %arg8[%add3A_4, %dma_start3A_106] : memref<100352x32xf32, #tpu.memory_space<hbm>> -> memref<784x32xf32, #tpu.memory_space<hbm>>
      tpu.enqueue_dma source(%arg12 : memref<784x32xf32, #tpu.memory_space<vmem>>) target(%dma_start3A_107 : memref<784x32xf32, #tpu.memory_space<hbm>>) target_semaphore(%run_scoped3A : memref<!tpu.dma_semaphore, #tpu.memory_space<semaphore_mem>>)
      %dma_wait3A_108 = arith.constant 0 : i32
      %dma_wait3A_109 = tpu.memref_slice %arg8[%add3A_4, %dma_wait3A_108] : memref<100352x32xf32, #tpu.memory_space<hbm>> -> memref<784x32xf32, #tpu.memory_space<hbm>>
      %dma_wait3A_110 = arith.constant 0 : i32
      %dma_wait3A_111 = tpu.memref_slice %arg8[%add3A_4, %dma_wait3A_110] : memref<100352x32xf32, #tpu.memory_space<hbm>> -> memref<784x32xf32, #tpu.memory_space<hbm>>
      tpu.wait_dma2 semaphore(%run_scoped3A : memref<!tpu.dma_semaphore, #tpu.memory_space<semaphore_mem>>) src(%arg12 : memref<784x32xf32, #tpu.memory_space<vmem>>) dst(%dma_wait3A_111 : memref<784x32xf32, #tpu.memory_space<hbm>>)
      tpu.yield
    }) : () -> ()
    %add3A_26 = arith.constant 784 : i32
    %add3A_27 = arith.addi %mul3A_2, %add3A_26 : i32
    "tpu.region"() ({
      %run_scoped3A = tpu.sem_alloc : memref<!tpu.dma_semaphore, #tpu.memory_space<semaphore_mem>>
      %dma_start3A_104 = tpu.memref_slice %arg2[%add3A_27] : memref<100352xi32, #tpu.memory_space<hbm>> -> memref<784xi32, #tpu.memory_space<hbm>>
      %dma_start3A_105 = tpu.memref_slice %arg2[%add3A_27] : memref<100352xi32, #tpu.memory_space<hbm>> -> memref<784xi32, #tpu.memory_space<hbm>>
      tpu.enqueue_dma source(%dma_start3A_105 : memref<784xi32, #tpu.memory_space<hbm>>) target(%arg9 : memref<784xi32, #tpu.memory_space<vmem>>) target_semaphore(%run_scoped3A : memref<!tpu.dma_semaphore, #tpu.memory_space<semaphore_mem>>)
      %dma_wait3A_106 = tpu.memref_slice %arg2[%add3A_27] : memref<100352xi32, #tpu.memory_space<hbm>> -> memref<784xi32, #tpu.memory_space<hbm>>
      %dma_wait3A_107 = tpu.memref_slice %arg2[%add3A_27] : memref<100352xi32, #tpu.memory_space<hbm>> -> memref<784xi32, #tpu.memory_space<hbm>>
      tpu.wait_dma2 semaphore(%run_scoped3A : memref<!tpu.dma_semaphore, #tpu.memory_space<semaphore_mem>>) src(%dma_wait3A_107 : memref<784xi32, #tpu.memory_space<hbm>>) dst(%arg9 : memref<784xi32, #tpu.memory_space<vmem>>)
      tpu.yield
    }) : () -> ()
    "tpu.region"() ({
      %run_scoped3A = tpu.sem_alloc : memref<!tpu.dma_semaphore, #tpu.memory_space<semaphore_mem>>
      %dma_start3A_104 = tpu.memref_slice %arg3[%add3A_27] : memref<100352xi32, #tpu.memory_space<hbm>> -> memref<784xi32, #tpu.memory_space<hbm>>
      %dma_start3A_105 = tpu.memref_slice %arg3[%add3A_27] : memref<100352xi32, #tpu.memory_space<hbm>> -> memref<784xi32, #tpu.memory_space<hbm>>
      tpu.enqueue_dma source(%dma_start3A_105 : memref<784xi32, #tpu.memory_space<hbm>>) target(%arg10 : memref<784xi32, #tpu.memory_space<vmem>>) target_semaphore(%run_scoped3A : memref<!tpu.dma_semaphore, #tpu.memory_space<semaphore_mem>>)
      %dma_wait3A_106 = tpu.memref_slice %arg3[%add3A_27] : memref<100352xi32, #tpu.memory_space<hbm>> -> memref<784xi32, #tpu.memory_space<hbm>>
      %dma_wait3A_107 = tpu.memref_slice %arg3[%add3A_27] : memref<100352xi32, #tpu.memory_space<hbm>> -> memref<784xi32, #tpu.memory_space<hbm>>
      tpu.wait_dma2 semaphore(%run_scoped3A : memref<!tpu.dma_semaphore, #tpu.memory_space<semaphore_mem>>) src(%dma_wait3A_107 : memref<784xi32, #tpu.memory_space<hbm>>) dst(%arg10 : memref<784xi32, #tpu.memory_space<vmem>>)
      tpu.yield
    }) : () -> ()
    "tpu.region"() ({
      %run_scoped3A = tpu.sem_alloc : memref<!tpu.dma_semaphore, #tpu.memory_space<semaphore_mem>>
      %dma_start3A_104 = tpu.memref_slice %arg4[%add3A_27] : memref<100352xi32, #tpu.memory_space<hbm>> -> memref<784xi32, #tpu.memory_space<hbm>>
      %dma_start3A_105 = tpu.memref_slice %arg4[%add3A_27] : memref<100352xi32, #tpu.memory_space<hbm>> -> memref<784xi32, #tpu.memory_space<hbm>>
      tpu.enqueue_dma source(%dma_start3A_105 : memref<784xi32, #tpu.memory_space<hbm>>) target(%arg11 : memref<784xi32, #tpu.memory_space<vmem>>) target_semaphore(%run_scoped3A : memref<!tpu.dma_semaphore, #tpu.memory_space<semaphore_mem>>)
      %dma_wait3A_106 = tpu.memref_slice %arg4[%add3A_27] : memref<100352xi32, #tpu.memory_space<hbm>> -> memref<784xi32, #tpu.memory_space<hbm>>
      %dma_wait3A_107 = tpu.memref_slice %arg4[%add3A_27] : memref<100352xi32, #tpu.memory_space<hbm>> -> memref<784xi32, #tpu.memory_space<hbm>>
      tpu.wait_dma2 semaphore(%run_scoped3A : memref<!tpu.dma_semaphore, #tpu.memory_space<semaphore_mem>>) src(%dma_wait3A_107 : memref<784xi32, #tpu.memory_space<hbm>>) dst(%arg11 : memref<784xi32, #tpu.memory_space<vmem>>)
      tpu.yield
    }) : () -> ()
    %dma_start3A_28 = arith.constant 0 : i32
    %dma_start3A_29 = arith.constant 0 : i32
    %dma_start3A_30 = tpu.memref_slice %arg5[%dma_start3A_28, %dma_start3A_29] : memref<98x32xf32, #tpu.memory_space<hbm>> -> memref<98x32xf32, #tpu.memory_space<hbm>>
    tpu.enqueue_indirect_dma source(%dma_start3A_30 : memref<98x32xf32, #tpu.memory_space<hbm>>) target(%arg12 : memref<784x32xf32, #tpu.memory_space<vmem>>) offsets(%arg9 : memref<784xi32, #tpu.memory_space<vmem>>) semaphore(%arg15 : memref<!tpu.dma_semaphore, #tpu.memory_space<semaphore_mem>>)
    %dma_wait3A_31 = arith.constant 0 : i32
    %dma_wait3A_32 = arith.constant 0 : i32
    %dma_wait3A_33 = tpu.memref_slice %arg5[%dma_wait3A_31, %dma_wait3A_32] : memref<98x32xf32, #tpu.memory_space<hbm>> -> memref<98x32xf32, #tpu.memory_space<hbm>>
    tpu.wait_indirect_dma semaphore(%arg15 : memref<!tpu.dma_semaphore, #tpu.memory_space<semaphore_mem>>) src(%dma_wait3A_33 : memref<98x32xf32, #tpu.memory_space<hbm>>) dst(%arg12 : memref<784x32xf32, #tpu.memory_space<vmem>>)
    %dma_start3A_34 = arith.constant 0 : i32
    %dma_start3A_35 = arith.constant 0 : i32
    %dma_start3A_36 = tpu.memref_slice %arg6[%dma_start3A_34, %dma_start3A_35] : memref<10030x32xf32, #tpu.memory_space<hbm>> -> memref<10030x32xf32, #tpu.memory_space<hbm>>
    tpu.enqueue_indirect_dma source(%dma_start3A_36 : memref<10030x32xf32, #tpu.memory_space<hbm>>) target(%arg13 : memref<784x32xf32, #tpu.memory_space<vmem>>) offsets(%arg10 : memref<784xi32, #tpu.memory_space<vmem>>) semaphore(%arg15 : memref<!tpu.dma_semaphore, #tpu.memory_space<semaphore_mem>>)
    %dma_wait3A_37 = arith.constant 0 : i32
    %dma_wait3A_38 = arith.constant 0 : i32
    %dma_wait3A_39 = tpu.memref_slice %arg6[%dma_wait3A_37, %dma_wait3A_38] : memref<10030x32xf32, #tpu.memory_space<hbm>> -> memref<10030x32xf32, #tpu.memory_space<hbm>>
    tpu.wait_indirect_dma semaphore(%arg15 : memref<!tpu.dma_semaphore, #tpu.memory_space<semaphore_mem>>) src(%dma_wait3A_39 : memref<10030x32xf32, #tpu.memory_space<hbm>>) dst(%arg13 : memref<784x32xf32, #tpu.memory_space<vmem>>)
    %dma_start3A_40 = arith.constant 0 : i32
    %dma_start3A_41 = arith.constant 0 : i32
    %dma_start3A_42 = tpu.memref_slice %arg7[%dma_start3A_40, %dma_start3A_41] : memref<21x32xf32, #tpu.memory_space<hbm>> -> memref<21x32xf32, #tpu.memory_space<hbm>>
    tpu.enqueue_indirect_dma source(%dma_start3A_42 : memref<21x32xf32, #tpu.memory_space<hbm>>) target(%arg14 : memref<784x32xf32, #tpu.memory_space<vmem>>) offsets(%arg11 : memref<784xi32, #tpu.memory_space<vmem>>) semaphore(%arg15 : memref<!tpu.dma_semaphore, #tpu.memory_space<semaphore_mem>>)
    %dma_wait3A_43 = arith.constant 0 : i32
    %dma_wait3A_44 = arith.constant 0 : i32
    %dma_wait3A_45 = tpu.memref_slice %arg7[%dma_wait3A_43, %dma_wait3A_44] : memref<21x32xf32, #tpu.memory_space<hbm>> -> memref<21x32xf32, #tpu.memory_space<hbm>>
    tpu.wait_indirect_dma semaphore(%arg15 : memref<!tpu.dma_semaphore, #tpu.memory_space<semaphore_mem>>) src(%dma_wait3A_45 : memref<21x32xf32, #tpu.memory_space<hbm>>) dst(%arg14 : memref<784x32xf32, #tpu.memory_space<vmem>>)
    %scan3A_46 = arith.constant 0 : i32
    %scan3A_47 = arith.constant 0 : i32
    %scan3A_48 = arith.constant 784 : i32
    %scan3A_49 = arith.addi %scan3A_47, %scan3A_48 : i32
    %scan3A_50 = arith.constant 1 : i32
    scf.for %scan3A_104 = %scan3A_47 to %scan3A_49 step %scan3A_50  : i32 {
      %get3A = arith.index_cast %scan3A_104 : i32 to index
      %get3A_105 = arith.constant 0 : index
      %get3A_106 = tpu.vector_load %arg12[%get3A, %get3A_105] {strides = array<i32>} : memref<784x32xf32, #tpu.memory_space<vmem>>, vector<1x16xf32>,
      %get3A_107 = vector.shape_cast %get3A_106 : vector<1x16xf32> to vector<16xf32>
      %get3A_108 = arith.index_cast %scan3A_104 : i32 to index
      %get3A_109 = arith.constant 0 : index
      %get3A_110 = tpu.vector_load %arg13[%get3A_108, %get3A_109] {strides = array<i32>} : memref<784x32xf32, #tpu.memory_space<vmem>>, vector<1x16xf32>,
      %get3A_111 = vector.shape_cast %get3A_110 : vector<1x16xf32> to vector<16xf32>
      %add3A_112 = arith.addf %get3A_107, %get3A_111 : vector<16xf32>
      %get3A_113 = arith.index_cast %scan3A_104 : i32 to index
      %get3A_114 = arith.constant 0 : index
      %get3A_115 = tpu.vector_load %arg14[%get3A_113, %get3A_114] {strides = array<i32>} : memref<784x32xf32, #tpu.memory_space<vmem>>, vector<1x16xf32>,
      %get3A_116 = vector.shape_cast %get3A_115 : vector<1x16xf32> to vector<16xf32>
      %add3A_117 = arith.addf %add3A_112, %get3A_116 : vector<16xf32>
      %swap3A = arith.index_cast %scan3A_104 : i32 to index
      %swap3A_118 = arith.constant 0 : index
      %swap3A_119 = tpu.vector_load %arg12[%swap3A, %swap3A_118] {strides = array<i32>} : memref<784x32xf32, #tpu.memory_space<vmem>>, vector<1x16xf32>,
      %swap3A_120 = vector.shape_cast %swap3A_119 : vector<1x16xf32> to vector<16xf32>
      %swap3A_121 = vector.shape_cast %add3A_117 : vector<16xf32> to vector<1x16xf32>
      tpu.vector_store %arg12[%swap3A, %swap3A_118], %swap3A_121 {strides = array<i32>} : memref<784x32xf32, #tpu.memory_space<vmem>>, vector<1x16xf32>,
      %get3A_122 = arith.index_cast %scan3A_104 : i32 to index
      %get3A_123 = arith.constant 16 : index
      %get3A_124 = tpu.vector_load %arg12[%get3A_122, %get3A_123] {strides = array<i32>} : memref<784x32xf32, #tpu.memory_space<vmem>>, vector<1x16xf32>,
      %get3A_125 = vector.shape_cast %get3A_124 : vector<1x16xf32> to vector<16xf32>
      %get3A_126 = arith.index_cast %scan3A_104 : i32 to index
      %get3A_127 = arith.constant 16 : index
      %get3A_128 = tpu.vector_load %arg13[%get3A_126, %get3A_127] {strides = array<i32>} : memref<784x32xf32, #tpu.memory_space<vmem>>, vector<1x16xf32>,
      %get3A_129 = vector.shape_cast %get3A_128 : vector<1x16xf32> to vector<16xf32>
      %add3A_130 = arith.addf %get3A_125, %get3A_129 : vector<16xf32>
      %get3A_131 = arith.index_cast %scan3A_104 : i32 to index
      %get3A_132 = arith.constant 16 : index
      %get3A_133 = tpu.vector_load %arg14[%get3A_131, %get3A_132] {strides = array<i32>} : memref<784x32xf32, #tpu.memory_space<vmem>>, vector<1x16xf32>,
      %get3A_134 = vector.shape_cast %get3A_133 : vector<1x16xf32> to vector<16xf32>
      %add3A_135 = arith.addf %add3A_130, %get3A_134 : vector<16xf32>
      %swap3A_136 = arith.index_cast %scan3A_104 : i32 to index
      %swap3A_137 = arith.constant 16 : index
      %swap3A_138 = tpu.vector_load %arg12[%swap3A_136, %swap3A_137] {strides = array<i32>} : memref<784x32xf32, #tpu.memory_space<vmem>>, vector<1x16xf32>,
      %swap3A_139 = vector.shape_cast %swap3A_138 : vector<1x16xf32> to vector<16xf32>
      %swap3A_140 = vector.shape_cast %add3A_135 : vector<16xf32> to vector<1x16xf32>
      tpu.vector_store %arg12[%swap3A_136, %swap3A_137], %swap3A_140 {strides = array<i32>} : memref<784x32xf32, #tpu.memory_space<vmem>>, vector<1x16xf32>,
    }
    %scan3A_51 = arith.constant 784 : i32
    "tpu.region"() ({
      %run_scoped3A = tpu.sem_alloc : memref<!tpu.dma_semaphore, #tpu.memory_space<semaphore_mem>>
      %dma_start3A_104 = arith.constant 0 : i32
      %dma_start3A_105 = tpu.memref_slice %arg8[%add3A_27, %dma_start3A_104] : memref<100352x32xf32, #tpu.memory_space<hbm>> -> memref<784x32xf32, #tpu.memory_space<hbm>>
      %dma_start3A_106 = arith.constant 0 : i32
      %dma_start3A_107 = tpu.memref_slice %arg8[%add3A_27, %dma_start3A_106] : memref<100352x32xf32, #tpu.memory_space<hbm>> -> memref<784x32xf32, #tpu.memory_space<hbm>>
      tpu.enqueue_dma source(%arg12 : memref<784x32xf32, #tpu.memory_space<vmem>>) target(%dma_start3A_107 : memref<784x32xf32, #tpu.memory_space<hbm>>) target_semaphore(%run_scoped3A : memref<!tpu.dma_semaphore, #tpu.memory_space<semaphore_mem>>)
      %dma_wait3A_108 = arith.constant 0 : i32
      %dma_wait3A_109 = tpu.memref_slice %arg8[%add3A_27, %dma_wait3A_108] : memref<100352x32xf32, #tpu.memory_space<hbm>> -> memref<784x32xf32, #tpu.memory_space<hbm>>
      %dma_wait3A_110 = arith.constant 0 : i32
      %dma_wait3A_111 = tpu.memref_slice %arg8[%add3A_27, %dma_wait3A_110] : memref<100352x32xf32, #tpu.memory_space<hbm>> -> memref<784x32xf32, #tpu.memory_space<hbm>>
      tpu.wait_dma2 semaphore(%run_scoped3A : memref<!tpu.dma_semaphore, #tpu.memory_space<semaphore_mem>>) src(%arg12 : memref<784x32xf32, #tpu.memory_space<vmem>>) dst(%dma_wait3A_111 : memref<784x32xf32, #tpu.memory_space<hbm>>)
      tpu.yield
    }) : () -> ()
    %add3A_52 = arith.constant 1568 : i32
    %add3A_53 = arith.addi %mul3A_2, %add3A_52 : i32
    "tpu.region"() ({
      %run_scoped3A = tpu.sem_alloc : memref<!tpu.dma_semaphore, #tpu.memory_space<semaphore_mem>>
      %dma_start3A_104 = tpu.memref_slice %arg2[%add3A_53] : memref<100352xi32, #tpu.memory_space<hbm>> -> memref<784xi32, #tpu.memory_space<hbm>>
      %dma_start3A_105 = tpu.memref_slice %arg2[%add3A_53] : memref<100352xi32, #tpu.memory_space<hbm>> -> memref<784xi32, #tpu.memory_space<hbm>>
      tpu.enqueue_dma source(%dma_start3A_105 : memref<784xi32, #tpu.memory_space<hbm>>) target(%arg9 : memref<784xi32, #tpu.memory_space<vmem>>) target_semaphore(%run_scoped3A : memref<!tpu.dma_semaphore, #tpu.memory_space<semaphore_mem>>)
      %dma_wait3A_106 = tpu.memref_slice %arg2[%add3A_53] : memref<100352xi32, #tpu.memory_space<hbm>> -> memref<784xi32, #tpu.memory_space<hbm>>
      %dma_wait3A_107 = tpu.memref_slice %arg2[%add3A_53] : memref<100352xi32, #tpu.memory_space<hbm>> -> memref<784xi32, #tpu.memory_space<hbm>>
      tpu.wait_dma2 semaphore(%run_scoped3A : memref<!tpu.dma_semaphore, #tpu.memory_space<semaphore_mem>>) src(%dma_wait3A_107 : memref<784xi32, #tpu.memory_space<hbm>>) dst(%arg9 : memref<784xi32, #tpu.memory_space<vmem>>)
      tpu.yield
    }) : () -> ()
    "tpu.region"() ({
      %run_scoped3A = tpu.sem_alloc : memref<!tpu.dma_semaphore, #tpu.memory_space<semaphore_mem>>
      %dma_start3A_104 = tpu.memref_slice %arg3[%add3A_53] : memref<100352xi32, #tpu.memory_space<hbm>> -> memref<784xi32, #tpu.memory_space<hbm>>
      %dma_start3A_105 = tpu.memref_slice %arg3[%add3A_53] : memref<100352xi32, #tpu.memory_space<hbm>> -> memref<784xi32, #tpu.memory_space<hbm>>
      tpu.enqueue_dma source(%dma_start3A_105 : memref<784xi32, #tpu.memory_space<hbm>>) target(%arg10 : memref<784xi32, #tpu.memory_space<vmem>>) target_semaphore(%run_scoped3A : memref<!tpu.dma_semaphore, #tpu.memory_space<semaphore_mem>>)
      %dma_wait3A_106 = tpu.memref_slice %arg3[%add3A_53] : memref<100352xi32, #tpu.memory_space<hbm>> -> memref<784xi32, #tpu.memory_space<hbm>>
      %dma_wait3A_107 = tpu.memref_slice %arg3[%add3A_53] : memref<100352xi32, #tpu.memory_space<hbm>> -> memref<784xi32, #tpu.memory_space<hbm>>
      tpu.wait_dma2 semaphore(%run_scoped3A : memref<!tpu.dma_semaphore, #tpu.memory_space<semaphore_mem>>) src(%dma_wait3A_107 : memref<784xi32, #tpu.memory_space<hbm>>) dst(%arg10 : memref<784xi32, #tpu.memory_space<vmem>>)
      tpu.yield
    }) : () -> ()
    "tpu.region"() ({
      %run_scoped3A = tpu.sem_alloc : memref<!tpu.dma_semaphore, #tpu.memory_space<semaphore_mem>>
      %dma_start3A_104 = tpu.memref_slice %arg4[%add3A_53] : memref<100352xi32, #tpu.memory_space<hbm>> -> memref<784xi32, #tpu.memory_space<hbm>>
      %dma_start3A_105 = tpu.memref_slice %arg4[%add3A_53] : memref<100352xi32, #tpu.memory_space<hbm>> -> memref<784xi32, #tpu.memory_space<hbm>>
      tpu.enqueue_dma source(%dma_start3A_105 : memref<784xi32, #tpu.memory_space<hbm>>) target(%arg11 : memref<784xi32, #tpu.memory_space<vmem>>) target_semaphore(%run_scoped3A : memref<!tpu.dma_semaphore, #tpu.memory_space<semaphore_mem>>)
      %dma_wait3A_106 = tpu.memref_slice %arg4[%add3A_53] : memref<100352xi32, #tpu.memory_space<hbm>> -> memref<784xi32, #tpu.memory_space<hbm>>
      %dma_wait3A_107 = tpu.memref_slice %arg4[%add3A_53] : memref<100352xi32, #tpu.memory_space<hbm>> -> memref<784xi32, #tpu.memory_space<hbm>>
      tpu.wait_dma2 semaphore(%run_scoped3A : memref<!tpu.dma_semaphore, #tpu.memory_space<semaphore_mem>>) src(%dma_wait3A_107 : memref<784xi32, #tpu.memory_space<hbm>>) dst(%arg11 : memref<784xi32, #tpu.memory_space<vmem>>)
      tpu.yield
    }) : () -> ()
    %dma_start3A_54 = arith.constant 0 : i32
    %dma_start3A_55 = arith.constant 0 : i32
    %dma_start3A_56 = tpu.memref_slice %arg5[%dma_start3A_54, %dma_start3A_55] : memref<98x32xf32, #tpu.memory_space<hbm>> -> memref<98x32xf32, #tpu.memory_space<hbm>>
    tpu.enqueue_indirect_dma source(%dma_start3A_56 : memref<98x32xf32, #tpu.memory_space<hbm>>) target(%arg12 : memref<784x32xf32, #tpu.memory_space<vmem>>) offsets(%arg9 : memref<784xi32, #tpu.memory_space<vmem>>) semaphore(%arg15 : memref<!tpu.dma_semaphore, #tpu.memory_space<semaphore_mem>>)
    %dma_wait3A_57 = arith.constant 0 : i32
    %dma_wait3A_58 = arith.constant 0 : i32
    %dma_wait3A_59 = tpu.memref_slice %arg5[%dma_wait3A_57, %dma_wait3A_58] : memref<98x32xf32, #tpu.memory_space<hbm>> -> memref<98x32xf32, #tpu.memory_space<hbm>>
    tpu.wait_indirect_dma semaphore(%arg15 : memref<!tpu.dma_semaphore, #tpu.memory_space<semaphore_mem>>) src(%dma_wait3A_59 : memref<98x32xf32, #tpu.memory_space<hbm>>) dst(%arg12 : memref<784x32xf32, #tpu.memory_space<vmem>>)
    %dma_start3A_60 = arith.constant 0 : i32
    %dma_start3A_61 = arith.constant 0 : i32
    %dma_start3A_62 = tpu.memref_slice %arg6[%dma_start3A_60, %dma_start3A_61] : memref<10030x32xf32, #tpu.memory_space<hbm>> -> memref<10030x32xf32, #tpu.memory_space<hbm>>
    tpu.enqueue_indirect_dma source(%dma_start3A_62 : memref<10030x32xf32, #tpu.memory_space<hbm>>) target(%arg13 : memref<784x32xf32, #tpu.memory_space<vmem>>) offsets(%arg10 : memref<784xi32, #tpu.memory_space<vmem>>) semaphore(%arg15 : memref<!tpu.dma_semaphore, #tpu.memory_space<semaphore_mem>>)
    %dma_wait3A_63 = arith.constant 0 : i32
    %dma_wait3A_64 = arith.constant 0 : i32
    %dma_wait3A_65 = tpu.memref_slice %arg6[%dma_wait3A_63, %dma_wait3A_64] : memref<10030x32xf32, #tpu.memory_space<hbm>> -> memref<10030x32xf32, #tpu.memory_space<hbm>>
    tpu.wait_indirect_dma semaphore(%arg15 : memref<!tpu.dma_semaphore, #tpu.memory_space<semaphore_mem>>) src(%dma_wait3A_65 : memref<10030x32xf32, #tpu.memory_space<hbm>>) dst(%arg13 : memref<784x32xf32, #tpu.memory_space<vmem>>)
    %dma_start3A_66 = arith.constant 0 : i32
    %dma_start3A_67 = arith.constant 0 : i32
    %dma_start3A_68 = tpu.memref_slice %arg7[%dma_start3A_66, %dma_start3A_67] : memref<21x32xf32, #tpu.memory_space<hbm>> -> memref<21x32xf32, #tpu.memory_space<hbm>>
    tpu.enqueue_indirect_dma source(%dma_start3A_68 : memref<21x32xf32, #tpu.memory_space<hbm>>) target(%arg14 : memref<784x32xf32, #tpu.memory_space<vmem>>) offsets(%arg11 : memref<784xi32, #tpu.memory_space<vmem>>) semaphore(%arg15 : memref<!tpu.dma_semaphore, #tpu.memory_space<semaphore_mem>>)
    %dma_wait3A_69 = arith.constant 0 : i32
    %dma_wait3A_70 = arith.constant 0 : i32
    %dma_wait3A_71 = tpu.memref_slice %arg7[%dma_wait3A_69, %dma_wait3A_70] : memref<21x32xf32, #tpu.memory_space<hbm>> -> memref<21x32xf32, #tpu.memory_space<hbm>>
    tpu.wait_indirect_dma semaphore(%arg15 : memref<!tpu.dma_semaphore, #tpu.memory_space<semaphore_mem>>) src(%dma_wait3A_71 : memref<21x32xf32, #tpu.memory_space<hbm>>) dst(%arg14 : memref<784x32xf32, #tpu.memory_space<vmem>>)
    %scan3A_72 = arith.constant 0 : i32
    %scan3A_73 = arith.constant 0 : i32
    %scan3A_74 = arith.constant 784 : i32
    %scan3A_75 = arith.addi %scan3A_73, %scan3A_74 : i32
    %scan3A_76 = arith.constant 1 : i32
    scf.for %scan3A_104 = %scan3A_73 to %scan3A_75 step %scan3A_76  : i32 {
      %get3A = arith.index_cast %scan3A_104 : i32 to index
      %get3A_105 = arith.constant 0 : index
      %get3A_106 = tpu.vector_load %arg12[%get3A, %get3A_105] {strides = array<i32>} : memref<784x32xf32, #tpu.memory_space<vmem>>, vector<1x16xf32>,
      %get3A_107 = vector.shape_cast %get3A_106 : vector<1x16xf32> to vector<16xf32>
      %get3A_108 = arith.index_cast %scan3A_104 : i32 to index
      %get3A_109 = arith.constant 0 : index
      %get3A_110 = tpu.vector_load %arg13[%get3A_108, %get3A_109] {strides = array<i32>} : memref<784x32xf32, #tpu.memory_space<vmem>>, vector<1x16xf32>,
      %get3A_111 = vector.shape_cast %get3A_110 : vector<1x16xf32> to vector<16xf32>
      %add3A_112 = arith.addf %get3A_107, %get3A_111 : vector<16xf32>
      %get3A_113 = arith.index_cast %scan3A_104 : i32 to index
      %get3A_114 = arith.constant 0 : index
      %get3A_115 = tpu.vector_load %arg14[%get3A_113, %get3A_114] {strides = array<i32>} : memref<784x32xf32, #tpu.memory_space<vmem>>, vector<1x16xf32>,
      %get3A_116 = vector.shape_cast %get3A_115 : vector<1x16xf32> to vector<16xf32>
      %add3A_117 = arith.addf %add3A_112, %get3A_116 : vector<16xf32>
      %swap3A = arith.index_cast %scan3A_104 : i32 to index
      %swap3A_118 = arith.constant 0 : index
      %swap3A_119 = tpu.vector_load %arg12[%swap3A, %swap3A_118] {strides = array<i32>} : memref<784x32xf32, #tpu.memory_space<vmem>>, vector<1x16xf32>,
      %swap3A_120 = vector.shape_cast %swap3A_119 : vector<1x16xf32> to vector<16xf32>
      %swap3A_121 = vector.shape_cast %add3A_117 : vector<16xf32> to vector<1x16xf32>
      tpu.vector_store %arg12[%swap3A, %swap3A_118], %swap3A_121 {strides = array<i32>} : memref<784x32xf32, #tpu.memory_space<vmem>>, vector<1x16xf32>,
      %get3A_122 = arith.index_cast %scan3A_104 : i32 to index
      %get3A_123 = arith.constant 16 : index
      %get3A_124 = tpu.vector_load %arg12[%get3A_122, %get3A_123] {strides = array<i32>} : memref<784x32xf32, #tpu.memory_space<vmem>>, vector<1x16xf32>,
      %get3A_125 = vector.shape_cast %get3A_124 : vector<1x16xf32> to vector<16xf32>
      %get3A_126 = arith.index_cast %scan3A_104 : i32 to index
      %get3A_127 = arith.constant 16 : index
      %get3A_128 = tpu.vector_load %arg13[%get3A_126, %get3A_127] {strides = array<i32>} : memref<784x32xf32, #tpu.memory_space<vmem>>, vector<1x16xf32>,
      %get3A_129 = vector.shape_cast %get3A_128 : vector<1x16xf32> to vector<16xf32>
      %add3A_130 = arith.addf %get3A_125, %get3A_129 : vector<16xf32>
      %get3A_131 = arith.index_cast %scan3A_104 : i32 to index
      %get3A_132 = arith.constant 16 : index
      %get3A_133 = tpu.vector_load %arg14[%get3A_131, %get3A_132] {strides = array<i32>} : memref<784x32xf32, #tpu.memory_space<vmem>>, vector<1x16xf32>,
      %get3A_134 = vector.shape_cast %get3A_133 : vector<1x16xf32> to vector<16xf32>
      %add3A_135 = arith.addf %add3A_130, %get3A_134 : vector<16xf32>
      %swap3A_136 = arith.index_cast %scan3A_104 : i32 to index
      %swap3A_137 = arith.constant 16 : index
      %swap3A_138 = tpu.vector_load %arg12[%swap3A_136, %swap3A_137] {strides = array<i32>} : memref<784x32xf32, #tpu.memory_space<vmem>>, vector<1x16xf32>,
      %swap3A_139 = vector.shape_cast %swap3A_138 : vector<1x16xf32> to vector<16xf32>
      %swap3A_140 = vector.shape_cast %add3A_135 : vector<16xf32> to vector<1x16xf32>
      tpu.vector_store %arg12[%swap3A_136, %swap3A_137], %swap3A_140 {strides = array<i32>} : memref<784x32xf32, #tpu.memory_space<vmem>>, vector<1x16xf32>,
    }
    %scan3A_77 = arith.constant 784 : i32
    "tpu.region"() ({
      %run_scoped3A = tpu.sem_alloc : memref<!tpu.dma_semaphore, #tpu.memory_space<semaphore_mem>>
      %dma_start3A_104 = arith.constant 0 : i32
      %dma_start3A_105 = tpu.memref_slice %arg8[%add3A_53, %dma_start3A_104] : memref<100352x32xf32, #tpu.memory_space<hbm>> -> memref<784x32xf32, #tpu.memory_space<hbm>>
      %dma_start3A_106 = arith.constant 0 : i32
      %dma_start3A_107 = tpu.memref_slice %arg8[%add3A_53, %dma_start3A_106] : memref<100352x32xf32, #tpu.memory_space<hbm>> -> memref<784x32xf32, #tpu.memory_space<hbm>>
      tpu.enqueue_dma source(%arg12 : memref<784x32xf32, #tpu.memory_space<vmem>>) target(%dma_start3A_107 : memref<784x32xf32, #tpu.memory_space<hbm>>) target_semaphore(%run_scoped3A : memref<!tpu.dma_semaphore, #tpu.memory_space<semaphore_mem>>)
      %dma_wait3A_108 = arith.constant 0 : i32
      %dma_wait3A_109 = tpu.memref_slice %arg8[%add3A_53, %dma_wait3A_108] : memref<100352x32xf32, #tpu.memory_space<hbm>> -> memref<784x32xf32, #tpu.memory_space<hbm>>
      %dma_wait3A_110 = arith.constant 0 : i32
      %dma_wait3A_111 = tpu.memref_slice %arg8[%add3A_53, %dma_wait3A_110] : memref<100352x32xf32, #tpu.memory_space<hbm>> -> memref<784x32xf32, #tpu.memory_space<hbm>>
      tpu.wait_dma2 semaphore(%run_scoped3A : memref<!tpu.dma_semaphore, #tpu.memory_space<semaphore_mem>>) src(%arg12 : memref<784x32xf32, #tpu.memory_space<vmem>>) dst(%dma_wait3A_111 : memref<784x32xf32, #tpu.memory_space<hbm>>)
      tpu.yield
    }) : () -> ()
    %add3A_78 = arith.constant 2352 : i32
    %add3A_79 = arith.addi %mul3A_2, %add3A_78 : i32
    "tpu.region"() ({
      %run_scoped3A = tpu.sem_alloc : memref<!tpu.dma_semaphore, #tpu.memory_space<semaphore_mem>>
      %dma_start3A_104 = tpu.memref_slice %arg2[%add3A_79] : memref<100352xi32, #tpu.memory_space<hbm>> -> memref<784xi32, #tpu.memory_space<hbm>>
      %dma_start3A_105 = tpu.memref_slice %arg2[%add3A_79] : memref<100352xi32, #tpu.memory_space<hbm>> -> memref<784xi32, #tpu.memory_space<hbm>>
      tpu.enqueue_dma source(%dma_start3A_105 : memref<784xi32, #tpu.memory_space<hbm>>) target(%arg9 : memref<784xi32, #tpu.memory_space<vmem>>) target_semaphore(%run_scoped3A : memref<!tpu.dma_semaphore, #tpu.memory_space<semaphore_mem>>)
      %dma_wait3A_106 = tpu.memref_slice %arg2[%add3A_79] : memref<100352xi32, #tpu.memory_space<hbm>> -> memref<784xi32, #tpu.memory_space<hbm>>
      %dma_wait3A_107 = tpu.memref_slice %arg2[%add3A_79] : memref<100352xi32, #tpu.memory_space<hbm>> -> memref<784xi32, #tpu.memory_space<hbm>>
      tpu.wait_dma2 semaphore(%run_scoped3A : memref<!tpu.dma_semaphore, #tpu.memory_space<semaphore_mem>>) src(%dma_wait3A_107 : memref<784xi32, #tpu.memory_space<hbm>>) dst(%arg9 : memref<784xi32, #tpu.memory_space<vmem>>)
      tpu.yield
    }) : () -> ()
    "tpu.region"() ({
      %run_scoped3A = tpu.sem_alloc : memref<!tpu.dma_semaphore, #tpu.memory_space<semaphore_mem>>
      %dma_start3A_104 = tpu.memref_slice %arg3[%add3A_79] : memref<100352xi32, #tpu.memory_space<hbm>> -> memref<784xi32, #tpu.memory_space<hbm>>
      %dma_start3A_105 = tpu.memref_slice %arg3[%add3A_79] : memref<100352xi32, #tpu.memory_space<hbm>> -> memref<784xi32, #tpu.memory_space<hbm>>
      tpu.enqueue_dma source(%dma_start3A_105 : memref<784xi32, #tpu.memory_space<hbm>>) target(%arg10 : memref<784xi32, #tpu.memory_space<vmem>>) target_semaphore(%run_scoped3A : memref<!tpu.dma_semaphore, #tpu.memory_space<semaphore_mem>>)
      %dma_wait3A_106 = tpu.memref_slice %arg3[%add3A_79] : memref<100352xi32, #tpu.memory_space<hbm>> -> memref<784xi32, #tpu.memory_space<hbm>>
      %dma_wait3A_107 = tpu.memref_slice %arg3[%add3A_79] : memref<100352xi32, #tpu.memory_space<hbm>> -> memref<784xi32, #tpu.memory_space<hbm>>
      tpu.wait_dma2 semaphore(%run_scoped3A : memref<!tpu.dma_semaphore, #tpu.memory_space<semaphore_mem>>) src(%dma_wait3A_107 : memref<784xi32, #tpu.memory_space<hbm>>) dst(%arg10 : memref<784xi32, #tpu.memory_space<vmem>>)
      tpu.yield
    }) : () -> ()
    "tpu.region"() ({
      %run_scoped3A = tpu.sem_alloc : memref<!tpu.dma_semaphore, #tpu.memory_space<semaphore_mem>>
      %dma_start3A_104 = tpu.memref_slice %arg4[%add3A_79] : memref<100352xi32, #tpu.memory_space<hbm>> -> memref<784xi32, #tpu.memory_space<hbm>>
      %dma_start3A_105 = tpu.memref_slice %arg4[%add3A_79] : memref<100352xi32, #tpu.memory_space<hbm>> -> memref<784xi32, #tpu.memory_space<hbm>>
      tpu.enqueue_dma source(%dma_start3A_105 : memref<784xi32, #tpu.memory_space<hbm>>) target(%arg11 : memref<784xi32, #tpu.memory_space<vmem>>) target_semaphore(%run_scoped3A : memref<!tpu.dma_semaphore, #tpu.memory_space<semaphore_mem>>)
      %dma_wait3A_106 = tpu.memref_slice %arg4[%add3A_79] : memref<100352xi32, #tpu.memory_space<hbm>> -> memref<784xi32, #tpu.memory_space<hbm>>
      %dma_wait3A_107 = tpu.memref_slice %arg4[%add3A_79] : memref<100352xi32, #tpu.memory_space<hbm>> -> memref<784xi32, #tpu.memory_space<hbm>>
      tpu.wait_dma2 semaphore(%run_scoped3A : memref<!tpu.dma_semaphore, #tpu.memory_space<semaphore_mem>>) src(%dma_wait3A_107 : memref<784xi32, #tpu.memory_space<hbm>>) dst(%arg11 : memref<784xi32, #tpu.memory_space<vmem>>)
      tpu.yield
    }) : () -> ()
    %dma_start3A_80 = arith.constant 0 : i32
    %dma_start3A_81 = arith.constant 0 : i32
    %dma_start3A_82 = tpu.memref_slice %arg5[%dma_start3A_80, %dma_start3A_81] : memref<98x32xf32, #tpu.memory_space<hbm>> -> memref<98x32xf32, #tpu.memory_space<hbm>>
    tpu.enqueue_indirect_dma source(%dma_start3A_82 : memref<98x32xf32, #tpu.memory_space<hbm>>) target(%arg12 : memref<784x32xf32, #tpu.memory_space<vmem>>) offsets(%arg9 : memref<784xi32, #tpu.memory_space<vmem>>) semaphore(%arg15 : memref<!tpu.dma_semaphore, #tpu.memory_space<semaphore_mem>>)
    %dma_wait3A_83 = arith.constant 0 : i32
    %dma_wait3A_84 = arith.constant 0 : i32
    %dma_wait3A_85 = tpu.memref_slice %arg5[%dma_wait3A_83, %dma_wait3A_84] : memref<98x32xf32, #tpu.memory_space<hbm>> -> memref<98x32xf32, #tpu.memory_space<hbm>>
    tpu.wait_indirect_dma semaphore(%arg15 : memref<!tpu.dma_semaphore, #tpu.memory_space<semaphore_mem>>) src(%dma_wait3A_85 : memref<98x32xf32, #tpu.memory_space<hbm>>) dst(%arg12 : memref<784x32xf32, #tpu.memory_space<vmem>>)
    %dma_start3A_86 = arith.constant 0 : i32
    %dma_start3A_87 = arith.constant 0 : i32
    %dma_start3A_88 = tpu.memref_slice %arg6[%dma_start3A_86, %dma_start3A_87] : memref<10030x32xf32, #tpu.memory_space<hbm>> -> memref<10030x32xf32, #tpu.memory_space<hbm>>
    tpu.enqueue_indirect_dma source(%dma_start3A_88 : memref<10030x32xf32, #tpu.memory_space<hbm>>) target(%arg13 : memref<784x32xf32, #tpu.memory_space<vmem>>) offsets(%arg10 : memref<784xi32, #tpu.memory_space<vmem>>) semaphore(%arg15 : memref<!tpu.dma_semaphore, #tpu.memory_space<semaphore_mem>>)
    %dma_wait3A_89 = arith.constant 0 : i32
    %dma_wait3A_90 = arith.constant 0 : i32
    %dma_wait3A_91 = tpu.memref_slice %arg6[%dma_wait3A_89, %dma_wait3A_90] : memref<10030x32xf32, #tpu.memory_space<hbm>> -> memref<10030x32xf32, #tpu.memory_space<hbm>>
    tpu.wait_indirect_dma semaphore(%arg15 : memref<!tpu.dma_semaphore, #tpu.memory_space<semaphore_mem>>) src(%dma_wait3A_91 : memref<10030x32xf32, #tpu.memory_space<hbm>>) dst(%arg13 : memref<784x32xf32, #tpu.memory_space<vmem>>)
    %dma_start3A_92 = arith.constant 0 : i32
    %dma_start3A_93 = arith.constant 0 : i32
    %dma_start3A_94 = tpu.memref_slice %arg7[%dma_start3A_92, %dma_start3A_93] : memref<21x32xf32, #tpu.memory_space<hbm>> -> memref<21x32xf32, #tpu.memory_space<hbm>>
    tpu.enqueue_indirect_dma source(%dma_start3A_94 : memref<21x32xf32, #tpu.memory_space<hbm>>) target(%arg14 : memref<784x32xf32, #tpu.memory_space<vmem>>) offsets(%arg11 : memref<784xi32, #tpu.memory_space<vmem>>) semaphore(%arg15 : memref<!tpu.dma_semaphore, #tpu.memory_space<semaphore_mem>>)
    %dma_wait3A_95 = arith.constant 0 : i32
    %dma_wait3A_96 = arith.constant 0 : i32
    %dma_wait3A_97 = tpu.memref_slice %arg7[%dma_wait3A_95, %dma_wait3A_96] : memref<21x32xf32, #tpu.memory_space<hbm>> -> memref<21x32xf32, #tpu.memory_space<hbm>>
    tpu.wait_indirect_dma semaphore(%arg15 : memref<!tpu.dma_semaphore, #tpu.memory_space<semaphore_mem>>) src(%dma_wait3A_97 : memref<21x32xf32, #tpu.memory_space<hbm>>) dst(%arg14 : memref<784x32xf32, #tpu.memory_space<vmem>>)
    %scan3A_98 = arith.constant 0 : i32
    %scan3A_99 = arith.constant 0 : i32
    %scan3A_100 = arith.constant 784 : i32
    %scan3A_101 = arith.addi %scan3A_99, %scan3A_100 : i32
    %scan3A_102 = arith.constant 1 : i32
    scf.for %scan3A_104 = %scan3A_99 to %scan3A_101 step %scan3A_102  : i32 {
      %get3A = arith.index_cast %scan3A_104 : i32 to index
      %get3A_105 = arith.constant 0 : index
      %get3A_106 = tpu.vector_load %arg12[%get3A, %get3A_105] {strides = array<i32>} : memref<784x32xf32, #tpu.memory_space<vmem>>, vector<1x16xf32>,
      %get3A_107 = vector.shape_cast %get3A_106 : vector<1x16xf32> to vector<16xf32>
      %get3A_108 = arith.index_cast %scan3A_104 : i32 to index
      %get3A_109 = arith.constant 0 : index
      %get3A_110 = tpu.vector_load %arg13[%get3A_108, %get3A_109] {strides = array<i32>} : memref<784x32xf32, #tpu.memory_space<vmem>>, vector<1x16xf32>,
      %get3A_111 = vector.shape_cast %get3A_110 : vector<1x16xf32> to vector<16xf32>
      %add3A_112 = arith.addf %get3A_107, %get3A_111 : vector<16xf32>
      %get3A_113 = arith.index_cast %scan3A_104 : i32 to index
      %get3A_114 = arith.constant 0 : index
      %get3A_115 = tpu.vector_load %arg14[%get3A_113, %get3A_114] {strides = array<i32>} : memref<784x32xf32, #tpu.memory_space<vmem>>, vector<1x16xf32>,
      %get3A_116 = vector.shape_cast %get3A_115 : vector<1x16xf32> to vector<16xf32>
      %add3A_117 = arith.addf %add3A_112, %get3A_116 : vector<16xf32>
      %swap3A = arith.index_cast %scan3A_104 : i32 to index
      %swap3A_118 = arith.constant 0 : index
      %swap3A_119 = tpu.vector_load %arg12[%swap3A, %swap3A_118] {strides = array<i32>} : memref<784x32xf32, #tpu.memory_space<vmem>>, vector<1x16xf32>,
      %swap3A_120 = vector.shape_cast %swap3A_119 : vector<1x16xf32> to vector<16xf32>
      %swap3A_121 = vector.shape_cast %add3A_117 : vector<16xf32> to vector<1x16xf32>
      tpu.vector_store %arg12[%swap3A, %swap3A_118], %swap3A_121 {strides = array<i32>} : memref<784x32xf32, #tpu.memory_space<vmem>>, vector<1x16xf32>,
      %get3A_122 = arith.index_cast %scan3A_104 : i32 to index
      %get3A_123 = arith.constant 16 : index
      %get3A_124 = tpu.vector_load %arg12[%get3A_122, %get3A_123] {strides = array<i32>} : memref<784x32xf32, #tpu.memory_space<vmem>>, vector<1x16xf32>,
      %get3A_125 = vector.shape_cast %get3A_124 : vector<1x16xf32> to vector<16xf32>
      %get3A_126 = arith.index_cast %scan3A_104 : i32 to index
      %get3A_127 = arith.constant 16 : index
      %get3A_128 = tpu.vector_load %arg13[%get3A_126, %get3A_127] {strides = array<i32>} : memref<784x32xf32, #tpu.memory_space<vmem>>, vector<1x16xf32>,
      %get3A_129 = vector.shape_cast %get3A_128 : vector<1x16xf32> to vector<16xf32>
      %add3A_130 = arith.addf %get3A_125, %get3A_129 : vector<16xf32>
      %get3A_131 = arith.index_cast %scan3A_104 : i32 to index
      %get3A_132 = arith.constant 16 : index
      %get3A_133 = tpu.vector_load %arg14[%get3A_131, %get3A_132] {strides = array<i32>} : memref<784x32xf32, #tpu.memory_space<vmem>>, vector<1x16xf32>,
      %get3A_134 = vector.shape_cast %get3A_133 : vector<1x16xf32> to vector<16xf32>
      %add3A_135 = arith.addf %add3A_130, %get3A_134 : vector<16xf32>
      %swap3A_136 = arith.index_cast %scan3A_104 : i32 to index
      %swap3A_137 = arith.constant 16 : index
      %swap3A_138 = tpu.vector_load %arg12[%swap3A_136, %swap3A_137] {strides = array<i32>} : memref<784x32xf32, #tpu.memory_space<vmem>>, vector<1x16xf32>,
      %swap3A_139 = vector.shape_cast %swap3A_138 : vector<1x16xf32> to vector<16xf32>
      %swap3A_140 = vector.shape_cast %add3A_135 : vector<16xf32> to vector<1x16xf32>
      tpu.vector_store %arg12[%swap3A_136, %swap3A_137], %swap3A_140 {strides = array<i32>} : memref<784x32xf32, #tpu.memory_space<vmem>>, vector<1x16xf32>,
    }
    %scan3A_103 = arith.constant 784 : i32
    "tpu.region"() ({
      %run_scoped3A = tpu.sem_alloc : memref<!tpu.dma_semaphore, #tpu.memory_space<semaphore_mem>>
      %dma_start3A_104 = arith.constant 0 : i32
      %dma_start3A_105 = tpu.memref_slice %arg8[%add3A_79, %dma_start3A_104] : memref<100352x32xf32, #tpu.memory_space<hbm>> -> memref<784x32xf32, #tpu.memory_space<hbm>>
      %dma_start3A_106 = arith.constant 0 : i32
      %dma_start3A_107 = tpu.memref_slice %arg8[%add3A_79, %dma_start3A_106] : memref<100352x32xf32, #tpu.memory_space<hbm>> -> memref<784x32xf32, #tpu.memory_space<hbm>>
      tpu.enqueue_dma source(%arg12 : memref<784x32xf32, #tpu.memory_space<vmem>>) target(%dma_start3A_107 : memref<784x32xf32, #tpu.memory_space<hbm>>) target_semaphore(%run_scoped3A : memref<!tpu.dma_semaphore, #tpu.memory_space<semaphore_mem>>)
      %dma_wait3A_108 = arith.constant 0 : i32
      %dma_wait3A_109 = tpu.memref_slice %arg8[%add3A_79, %dma_wait3A_108] : memref<100352x32xf32, #tpu.memory_space<hbm>> -> memref<784x32xf32, #tpu.memory_space<hbm>>
      %dma_wait3A_110 = arith.constant 0 : i32
      %dma_wait3A_111 = tpu.memref_slice %arg8[%add3A_79, %dma_wait3A_110] : memref<100352x32xf32, #tpu.memory_space<hbm>> -> memref<784x32xf32, #tpu.memory_space<hbm>>
      tpu.wait_dma2 semaphore(%run_scoped3A : memref<!tpu.dma_semaphore, #tpu.memory_space<semaphore_mem>>) src(%arg12 : memref<784x32xf32, #tpu.memory_space<vmem>>) dst(%dma_wait3A_111 : memref<784x32xf32, #tpu.memory_space<hbm>>)
      tpu.yield
    }) : () -> ()
    return
  }
}

#map = affine_map<(d0, d1) -> (0)>
#map1 = affine_map<(d0, d1) -> (0, 0, 0)>
#map2 = affine_map<(d0, d1) -> (0, 0)>
module attributes {stable_mosaic.version = 14 : i64} {
  func.func @_sc_agg(%arg0: i32, %arg1: i32, %arg2: memref<1600000xi32, #tpu.memory_space<hbm>>, %arg3: memref<1600000xi32, #tpu.memory_space<hbm>>, %arg4: memref<2x100352x16xf32, #tpu.memory_space<hbm>>, %arg5: memref<3136x16xf32, #tpu.memory_space<hbm>>, %arg6: memref<2x100352x16xf32, #tpu.memory_space<hbm>>, %arg7: memref<800xi32, #tpu.memory_space<vmem>>, %arg8: memref<800xi32, #tpu.memory_space<vmem>>, %arg9: memref<800x16xf32, #tpu.memory_space<vmem>>, %arg10: memref<800xi32, #tpu.memory_space<vmem>>, %arg11: memref<800xi32, #tpu.memory_space<vmem>>, %arg12: memref<800x16xf32, #tpu.memory_space<vmem>>, %arg13: memref<100352x16xf32, #tpu.memory_space<vmem_shared>>, %arg14: memref<!tpu.dma_semaphore, #tpu.memory_space<semaphore_mem>>, %arg15: memref<!tpu.dma_semaphore, #tpu.memory_space<semaphore_mem>>, %arg16: memref<!tpu.dma_semaphore, #tpu.memory_space<semaphore_mem>>, %arg17: memref<!tpu.dma_semaphore, #tpu.memory_space<semaphore_mem>>) attributes {dimension_semantics = [#tpu.dimension_semantics<core_parallel>, #tpu.dimension_semantics<subcore_parallel>], iteration_bounds = array<i64: 2, 16>, scalar_prefetch = 0 : i64, scratch_operands = 11 : i64, tpu.core_type = #tpu.core_type<sc_vector_subcore>, window_params = [{transform_indices = #map}, {transform_indices = #map}, {transform_indices = #map1}, {transform_indices = #map2}, {transform_indices = #map1}]} {
    %mul3A = arith.constant 3136 : i32
    %mul3A_0 = arith.muli %arg1, %mul3A : i32
    "tpu.region"() ({
      %run_scoped3A = tpu.sem_alloc : memref<!tpu.dma_semaphore, #tpu.memory_space<semaphore_mem>>
      %dma_start3A_26 = arith.constant 0 : i32
      %dma_start3A_27 = tpu.memref_slice %arg13[%mul3A_0, %dma_start3A_26] : memref<100352x16xf32, #tpu.memory_space<vmem_shared>> -> memref<3136x16xf32, #tpu.memory_space<vmem_shared>>
      tpu.enqueue_dma source(%arg5 : memref<3136x16xf32, #tpu.memory_space<hbm>>) target(%dma_start3A_27 : memref<3136x16xf32, #tpu.memory_space<vmem_shared>>) target_semaphore(%run_scoped3A : memref<!tpu.dma_semaphore, #tpu.memory_space<semaphore_mem>>)
      %dma_wait3A_28 = arith.constant 0 : i32
      %dma_wait3A_29 = tpu.memref_slice %arg13[%mul3A_0, %dma_wait3A_28] : memref<100352x16xf32, #tpu.memory_space<vmem_shared>> -> memref<3136x16xf32, #tpu.memory_space<vmem_shared>>
      tpu.wait_dma2 semaphore(%run_scoped3A : memref<!tpu.dma_semaphore, #tpu.memory_space<semaphore_mem>>) src(%arg5 : memref<3136x16xf32, #tpu.memory_space<hbm>>) dst(%dma_wait3A_29 : memref<3136x16xf32, #tpu.memory_space<vmem_shared>>)
      tpu.yield
    }) : () -> ()
    %barrier3A = arith.constant 0 : index
    tpu.barrier barrier_id(%barrier3A)
    %mul3A_1 = arith.constant 100000 : i32
    %mul3A_2 = arith.muli %arg1, %mul3A_1 : i32
    %scan3A = arith.constant 0 : i32
    %scan3A_3 = arith.constant 0 : i32
    %scan3A_4 = arith.constant 62 : i32
    %scan3A_5 = arith.addi %scan3A_3, %scan3A_4 : i32
    %scan3A_6 = arith.constant 1 : i32
    scf.for %scan3A_26 = %scan3A_3 to %scan3A_5 step %scan3A_6  : i32 {
      %mul3A_27 = arith.constant 1600 : i32
      %mul3A_28 = arith.muli %scan3A_26, %mul3A_27 : i32
      %add3A_29 = arith.addi %mul3A_2, %mul3A_28 : i32
      "tpu.region"() ({
        %run_scoped3A = tpu.sem_alloc : memref<!tpu.dma_semaphore, #tpu.memory_space<semaphore_mem>>
        %dma_start3A_74 = tpu.memref_slice %arg2[%add3A_29] : memref<1600000xi32, #tpu.memory_space<hbm>> -> memref<800xi32, #tpu.memory_space<hbm>>
        %dma_start3A_75 = tpu.memref_slice %arg2[%add3A_29] : memref<1600000xi32, #tpu.memory_space<hbm>> -> memref<800xi32, #tpu.memory_space<hbm>>
        tpu.enqueue_dma source(%dma_start3A_75 : memref<800xi32, #tpu.memory_space<hbm>>) target(%arg7 : memref<800xi32, #tpu.memory_space<vmem>>) target_semaphore(%run_scoped3A : memref<!tpu.dma_semaphore, #tpu.memory_space<semaphore_mem>>)
        %dma_wait3A_76 = tpu.memref_slice %arg2[%add3A_29] : memref<1600000xi32, #tpu.memory_space<hbm>> -> memref<800xi32, #tpu.memory_space<hbm>>
        %dma_wait3A_77 = tpu.memref_slice %arg2[%add3A_29] : memref<1600000xi32, #tpu.memory_space<hbm>> -> memref<800xi32, #tpu.memory_space<hbm>>
        tpu.wait_dma2 semaphore(%run_scoped3A : memref<!tpu.dma_semaphore, #tpu.memory_space<semaphore_mem>>) src(%dma_wait3A_77 : memref<800xi32, #tpu.memory_space<hbm>>) dst(%arg7 : memref<800xi32, #tpu.memory_space<vmem>>)
        tpu.yield
      }) : () -> ()
      "tpu.region"() ({
        %run_scoped3A = tpu.sem_alloc : memref<!tpu.dma_semaphore, #tpu.memory_space<semaphore_mem>>
        %dma_start3A_74 = tpu.memref_slice %arg3[%add3A_29] : memref<1600000xi32, #tpu.memory_space<hbm>> -> memref<800xi32, #tpu.memory_space<hbm>>
        %dma_start3A_75 = tpu.memref_slice %arg3[%add3A_29] : memref<1600000xi32, #tpu.memory_space<hbm>> -> memref<800xi32, #tpu.memory_space<hbm>>
        tpu.enqueue_dma source(%dma_start3A_75 : memref<800xi32, #tpu.memory_space<hbm>>) target(%arg8 : memref<800xi32, #tpu.memory_space<vmem>>) target_semaphore(%run_scoped3A : memref<!tpu.dma_semaphore, #tpu.memory_space<semaphore_mem>>)
        %dma_wait3A_76 = tpu.memref_slice %arg3[%add3A_29] : memref<1600000xi32, #tpu.memory_space<hbm>> -> memref<800xi32, #tpu.memory_space<hbm>>
        %dma_wait3A_77 = tpu.memref_slice %arg3[%add3A_29] : memref<1600000xi32, #tpu.memory_space<hbm>> -> memref<800xi32, #tpu.memory_space<hbm>>
        tpu.wait_dma2 semaphore(%run_scoped3A : memref<!tpu.dma_semaphore, #tpu.memory_space<semaphore_mem>>) src(%dma_wait3A_77 : memref<800xi32, #tpu.memory_space<hbm>>) dst(%arg8 : memref<800xi32, #tpu.memory_space<vmem>>)
        tpu.yield
      }) : () -> ()
      %dma_start3A_30 = arith.constant 0 : i32
      %dma_start3A_31 = arith.constant 0 : i32
      %dma_start3A_32 = tpu.memref_slice %arg4[%arg0, %dma_start3A_30, %dma_start3A_31] : memref<2x100352x16xf32, #tpu.memory_space<hbm>> -> memref<1x100352x16xf32, #tpu.memory_space<hbm>>
      %dma_start3A_33 = tpu.memref_squeeze %dma_start3A_32 : memref<1x100352x16xf32, #tpu.memory_space<hbm>> -> memref<100352x16xf32, #tpu.memory_space<hbm>>
      %dma_start3A_34 = arith.constant 0 : i32
      %dma_start3A_35 = arith.constant 0 : i32
      %dma_start3A_36 = tpu.memref_slice %dma_start3A_33[%dma_start3A_34, %dma_start3A_35] : memref<100352x16xf32, #tpu.memory_space<hbm>> -> memref<100352x16xf32, #tpu.memory_space<hbm>>
      tpu.enqueue_indirect_dma source(%dma_start3A_36 : memref<100352x16xf32, #tpu.memory_space<hbm>>) target(%arg9 : memref<800x16xf32, #tpu.memory_space<vmem>>) offsets(%arg7 : memref<800xi32, #tpu.memory_space<vmem>>) semaphore(%arg14 : memref<!tpu.dma_semaphore, #tpu.memory_space<semaphore_mem>>)
      %add3A_37 = arith.constant 800 : i32
      %add3A_38 = arith.addi %add3A_29, %add3A_37 : i32
      "tpu.region"() ({
        %run_scoped3A = tpu.sem_alloc : memref<!tpu.dma_semaphore, #tpu.memory_space<semaphore_mem>>
        %dma_start3A_74 = tpu.memref_slice %arg2[%add3A_38] : memref<1600000xi32, #tpu.memory_space<hbm>> -> memref<800xi32, #tpu.memory_space<hbm>>
        %dma_start3A_75 = tpu.memref_slice %arg2[%add3A_38] : memref<1600000xi32, #tpu.memory_space<hbm>> -> memref<800xi32, #tpu.memory_space<hbm>>
        tpu.enqueue_dma source(%dma_start3A_75 : memref<800xi32, #tpu.memory_space<hbm>>) target(%arg10 : memref<800xi32, #tpu.memory_space<vmem>>) target_semaphore(%run_scoped3A : memref<!tpu.dma_semaphore, #tpu.memory_space<semaphore_mem>>)
        %dma_wait3A_76 = tpu.memref_slice %arg2[%add3A_38] : memref<1600000xi32, #tpu.memory_space<hbm>> -> memref<800xi32, #tpu.memory_space<hbm>>
        %dma_wait3A_77 = tpu.memref_slice %arg2[%add3A_38] : memref<1600000xi32, #tpu.memory_space<hbm>> -> memref<800xi32, #tpu.memory_space<hbm>>
        tpu.wait_dma2 semaphore(%run_scoped3A : memref<!tpu.dma_semaphore, #tpu.memory_space<semaphore_mem>>) src(%dma_wait3A_77 : memref<800xi32, #tpu.memory_space<hbm>>) dst(%arg10 : memref<800xi32, #tpu.memory_space<vmem>>)
        tpu.yield
      }) : () -> ()
      %add3A_39 = arith.constant 800 : i32
      %add3A_40 = arith.addi %add3A_29, %add3A_39 : i32
      "tpu.region"() ({
        %run_scoped3A = tpu.sem_alloc : memref<!tpu.dma_semaphore, #tpu.memory_space<semaphore_mem>>
        %dma_start3A_74 = tpu.memref_slice %arg3[%add3A_40] : memref<1600000xi32, #tpu.memory_space<hbm>> -> memref<800xi32, #tpu.memory_space<hbm>>
        %dma_start3A_75 = tpu.memref_slice %arg3[%add3A_40] : memref<1600000xi32, #tpu.memory_space<hbm>> -> memref<800xi32, #tpu.memory_space<hbm>>
        tpu.enqueue_dma source(%dma_start3A_75 : memref<800xi32, #tpu.memory_space<hbm>>) target(%arg11 : memref<800xi32, #tpu.memory_space<vmem>>) target_semaphore(%run_scoped3A : memref<!tpu.dma_semaphore, #tpu.memory_space<semaphore_mem>>)
        %dma_wait3A_76 = tpu.memref_slice %arg3[%add3A_40] : memref<1600000xi32, #tpu.memory_space<hbm>> -> memref<800xi32, #tpu.memory_space<hbm>>
        %dma_wait3A_77 = tpu.memref_slice %arg3[%add3A_40] : memref<1600000xi32, #tpu.memory_space<hbm>> -> memref<800xi32, #tpu.memory_space<hbm>>
        tpu.wait_dma2 semaphore(%run_scoped3A : memref<!tpu.dma_semaphore, #tpu.memory_space<semaphore_mem>>) src(%dma_wait3A_77 : memref<800xi32, #tpu.memory_space<hbm>>) dst(%arg11 : memref<800xi32, #tpu.memory_space<vmem>>)
        tpu.yield
      }) : () -> ()
      %dma_start3A_41 = arith.constant 0 : i32
      %dma_start3A_42 = arith.constant 0 : i32
      %dma_start3A_43 = tpu.memref_slice %arg4[%arg0, %dma_start3A_41, %dma_start3A_42] : memref<2x100352x16xf32, #tpu.memory_space<hbm>> -> memref<1x100352x16xf32, #tpu.memory_space<hbm>>
      %dma_start3A_44 = tpu.memref_squeeze %dma_start3A_43 : memref<1x100352x16xf32, #tpu.memory_space<hbm>> -> memref<100352x16xf32, #tpu.memory_space<hbm>>
      %dma_start3A_45 = arith.constant 0 : i32
      %dma_start3A_46 = arith.constant 0 : i32
      %dma_start3A_47 = tpu.memref_slice %dma_start3A_44[%dma_start3A_45, %dma_start3A_46] : memref<100352x16xf32, #tpu.memory_space<hbm>> -> memref<100352x16xf32, #tpu.memory_space<hbm>>
      tpu.enqueue_indirect_dma source(%dma_start3A_47 : memref<100352x16xf32, #tpu.memory_space<hbm>>) target(%arg12 : memref<800x16xf32, #tpu.memory_space<vmem>>) offsets(%arg10 : memref<800xi32, #tpu.memory_space<vmem>>) semaphore(%arg15 : memref<!tpu.dma_semaphore, #tpu.memory_space<semaphore_mem>>)
      %dma_wait3A_48 = arith.constant 0 : i32
      %dma_wait3A_49 = arith.constant 0 : i32
      %dma_wait3A_50 = tpu.memref_slice %arg4[%arg0, %dma_wait3A_48, %dma_wait3A_49] : memref<2x100352x16xf32, #tpu.memory_space<hbm>> -> memref<1x100352x16xf32, #tpu.memory_space<hbm>>
      %dma_wait3A_51 = tpu.memref_squeeze %dma_wait3A_50 : memref<1x100352x16xf32, #tpu.memory_space<hbm>> -> memref<100352x16xf32, #tpu.memory_space<hbm>>
      %dma_wait3A_52 = arith.constant 0 : i32
      %dma_wait3A_53 = arith.constant 0 : i32
      %dma_wait3A_54 = tpu.memref_slice %dma_wait3A_51[%dma_wait3A_52, %dma_wait3A_53] : memref<100352x16xf32, #tpu.memory_space<hbm>> -> memref<100352x16xf32, #tpu.memory_space<hbm>>
      tpu.wait_indirect_dma semaphore(%arg14 : memref<!tpu.dma_semaphore, #tpu.memory_space<semaphore_mem>>) src(%dma_wait3A_54 : memref<100352x16xf32, #tpu.memory_space<hbm>>) dst(%arg9 : memref<800x16xf32, #tpu.memory_space<vmem>>)
      %dma_start3A_55 = arith.constant 0 : i32
      %dma_start3A_56 = arith.constant 0 : i32
      %dma_start3A_57 = tpu.memref_slice %arg13[%dma_start3A_55, %dma_start3A_56] : memref<100352x16xf32, #tpu.memory_space<vmem_shared>> -> memref<100352x16xf32, #tpu.memory_space<vmem_shared>>
      tpu.enqueue_indirect_dma source(%arg9 : memref<800x16xf32, #tpu.memory_space<vmem>>) target(%dma_start3A_57 : memref<100352x16xf32, #tpu.memory_space<vmem_shared>>) offsets(%arg8 : memref<800xi32, #tpu.memory_space<vmem>>) semaphore(%arg16 : memref<!tpu.dma_semaphore, #tpu.memory_space<semaphore_mem>>) {add = true}
      %dma_wait3A_58 = arith.constant 0 : i32
      %dma_wait3A_59 = arith.constant 0 : i32
      %dma_wait3A_60 = tpu.memref_slice %arg4[%arg0, %dma_wait3A_58, %dma_wait3A_59] : memref<2x100352x16xf32, #tpu.memory_space<hbm>> -> memref<1x100352x16xf32, #tpu.memory_space<hbm>>
      %dma_wait3A_61 = tpu.memref_squeeze %dma_wait3A_60 : memref<1x100352x16xf32, #tpu.memory_space<hbm>> -> memref<100352x16xf32, #tpu.memory_space<hbm>>
      %dma_wait3A_62 = arith.constant 0 : i32
      %dma_wait3A_63 = arith.constant 0 : i32
      %dma_wait3A_64 = tpu.memref_slice %dma_wait3A_61[%dma_wait3A_62, %dma_wait3A_63] : memref<100352x16xf32, #tpu.memory_space<hbm>> -> memref<100352x16xf32, #tpu.memory_space<hbm>>
      tpu.wait_indirect_dma semaphore(%arg15 : memref<!tpu.dma_semaphore, #tpu.memory_space<semaphore_mem>>) src(%dma_wait3A_64 : memref<100352x16xf32, #tpu.memory_space<hbm>>) dst(%arg12 : memref<800x16xf32, #tpu.memory_space<vmem>>)
      %dma_start3A_65 = arith.constant 0 : i32
      %dma_start3A_66 = arith.constant 0 : i32
      %dma_start3A_67 = tpu.memref_slice %arg13[%dma_start3A_65, %dma_start3A_66] : memref<100352x16xf32, #tpu.memory_space<vmem_shared>> -> memref<100352x16xf32, #tpu.memory_space<vmem_shared>>
      tpu.enqueue_indirect_dma source(%arg12 : memref<800x16xf32, #tpu.memory_space<vmem>>) target(%dma_start3A_67 : memref<100352x16xf32, #tpu.memory_space<vmem_shared>>) offsets(%arg11 : memref<800xi32, #tpu.memory_space<vmem>>) semaphore(%arg17 : memref<!tpu.dma_semaphore, #tpu.memory_space<semaphore_mem>>) {add = true}
      %dma_wait3A_68 = arith.constant 0 : i32
      %dma_wait3A_69 = arith.constant 0 : i32
      %dma_wait3A_70 = tpu.memref_slice %arg13[%dma_wait3A_68, %dma_wait3A_69] : memref<100352x16xf32, #tpu.memory_space<vmem_shared>> -> memref<100352x16xf32, #tpu.memory_space<vmem_shared>>
      tpu.wait_indirect_dma semaphore(%arg16 : memref<!tpu.dma_semaphore, #tpu.memory_space<semaphore_mem>>) src(%arg9 : memref<800x16xf32, #tpu.memory_space<vmem>>) dst(%dma_wait3A_70 : memref<100352x16xf32, #tpu.memory_space<vmem_shared>>)
      %dma_wait3A_71 = arith.constant 0 : i32
      %dma_wait3A_72 = arith.constant 0 : i32
      %dma_wait3A_73 = tpu.memref_slice %arg13[%dma_wait3A_71, %dma_wait3A_72] : memref<100352x16xf32, #tpu.memory_space<vmem_shared>> -> memref<100352x16xf32, #tpu.memory_space<vmem_shared>>
      tpu.wait_indirect_dma semaphore(%arg17 : memref<!tpu.dma_semaphore, #tpu.memory_space<semaphore_mem>>) src(%arg12 : memref<800x16xf32, #tpu.memory_space<vmem>>) dst(%dma_wait3A_73 : memref<100352x16xf32, #tpu.memory_space<vmem_shared>>)
    }
    %scan3A_7 = arith.constant 62 : i32
    %add3A = arith.constant 99200 : i32
    %add3A_8 = arith.addi %mul3A_2, %add3A : i32
    "tpu.region"() ({
      %run_scoped3A = tpu.sem_alloc : memref<!tpu.dma_semaphore, #tpu.memory_space<semaphore_mem>>
      %dma_start3A_26 = tpu.memref_slice %arg2[%add3A_8] : memref<1600000xi32, #tpu.memory_space<hbm>> -> memref<800xi32, #tpu.memory_space<hbm>>
      %dma_start3A_27 = tpu.memref_slice %arg2[%add3A_8] : memref<1600000xi32, #tpu.memory_space<hbm>> -> memref<800xi32, #tpu.memory_space<hbm>>
      tpu.enqueue_dma source(%dma_start3A_27 : memref<800xi32, #tpu.memory_space<hbm>>) target(%arg7 : memref<800xi32, #tpu.memory_space<vmem>>) target_semaphore(%run_scoped3A : memref<!tpu.dma_semaphore, #tpu.memory_space<semaphore_mem>>)
      %dma_wait3A_28 = tpu.memref_slice %arg2[%add3A_8] : memref<1600000xi32, #tpu.memory_space<hbm>> -> memref<800xi32, #tpu.memory_space<hbm>>
      %dma_wait3A_29 = tpu.memref_slice %arg2[%add3A_8] : memref<1600000xi32, #tpu.memory_space<hbm>> -> memref<800xi32, #tpu.memory_space<hbm>>
      tpu.wait_dma2 semaphore(%run_scoped3A : memref<!tpu.dma_semaphore, #tpu.memory_space<semaphore_mem>>) src(%dma_wait3A_29 : memref<800xi32, #tpu.memory_space<hbm>>) dst(%arg7 : memref<800xi32, #tpu.memory_space<vmem>>)
      tpu.yield
    }) : () -> ()
    "tpu.region"() ({
      %run_scoped3A = tpu.sem_alloc : memref<!tpu.dma_semaphore, #tpu.memory_space<semaphore_mem>>
      %dma_start3A_26 = tpu.memref_slice %arg3[%add3A_8] : memref<1600000xi32, #tpu.memory_space<hbm>> -> memref<800xi32, #tpu.memory_space<hbm>>
      %dma_start3A_27 = tpu.memref_slice %arg3[%add3A_8] : memref<1600000xi32, #tpu.memory_space<hbm>> -> memref<800xi32, #tpu.memory_space<hbm>>
      tpu.enqueue_dma source(%dma_start3A_27 : memref<800xi32, #tpu.memory_space<hbm>>) target(%arg8 : memref<800xi32, #tpu.memory_space<vmem>>) target_semaphore(%run_scoped3A : memref<!tpu.dma_semaphore, #tpu.memory_space<semaphore_mem>>)
      %dma_wait3A_28 = tpu.memref_slice %arg3[%add3A_8] : memref<1600000xi32, #tpu.memory_space<hbm>> -> memref<800xi32, #tpu.memory_space<hbm>>
      %dma_wait3A_29 = tpu.memref_slice %arg3[%add3A_8] : memref<1600000xi32, #tpu.memory_space<hbm>> -> memref<800xi32, #tpu.memory_space<hbm>>
      tpu.wait_dma2 semaphore(%run_scoped3A : memref<!tpu.dma_semaphore, #tpu.memory_space<semaphore_mem>>) src(%dma_wait3A_29 : memref<800xi32, #tpu.memory_space<hbm>>) dst(%arg8 : memref<800xi32, #tpu.memory_space<vmem>>)
      tpu.yield
    }) : () -> ()
    %dma_start3A = arith.constant 0 : i32
    %dma_start3A_9 = arith.constant 0 : i32
    %dma_start3A_10 = tpu.memref_slice %arg4[%arg0, %dma_start3A, %dma_start3A_9] : memref<2x100352x16xf32, #tpu.memory_space<hbm>> -> memref<1x100352x16xf32, #tpu.memory_space<hbm>>
    %dma_start3A_11 = tpu.memref_squeeze %dma_start3A_10 : memref<1x100352x16xf32, #tpu.memory_space<hbm>> -> memref<100352x16xf32, #tpu.memory_space<hbm>>
    %dma_start3A_12 = arith.constant 0 : i32
    %dma_start3A_13 = arith.constant 0 : i32
    %dma_start3A_14 = tpu.memref_slice %dma_start3A_11[%dma_start3A_12, %dma_start3A_13] : memref<100352x16xf32, #tpu.memory_space<hbm>> -> memref<100352x16xf32, #tpu.memory_space<hbm>>
    tpu.enqueue_indirect_dma source(%dma_start3A_14 : memref<100352x16xf32, #tpu.memory_space<hbm>>) target(%arg9 : memref<800x16xf32, #tpu.memory_space<vmem>>) offsets(%arg7 : memref<800xi32, #tpu.memory_space<vmem>>) semaphore(%arg14 : memref<!tpu.dma_semaphore, #tpu.memory_space<semaphore_mem>>)
    %dma_wait3A = arith.constant 0 : i32
    %dma_wait3A_15 = arith.constant 0 : i32
    %dma_wait3A_16 = tpu.memref_slice %arg4[%arg0, %dma_wait3A, %dma_wait3A_15] : memref<2x100352x16xf32, #tpu.memory_space<hbm>> -> memref<1x100352x16xf32, #tpu.memory_space<hbm>>
    %dma_wait3A_17 = tpu.memref_squeeze %dma_wait3A_16 : memref<1x100352x16xf32, #tpu.memory_space<hbm>> -> memref<100352x16xf32, #tpu.memory_space<hbm>>
    %dma_wait3A_18 = arith.constant 0 : i32
    %dma_wait3A_19 = arith.constant 0 : i32
    %dma_wait3A_20 = tpu.memref_slice %dma_wait3A_17[%dma_wait3A_18, %dma_wait3A_19] : memref<100352x16xf32, #tpu.memory_space<hbm>> -> memref<100352x16xf32, #tpu.memory_space<hbm>>
    tpu.wait_indirect_dma semaphore(%arg14 : memref<!tpu.dma_semaphore, #tpu.memory_space<semaphore_mem>>) src(%dma_wait3A_20 : memref<100352x16xf32, #tpu.memory_space<hbm>>) dst(%arg9 : memref<800x16xf32, #tpu.memory_space<vmem>>)
    "tpu.region"() ({
      %run_scoped3A = tpu.sem_alloc : memref<!tpu.dma_semaphore, #tpu.memory_space<semaphore_mem>>
      %dma_start3A_26 = arith.constant 0 : i32
      %dma_start3A_27 = arith.constant 0 : i32
      %dma_start3A_28 = tpu.memref_slice %arg13[%dma_start3A_26, %dma_start3A_27] : memref<100352x16xf32, #tpu.memory_space<vmem_shared>> -> memref<100352x16xf32, #tpu.memory_space<vmem_shared>>
      tpu.enqueue_indirect_dma source(%arg9 : memref<800x16xf32, #tpu.memory_space<vmem>>) target(%dma_start3A_28 : memref<100352x16xf32, #tpu.memory_space<vmem_shared>>) offsets(%arg8 : memref<800xi32, #tpu.memory_space<vmem>>) semaphore(%run_scoped3A : memref<!tpu.dma_semaphore, #tpu.memory_space<semaphore_mem>>) {add = true}
      %dma_wait3A_29 = arith.constant 0 : i32
      %dma_wait3A_30 = arith.constant 0 : i32
      %dma_wait3A_31 = tpu.memref_slice %arg13[%dma_wait3A_29, %dma_wait3A_30] : memref<100352x16xf32, #tpu.memory_space<vmem_shared>> -> memref<100352x16xf32, #tpu.memory_space<vmem_shared>>
      tpu.wait_indirect_dma semaphore(%run_scoped3A : memref<!tpu.dma_semaphore, #tpu.memory_space<semaphore_mem>>) src(%arg9 : memref<800x16xf32, #tpu.memory_space<vmem>>) dst(%dma_wait3A_31 : memref<100352x16xf32, #tpu.memory_space<vmem_shared>>)
      tpu.yield
    }) : () -> ()
    %barrier3A_21 = arith.constant 0 : index
    tpu.barrier barrier_id(%barrier3A_21)
    %mul3A_22 = arith.constant 3136 : i32
    %mul3A_23 = arith.muli %arg1, %mul3A_22 : i32
    %mul3A_24 = arith.constant 3136 : i32
    %mul3A_25 = arith.muli %arg1, %mul3A_24 : i32
    "tpu.region"() ({
      %run_scoped3A = tpu.sem_alloc : memref<!tpu.dma_semaphore, #tpu.memory_space<semaphore_mem>>
      %dma_start3A_26 = arith.constant 0 : i32
      %dma_start3A_27 = tpu.memref_slice %arg6[%arg0, %mul3A_25, %dma_start3A_26] : memref<2x100352x16xf32, #tpu.memory_space<hbm>> -> memref<1x3136x16xf32, #tpu.memory_space<hbm>>
      %dma_start3A_28 = tpu.memref_squeeze %dma_start3A_27 : memref<1x3136x16xf32, #tpu.memory_space<hbm>> -> memref<3136x16xf32, #tpu.memory_space<hbm>>
      %dma_start3A_29 = arith.constant 0 : i32
      %dma_start3A_30 = tpu.memref_slice %arg13[%mul3A_23, %dma_start3A_29] : memref<100352x16xf32, #tpu.memory_space<vmem_shared>> -> memref<3136x16xf32, #tpu.memory_space<vmem_shared>>
      tpu.enqueue_dma source(%dma_start3A_30 : memref<3136x16xf32, #tpu.memory_space<vmem_shared>>) target(%dma_start3A_28 : memref<3136x16xf32, #tpu.memory_space<hbm>>) target_semaphore(%run_scoped3A : memref<!tpu.dma_semaphore, #tpu.memory_space<semaphore_mem>>)
      %dma_wait3A_31 = arith.constant 0 : i32
      %dma_wait3A_32 = tpu.memref_slice %arg6[%arg0, %mul3A_25, %dma_wait3A_31] : memref<2x100352x16xf32, #tpu.memory_space<hbm>> -> memref<1x3136x16xf32, #tpu.memory_space<hbm>>
      %dma_wait3A_33 = tpu.memref_squeeze %dma_wait3A_32 : memref<1x3136x16xf32, #tpu.memory_space<hbm>> -> memref<3136x16xf32, #tpu.memory_space<hbm>>
      %dma_wait3A_34 = arith.constant 0 : i32
      %dma_wait3A_35 = tpu.memref_slice %arg13[%mul3A_23, %dma_wait3A_34] : memref<100352x16xf32, #tpu.memory_space<vmem_shared>> -> memref<3136x16xf32, #tpu.memory_space<vmem_shared>>
      tpu.wait_dma2 semaphore(%run_scoped3A : memref<!tpu.dma_semaphore, #tpu.memory_space<semaphore_mem>>) src(%dma_wait3A_35 : memref<3136x16xf32, #tpu.memory_space<vmem_shared>>) dst(%dma_wait3A_33 : memref<3136x16xf32, #tpu.memory_space<hbm>>)
      tpu.yield
    }) : () -> ()
    return
  }
}

#map = affine_map<(d0, d1) -> (0)>
#map1 = affine_map<(d0, d1) -> (0, 0, 0)>
#map2 = affine_map<(d0, d1) -> (0, 0)>
module attributes {stable_mosaic.version = 14 : i64} {
  func.func @_sc_agg(%arg0: i32, %arg1: i32, %arg2: memref<1600000xi32, #tpu.memory_space<hbm>>, %arg3: memref<1600000xi32, #tpu.memory_space<hbm>>, %arg4: memref<2x100352x16xf32, #tpu.memory_space<hbm>>, %arg5: memref<3136x16xf32, #tpu.memory_space<hbm>>, %arg6: memref<2x100352x16xf32, #tpu.memory_space<hbm>>, %arg7: memref<800xi32, #tpu.memory_space<vmem>>, %arg8: memref<800xi32, #tpu.memory_space<vmem>>, %arg9: memref<800x16xf32, #tpu.memory_space<vmem>>, %arg10: memref<800xi32, #tpu.memory_space<vmem>>, %arg11: memref<800xi32, #tpu.memory_space<vmem>>, %arg12: memref<800x16xf32, #tpu.memory_space<vmem>>, %arg13: memref<100352x16xf32, #tpu.memory_space<vmem_shared>>, %arg14: memref<!tpu.dma_semaphore, #tpu.memory_space<semaphore_mem>>, %arg15: memref<!tpu.dma_semaphore, #tpu.memory_space<semaphore_mem>>, %arg16: memref<!tpu.dma_semaphore, #tpu.memory_space<semaphore_mem>>, %arg17: memref<!tpu.dma_semaphore, #tpu.memory_space<semaphore_mem>>) attributes {dimension_semantics = [#tpu.dimension_semantics<core_parallel>, #tpu.dimension_semantics<subcore_parallel>], iteration_bounds = array<i64: 2, 16>, scalar_prefetch = 0 : i64, scratch_operands = 11 : i64, tpu.core_type = #tpu.core_type<sc_vector_subcore>, window_params = [{transform_indices = #map}, {transform_indices = #map}, {transform_indices = #map1}, {transform_indices = #map2}, {transform_indices = #map1}]} {
    %mul3A = arith.constant 3136 : i32
    %mul3A_0 = arith.muli %arg1, %mul3A : i32
    "tpu.region"() ({
      %run_scoped3A = tpu.sem_alloc : memref<!tpu.dma_semaphore, #tpu.memory_space<semaphore_mem>>
      %dma_start3A_26 = arith.constant 0 : i32
      %dma_start3A_27 = tpu.memref_slice %arg13[%mul3A_0, %dma_start3A_26] : memref<100352x16xf32, #tpu.memory_space<vmem_shared>> -> memref<3136x16xf32, #tpu.memory_space<vmem_shared>>
      tpu.enqueue_dma source(%arg5 : memref<3136x16xf32, #tpu.memory_space<hbm>>) target(%dma_start3A_27 : memref<3136x16xf32, #tpu.memory_space<vmem_shared>>) target_semaphore(%run_scoped3A : memref<!tpu.dma_semaphore, #tpu.memory_space<semaphore_mem>>)
      %dma_wait3A_28 = arith.constant 0 : i32
      %dma_wait3A_29 = tpu.memref_slice %arg13[%mul3A_0, %dma_wait3A_28] : memref<100352x16xf32, #tpu.memory_space<vmem_shared>> -> memref<3136x16xf32, #tpu.memory_space<vmem_shared>>
      tpu.wait_dma2 semaphore(%run_scoped3A : memref<!tpu.dma_semaphore, #tpu.memory_space<semaphore_mem>>) src(%arg5 : memref<3136x16xf32, #tpu.memory_space<hbm>>) dst(%dma_wait3A_29 : memref<3136x16xf32, #tpu.memory_space<vmem_shared>>)
      tpu.yield
    }) : () -> ()
    %barrier3A = arith.constant 0 : index
    tpu.barrier barrier_id(%barrier3A)
    %mul3A_1 = arith.constant 100000 : i32
    %mul3A_2 = arith.muli %arg1, %mul3A_1 : i32
    %scan3A = arith.constant 0 : i32
    %scan3A_3 = arith.constant 0 : i32
    %scan3A_4 = arith.constant 62 : i32
    %scan3A_5 = arith.addi %scan3A_3, %scan3A_4 : i32
    %scan3A_6 = arith.constant 1 : i32
    scf.for %scan3A_26 = %scan3A_3 to %scan3A_5 step %scan3A_6  : i32 {
      %mul3A_27 = arith.constant 1600 : i32
      %mul3A_28 = arith.muli %scan3A_26, %mul3A_27 : i32
      %add3A_29 = arith.addi %mul3A_2, %mul3A_28 : i32
      "tpu.region"() ({
        %run_scoped3A = tpu.sem_alloc : memref<!tpu.dma_semaphore, #tpu.memory_space<semaphore_mem>>
        %dma_start3A_74 = tpu.memref_slice %arg2[%add3A_29] : memref<1600000xi32, #tpu.memory_space<hbm>> -> memref<800xi32, #tpu.memory_space<hbm>>
        %dma_start3A_75 = tpu.memref_slice %arg2[%add3A_29] : memref<1600000xi32, #tpu.memory_space<hbm>> -> memref<800xi32, #tpu.memory_space<hbm>>
        tpu.enqueue_dma source(%dma_start3A_75 : memref<800xi32, #tpu.memory_space<hbm>>) target(%arg7 : memref<800xi32, #tpu.memory_space<vmem>>) target_semaphore(%run_scoped3A : memref<!tpu.dma_semaphore, #tpu.memory_space<semaphore_mem>>)
        %dma_wait3A_76 = tpu.memref_slice %arg2[%add3A_29] : memref<1600000xi32, #tpu.memory_space<hbm>> -> memref<800xi32, #tpu.memory_space<hbm>>
        %dma_wait3A_77 = tpu.memref_slice %arg2[%add3A_29] : memref<1600000xi32, #tpu.memory_space<hbm>> -> memref<800xi32, #tpu.memory_space<hbm>>
        tpu.wait_dma2 semaphore(%run_scoped3A : memref<!tpu.dma_semaphore, #tpu.memory_space<semaphore_mem>>) src(%dma_wait3A_77 : memref<800xi32, #tpu.memory_space<hbm>>) dst(%arg7 : memref<800xi32, #tpu.memory_space<vmem>>)
        tpu.yield
      }) : () -> ()
      "tpu.region"() ({
        %run_scoped3A = tpu.sem_alloc : memref<!tpu.dma_semaphore, #tpu.memory_space<semaphore_mem>>
        %dma_start3A_74 = tpu.memref_slice %arg3[%add3A_29] : memref<1600000xi32, #tpu.memory_space<hbm>> -> memref<800xi32, #tpu.memory_space<hbm>>
        %dma_start3A_75 = tpu.memref_slice %arg3[%add3A_29] : memref<1600000xi32, #tpu.memory_space<hbm>> -> memref<800xi32, #tpu.memory_space<hbm>>
        tpu.enqueue_dma source(%dma_start3A_75 : memref<800xi32, #tpu.memory_space<hbm>>) target(%arg8 : memref<800xi32, #tpu.memory_space<vmem>>) target_semaphore(%run_scoped3A : memref<!tpu.dma_semaphore, #tpu.memory_space<semaphore_mem>>)
        %dma_wait3A_76 = tpu.memref_slice %arg3[%add3A_29] : memref<1600000xi32, #tpu.memory_space<hbm>> -> memref<800xi32, #tpu.memory_space<hbm>>
        %dma_wait3A_77 = tpu.memref_slice %arg3[%add3A_29] : memref<1600000xi32, #tpu.memory_space<hbm>> -> memref<800xi32, #tpu.memory_space<hbm>>
        tpu.wait_dma2 semaphore(%run_scoped3A : memref<!tpu.dma_semaphore, #tpu.memory_space<semaphore_mem>>) src(%dma_wait3A_77 : memref<800xi32, #tpu.memory_space<hbm>>) dst(%arg8 : memref<800xi32, #tpu.memory_space<vmem>>)
        tpu.yield
      }) : () -> ()
      %dma_start3A_30 = arith.constant 0 : i32
      %dma_start3A_31 = arith.constant 0 : i32
      %dma_start3A_32 = tpu.memref_slice %arg4[%arg0, %dma_start3A_30, %dma_start3A_31] : memref<2x100352x16xf32, #tpu.memory_space<hbm>> -> memref<1x100352x16xf32, #tpu.memory_space<hbm>>
      %dma_start3A_33 = tpu.memref_squeeze %dma_start3A_32 : memref<1x100352x16xf32, #tpu.memory_space<hbm>> -> memref<100352x16xf32, #tpu.memory_space<hbm>>
      %dma_start3A_34 = arith.constant 0 : i32
      %dma_start3A_35 = arith.constant 0 : i32
      %dma_start3A_36 = tpu.memref_slice %dma_start3A_33[%dma_start3A_34, %dma_start3A_35] : memref<100352x16xf32, #tpu.memory_space<hbm>> -> memref<100352x16xf32, #tpu.memory_space<hbm>>
      tpu.enqueue_indirect_dma source(%dma_start3A_36 : memref<100352x16xf32, #tpu.memory_space<hbm>>) target(%arg9 : memref<800x16xf32, #tpu.memory_space<vmem>>) offsets(%arg7 : memref<800xi32, #tpu.memory_space<vmem>>) semaphore(%arg14 : memref<!tpu.dma_semaphore, #tpu.memory_space<semaphore_mem>>)
      %add3A_37 = arith.constant 800 : i32
      %add3A_38 = arith.addi %add3A_29, %add3A_37 : i32
      "tpu.region"() ({
        %run_scoped3A = tpu.sem_alloc : memref<!tpu.dma_semaphore, #tpu.memory_space<semaphore_mem>>
        %dma_start3A_74 = tpu.memref_slice %arg2[%add3A_38] : memref<1600000xi32, #tpu.memory_space<hbm>> -> memref<800xi32, #tpu.memory_space<hbm>>
        %dma_start3A_75 = tpu.memref_slice %arg2[%add3A_38] : memref<1600000xi32, #tpu.memory_space<hbm>> -> memref<800xi32, #tpu.memory_space<hbm>>
        tpu.enqueue_dma source(%dma_start3A_75 : memref<800xi32, #tpu.memory_space<hbm>>) target(%arg10 : memref<800xi32, #tpu.memory_space<vmem>>) target_semaphore(%run_scoped3A : memref<!tpu.dma_semaphore, #tpu.memory_space<semaphore_mem>>)
        %dma_wait3A_76 = tpu.memref_slice %arg2[%add3A_38] : memref<1600000xi32, #tpu.memory_space<hbm>> -> memref<800xi32, #tpu.memory_space<hbm>>
        %dma_wait3A_77 = tpu.memref_slice %arg2[%add3A_38] : memref<1600000xi32, #tpu.memory_space<hbm>> -> memref<800xi32, #tpu.memory_space<hbm>>
        tpu.wait_dma2 semaphore(%run_scoped3A : memref<!tpu.dma_semaphore, #tpu.memory_space<semaphore_mem>>) src(%dma_wait3A_77 : memref<800xi32, #tpu.memory_space<hbm>>) dst(%arg10 : memref<800xi32, #tpu.memory_space<vmem>>)
        tpu.yield
      }) : () -> ()
      %add3A_39 = arith.constant 800 : i32
      %add3A_40 = arith.addi %add3A_29, %add3A_39 : i32
      "tpu.region"() ({
        %run_scoped3A = tpu.sem_alloc : memref<!tpu.dma_semaphore, #tpu.memory_space<semaphore_mem>>
        %dma_start3A_74 = tpu.memref_slice %arg3[%add3A_40] : memref<1600000xi32, #tpu.memory_space<hbm>> -> memref<800xi32, #tpu.memory_space<hbm>>
        %dma_start3A_75 = tpu.memref_slice %arg3[%add3A_40] : memref<1600000xi32, #tpu.memory_space<hbm>> -> memref<800xi32, #tpu.memory_space<hbm>>
        tpu.enqueue_dma source(%dma_start3A_75 : memref<800xi32, #tpu.memory_space<hbm>>) target(%arg11 : memref<800xi32, #tpu.memory_space<vmem>>) target_semaphore(%run_scoped3A : memref<!tpu.dma_semaphore, #tpu.memory_space<semaphore_mem>>)
        %dma_wait3A_76 = tpu.memref_slice %arg3[%add3A_40] : memref<1600000xi32, #tpu.memory_space<hbm>> -> memref<800xi32, #tpu.memory_space<hbm>>
        %dma_wait3A_77 = tpu.memref_slice %arg3[%add3A_40] : memref<1600000xi32, #tpu.memory_space<hbm>> -> memref<800xi32, #tpu.memory_space<hbm>>
        tpu.wait_dma2 semaphore(%run_scoped3A : memref<!tpu.dma_semaphore, #tpu.memory_space<semaphore_mem>>) src(%dma_wait3A_77 : memref<800xi32, #tpu.memory_space<hbm>>) dst(%arg11 : memref<800xi32, #tpu.memory_space<vmem>>)
        tpu.yield
      }) : () -> ()
      %dma_start3A_41 = arith.constant 0 : i32
      %dma_start3A_42 = arith.constant 0 : i32
      %dma_start3A_43 = tpu.memref_slice %arg4[%arg0, %dma_start3A_41, %dma_start3A_42] : memref<2x100352x16xf32, #tpu.memory_space<hbm>> -> memref<1x100352x16xf32, #tpu.memory_space<hbm>>
      %dma_start3A_44 = tpu.memref_squeeze %dma_start3A_43 : memref<1x100352x16xf32, #tpu.memory_space<hbm>> -> memref<100352x16xf32, #tpu.memory_space<hbm>>
      %dma_start3A_45 = arith.constant 0 : i32
      %dma_start3A_46 = arith.constant 0 : i32
      %dma_start3A_47 = tpu.memref_slice %dma_start3A_44[%dma_start3A_45, %dma_start3A_46] : memref<100352x16xf32, #tpu.memory_space<hbm>> -> memref<100352x16xf32, #tpu.memory_space<hbm>>
      tpu.enqueue_indirect_dma source(%dma_start3A_47 : memref<100352x16xf32, #tpu.memory_space<hbm>>) target(%arg12 : memref<800x16xf32, #tpu.memory_space<vmem>>) offsets(%arg10 : memref<800xi32, #tpu.memory_space<vmem>>) semaphore(%arg15 : memref<!tpu.dma_semaphore, #tpu.memory_space<semaphore_mem>>)
      %dma_wait3A_48 = arith.constant 0 : i32
      %dma_wait3A_49 = arith.constant 0 : i32
      %dma_wait3A_50 = tpu.memref_slice %arg4[%arg0, %dma_wait3A_48, %dma_wait3A_49] : memref<2x100352x16xf32, #tpu.memory_space<hbm>> -> memref<1x100352x16xf32, #tpu.memory_space<hbm>>
      %dma_wait3A_51 = tpu.memref_squeeze %dma_wait3A_50 : memref<1x100352x16xf32, #tpu.memory_space<hbm>> -> memref<100352x16xf32, #tpu.memory_space<hbm>>
      %dma_wait3A_52 = arith.constant 0 : i32
      %dma_wait3A_53 = arith.constant 0 : i32
      %dma_wait3A_54 = tpu.memref_slice %dma_wait3A_51[%dma_wait3A_52, %dma_wait3A_53] : memref<100352x16xf32, #tpu.memory_space<hbm>> -> memref<100352x16xf32, #tpu.memory_space<hbm>>
      tpu.wait_indirect_dma semaphore(%arg14 : memref<!tpu.dma_semaphore, #tpu.memory_space<semaphore_mem>>) src(%dma_wait3A_54 : memref<100352x16xf32, #tpu.memory_space<hbm>>) dst(%arg9 : memref<800x16xf32, #tpu.memory_space<vmem>>)
      %dma_start3A_55 = arith.constant 0 : i32
      %dma_start3A_56 = arith.constant 0 : i32
      %dma_start3A_57 = tpu.memref_slice %arg13[%dma_start3A_55, %dma_start3A_56] : memref<100352x16xf32, #tpu.memory_space<vmem_shared>> -> memref<100352x16xf32, #tpu.memory_space<vmem_shared>>
      tpu.enqueue_indirect_dma source(%arg9 : memref<800x16xf32, #tpu.memory_space<vmem>>) target(%dma_start3A_57 : memref<100352x16xf32, #tpu.memory_space<vmem_shared>>) offsets(%arg8 : memref<800xi32, #tpu.memory_space<vmem>>) semaphore(%arg16 : memref<!tpu.dma_semaphore, #tpu.memory_space<semaphore_mem>>) {add = true}
      %dma_wait3A_58 = arith.constant 0 : i32
      %dma_wait3A_59 = arith.constant 0 : i32
      %dma_wait3A_60 = tpu.memref_slice %arg4[%arg0, %dma_wait3A_58, %dma_wait3A_59] : memref<2x100352x16xf32, #tpu.memory_space<hbm>> -> memref<1x100352x16xf32, #tpu.memory_space<hbm>>
      %dma_wait3A_61 = tpu.memref_squeeze %dma_wait3A_60 : memref<1x100352x16xf32, #tpu.memory_space<hbm>> -> memref<100352x16xf32, #tpu.memory_space<hbm>>
      %dma_wait3A_62 = arith.constant 0 : i32
      %dma_wait3A_63 = arith.constant 0 : i32
      %dma_wait3A_64 = tpu.memref_slice %dma_wait3A_61[%dma_wait3A_62, %dma_wait3A_63] : memref<100352x16xf32, #tpu.memory_space<hbm>> -> memref<100352x16xf32, #tpu.memory_space<hbm>>
      tpu.wait_indirect_dma semaphore(%arg15 : memref<!tpu.dma_semaphore, #tpu.memory_space<semaphore_mem>>) src(%dma_wait3A_64 : memref<100352x16xf32, #tpu.memory_space<hbm>>) dst(%arg12 : memref<800x16xf32, #tpu.memory_space<vmem>>)
      %dma_start3A_65 = arith.constant 0 : i32
      %dma_start3A_66 = arith.constant 0 : i32
      %dma_start3A_67 = tpu.memref_slice %arg13[%dma_start3A_65, %dma_start3A_66] : memref<100352x16xf32, #tpu.memory_space<vmem_shared>> -> memref<100352x16xf32, #tpu.memory_space<vmem_shared>>
      tpu.enqueue_indirect_dma source(%arg12 : memref<800x16xf32, #tpu.memory_space<vmem>>) target(%dma_start3A_67 : memref<100352x16xf32, #tpu.memory_space<vmem_shared>>) offsets(%arg11 : memref<800xi32, #tpu.memory_space<vmem>>) semaphore(%arg17 : memref<!tpu.dma_semaphore, #tpu.memory_space<semaphore_mem>>) {add = true}
      %dma_wait3A_68 = arith.constant 0 : i32
      %dma_wait3A_69 = arith.constant 0 : i32
      %dma_wait3A_70 = tpu.memref_slice %arg13[%dma_wait3A_68, %dma_wait3A_69] : memref<100352x16xf32, #tpu.memory_space<vmem_shared>> -> memref<100352x16xf32, #tpu.memory_space<vmem_shared>>
      tpu.wait_indirect_dma semaphore(%arg16 : memref<!tpu.dma_semaphore, #tpu.memory_space<semaphore_mem>>) src(%arg9 : memref<800x16xf32, #tpu.memory_space<vmem>>) dst(%dma_wait3A_70 : memref<100352x16xf32, #tpu.memory_space<vmem_shared>>)
      %dma_wait3A_71 = arith.constant 0 : i32
      %dma_wait3A_72 = arith.constant 0 : i32
      %dma_wait3A_73 = tpu.memref_slice %arg13[%dma_wait3A_71, %dma_wait3A_72] : memref<100352x16xf32, #tpu.memory_space<vmem_shared>> -> memref<100352x16xf32, #tpu.memory_space<vmem_shared>>
      tpu.wait_indirect_dma semaphore(%arg17 : memref<!tpu.dma_semaphore, #tpu.memory_space<semaphore_mem>>) src(%arg12 : memref<800x16xf32, #tpu.memory_space<vmem>>) dst(%dma_wait3A_73 : memref<100352x16xf32, #tpu.memory_space<vmem_shared>>)
    }
    %scan3A_7 = arith.constant 62 : i32
    %add3A = arith.constant 99200 : i32
    %add3A_8 = arith.addi %mul3A_2, %add3A : i32
    "tpu.region"() ({
      %run_scoped3A = tpu.sem_alloc : memref<!tpu.dma_semaphore, #tpu.memory_space<semaphore_mem>>
      %dma_start3A_26 = tpu.memref_slice %arg2[%add3A_8] : memref<1600000xi32, #tpu.memory_space<hbm>> -> memref<800xi32, #tpu.memory_space<hbm>>
      %dma_start3A_27 = tpu.memref_slice %arg2[%add3A_8] : memref<1600000xi32, #tpu.memory_space<hbm>> -> memref<800xi32, #tpu.memory_space<hbm>>
      tpu.enqueue_dma source(%dma_start3A_27 : memref<800xi32, #tpu.memory_space<hbm>>) target(%arg7 : memref<800xi32, #tpu.memory_space<vmem>>) target_semaphore(%run_scoped3A : memref<!tpu.dma_semaphore, #tpu.memory_space<semaphore_mem>>)
      %dma_wait3A_28 = tpu.memref_slice %arg2[%add3A_8] : memref<1600000xi32, #tpu.memory_space<hbm>> -> memref<800xi32, #tpu.memory_space<hbm>>
      %dma_wait3A_29 = tpu.memref_slice %arg2[%add3A_8] : memref<1600000xi32, #tpu.memory_space<hbm>> -> memref<800xi32, #tpu.memory_space<hbm>>
      tpu.wait_dma2 semaphore(%run_scoped3A : memref<!tpu.dma_semaphore, #tpu.memory_space<semaphore_mem>>) src(%dma_wait3A_29 : memref<800xi32, #tpu.memory_space<hbm>>) dst(%arg7 : memref<800xi32, #tpu.memory_space<vmem>>)
      tpu.yield
    }) : () -> ()
    "tpu.region"() ({
      %run_scoped3A = tpu.sem_alloc : memref<!tpu.dma_semaphore, #tpu.memory_space<semaphore_mem>>
      %dma_start3A_26 = tpu.memref_slice %arg3[%add3A_8] : memref<1600000xi32, #tpu.memory_space<hbm>> -> memref<800xi32, #tpu.memory_space<hbm>>
      %dma_start3A_27 = tpu.memref_slice %arg3[%add3A_8] : memref<1600000xi32, #tpu.memory_space<hbm>> -> memref<800xi32, #tpu.memory_space<hbm>>
      tpu.enqueue_dma source(%dma_start3A_27 : memref<800xi32, #tpu.memory_space<hbm>>) target(%arg8 : memref<800xi32, #tpu.memory_space<vmem>>) target_semaphore(%run_scoped3A : memref<!tpu.dma_semaphore, #tpu.memory_space<semaphore_mem>>)
      %dma_wait3A_28 = tpu.memref_slice %arg3[%add3A_8] : memref<1600000xi32, #tpu.memory_space<hbm>> -> memref<800xi32, #tpu.memory_space<hbm>>
      %dma_wait3A_29 = tpu.memref_slice %arg3[%add3A_8] : memref<1600000xi32, #tpu.memory_space<hbm>> -> memref<800xi32, #tpu.memory_space<hbm>>
      tpu.wait_dma2 semaphore(%run_scoped3A : memref<!tpu.dma_semaphore, #tpu.memory_space<semaphore_mem>>) src(%dma_wait3A_29 : memref<800xi32, #tpu.memory_space<hbm>>) dst(%arg8 : memref<800xi32, #tpu.memory_space<vmem>>)
      tpu.yield
    }) : () -> ()
    %dma_start3A = arith.constant 0 : i32
    %dma_start3A_9 = arith.constant 0 : i32
    %dma_start3A_10 = tpu.memref_slice %arg4[%arg0, %dma_start3A, %dma_start3A_9] : memref<2x100352x16xf32, #tpu.memory_space<hbm>> -> memref<1x100352x16xf32, #tpu.memory_space<hbm>>
    %dma_start3A_11 = tpu.memref_squeeze %dma_start3A_10 : memref<1x100352x16xf32, #tpu.memory_space<hbm>> -> memref<100352x16xf32, #tpu.memory_space<hbm>>
    %dma_start3A_12 = arith.constant 0 : i32
    %dma_start3A_13 = arith.constant 0 : i32
    %dma_start3A_14 = tpu.memref_slice %dma_start3A_11[%dma_start3A_12, %dma_start3A_13] : memref<100352x16xf32, #tpu.memory_space<hbm>> -> memref<100352x16xf32, #tpu.memory_space<hbm>>
    tpu.enqueue_indirect_dma source(%dma_start3A_14 : memref<100352x16xf32, #tpu.memory_space<hbm>>) target(%arg9 : memref<800x16xf32, #tpu.memory_space<vmem>>) offsets(%arg7 : memref<800xi32, #tpu.memory_space<vmem>>) semaphore(%arg14 : memref<!tpu.dma_semaphore, #tpu.memory_space<semaphore_mem>>)
    %dma_wait3A = arith.constant 0 : i32
    %dma_wait3A_15 = arith.constant 0 : i32
    %dma_wait3A_16 = tpu.memref_slice %arg4[%arg0, %dma_wait3A, %dma_wait3A_15] : memref<2x100352x16xf32, #tpu.memory_space<hbm>> -> memref<1x100352x16xf32, #tpu.memory_space<hbm>>
    %dma_wait3A_17 = tpu.memref_squeeze %dma_wait3A_16 : memref<1x100352x16xf32, #tpu.memory_space<hbm>> -> memref<100352x16xf32, #tpu.memory_space<hbm>>
    %dma_wait3A_18 = arith.constant 0 : i32
    %dma_wait3A_19 = arith.constant 0 : i32
    %dma_wait3A_20 = tpu.memref_slice %dma_wait3A_17[%dma_wait3A_18, %dma_wait3A_19] : memref<100352x16xf32, #tpu.memory_space<hbm>> -> memref<100352x16xf32, #tpu.memory_space<hbm>>
    tpu.wait_indirect_dma semaphore(%arg14 : memref<!tpu.dma_semaphore, #tpu.memory_space<semaphore_mem>>) src(%dma_wait3A_20 : memref<100352x16xf32, #tpu.memory_space<hbm>>) dst(%arg9 : memref<800x16xf32, #tpu.memory_space<vmem>>)
    "tpu.region"() ({
      %run_scoped3A = tpu.sem_alloc : memref<!tpu.dma_semaphore, #tpu.memory_space<semaphore_mem>>
      %dma_start3A_26 = arith.constant 0 : i32
      %dma_start3A_27 = arith.constant 0 : i32
      %dma_start3A_28 = tpu.memref_slice %arg13[%dma_start3A_26, %dma_start3A_27] : memref<100352x16xf32, #tpu.memory_space<vmem_shared>> -> memref<100352x16xf32, #tpu.memory_space<vmem_shared>>
      tpu.enqueue_indirect_dma source(%arg9 : memref<800x16xf32, #tpu.memory_space<vmem>>) target(%dma_start3A_28 : memref<100352x16xf32, #tpu.memory_space<vmem_shared>>) offsets(%arg8 : memref<800xi32, #tpu.memory_space<vmem>>) semaphore(%run_scoped3A : memref<!tpu.dma_semaphore, #tpu.memory_space<semaphore_mem>>) {add = true}
      %dma_wait3A_29 = arith.constant 0 : i32
      %dma_wait3A_30 = arith.constant 0 : i32
      %dma_wait3A_31 = tpu.memref_slice %arg13[%dma_wait3A_29, %dma_wait3A_30] : memref<100352x16xf32, #tpu.memory_space<vmem_shared>> -> memref<100352x16xf32, #tpu.memory_space<vmem_shared>>
      tpu.wait_indirect_dma semaphore(%run_scoped3A : memref<!tpu.dma_semaphore, #tpu.memory_space<semaphore_mem>>) src(%arg9 : memref<800x16xf32, #tpu.memory_space<vmem>>) dst(%dma_wait3A_31 : memref<100352x16xf32, #tpu.memory_space<vmem_shared>>)
      tpu.yield
    }) : () -> ()
    %barrier3A_21 = arith.constant 0 : index
    tpu.barrier barrier_id(%barrier3A_21)
    %mul3A_22 = arith.constant 3136 : i32
    %mul3A_23 = arith.muli %arg1, %mul3A_22 : i32
    %mul3A_24 = arith.constant 3136 : i32
    %mul3A_25 = arith.muli %arg1, %mul3A_24 : i32
    "tpu.region"() ({
      %run_scoped3A = tpu.sem_alloc : memref<!tpu.dma_semaphore, #tpu.memory_space<semaphore_mem>>
      %dma_start3A_26 = arith.constant 0 : i32
      %dma_start3A_27 = tpu.memref_slice %arg6[%arg0, %mul3A_25, %dma_start3A_26] : memref<2x100352x16xf32, #tpu.memory_space<hbm>> -> memref<1x3136x16xf32, #tpu.memory_space<hbm>>
      %dma_start3A_28 = tpu.memref_squeeze %dma_start3A_27 : memref<1x3136x16xf32, #tpu.memory_space<hbm>> -> memref<3136x16xf32, #tpu.memory_space<hbm>>
      %dma_start3A_29 = arith.constant 0 : i32
      %dma_start3A_30 = tpu.memref_slice %arg13[%mul3A_23, %dma_start3A_29] : memref<100352x16xf32, #tpu.memory_space<vmem_shared>> -> memref<3136x16xf32, #tpu.memory_space<vmem_shared>>
      tpu.enqueue_dma source(%dma_start3A_30 : memref<3136x16xf32, #tpu.memory_space<vmem_shared>>) target(%dma_start3A_28 : memref<3136x16xf32, #tpu.memory_space<hbm>>) target_semaphore(%run_scoped3A : memref<!tpu.dma_semaphore, #tpu.memory_space<semaphore_mem>>)
      %dma_wait3A_31 = arith.constant 0 : i32
      %dma_wait3A_32 = tpu.memref_slice %arg6[%arg0, %mul3A_25, %dma_wait3A_31] : memref<2x100352x16xf32, #tpu.memory_space<hbm>> -> memref<1x3136x16xf32, #tpu.memory_space<hbm>>
      %dma_wait3A_33 = tpu.memref_squeeze %dma_wait3A_32 : memref<1x3136x16xf32, #tpu.memory_space<hbm>> -> memref<3136x16xf32, #tpu.memory_space<hbm>>
      %dma_wait3A_34 = arith.constant 0 : i32
      %dma_wait3A_35 = tpu.memref_slice %arg13[%mul3A_23, %dma_wait3A_34] : memref<100352x16xf32, #tpu.memory_space<vmem_shared>> -> memref<3136x16xf32, #tpu.memory_space<vmem_shared>>
      tpu.wait_dma2 semaphore(%run_scoped3A : memref<!tpu.dma_semaphore, #tpu.memory_space<semaphore_mem>>) src(%dma_wait3A_35 : memref<3136x16xf32, #tpu.memory_space<vmem_shared>>) dst(%dma_wait3A_33 : memref<3136x16xf32, #tpu.memory_space<hbm>>)
      tpu.yield
    }) : () -> ()
    return
  }
}

#map = affine_map<(d0, d1) -> (0)>
#map1 = affine_map<(d0, d1) -> (0, 0, 0)>
#map2 = affine_map<(d0, d1) -> (0, 0)>
module attributes {stable_mosaic.version = 14 : i64} {
  func.func @_sc_agg(%arg0: i32, %arg1: i32, %arg2: memref<1600000xi32, #tpu.memory_space<hbm>>, %arg3: memref<1600000xi32, #tpu.memory_space<hbm>>, %arg4: memref<2x100352x16xf32, #tpu.memory_space<hbm>>, %arg5: memref<3136x16xf32, #tpu.memory_space<hbm>>, %arg6: memref<2x100352x16xf32, #tpu.memory_space<hbm>>, %arg7: memref<800xi32, #tpu.memory_space<vmem>>, %arg8: memref<800xi32, #tpu.memory_space<vmem>>, %arg9: memref<800x16xf32, #tpu.memory_space<vmem>>, %arg10: memref<800xi32, #tpu.memory_space<vmem>>, %arg11: memref<800xi32, #tpu.memory_space<vmem>>, %arg12: memref<800x16xf32, #tpu.memory_space<vmem>>, %arg13: memref<100352x16xf32, #tpu.memory_space<vmem_shared>>, %arg14: memref<!tpu.dma_semaphore, #tpu.memory_space<semaphore_mem>>, %arg15: memref<!tpu.dma_semaphore, #tpu.memory_space<semaphore_mem>>, %arg16: memref<!tpu.dma_semaphore, #tpu.memory_space<semaphore_mem>>, %arg17: memref<!tpu.dma_semaphore, #tpu.memory_space<semaphore_mem>>) attributes {dimension_semantics = [#tpu.dimension_semantics<core_parallel>, #tpu.dimension_semantics<subcore_parallel>], iteration_bounds = array<i64: 2, 16>, scalar_prefetch = 0 : i64, scratch_operands = 11 : i64, tpu.core_type = #tpu.core_type<sc_vector_subcore>, window_params = [{transform_indices = #map}, {transform_indices = #map}, {transform_indices = #map1}, {transform_indices = #map2}, {transform_indices = #map1}]} {
    %mul3A = arith.constant 3136 : i32
    %mul3A_0 = arith.muli %arg1, %mul3A : i32
    "tpu.region"() ({
      %run_scoped3A = tpu.sem_alloc : memref<!tpu.dma_semaphore, #tpu.memory_space<semaphore_mem>>
      %dma_start3A_26 = arith.constant 0 : i32
      %dma_start3A_27 = tpu.memref_slice %arg13[%mul3A_0, %dma_start3A_26] : memref<100352x16xf32, #tpu.memory_space<vmem_shared>> -> memref<3136x16xf32, #tpu.memory_space<vmem_shared>>
      tpu.enqueue_dma source(%arg5 : memref<3136x16xf32, #tpu.memory_space<hbm>>) target(%dma_start3A_27 : memref<3136x16xf32, #tpu.memory_space<vmem_shared>>) target_semaphore(%run_scoped3A : memref<!tpu.dma_semaphore, #tpu.memory_space<semaphore_mem>>)
      %dma_wait3A_28 = arith.constant 0 : i32
      %dma_wait3A_29 = tpu.memref_slice %arg13[%mul3A_0, %dma_wait3A_28] : memref<100352x16xf32, #tpu.memory_space<vmem_shared>> -> memref<3136x16xf32, #tpu.memory_space<vmem_shared>>
      tpu.wait_dma2 semaphore(%run_scoped3A : memref<!tpu.dma_semaphore, #tpu.memory_space<semaphore_mem>>) src(%arg5 : memref<3136x16xf32, #tpu.memory_space<hbm>>) dst(%dma_wait3A_29 : memref<3136x16xf32, #tpu.memory_space<vmem_shared>>)
      tpu.yield
    }) : () -> ()
    %barrier3A = arith.constant 0 : index
    tpu.barrier barrier_id(%barrier3A)
    %mul3A_1 = arith.constant 100000 : i32
    %mul3A_2 = arith.muli %arg1, %mul3A_1 : i32
    %scan3A = arith.constant 0 : i32
    %scan3A_3 = arith.constant 0 : i32
    %scan3A_4 = arith.constant 62 : i32
    %scan3A_5 = arith.addi %scan3A_3, %scan3A_4 : i32
    %scan3A_6 = arith.constant 1 : i32
    scf.for %scan3A_26 = %scan3A_3 to %scan3A_5 step %scan3A_6  : i32 {
      %mul3A_27 = arith.constant 1600 : i32
      %mul3A_28 = arith.muli %scan3A_26, %mul3A_27 : i32
      %add3A_29 = arith.addi %mul3A_2, %mul3A_28 : i32
      "tpu.region"() ({
        %run_scoped3A = tpu.sem_alloc : memref<!tpu.dma_semaphore, #tpu.memory_space<semaphore_mem>>
        %dma_start3A_74 = tpu.memref_slice %arg2[%add3A_29] : memref<1600000xi32, #tpu.memory_space<hbm>> -> memref<800xi32, #tpu.memory_space<hbm>>
        %dma_start3A_75 = tpu.memref_slice %arg2[%add3A_29] : memref<1600000xi32, #tpu.memory_space<hbm>> -> memref<800xi32, #tpu.memory_space<hbm>>
        tpu.enqueue_dma source(%dma_start3A_75 : memref<800xi32, #tpu.memory_space<hbm>>) target(%arg7 : memref<800xi32, #tpu.memory_space<vmem>>) target_semaphore(%run_scoped3A : memref<!tpu.dma_semaphore, #tpu.memory_space<semaphore_mem>>)
        %dma_wait3A_76 = tpu.memref_slice %arg2[%add3A_29] : memref<1600000xi32, #tpu.memory_space<hbm>> -> memref<800xi32, #tpu.memory_space<hbm>>
        %dma_wait3A_77 = tpu.memref_slice %arg2[%add3A_29] : memref<1600000xi32, #tpu.memory_space<hbm>> -> memref<800xi32, #tpu.memory_space<hbm>>
        tpu.wait_dma2 semaphore(%run_scoped3A : memref<!tpu.dma_semaphore, #tpu.memory_space<semaphore_mem>>) src(%dma_wait3A_77 : memref<800xi32, #tpu.memory_space<hbm>>) dst(%arg7 : memref<800xi32, #tpu.memory_space<vmem>>)
        tpu.yield
      }) : () -> ()
      "tpu.region"() ({
        %run_scoped3A = tpu.sem_alloc : memref<!tpu.dma_semaphore, #tpu.memory_space<semaphore_mem>>
        %dma_start3A_74 = tpu.memref_slice %arg3[%add3A_29] : memref<1600000xi32, #tpu.memory_space<hbm>> -> memref<800xi32, #tpu.memory_space<hbm>>
        %dma_start3A_75 = tpu.memref_slice %arg3[%add3A_29] : memref<1600000xi32, #tpu.memory_space<hbm>> -> memref<800xi32, #tpu.memory_space<hbm>>
        tpu.enqueue_dma source(%dma_start3A_75 : memref<800xi32, #tpu.memory_space<hbm>>) target(%arg8 : memref<800xi32, #tpu.memory_space<vmem>>) target_semaphore(%run_scoped3A : memref<!tpu.dma_semaphore, #tpu.memory_space<semaphore_mem>>)
        %dma_wait3A_76 = tpu.memref_slice %arg3[%add3A_29] : memref<1600000xi32, #tpu.memory_space<hbm>> -> memref<800xi32, #tpu.memory_space<hbm>>
        %dma_wait3A_77 = tpu.memref_slice %arg3[%add3A_29] : memref<1600000xi32, #tpu.memory_space<hbm>> -> memref<800xi32, #tpu.memory_space<hbm>>
        tpu.wait_dma2 semaphore(%run_scoped3A : memref<!tpu.dma_semaphore, #tpu.memory_space<semaphore_mem>>) src(%dma_wait3A_77 : memref<800xi32, #tpu.memory_space<hbm>>) dst(%arg8 : memref<800xi32, #tpu.memory_space<vmem>>)
        tpu.yield
      }) : () -> ()
      %dma_start3A_30 = arith.constant 0 : i32
      %dma_start3A_31 = arith.constant 0 : i32
      %dma_start3A_32 = tpu.memref_slice %arg4[%arg0, %dma_start3A_30, %dma_start3A_31] : memref<2x100352x16xf32, #tpu.memory_space<hbm>> -> memref<1x100352x16xf32, #tpu.memory_space<hbm>>
      %dma_start3A_33 = tpu.memref_squeeze %dma_start3A_32 : memref<1x100352x16xf32, #tpu.memory_space<hbm>> -> memref<100352x16xf32, #tpu.memory_space<hbm>>
      %dma_start3A_34 = arith.constant 0 : i32
      %dma_start3A_35 = arith.constant 0 : i32
      %dma_start3A_36 = tpu.memref_slice %dma_start3A_33[%dma_start3A_34, %dma_start3A_35] : memref<100352x16xf32, #tpu.memory_space<hbm>> -> memref<100352x16xf32, #tpu.memory_space<hbm>>
      tpu.enqueue_indirect_dma source(%dma_start3A_36 : memref<100352x16xf32, #tpu.memory_space<hbm>>) target(%arg9 : memref<800x16xf32, #tpu.memory_space<vmem>>) offsets(%arg7 : memref<800xi32, #tpu.memory_space<vmem>>) semaphore(%arg14 : memref<!tpu.dma_semaphore, #tpu.memory_space<semaphore_mem>>)
      %add3A_37 = arith.constant 800 : i32
      %add3A_38 = arith.addi %add3A_29, %add3A_37 : i32
      "tpu.region"() ({
        %run_scoped3A = tpu.sem_alloc : memref<!tpu.dma_semaphore, #tpu.memory_space<semaphore_mem>>
        %dma_start3A_74 = tpu.memref_slice %arg2[%add3A_38] : memref<1600000xi32, #tpu.memory_space<hbm>> -> memref<800xi32, #tpu.memory_space<hbm>>
        %dma_start3A_75 = tpu.memref_slice %arg2[%add3A_38] : memref<1600000xi32, #tpu.memory_space<hbm>> -> memref<800xi32, #tpu.memory_space<hbm>>
        tpu.enqueue_dma source(%dma_start3A_75 : memref<800xi32, #tpu.memory_space<hbm>>) target(%arg10 : memref<800xi32, #tpu.memory_space<vmem>>) target_semaphore(%run_scoped3A : memref<!tpu.dma_semaphore, #tpu.memory_space<semaphore_mem>>)
        %dma_wait3A_76 = tpu.memref_slice %arg2[%add3A_38] : memref<1600000xi32, #tpu.memory_space<hbm>> -> memref<800xi32, #tpu.memory_space<hbm>>
        %dma_wait3A_77 = tpu.memref_slice %arg2[%add3A_38] : memref<1600000xi32, #tpu.memory_space<hbm>> -> memref<800xi32, #tpu.memory_space<hbm>>
        tpu.wait_dma2 semaphore(%run_scoped3A : memref<!tpu.dma_semaphore, #tpu.memory_space<semaphore_mem>>) src(%dma_wait3A_77 : memref<800xi32, #tpu.memory_space<hbm>>) dst(%arg10 : memref<800xi32, #tpu.memory_space<vmem>>)
        tpu.yield
      }) : () -> ()
      %add3A_39 = arith.constant 800 : i32
      %add3A_40 = arith.addi %add3A_29, %add3A_39 : i32
      "tpu.region"() ({
        %run_scoped3A = tpu.sem_alloc : memref<!tpu.dma_semaphore, #tpu.memory_space<semaphore_mem>>
        %dma_start3A_74 = tpu.memref_slice %arg3[%add3A_40] : memref<1600000xi32, #tpu.memory_space<hbm>> -> memref<800xi32, #tpu.memory_space<hbm>>
        %dma_start3A_75 = tpu.memref_slice %arg3[%add3A_40] : memref<1600000xi32, #tpu.memory_space<hbm>> -> memref<800xi32, #tpu.memory_space<hbm>>
        tpu.enqueue_dma source(%dma_start3A_75 : memref<800xi32, #tpu.memory_space<hbm>>) target(%arg11 : memref<800xi32, #tpu.memory_space<vmem>>) target_semaphore(%run_scoped3A : memref<!tpu.dma_semaphore, #tpu.memory_space<semaphore_mem>>)
        %dma_wait3A_76 = tpu.memref_slice %arg3[%add3A_40] : memref<1600000xi32, #tpu.memory_space<hbm>> -> memref<800xi32, #tpu.memory_space<hbm>>
        %dma_wait3A_77 = tpu.memref_slice %arg3[%add3A_40] : memref<1600000xi32, #tpu.memory_space<hbm>> -> memref<800xi32, #tpu.memory_space<hbm>>
        tpu.wait_dma2 semaphore(%run_scoped3A : memref<!tpu.dma_semaphore, #tpu.memory_space<semaphore_mem>>) src(%dma_wait3A_77 : memref<800xi32, #tpu.memory_space<hbm>>) dst(%arg11 : memref<800xi32, #tpu.memory_space<vmem>>)
        tpu.yield
      }) : () -> ()
      %dma_start3A_41 = arith.constant 0 : i32
      %dma_start3A_42 = arith.constant 0 : i32
      %dma_start3A_43 = tpu.memref_slice %arg4[%arg0, %dma_start3A_41, %dma_start3A_42] : memref<2x100352x16xf32, #tpu.memory_space<hbm>> -> memref<1x100352x16xf32, #tpu.memory_space<hbm>>
      %dma_start3A_44 = tpu.memref_squeeze %dma_start3A_43 : memref<1x100352x16xf32, #tpu.memory_space<hbm>> -> memref<100352x16xf32, #tpu.memory_space<hbm>>
      %dma_start3A_45 = arith.constant 0 : i32
      %dma_start3A_46 = arith.constant 0 : i32
      %dma_start3A_47 = tpu.memref_slice %dma_start3A_44[%dma_start3A_45, %dma_start3A_46] : memref<100352x16xf32, #tpu.memory_space<hbm>> -> memref<100352x16xf32, #tpu.memory_space<hbm>>
      tpu.enqueue_indirect_dma source(%dma_start3A_47 : memref<100352x16xf32, #tpu.memory_space<hbm>>) target(%arg12 : memref<800x16xf32, #tpu.memory_space<vmem>>) offsets(%arg10 : memref<800xi32, #tpu.memory_space<vmem>>) semaphore(%arg15 : memref<!tpu.dma_semaphore, #tpu.memory_space<semaphore_mem>>)
      %dma_wait3A_48 = arith.constant 0 : i32
      %dma_wait3A_49 = arith.constant 0 : i32
      %dma_wait3A_50 = tpu.memref_slice %arg4[%arg0, %dma_wait3A_48, %dma_wait3A_49] : memref<2x100352x16xf32, #tpu.memory_space<hbm>> -> memref<1x100352x16xf32, #tpu.memory_space<hbm>>
      %dma_wait3A_51 = tpu.memref_squeeze %dma_wait3A_50 : memref<1x100352x16xf32, #tpu.memory_space<hbm>> -> memref<100352x16xf32, #tpu.memory_space<hbm>>
      %dma_wait3A_52 = arith.constant 0 : i32
      %dma_wait3A_53 = arith.constant 0 : i32
      %dma_wait3A_54 = tpu.memref_slice %dma_wait3A_51[%dma_wait3A_52, %dma_wait3A_53] : memref<100352x16xf32, #tpu.memory_space<hbm>> -> memref<100352x16xf32, #tpu.memory_space<hbm>>
      tpu.wait_indirect_dma semaphore(%arg14 : memref<!tpu.dma_semaphore, #tpu.memory_space<semaphore_mem>>) src(%dma_wait3A_54 : memref<100352x16xf32, #tpu.memory_space<hbm>>) dst(%arg9 : memref<800x16xf32, #tpu.memory_space<vmem>>)
      %dma_start3A_55 = arith.constant 0 : i32
      %dma_start3A_56 = arith.constant 0 : i32
      %dma_start3A_57 = tpu.memref_slice %arg13[%dma_start3A_55, %dma_start3A_56] : memref<100352x16xf32, #tpu.memory_space<vmem_shared>> -> memref<100352x16xf32, #tpu.memory_space<vmem_shared>>
      tpu.enqueue_indirect_dma source(%arg9 : memref<800x16xf32, #tpu.memory_space<vmem>>) target(%dma_start3A_57 : memref<100352x16xf32, #tpu.memory_space<vmem_shared>>) offsets(%arg8 : memref<800xi32, #tpu.memory_space<vmem>>) semaphore(%arg16 : memref<!tpu.dma_semaphore, #tpu.memory_space<semaphore_mem>>) {add = true}
      %dma_wait3A_58 = arith.constant 0 : i32
      %dma_wait3A_59 = arith.constant 0 : i32
      %dma_wait3A_60 = tpu.memref_slice %arg4[%arg0, %dma_wait3A_58, %dma_wait3A_59] : memref<2x100352x16xf32, #tpu.memory_space<hbm>> -> memref<1x100352x16xf32, #tpu.memory_space<hbm>>
      %dma_wait3A_61 = tpu.memref_squeeze %dma_wait3A_60 : memref<1x100352x16xf32, #tpu.memory_space<hbm>> -> memref<100352x16xf32, #tpu.memory_space<hbm>>
      %dma_wait3A_62 = arith.constant 0 : i32
      %dma_wait3A_63 = arith.constant 0 : i32
      %dma_wait3A_64 = tpu.memref_slice %dma_wait3A_61[%dma_wait3A_62, %dma_wait3A_63] : memref<100352x16xf32, #tpu.memory_space<hbm>> -> memref<100352x16xf32, #tpu.memory_space<hbm>>
      tpu.wait_indirect_dma semaphore(%arg15 : memref<!tpu.dma_semaphore, #tpu.memory_space<semaphore_mem>>) src(%dma_wait3A_64 : memref<100352x16xf32, #tpu.memory_space<hbm>>) dst(%arg12 : memref<800x16xf32, #tpu.memory_space<vmem>>)
      %dma_start3A_65 = arith.constant 0 : i32
      %dma_start3A_66 = arith.constant 0 : i32
      %dma_start3A_67 = tpu.memref_slice %arg13[%dma_start3A_65, %dma_start3A_66] : memref<100352x16xf32, #tpu.memory_space<vmem_shared>> -> memref<100352x16xf32, #tpu.memory_space<vmem_shared>>
      tpu.enqueue_indirect_dma source(%arg12 : memref<800x16xf32, #tpu.memory_space<vmem>>) target(%dma_start3A_67 : memref<100352x16xf32, #tpu.memory_space<vmem_shared>>) offsets(%arg11 : memref<800xi32, #tpu.memory_space<vmem>>) semaphore(%arg17 : memref<!tpu.dma_semaphore, #tpu.memory_space<semaphore_mem>>) {add = true}
      %dma_wait3A_68 = arith.constant 0 : i32
      %dma_wait3A_69 = arith.constant 0 : i32
      %dma_wait3A_70 = tpu.memref_slice %arg13[%dma_wait3A_68, %dma_wait3A_69] : memref<100352x16xf32, #tpu.memory_space<vmem_shared>> -> memref<100352x16xf32, #tpu.memory_space<vmem_shared>>
      tpu.wait_indirect_dma semaphore(%arg16 : memref<!tpu.dma_semaphore, #tpu.memory_space<semaphore_mem>>) src(%arg9 : memref<800x16xf32, #tpu.memory_space<vmem>>) dst(%dma_wait3A_70 : memref<100352x16xf32, #tpu.memory_space<vmem_shared>>)
      %dma_wait3A_71 = arith.constant 0 : i32
      %dma_wait3A_72 = arith.constant 0 : i32
      %dma_wait3A_73 = tpu.memref_slice %arg13[%dma_wait3A_71, %dma_wait3A_72] : memref<100352x16xf32, #tpu.memory_space<vmem_shared>> -> memref<100352x16xf32, #tpu.memory_space<vmem_shared>>
      tpu.wait_indirect_dma semaphore(%arg17 : memref<!tpu.dma_semaphore, #tpu.memory_space<semaphore_mem>>) src(%arg12 : memref<800x16xf32, #tpu.memory_space<vmem>>) dst(%dma_wait3A_73 : memref<100352x16xf32, #tpu.memory_space<vmem_shared>>)
    }
    %scan3A_7 = arith.constant 62 : i32
    %add3A = arith.constant 99200 : i32
    %add3A_8 = arith.addi %mul3A_2, %add3A : i32
    "tpu.region"() ({
      %run_scoped3A = tpu.sem_alloc : memref<!tpu.dma_semaphore, #tpu.memory_space<semaphore_mem>>
      %dma_start3A_26 = tpu.memref_slice %arg2[%add3A_8] : memref<1600000xi32, #tpu.memory_space<hbm>> -> memref<800xi32, #tpu.memory_space<hbm>>
      %dma_start3A_27 = tpu.memref_slice %arg2[%add3A_8] : memref<1600000xi32, #tpu.memory_space<hbm>> -> memref<800xi32, #tpu.memory_space<hbm>>
      tpu.enqueue_dma source(%dma_start3A_27 : memref<800xi32, #tpu.memory_space<hbm>>) target(%arg7 : memref<800xi32, #tpu.memory_space<vmem>>) target_semaphore(%run_scoped3A : memref<!tpu.dma_semaphore, #tpu.memory_space<semaphore_mem>>)
      %dma_wait3A_28 = tpu.memref_slice %arg2[%add3A_8] : memref<1600000xi32, #tpu.memory_space<hbm>> -> memref<800xi32, #tpu.memory_space<hbm>>
      %dma_wait3A_29 = tpu.memref_slice %arg2[%add3A_8] : memref<1600000xi32, #tpu.memory_space<hbm>> -> memref<800xi32, #tpu.memory_space<hbm>>
      tpu.wait_dma2 semaphore(%run_scoped3A : memref<!tpu.dma_semaphore, #tpu.memory_space<semaphore_mem>>) src(%dma_wait3A_29 : memref<800xi32, #tpu.memory_space<hbm>>) dst(%arg7 : memref<800xi32, #tpu.memory_space<vmem>>)
      tpu.yield
    }) : () -> ()
    "tpu.region"() ({
      %run_scoped3A = tpu.sem_alloc : memref<!tpu.dma_semaphore, #tpu.memory_space<semaphore_mem>>
      %dma_start3A_26 = tpu.memref_slice %arg3[%add3A_8] : memref<1600000xi32, #tpu.memory_space<hbm>> -> memref<800xi32, #tpu.memory_space<hbm>>
      %dma_start3A_27 = tpu.memref_slice %arg3[%add3A_8] : memref<1600000xi32, #tpu.memory_space<hbm>> -> memref<800xi32, #tpu.memory_space<hbm>>
      tpu.enqueue_dma source(%dma_start3A_27 : memref<800xi32, #tpu.memory_space<hbm>>) target(%arg8 : memref<800xi32, #tpu.memory_space<vmem>>) target_semaphore(%run_scoped3A : memref<!tpu.dma_semaphore, #tpu.memory_space<semaphore_mem>>)
      %dma_wait3A_28 = tpu.memref_slice %arg3[%add3A_8] : memref<1600000xi32, #tpu.memory_space<hbm>> -> memref<800xi32, #tpu.memory_space<hbm>>
      %dma_wait3A_29 = tpu.memref_slice %arg3[%add3A_8] : memref<1600000xi32, #tpu.memory_space<hbm>> -> memref<800xi32, #tpu.memory_space<hbm>>
      tpu.wait_dma2 semaphore(%run_scoped3A : memref<!tpu.dma_semaphore, #tpu.memory_space<semaphore_mem>>) src(%dma_wait3A_29 : memref<800xi32, #tpu.memory_space<hbm>>) dst(%arg8 : memref<800xi32, #tpu.memory_space<vmem>>)
      tpu.yield
    }) : () -> ()
    %dma_start3A = arith.constant 0 : i32
    %dma_start3A_9 = arith.constant 0 : i32
    %dma_start3A_10 = tpu.memref_slice %arg4[%arg0, %dma_start3A, %dma_start3A_9] : memref<2x100352x16xf32, #tpu.memory_space<hbm>> -> memref<1x100352x16xf32, #tpu.memory_space<hbm>>
    %dma_start3A_11 = tpu.memref_squeeze %dma_start3A_10 : memref<1x100352x16xf32, #tpu.memory_space<hbm>> -> memref<100352x16xf32, #tpu.memory_space<hbm>>
    %dma_start3A_12 = arith.constant 0 : i32
    %dma_start3A_13 = arith.constant 0 : i32
    %dma_start3A_14 = tpu.memref_slice %dma_start3A_11[%dma_start3A_12, %dma_start3A_13] : memref<100352x16xf32, #tpu.memory_space<hbm>> -> memref<100352x16xf32, #tpu.memory_space<hbm>>
    tpu.enqueue_indirect_dma source(%dma_start3A_14 : memref<100352x16xf32, #tpu.memory_space<hbm>>) target(%arg9 : memref<800x16xf32, #tpu.memory_space<vmem>>) offsets(%arg7 : memref<800xi32, #tpu.memory_space<vmem>>) semaphore(%arg14 : memref<!tpu.dma_semaphore, #tpu.memory_space<semaphore_mem>>)
    %dma_wait3A = arith.constant 0 : i32
    %dma_wait3A_15 = arith.constant 0 : i32
    %dma_wait3A_16 = tpu.memref_slice %arg4[%arg0, %dma_wait3A, %dma_wait3A_15] : memref<2x100352x16xf32, #tpu.memory_space<hbm>> -> memref<1x100352x16xf32, #tpu.memory_space<hbm>>
    %dma_wait3A_17 = tpu.memref_squeeze %dma_wait3A_16 : memref<1x100352x16xf32, #tpu.memory_space<hbm>> -> memref<100352x16xf32, #tpu.memory_space<hbm>>
    %dma_wait3A_18 = arith.constant 0 : i32
    %dma_wait3A_19 = arith.constant 0 : i32
    %dma_wait3A_20 = tpu.memref_slice %dma_wait3A_17[%dma_wait3A_18, %dma_wait3A_19] : memref<100352x16xf32, #tpu.memory_space<hbm>> -> memref<100352x16xf32, #tpu.memory_space<hbm>>
    tpu.wait_indirect_dma semaphore(%arg14 : memref<!tpu.dma_semaphore, #tpu.memory_space<semaphore_mem>>) src(%dma_wait3A_20 : memref<100352x16xf32, #tpu.memory_space<hbm>>) dst(%arg9 : memref<800x16xf32, #tpu.memory_space<vmem>>)
    "tpu.region"() ({
      %run_scoped3A = tpu.sem_alloc : memref<!tpu.dma_semaphore, #tpu.memory_space<semaphore_mem>>
      %dma_start3A_26 = arith.constant 0 : i32
      %dma_start3A_27 = arith.constant 0 : i32
      %dma_start3A_28 = tpu.memref_slice %arg13[%dma_start3A_26, %dma_start3A_27] : memref<100352x16xf32, #tpu.memory_space<vmem_shared>> -> memref<100352x16xf32, #tpu.memory_space<vmem_shared>>
      tpu.enqueue_indirect_dma source(%arg9 : memref<800x16xf32, #tpu.memory_space<vmem>>) target(%dma_start3A_28 : memref<100352x16xf32, #tpu.memory_space<vmem_shared>>) offsets(%arg8 : memref<800xi32, #tpu.memory_space<vmem>>) semaphore(%run_scoped3A : memref<!tpu.dma_semaphore, #tpu.memory_space<semaphore_mem>>) {add = true}
      %dma_wait3A_29 = arith.constant 0 : i32
      %dma_wait3A_30 = arith.constant 0 : i32
      %dma_wait3A_31 = tpu.memref_slice %arg13[%dma_wait3A_29, %dma_wait3A_30] : memref<100352x16xf32, #tpu.memory_space<vmem_shared>> -> memref<100352x16xf32, #tpu.memory_space<vmem_shared>>
      tpu.wait_indirect_dma semaphore(%run_scoped3A : memref<!tpu.dma_semaphore, #tpu.memory_space<semaphore_mem>>) src(%arg9 : memref<800x16xf32, #tpu.memory_space<vmem>>) dst(%dma_wait3A_31 : memref<100352x16xf32, #tpu.memory_space<vmem_shared>>)
      tpu.yield
    }) : () -> ()
    %barrier3A_21 = arith.constant 0 : index
    tpu.barrier barrier_id(%barrier3A_21)
    %mul3A_22 = arith.constant 3136 : i32
    %mul3A_23 = arith.muli %arg1, %mul3A_22 : i32
    %mul3A_24 = arith.constant 3136 : i32
    %mul3A_25 = arith.muli %arg1, %mul3A_24 : i32
    "tpu.region"() ({
      %run_scoped3A = tpu.sem_alloc : memref<!tpu.dma_semaphore, #tpu.memory_space<semaphore_mem>>
      %dma_start3A_26 = arith.constant 0 : i32
      %dma_start3A_27 = tpu.memref_slice %arg6[%arg0, %mul3A_25, %dma_start3A_26] : memref<2x100352x16xf32, #tpu.memory_space<hbm>> -> memref<1x3136x16xf32, #tpu.memory_space<hbm>>
      %dma_start3A_28 = tpu.memref_squeeze %dma_start3A_27 : memref<1x3136x16xf32, #tpu.memory_space<hbm>> -> memref<3136x16xf32, #tpu.memory_space<hbm>>
      %dma_start3A_29 = arith.constant 0 : i32
      %dma_start3A_30 = tpu.memref_slice %arg13[%mul3A_23, %dma_start3A_29] : memref<100352x16xf32, #tpu.memory_space<vmem_shared>> -> memref<3136x16xf32, #tpu.memory_space<vmem_shared>>
      tpu.enqueue_dma source(%dma_start3A_30 : memref<3136x16xf32, #tpu.memory_space<vmem_shared>>) target(%dma_start3A_28 : memref<3136x16xf32, #tpu.memory_space<hbm>>) target_semaphore(%run_scoped3A : memref<!tpu.dma_semaphore, #tpu.memory_space<semaphore_mem>>)
      %dma_wait3A_31 = arith.constant 0 : i32
      %dma_wait3A_32 = tpu.memref_slice %arg6[%arg0, %mul3A_25, %dma_wait3A_31] : memref<2x100352x16xf32, #tpu.memory_space<hbm>> -> memref<1x3136x16xf32, #tpu.memory_space<hbm>>
      %dma_wait3A_33 = tpu.memref_squeeze %dma_wait3A_32 : memref<1x3136x16xf32, #tpu.memory_space<hbm>> -> memref<3136x16xf32, #tpu.memory_space<hbm>>
      %dma_wait3A_34 = arith.constant 0 : i32
      %dma_wait3A_35 = tpu.memref_slice %arg13[%mul3A_23, %dma_wait3A_34] : memref<100352x16xf32, #tpu.memory_space<vmem_shared>> -> memref<3136x16xf32, #tpu.memory_space<vmem_shared>>
      tpu.wait_dma2 semaphore(%run_scoped3A : memref<!tpu.dma_semaphore, #tpu.memory_space<semaphore_mem>>) src(%dma_wait3A_35 : memref<3136x16xf32, #tpu.memory_space<vmem_shared>>) dst(%dma_wait3A_33 : memref<3136x16xf32, #tpu.memory_space<hbm>>)
      tpu.yield
    }) : () -> ()
    return
  }
}

#map = affine_map<(d0, d1) -> (0)>
#map1 = affine_map<(d0, d1) -> (0, 0, 0)>
#map2 = affine_map<(d0, d1) -> (0, 0)>
module attributes {stable_mosaic.version = 14 : i64} {
  func.func @_sc_agg(%arg0: i32, %arg1: i32, %arg2: memref<1600000xi32, #tpu.memory_space<hbm>>, %arg3: memref<1600000xi32, #tpu.memory_space<hbm>>, %arg4: memref<2x100352x16xf32, #tpu.memory_space<hbm>>, %arg5: memref<3136x16xf32, #tpu.memory_space<hbm>>, %arg6: memref<2x100352x16xf32, #tpu.memory_space<hbm>>, %arg7: memref<800xi32, #tpu.memory_space<vmem>>, %arg8: memref<800xi32, #tpu.memory_space<vmem>>, %arg9: memref<800x16xf32, #tpu.memory_space<vmem>>, %arg10: memref<800xi32, #tpu.memory_space<vmem>>, %arg11: memref<800xi32, #tpu.memory_space<vmem>>, %arg12: memref<800x16xf32, #tpu.memory_space<vmem>>, %arg13: memref<100352x16xf32, #tpu.memory_space<vmem_shared>>, %arg14: memref<!tpu.dma_semaphore, #tpu.memory_space<semaphore_mem>>, %arg15: memref<!tpu.dma_semaphore, #tpu.memory_space<semaphore_mem>>, %arg16: memref<!tpu.dma_semaphore, #tpu.memory_space<semaphore_mem>>, %arg17: memref<!tpu.dma_semaphore, #tpu.memory_space<semaphore_mem>>) attributes {dimension_semantics = [#tpu.dimension_semantics<core_parallel>, #tpu.dimension_semantics<subcore_parallel>], iteration_bounds = array<i64: 2, 16>, scalar_prefetch = 0 : i64, scratch_operands = 11 : i64, tpu.core_type = #tpu.core_type<sc_vector_subcore>, window_params = [{transform_indices = #map}, {transform_indices = #map}, {transform_indices = #map1}, {transform_indices = #map2}, {transform_indices = #map1}]} {
    %mul3A = arith.constant 3136 : i32
    %mul3A_0 = arith.muli %arg1, %mul3A : i32
    "tpu.region"() ({
      %run_scoped3A = tpu.sem_alloc : memref<!tpu.dma_semaphore, #tpu.memory_space<semaphore_mem>>
      %dma_start3A_26 = arith.constant 0 : i32
      %dma_start3A_27 = tpu.memref_slice %arg13[%mul3A_0, %dma_start3A_26] : memref<100352x16xf32, #tpu.memory_space<vmem_shared>> -> memref<3136x16xf32, #tpu.memory_space<vmem_shared>>
      tpu.enqueue_dma source(%arg5 : memref<3136x16xf32, #tpu.memory_space<hbm>>) target(%dma_start3A_27 : memref<3136x16xf32, #tpu.memory_space<vmem_shared>>) target_semaphore(%run_scoped3A : memref<!tpu.dma_semaphore, #tpu.memory_space<semaphore_mem>>)
      %dma_wait3A_28 = arith.constant 0 : i32
      %dma_wait3A_29 = tpu.memref_slice %arg13[%mul3A_0, %dma_wait3A_28] : memref<100352x16xf32, #tpu.memory_space<vmem_shared>> -> memref<3136x16xf32, #tpu.memory_space<vmem_shared>>
      tpu.wait_dma2 semaphore(%run_scoped3A : memref<!tpu.dma_semaphore, #tpu.memory_space<semaphore_mem>>) src(%arg5 : memref<3136x16xf32, #tpu.memory_space<hbm>>) dst(%dma_wait3A_29 : memref<3136x16xf32, #tpu.memory_space<vmem_shared>>)
      tpu.yield
    }) : () -> ()
    %barrier3A = arith.constant 0 : index
    tpu.barrier barrier_id(%barrier3A)
    %mul3A_1 = arith.constant 100000 : i32
    %mul3A_2 = arith.muli %arg1, %mul3A_1 : i32
    %scan3A = arith.constant 0 : i32
    %scan3A_3 = arith.constant 0 : i32
    %scan3A_4 = arith.constant 62 : i32
    %scan3A_5 = arith.addi %scan3A_3, %scan3A_4 : i32
    %scan3A_6 = arith.constant 1 : i32
    scf.for %scan3A_26 = %scan3A_3 to %scan3A_5 step %scan3A_6  : i32 {
      %mul3A_27 = arith.constant 1600 : i32
      %mul3A_28 = arith.muli %scan3A_26, %mul3A_27 : i32
      %add3A_29 = arith.addi %mul3A_2, %mul3A_28 : i32
      "tpu.region"() ({
        %run_scoped3A = tpu.sem_alloc : memref<!tpu.dma_semaphore, #tpu.memory_space<semaphore_mem>>
        %dma_start3A_74 = tpu.memref_slice %arg2[%add3A_29] : memref<1600000xi32, #tpu.memory_space<hbm>> -> memref<800xi32, #tpu.memory_space<hbm>>
        %dma_start3A_75 = tpu.memref_slice %arg2[%add3A_29] : memref<1600000xi32, #tpu.memory_space<hbm>> -> memref<800xi32, #tpu.memory_space<hbm>>
        tpu.enqueue_dma source(%dma_start3A_75 : memref<800xi32, #tpu.memory_space<hbm>>) target(%arg7 : memref<800xi32, #tpu.memory_space<vmem>>) target_semaphore(%run_scoped3A : memref<!tpu.dma_semaphore, #tpu.memory_space<semaphore_mem>>)
        %dma_wait3A_76 = tpu.memref_slice %arg2[%add3A_29] : memref<1600000xi32, #tpu.memory_space<hbm>> -> memref<800xi32, #tpu.memory_space<hbm>>
        %dma_wait3A_77 = tpu.memref_slice %arg2[%add3A_29] : memref<1600000xi32, #tpu.memory_space<hbm>> -> memref<800xi32, #tpu.memory_space<hbm>>
        tpu.wait_dma2 semaphore(%run_scoped3A : memref<!tpu.dma_semaphore, #tpu.memory_space<semaphore_mem>>) src(%dma_wait3A_77 : memref<800xi32, #tpu.memory_space<hbm>>) dst(%arg7 : memref<800xi32, #tpu.memory_space<vmem>>)
        tpu.yield
      }) : () -> ()
      "tpu.region"() ({
        %run_scoped3A = tpu.sem_alloc : memref<!tpu.dma_semaphore, #tpu.memory_space<semaphore_mem>>
        %dma_start3A_74 = tpu.memref_slice %arg3[%add3A_29] : memref<1600000xi32, #tpu.memory_space<hbm>> -> memref<800xi32, #tpu.memory_space<hbm>>
        %dma_start3A_75 = tpu.memref_slice %arg3[%add3A_29] : memref<1600000xi32, #tpu.memory_space<hbm>> -> memref<800xi32, #tpu.memory_space<hbm>>
        tpu.enqueue_dma source(%dma_start3A_75 : memref<800xi32, #tpu.memory_space<hbm>>) target(%arg8 : memref<800xi32, #tpu.memory_space<vmem>>) target_semaphore(%run_scoped3A : memref<!tpu.dma_semaphore, #tpu.memory_space<semaphore_mem>>)
        %dma_wait3A_76 = tpu.memref_slice %arg3[%add3A_29] : memref<1600000xi32, #tpu.memory_space<hbm>> -> memref<800xi32, #tpu.memory_space<hbm>>
        %dma_wait3A_77 = tpu.memref_slice %arg3[%add3A_29] : memref<1600000xi32, #tpu.memory_space<hbm>> -> memref<800xi32, #tpu.memory_space<hbm>>
        tpu.wait_dma2 semaphore(%run_scoped3A : memref<!tpu.dma_semaphore, #tpu.memory_space<semaphore_mem>>) src(%dma_wait3A_77 : memref<800xi32, #tpu.memory_space<hbm>>) dst(%arg8 : memref<800xi32, #tpu.memory_space<vmem>>)
        tpu.yield
      }) : () -> ()
      %dma_start3A_30 = arith.constant 0 : i32
      %dma_start3A_31 = arith.constant 0 : i32
      %dma_start3A_32 = tpu.memref_slice %arg4[%arg0, %dma_start3A_30, %dma_start3A_31] : memref<2x100352x16xf32, #tpu.memory_space<hbm>> -> memref<1x100352x16xf32, #tpu.memory_space<hbm>>
      %dma_start3A_33 = tpu.memref_squeeze %dma_start3A_32 : memref<1x100352x16xf32, #tpu.memory_space<hbm>> -> memref<100352x16xf32, #tpu.memory_space<hbm>>
      %dma_start3A_34 = arith.constant 0 : i32
      %dma_start3A_35 = arith.constant 0 : i32
      %dma_start3A_36 = tpu.memref_slice %dma_start3A_33[%dma_start3A_34, %dma_start3A_35] : memref<100352x16xf32, #tpu.memory_space<hbm>> -> memref<100352x16xf32, #tpu.memory_space<hbm>>
      tpu.enqueue_indirect_dma source(%dma_start3A_36 : memref<100352x16xf32, #tpu.memory_space<hbm>>) target(%arg9 : memref<800x16xf32, #tpu.memory_space<vmem>>) offsets(%arg7 : memref<800xi32, #tpu.memory_space<vmem>>) semaphore(%arg14 : memref<!tpu.dma_semaphore, #tpu.memory_space<semaphore_mem>>)
      %add3A_37 = arith.constant 800 : i32
      %add3A_38 = arith.addi %add3A_29, %add3A_37 : i32
      "tpu.region"() ({
        %run_scoped3A = tpu.sem_alloc : memref<!tpu.dma_semaphore, #tpu.memory_space<semaphore_mem>>
        %dma_start3A_74 = tpu.memref_slice %arg2[%add3A_38] : memref<1600000xi32, #tpu.memory_space<hbm>> -> memref<800xi32, #tpu.memory_space<hbm>>
        %dma_start3A_75 = tpu.memref_slice %arg2[%add3A_38] : memref<1600000xi32, #tpu.memory_space<hbm>> -> memref<800xi32, #tpu.memory_space<hbm>>
        tpu.enqueue_dma source(%dma_start3A_75 : memref<800xi32, #tpu.memory_space<hbm>>) target(%arg10 : memref<800xi32, #tpu.memory_space<vmem>>) target_semaphore(%run_scoped3A : memref<!tpu.dma_semaphore, #tpu.memory_space<semaphore_mem>>)
        %dma_wait3A_76 = tpu.memref_slice %arg2[%add3A_38] : memref<1600000xi32, #tpu.memory_space<hbm>> -> memref<800xi32, #tpu.memory_space<hbm>>
        %dma_wait3A_77 = tpu.memref_slice %arg2[%add3A_38] : memref<1600000xi32, #tpu.memory_space<hbm>> -> memref<800xi32, #tpu.memory_space<hbm>>
        tpu.wait_dma2 semaphore(%run_scoped3A : memref<!tpu.dma_semaphore, #tpu.memory_space<semaphore_mem>>) src(%dma_wait3A_77 : memref<800xi32, #tpu.memory_space<hbm>>) dst(%arg10 : memref<800xi32, #tpu.memory_space<vmem>>)
        tpu.yield
      }) : () -> ()
      %add3A_39 = arith.constant 800 : i32
      %add3A_40 = arith.addi %add3A_29, %add3A_39 : i32
      "tpu.region"() ({
        %run_scoped3A = tpu.sem_alloc : memref<!tpu.dma_semaphore, #tpu.memory_space<semaphore_mem>>
        %dma_start3A_74 = tpu.memref_slice %arg3[%add3A_40] : memref<1600000xi32, #tpu.memory_space<hbm>> -> memref<800xi32, #tpu.memory_space<hbm>>
        %dma_start3A_75 = tpu.memref_slice %arg3[%add3A_40] : memref<1600000xi32, #tpu.memory_space<hbm>> -> memref<800xi32, #tpu.memory_space<hbm>>
        tpu.enqueue_dma source(%dma_start3A_75 : memref<800xi32, #tpu.memory_space<hbm>>) target(%arg11 : memref<800xi32, #tpu.memory_space<vmem>>) target_semaphore(%run_scoped3A : memref<!tpu.dma_semaphore, #tpu.memory_space<semaphore_mem>>)
        %dma_wait3A_76 = tpu.memref_slice %arg3[%add3A_40] : memref<1600000xi32, #tpu.memory_space<hbm>> -> memref<800xi32, #tpu.memory_space<hbm>>
        %dma_wait3A_77 = tpu.memref_slice %arg3[%add3A_40] : memref<1600000xi32, #tpu.memory_space<hbm>> -> memref<800xi32, #tpu.memory_space<hbm>>
        tpu.wait_dma2 semaphore(%run_scoped3A : memref<!tpu.dma_semaphore, #tpu.memory_space<semaphore_mem>>) src(%dma_wait3A_77 : memref<800xi32, #tpu.memory_space<hbm>>) dst(%arg11 : memref<800xi32, #tpu.memory_space<vmem>>)
        tpu.yield
      }) : () -> ()
      %dma_start3A_41 = arith.constant 0 : i32
      %dma_start3A_42 = arith.constant 0 : i32
      %dma_start3A_43 = tpu.memref_slice %arg4[%arg0, %dma_start3A_41, %dma_start3A_42] : memref<2x100352x16xf32, #tpu.memory_space<hbm>> -> memref<1x100352x16xf32, #tpu.memory_space<hbm>>
      %dma_start3A_44 = tpu.memref_squeeze %dma_start3A_43 : memref<1x100352x16xf32, #tpu.memory_space<hbm>> -> memref<100352x16xf32, #tpu.memory_space<hbm>>
      %dma_start3A_45 = arith.constant 0 : i32
      %dma_start3A_46 = arith.constant 0 : i32
      %dma_start3A_47 = tpu.memref_slice %dma_start3A_44[%dma_start3A_45, %dma_start3A_46] : memref<100352x16xf32, #tpu.memory_space<hbm>> -> memref<100352x16xf32, #tpu.memory_space<hbm>>
      tpu.enqueue_indirect_dma source(%dma_start3A_47 : memref<100352x16xf32, #tpu.memory_space<hbm>>) target(%arg12 : memref<800x16xf32, #tpu.memory_space<vmem>>) offsets(%arg10 : memref<800xi32, #tpu.memory_space<vmem>>) semaphore(%arg15 : memref<!tpu.dma_semaphore, #tpu.memory_space<semaphore_mem>>)
      %dma_wait3A_48 = arith.constant 0 : i32
      %dma_wait3A_49 = arith.constant 0 : i32
      %dma_wait3A_50 = tpu.memref_slice %arg4[%arg0, %dma_wait3A_48, %dma_wait3A_49] : memref<2x100352x16xf32, #tpu.memory_space<hbm>> -> memref<1x100352x16xf32, #tpu.memory_space<hbm>>
      %dma_wait3A_51 = tpu.memref_squeeze %dma_wait3A_50 : memref<1x100352x16xf32, #tpu.memory_space<hbm>> -> memref<100352x16xf32, #tpu.memory_space<hbm>>
      %dma_wait3A_52 = arith.constant 0 : i32
      %dma_wait3A_53 = arith.constant 0 : i32
      %dma_wait3A_54 = tpu.memref_slice %dma_wait3A_51[%dma_wait3A_52, %dma_wait3A_53] : memref<100352x16xf32, #tpu.memory_space<hbm>> -> memref<100352x16xf32, #tpu.memory_space<hbm>>
      tpu.wait_indirect_dma semaphore(%arg14 : memref<!tpu.dma_semaphore, #tpu.memory_space<semaphore_mem>>) src(%dma_wait3A_54 : memref<100352x16xf32, #tpu.memory_space<hbm>>) dst(%arg9 : memref<800x16xf32, #tpu.memory_space<vmem>>)
      %dma_start3A_55 = arith.constant 0 : i32
      %dma_start3A_56 = arith.constant 0 : i32
      %dma_start3A_57 = tpu.memref_slice %arg13[%dma_start3A_55, %dma_start3A_56] : memref<100352x16xf32, #tpu.memory_space<vmem_shared>> -> memref<100352x16xf32, #tpu.memory_space<vmem_shared>>
      tpu.enqueue_indirect_dma source(%arg9 : memref<800x16xf32, #tpu.memory_space<vmem>>) target(%dma_start3A_57 : memref<100352x16xf32, #tpu.memory_space<vmem_shared>>) offsets(%arg8 : memref<800xi32, #tpu.memory_space<vmem>>) semaphore(%arg16 : memref<!tpu.dma_semaphore, #tpu.memory_space<semaphore_mem>>) {add = true}
      %dma_wait3A_58 = arith.constant 0 : i32
      %dma_wait3A_59 = arith.constant 0 : i32
      %dma_wait3A_60 = tpu.memref_slice %arg4[%arg0, %dma_wait3A_58, %dma_wait3A_59] : memref<2x100352x16xf32, #tpu.memory_space<hbm>> -> memref<1x100352x16xf32, #tpu.memory_space<hbm>>
      %dma_wait3A_61 = tpu.memref_squeeze %dma_wait3A_60 : memref<1x100352x16xf32, #tpu.memory_space<hbm>> -> memref<100352x16xf32, #tpu.memory_space<hbm>>
      %dma_wait3A_62 = arith.constant 0 : i32
      %dma_wait3A_63 = arith.constant 0 : i32
      %dma_wait3A_64 = tpu.memref_slice %dma_wait3A_61[%dma_wait3A_62, %dma_wait3A_63] : memref<100352x16xf32, #tpu.memory_space<hbm>> -> memref<100352x16xf32, #tpu.memory_space<hbm>>
      tpu.wait_indirect_dma semaphore(%arg15 : memref<!tpu.dma_semaphore, #tpu.memory_space<semaphore_mem>>) src(%dma_wait3A_64 : memref<100352x16xf32, #tpu.memory_space<hbm>>) dst(%arg12 : memref<800x16xf32, #tpu.memory_space<vmem>>)
      %dma_start3A_65 = arith.constant 0 : i32
      %dma_start3A_66 = arith.constant 0 : i32
      %dma_start3A_67 = tpu.memref_slice %arg13[%dma_start3A_65, %dma_start3A_66] : memref<100352x16xf32, #tpu.memory_space<vmem_shared>> -> memref<100352x16xf32, #tpu.memory_space<vmem_shared>>
      tpu.enqueue_indirect_dma source(%arg12 : memref<800x16xf32, #tpu.memory_space<vmem>>) target(%dma_start3A_67 : memref<100352x16xf32, #tpu.memory_space<vmem_shared>>) offsets(%arg11 : memref<800xi32, #tpu.memory_space<vmem>>) semaphore(%arg17 : memref<!tpu.dma_semaphore, #tpu.memory_space<semaphore_mem>>) {add = true}
      %dma_wait3A_68 = arith.constant 0 : i32
      %dma_wait3A_69 = arith.constant 0 : i32
      %dma_wait3A_70 = tpu.memref_slice %arg13[%dma_wait3A_68, %dma_wait3A_69] : memref<100352x16xf32, #tpu.memory_space<vmem_shared>> -> memref<100352x16xf32, #tpu.memory_space<vmem_shared>>
      tpu.wait_indirect_dma semaphore(%arg16 : memref<!tpu.dma_semaphore, #tpu.memory_space<semaphore_mem>>) src(%arg9 : memref<800x16xf32, #tpu.memory_space<vmem>>) dst(%dma_wait3A_70 : memref<100352x16xf32, #tpu.memory_space<vmem_shared>>)
      %dma_wait3A_71 = arith.constant 0 : i32
      %dma_wait3A_72 = arith.constant 0 : i32
      %dma_wait3A_73 = tpu.memref_slice %arg13[%dma_wait3A_71, %dma_wait3A_72] : memref<100352x16xf32, #tpu.memory_space<vmem_shared>> -> memref<100352x16xf32, #tpu.memory_space<vmem_shared>>
      tpu.wait_indirect_dma semaphore(%arg17 : memref<!tpu.dma_semaphore, #tpu.memory_space<semaphore_mem>>) src(%arg12 : memref<800x16xf32, #tpu.memory_space<vmem>>) dst(%dma_wait3A_73 : memref<100352x16xf32, #tpu.memory_space<vmem_shared>>)
    }
    %scan3A_7 = arith.constant 62 : i32
    %add3A = arith.constant 99200 : i32
    %add3A_8 = arith.addi %mul3A_2, %add3A : i32
    "tpu.region"() ({
      %run_scoped3A = tpu.sem_alloc : memref<!tpu.dma_semaphore, #tpu.memory_space<semaphore_mem>>
      %dma_start3A_26 = tpu.memref_slice %arg2[%add3A_8] : memref<1600000xi32, #tpu.memory_space<hbm>> -> memref<800xi32, #tpu.memory_space<hbm>>
      %dma_start3A_27 = tpu.memref_slice %arg2[%add3A_8] : memref<1600000xi32, #tpu.memory_space<hbm>> -> memref<800xi32, #tpu.memory_space<hbm>>
      tpu.enqueue_dma source(%dma_start3A_27 : memref<800xi32, #tpu.memory_space<hbm>>) target(%arg7 : memref<800xi32, #tpu.memory_space<vmem>>) target_semaphore(%run_scoped3A : memref<!tpu.dma_semaphore, #tpu.memory_space<semaphore_mem>>)
      %dma_wait3A_28 = tpu.memref_slice %arg2[%add3A_8] : memref<1600000xi32, #tpu.memory_space<hbm>> -> memref<800xi32, #tpu.memory_space<hbm>>
      %dma_wait3A_29 = tpu.memref_slice %arg2[%add3A_8] : memref<1600000xi32, #tpu.memory_space<hbm>> -> memref<800xi32, #tpu.memory_space<hbm>>
      tpu.wait_dma2 semaphore(%run_scoped3A : memref<!tpu.dma_semaphore, #tpu.memory_space<semaphore_mem>>) src(%dma_wait3A_29 : memref<800xi32, #tpu.memory_space<hbm>>) dst(%arg7 : memref<800xi32, #tpu.memory_space<vmem>>)
      tpu.yield
    }) : () -> ()
    "tpu.region"() ({
      %run_scoped3A = tpu.sem_alloc : memref<!tpu.dma_semaphore, #tpu.memory_space<semaphore_mem>>
      %dma_start3A_26 = tpu.memref_slice %arg3[%add3A_8] : memref<1600000xi32, #tpu.memory_space<hbm>> -> memref<800xi32, #tpu.memory_space<hbm>>
      %dma_start3A_27 = tpu.memref_slice %arg3[%add3A_8] : memref<1600000xi32, #tpu.memory_space<hbm>> -> memref<800xi32, #tpu.memory_space<hbm>>
      tpu.enqueue_dma source(%dma_start3A_27 : memref<800xi32, #tpu.memory_space<hbm>>) target(%arg8 : memref<800xi32, #tpu.memory_space<vmem>>) target_semaphore(%run_scoped3A : memref<!tpu.dma_semaphore, #tpu.memory_space<semaphore_mem>>)
      %dma_wait3A_28 = tpu.memref_slice %arg3[%add3A_8] : memref<1600000xi32, #tpu.memory_space<hbm>> -> memref<800xi32, #tpu.memory_space<hbm>>
      %dma_wait3A_29 = tpu.memref_slice %arg3[%add3A_8] : memref<1600000xi32, #tpu.memory_space<hbm>> -> memref<800xi32, #tpu.memory_space<hbm>>
      tpu.wait_dma2 semaphore(%run_scoped3A : memref<!tpu.dma_semaphore, #tpu.memory_space<semaphore_mem>>) src(%dma_wait3A_29 : memref<800xi32, #tpu.memory_space<hbm>>) dst(%arg8 : memref<800xi32, #tpu.memory_space<vmem>>)
      tpu.yield
    }) : () -> ()
    %dma_start3A = arith.constant 0 : i32
    %dma_start3A_9 = arith.constant 0 : i32
    %dma_start3A_10 = tpu.memref_slice %arg4[%arg0, %dma_start3A, %dma_start3A_9] : memref<2x100352x16xf32, #tpu.memory_space<hbm>> -> memref<1x100352x16xf32, #tpu.memory_space<hbm>>
    %dma_start3A_11 = tpu.memref_squeeze %dma_start3A_10 : memref<1x100352x16xf32, #tpu.memory_space<hbm>> -> memref<100352x16xf32, #tpu.memory_space<hbm>>
    %dma_start3A_12 = arith.constant 0 : i32
    %dma_start3A_13 = arith.constant 0 : i32
    %dma_start3A_14 = tpu.memref_slice %dma_start3A_11[%dma_start3A_12, %dma_start3A_13] : memref<100352x16xf32, #tpu.memory_space<hbm>> -> memref<100352x16xf32, #tpu.memory_space<hbm>>
    tpu.enqueue_indirect_dma source(%dma_start3A_14 : memref<100352x16xf32, #tpu.memory_space<hbm>>) target(%arg9 : memref<800x16xf32, #tpu.memory_space<vmem>>) offsets(%arg7 : memref<800xi32, #tpu.memory_space<vmem>>) semaphore(%arg14 : memref<!tpu.dma_semaphore, #tpu.memory_space<semaphore_mem>>)
    %dma_wait3A = arith.constant 0 : i32
    %dma_wait3A_15 = arith.constant 0 : i32
    %dma_wait3A_16 = tpu.memref_slice %arg4[%arg0, %dma_wait3A, %dma_wait3A_15] : memref<2x100352x16xf32, #tpu.memory_space<hbm>> -> memref<1x100352x16xf32, #tpu.memory_space<hbm>>
    %dma_wait3A_17 = tpu.memref_squeeze %dma_wait3A_16 : memref<1x100352x16xf32, #tpu.memory_space<hbm>> -> memref<100352x16xf32, #tpu.memory_space<hbm>>
    %dma_wait3A_18 = arith.constant 0 : i32
    %dma_wait3A_19 = arith.constant 0 : i32
    %dma_wait3A_20 = tpu.memref_slice %dma_wait3A_17[%dma_wait3A_18, %dma_wait3A_19] : memref<100352x16xf32, #tpu.memory_space<hbm>> -> memref<100352x16xf32, #tpu.memory_space<hbm>>
    tpu.wait_indirect_dma semaphore(%arg14 : memref<!tpu.dma_semaphore, #tpu.memory_space<semaphore_mem>>) src(%dma_wait3A_20 : memref<100352x16xf32, #tpu.memory_space<hbm>>) dst(%arg9 : memref<800x16xf32, #tpu.memory_space<vmem>>)
    "tpu.region"() ({
      %run_scoped3A = tpu.sem_alloc : memref<!tpu.dma_semaphore, #tpu.memory_space<semaphore_mem>>
      %dma_start3A_26 = arith.constant 0 : i32
      %dma_start3A_27 = arith.constant 0 : i32
      %dma_start3A_28 = tpu.memref_slice %arg13[%dma_start3A_26, %dma_start3A_27] : memref<100352x16xf32, #tpu.memory_space<vmem_shared>> -> memref<100352x16xf32, #tpu.memory_space<vmem_shared>>
      tpu.enqueue_indirect_dma source(%arg9 : memref<800x16xf32, #tpu.memory_space<vmem>>) target(%dma_start3A_28 : memref<100352x16xf32, #tpu.memory_space<vmem_shared>>) offsets(%arg8 : memref<800xi32, #tpu.memory_space<vmem>>) semaphore(%run_scoped3A : memref<!tpu.dma_semaphore, #tpu.memory_space<semaphore_mem>>) {add = true}
      %dma_wait3A_29 = arith.constant 0 : i32
      %dma_wait3A_30 = arith.constant 0 : i32
      %dma_wait3A_31 = tpu.memref_slice %arg13[%dma_wait3A_29, %dma_wait3A_30] : memref<100352x16xf32, #tpu.memory_space<vmem_shared>> -> memref<100352x16xf32, #tpu.memory_space<vmem_shared>>
      tpu.wait_indirect_dma semaphore(%run_scoped3A : memref<!tpu.dma_semaphore, #tpu.memory_space<semaphore_mem>>) src(%arg9 : memref<800x16xf32, #tpu.memory_space<vmem>>) dst(%dma_wait3A_31 : memref<100352x16xf32, #tpu.memory_space<vmem_shared>>)
      tpu.yield
    }) : () -> ()
    %barrier3A_21 = arith.constant 0 : index
    tpu.barrier barrier_id(%barrier3A_21)
    %mul3A_22 = arith.constant 3136 : i32
    %mul3A_23 = arith.muli %arg1, %mul3A_22 : i32
    %mul3A_24 = arith.constant 3136 : i32
    %mul3A_25 = arith.muli %arg1, %mul3A_24 : i32
    "tpu.region"() ({
      %run_scoped3A = tpu.sem_alloc : memref<!tpu.dma_semaphore, #tpu.memory_space<semaphore_mem>>
      %dma_start3A_26 = arith.constant 0 : i32
      %dma_start3A_27 = tpu.memref_slice %arg6[%arg0, %mul3A_25, %dma_start3A_26] : memref<2x100352x16xf32, #tpu.memory_space<hbm>> -> memref<1x3136x16xf32, #tpu.memory_space<hbm>>
      %dma_start3A_28 = tpu.memref_squeeze %dma_start3A_27 : memref<1x3136x16xf32, #tpu.memory_space<hbm>> -> memref<3136x16xf32, #tpu.memory_space<hbm>>
      %dma_start3A_29 = arith.constant 0 : i32
      %dma_start3A_30 = tpu.memref_slice %arg13[%mul3A_23, %dma_start3A_29] : memref<100352x16xf32, #tpu.memory_space<vmem_shared>> -> memref<3136x16xf32, #tpu.memory_space<vmem_shared>>
      tpu.enqueue_dma source(%dma_start3A_30 : memref<3136x16xf32, #tpu.memory_space<vmem_shared>>) target(%dma_start3A_28 : memref<3136x16xf32, #tpu.memory_space<hbm>>) target_semaphore(%run_scoped3A : memref<!tpu.dma_semaphore, #tpu.memory_space<semaphore_mem>>)
      %dma_wait3A_31 = arith.constant 0 : i32
      %dma_wait3A_32 = tpu.memref_slice %arg6[%arg0, %mul3A_25, %dma_wait3A_31] : memref<2x100352x16xf32, #tpu.memory_space<hbm>> -> memref<1x3136x16xf32, #tpu.memory_space<hbm>>
      %dma_wait3A_33 = tpu.memref_squeeze %dma_wait3A_32 : memref<1x3136x16xf32, #tpu.memory_space<hbm>> -> memref<3136x16xf32, #tpu.memory_space<hbm>>
      %dma_wait3A_34 = arith.constant 0 : i32
      %dma_wait3A_35 = tpu.memref_slice %arg13[%mul3A_23, %dma_wait3A_34] : memref<100352x16xf32, #tpu.memory_space<vmem_shared>> -> memref<3136x16xf32, #tpu.memory_space<vmem_shared>>
      tpu.wait_dma2 semaphore(%run_scoped3A : memref<!tpu.dma_semaphore, #tpu.memory_space<semaphore_mem>>) src(%dma_wait3A_35 : memref<3136x16xf32, #tpu.memory_space<vmem_shared>>) dst(%dma_wait3A_33 : memref<3136x16xf32, #tpu.memory_space<hbm>>)
      tpu.yield
    }) : () -> ()
    return
  }
}

#map = affine_map<(d0, d1) -> (0)>
#map1 = affine_map<(d0, d1) -> (0, 0, 0)>
#map2 = affine_map<(d0, d1) -> (0, 0)>
module attributes {stable_mosaic.version = 14 : i64} {
  func.func @_sc_agg(%arg0: i32, %arg1: i32, %arg2: memref<1600000xi32, #tpu.memory_space<hbm>>, %arg3: memref<1600000xi32, #tpu.memory_space<hbm>>, %arg4: memref<2x100352x16xf32, #tpu.memory_space<hbm>>, %arg5: memref<3136x16xf32, #tpu.memory_space<hbm>>, %arg6: memref<2x100352x16xf32, #tpu.memory_space<hbm>>, %arg7: memref<800xi32, #tpu.memory_space<vmem>>, %arg8: memref<800xi32, #tpu.memory_space<vmem>>, %arg9: memref<800x16xf32, #tpu.memory_space<vmem>>, %arg10: memref<800xi32, #tpu.memory_space<vmem>>, %arg11: memref<800xi32, #tpu.memory_space<vmem>>, %arg12: memref<800x16xf32, #tpu.memory_space<vmem>>, %arg13: memref<100352x16xf32, #tpu.memory_space<vmem_shared>>, %arg14: memref<!tpu.dma_semaphore, #tpu.memory_space<semaphore_mem>>, %arg15: memref<!tpu.dma_semaphore, #tpu.memory_space<semaphore_mem>>, %arg16: memref<!tpu.dma_semaphore, #tpu.memory_space<semaphore_mem>>, %arg17: memref<!tpu.dma_semaphore, #tpu.memory_space<semaphore_mem>>) attributes {dimension_semantics = [#tpu.dimension_semantics<core_parallel>, #tpu.dimension_semantics<subcore_parallel>], iteration_bounds = array<i64: 2, 16>, scalar_prefetch = 0 : i64, scratch_operands = 11 : i64, tpu.core_type = #tpu.core_type<sc_vector_subcore>, window_params = [{transform_indices = #map}, {transform_indices = #map}, {transform_indices = #map1}, {transform_indices = #map2}, {transform_indices = #map1}]} {
    %mul3A = arith.constant 3136 : i32
    %mul3A_0 = arith.muli %arg1, %mul3A : i32
    "tpu.region"() ({
      %run_scoped3A = tpu.sem_alloc : memref<!tpu.dma_semaphore, #tpu.memory_space<semaphore_mem>>
      %dma_start3A_26 = arith.constant 0 : i32
      %dma_start3A_27 = tpu.memref_slice %arg13[%mul3A_0, %dma_start3A_26] : memref<100352x16xf32, #tpu.memory_space<vmem_shared>> -> memref<3136x16xf32, #tpu.memory_space<vmem_shared>>
      tpu.enqueue_dma source(%arg5 : memref<3136x16xf32, #tpu.memory_space<hbm>>) target(%dma_start3A_27 : memref<3136x16xf32, #tpu.memory_space<vmem_shared>>) target_semaphore(%run_scoped3A : memref<!tpu.dma_semaphore, #tpu.memory_space<semaphore_mem>>)
      %dma_wait3A_28 = arith.constant 0 : i32
      %dma_wait3A_29 = tpu.memref_slice %arg13[%mul3A_0, %dma_wait3A_28] : memref<100352x16xf32, #tpu.memory_space<vmem_shared>> -> memref<3136x16xf32, #tpu.memory_space<vmem_shared>>
      tpu.wait_dma2 semaphore(%run_scoped3A : memref<!tpu.dma_semaphore, #tpu.memory_space<semaphore_mem>>) src(%arg5 : memref<3136x16xf32, #tpu.memory_space<hbm>>) dst(%dma_wait3A_29 : memref<3136x16xf32, #tpu.memory_space<vmem_shared>>)
      tpu.yield
    }) : () -> ()
    %barrier3A = arith.constant 0 : index
    tpu.barrier barrier_id(%barrier3A)
    %mul3A_1 = arith.constant 100000 : i32
    %mul3A_2 = arith.muli %arg1, %mul3A_1 : i32
    %scan3A = arith.constant 0 : i32
    %scan3A_3 = arith.constant 0 : i32
    %scan3A_4 = arith.constant 62 : i32
    %scan3A_5 = arith.addi %scan3A_3, %scan3A_4 : i32
    %scan3A_6 = arith.constant 1 : i32
    scf.for %scan3A_26 = %scan3A_3 to %scan3A_5 step %scan3A_6  : i32 {
      %mul3A_27 = arith.constant 1600 : i32
      %mul3A_28 = arith.muli %scan3A_26, %mul3A_27 : i32
      %add3A_29 = arith.addi %mul3A_2, %mul3A_28 : i32
      "tpu.region"() ({
        %run_scoped3A = tpu.sem_alloc : memref<!tpu.dma_semaphore, #tpu.memory_space<semaphore_mem>>
        %dma_start3A_74 = tpu.memref_slice %arg2[%add3A_29] : memref<1600000xi32, #tpu.memory_space<hbm>> -> memref<800xi32, #tpu.memory_space<hbm>>
        %dma_start3A_75 = tpu.memref_slice %arg2[%add3A_29] : memref<1600000xi32, #tpu.memory_space<hbm>> -> memref<800xi32, #tpu.memory_space<hbm>>
        tpu.enqueue_dma source(%dma_start3A_75 : memref<800xi32, #tpu.memory_space<hbm>>) target(%arg7 : memref<800xi32, #tpu.memory_space<vmem>>) target_semaphore(%run_scoped3A : memref<!tpu.dma_semaphore, #tpu.memory_space<semaphore_mem>>)
        %dma_wait3A_76 = tpu.memref_slice %arg2[%add3A_29] : memref<1600000xi32, #tpu.memory_space<hbm>> -> memref<800xi32, #tpu.memory_space<hbm>>
        %dma_wait3A_77 = tpu.memref_slice %arg2[%add3A_29] : memref<1600000xi32, #tpu.memory_space<hbm>> -> memref<800xi32, #tpu.memory_space<hbm>>
        tpu.wait_dma2 semaphore(%run_scoped3A : memref<!tpu.dma_semaphore, #tpu.memory_space<semaphore_mem>>) src(%dma_wait3A_77 : memref<800xi32, #tpu.memory_space<hbm>>) dst(%arg7 : memref<800xi32, #tpu.memory_space<vmem>>)
        tpu.yield
      }) : () -> ()
      "tpu.region"() ({
        %run_scoped3A = tpu.sem_alloc : memref<!tpu.dma_semaphore, #tpu.memory_space<semaphore_mem>>
        %dma_start3A_74 = tpu.memref_slice %arg3[%add3A_29] : memref<1600000xi32, #tpu.memory_space<hbm>> -> memref<800xi32, #tpu.memory_space<hbm>>
        %dma_start3A_75 = tpu.memref_slice %arg3[%add3A_29] : memref<1600000xi32, #tpu.memory_space<hbm>> -> memref<800xi32, #tpu.memory_space<hbm>>
        tpu.enqueue_dma source(%dma_start3A_75 : memref<800xi32, #tpu.memory_space<hbm>>) target(%arg8 : memref<800xi32, #tpu.memory_space<vmem>>) target_semaphore(%run_scoped3A : memref<!tpu.dma_semaphore, #tpu.memory_space<semaphore_mem>>)
        %dma_wait3A_76 = tpu.memref_slice %arg3[%add3A_29] : memref<1600000xi32, #tpu.memory_space<hbm>> -> memref<800xi32, #tpu.memory_space<hbm>>
        %dma_wait3A_77 = tpu.memref_slice %arg3[%add3A_29] : memref<1600000xi32, #tpu.memory_space<hbm>> -> memref<800xi32, #tpu.memory_space<hbm>>
        tpu.wait_dma2 semaphore(%run_scoped3A : memref<!tpu.dma_semaphore, #tpu.memory_space<semaphore_mem>>) src(%dma_wait3A_77 : memref<800xi32, #tpu.memory_space<hbm>>) dst(%arg8 : memref<800xi32, #tpu.memory_space<vmem>>)
        tpu.yield
      }) : () -> ()
      %dma_start3A_30 = arith.constant 0 : i32
      %dma_start3A_31 = arith.constant 0 : i32
      %dma_start3A_32 = tpu.memref_slice %arg4[%arg0, %dma_start3A_30, %dma_start3A_31] : memref<2x100352x16xf32, #tpu.memory_space<hbm>> -> memref<1x100352x16xf32, #tpu.memory_space<hbm>>
      %dma_start3A_33 = tpu.memref_squeeze %dma_start3A_32 : memref<1x100352x16xf32, #tpu.memory_space<hbm>> -> memref<100352x16xf32, #tpu.memory_space<hbm>>
      %dma_start3A_34 = arith.constant 0 : i32
      %dma_start3A_35 = arith.constant 0 : i32
      %dma_start3A_36 = tpu.memref_slice %dma_start3A_33[%dma_start3A_34, %dma_start3A_35] : memref<100352x16xf32, #tpu.memory_space<hbm>> -> memref<100352x16xf32, #tpu.memory_space<hbm>>
      tpu.enqueue_indirect_dma source(%dma_start3A_36 : memref<100352x16xf32, #tpu.memory_space<hbm>>) target(%arg9 : memref<800x16xf32, #tpu.memory_space<vmem>>) offsets(%arg7 : memref<800xi32, #tpu.memory_space<vmem>>) semaphore(%arg14 : memref<!tpu.dma_semaphore, #tpu.memory_space<semaphore_mem>>)
      %add3A_37 = arith.constant 800 : i32
      %add3A_38 = arith.addi %add3A_29, %add3A_37 : i32
      "tpu.region"() ({
        %run_scoped3A = tpu.sem_alloc : memref<!tpu.dma_semaphore, #tpu.memory_space<semaphore_mem>>
        %dma_start3A_74 = tpu.memref_slice %arg2[%add3A_38] : memref<1600000xi32, #tpu.memory_space<hbm>> -> memref<800xi32, #tpu.memory_space<hbm>>
        %dma_start3A_75 = tpu.memref_slice %arg2[%add3A_38] : memref<1600000xi32, #tpu.memory_space<hbm>> -> memref<800xi32, #tpu.memory_space<hbm>>
        tpu.enqueue_dma source(%dma_start3A_75 : memref<800xi32, #tpu.memory_space<hbm>>) target(%arg10 : memref<800xi32, #tpu.memory_space<vmem>>) target_semaphore(%run_scoped3A : memref<!tpu.dma_semaphore, #tpu.memory_space<semaphore_mem>>)
        %dma_wait3A_76 = tpu.memref_slice %arg2[%add3A_38] : memref<1600000xi32, #tpu.memory_space<hbm>> -> memref<800xi32, #tpu.memory_space<hbm>>
        %dma_wait3A_77 = tpu.memref_slice %arg2[%add3A_38] : memref<1600000xi32, #tpu.memory_space<hbm>> -> memref<800xi32, #tpu.memory_space<hbm>>
        tpu.wait_dma2 semaphore(%run_scoped3A : memref<!tpu.dma_semaphore, #tpu.memory_space<semaphore_mem>>) src(%dma_wait3A_77 : memref<800xi32, #tpu.memory_space<hbm>>) dst(%arg10 : memref<800xi32, #tpu.memory_space<vmem>>)
        tpu.yield
      }) : () -> ()
      %add3A_39 = arith.constant 800 : i32
      %add3A_40 = arith.addi %add3A_29, %add3A_39 : i32
      "tpu.region"() ({
        %run_scoped3A = tpu.sem_alloc : memref<!tpu.dma_semaphore, #tpu.memory_space<semaphore_mem>>
        %dma_start3A_74 = tpu.memref_slice %arg3[%add3A_40] : memref<1600000xi32, #tpu.memory_space<hbm>> -> memref<800xi32, #tpu.memory_space<hbm>>
        %dma_start3A_75 = tpu.memref_slice %arg3[%add3A_40] : memref<1600000xi32, #tpu.memory_space<hbm>> -> memref<800xi32, #tpu.memory_space<hbm>>
        tpu.enqueue_dma source(%dma_start3A_75 : memref<800xi32, #tpu.memory_space<hbm>>) target(%arg11 : memref<800xi32, #tpu.memory_space<vmem>>) target_semaphore(%run_scoped3A : memref<!tpu.dma_semaphore, #tpu.memory_space<semaphore_mem>>)
        %dma_wait3A_76 = tpu.memref_slice %arg3[%add3A_40] : memref<1600000xi32, #tpu.memory_space<hbm>> -> memref<800xi32, #tpu.memory_space<hbm>>
        %dma_wait3A_77 = tpu.memref_slice %arg3[%add3A_40] : memref<1600000xi32, #tpu.memory_space<hbm>> -> memref<800xi32, #tpu.memory_space<hbm>>
        tpu.wait_dma2 semaphore(%run_scoped3A : memref<!tpu.dma_semaphore, #tpu.memory_space<semaphore_mem>>) src(%dma_wait3A_77 : memref<800xi32, #tpu.memory_space<hbm>>) dst(%arg11 : memref<800xi32, #tpu.memory_space<vmem>>)
        tpu.yield
      }) : () -> ()
      %dma_start3A_41 = arith.constant 0 : i32
      %dma_start3A_42 = arith.constant 0 : i32
      %dma_start3A_43 = tpu.memref_slice %arg4[%arg0, %dma_start3A_41, %dma_start3A_42] : memref<2x100352x16xf32, #tpu.memory_space<hbm>> -> memref<1x100352x16xf32, #tpu.memory_space<hbm>>
      %dma_start3A_44 = tpu.memref_squeeze %dma_start3A_43 : memref<1x100352x16xf32, #tpu.memory_space<hbm>> -> memref<100352x16xf32, #tpu.memory_space<hbm>>
      %dma_start3A_45 = arith.constant 0 : i32
      %dma_start3A_46 = arith.constant 0 : i32
      %dma_start3A_47 = tpu.memref_slice %dma_start3A_44[%dma_start3A_45, %dma_start3A_46] : memref<100352x16xf32, #tpu.memory_space<hbm>> -> memref<100352x16xf32, #tpu.memory_space<hbm>>
      tpu.enqueue_indirect_dma source(%dma_start3A_47 : memref<100352x16xf32, #tpu.memory_space<hbm>>) target(%arg12 : memref<800x16xf32, #tpu.memory_space<vmem>>) offsets(%arg10 : memref<800xi32, #tpu.memory_space<vmem>>) semaphore(%arg15 : memref<!tpu.dma_semaphore, #tpu.memory_space<semaphore_mem>>)
      %dma_wait3A_48 = arith.constant 0 : i32
      %dma_wait3A_49 = arith.constant 0 : i32
      %dma_wait3A_50 = tpu.memref_slice %arg4[%arg0, %dma_wait3A_48, %dma_wait3A_49] : memref<2x100352x16xf32, #tpu.memory_space<hbm>> -> memref<1x100352x16xf32, #tpu.memory_space<hbm>>
      %dma_wait3A_51 = tpu.memref_squeeze %dma_wait3A_50 : memref<1x100352x16xf32, #tpu.memory_space<hbm>> -> memref<100352x16xf32, #tpu.memory_space<hbm>>
      %dma_wait3A_52 = arith.constant 0 : i32
      %dma_wait3A_53 = arith.constant 0 : i32
      %dma_wait3A_54 = tpu.memref_slice %dma_wait3A_51[%dma_wait3A_52, %dma_wait3A_53] : memref<100352x16xf32, #tpu.memory_space<hbm>> -> memref<100352x16xf32, #tpu.memory_space<hbm>>
      tpu.wait_indirect_dma semaphore(%arg14 : memref<!tpu.dma_semaphore, #tpu.memory_space<semaphore_mem>>) src(%dma_wait3A_54 : memref<100352x16xf32, #tpu.memory_space<hbm>>) dst(%arg9 : memref<800x16xf32, #tpu.memory_space<vmem>>)
      %dma_start3A_55 = arith.constant 0 : i32
      %dma_start3A_56 = arith.constant 0 : i32
      %dma_start3A_57 = tpu.memref_slice %arg13[%dma_start3A_55, %dma_start3A_56] : memref<100352x16xf32, #tpu.memory_space<vmem_shared>> -> memref<100352x16xf32, #tpu.memory_space<vmem_shared>>
      tpu.enqueue_indirect_dma source(%arg9 : memref<800x16xf32, #tpu.memory_space<vmem>>) target(%dma_start3A_57 : memref<100352x16xf32, #tpu.memory_space<vmem_shared>>) offsets(%arg8 : memref<800xi32, #tpu.memory_space<vmem>>) semaphore(%arg16 : memref<!tpu.dma_semaphore, #tpu.memory_space<semaphore_mem>>) {add = true}
      %dma_wait3A_58 = arith.constant 0 : i32
      %dma_wait3A_59 = arith.constant 0 : i32
      %dma_wait3A_60 = tpu.memref_slice %arg4[%arg0, %dma_wait3A_58, %dma_wait3A_59] : memref<2x100352x16xf32, #tpu.memory_space<hbm>> -> memref<1x100352x16xf32, #tpu.memory_space<hbm>>
      %dma_wait3A_61 = tpu.memref_squeeze %dma_wait3A_60 : memref<1x100352x16xf32, #tpu.memory_space<hbm>> -> memref<100352x16xf32, #tpu.memory_space<hbm>>
      %dma_wait3A_62 = arith.constant 0 : i32
      %dma_wait3A_63 = arith.constant 0 : i32
      %dma_wait3A_64 = tpu.memref_slice %dma_wait3A_61[%dma_wait3A_62, %dma_wait3A_63] : memref<100352x16xf32, #tpu.memory_space<hbm>> -> memref<100352x16xf32, #tpu.memory_space<hbm>>
      tpu.wait_indirect_dma semaphore(%arg15 : memref<!tpu.dma_semaphore, #tpu.memory_space<semaphore_mem>>) src(%dma_wait3A_64 : memref<100352x16xf32, #tpu.memory_space<hbm>>) dst(%arg12 : memref<800x16xf32, #tpu.memory_space<vmem>>)
      %dma_start3A_65 = arith.constant 0 : i32
      %dma_start3A_66 = arith.constant 0 : i32
      %dma_start3A_67 = tpu.memref_slice %arg13[%dma_start3A_65, %dma_start3A_66] : memref<100352x16xf32, #tpu.memory_space<vmem_shared>> -> memref<100352x16xf32, #tpu.memory_space<vmem_shared>>
      tpu.enqueue_indirect_dma source(%arg12 : memref<800x16xf32, #tpu.memory_space<vmem>>) target(%dma_start3A_67 : memref<100352x16xf32, #tpu.memory_space<vmem_shared>>) offsets(%arg11 : memref<800xi32, #tpu.memory_space<vmem>>) semaphore(%arg17 : memref<!tpu.dma_semaphore, #tpu.memory_space<semaphore_mem>>) {add = true}
      %dma_wait3A_68 = arith.constant 0 : i32
      %dma_wait3A_69 = arith.constant 0 : i32
      %dma_wait3A_70 = tpu.memref_slice %arg13[%dma_wait3A_68, %dma_wait3A_69] : memref<100352x16xf32, #tpu.memory_space<vmem_shared>> -> memref<100352x16xf32, #tpu.memory_space<vmem_shared>>
      tpu.wait_indirect_dma semaphore(%arg16 : memref<!tpu.dma_semaphore, #tpu.memory_space<semaphore_mem>>) src(%arg9 : memref<800x16xf32, #tpu.memory_space<vmem>>) dst(%dma_wait3A_70 : memref<100352x16xf32, #tpu.memory_space<vmem_shared>>)
      %dma_wait3A_71 = arith.constant 0 : i32
      %dma_wait3A_72 = arith.constant 0 : i32
      %dma_wait3A_73 = tpu.memref_slice %arg13[%dma_wait3A_71, %dma_wait3A_72] : memref<100352x16xf32, #tpu.memory_space<vmem_shared>> -> memref<100352x16xf32, #tpu.memory_space<vmem_shared>>
      tpu.wait_indirect_dma semaphore(%arg17 : memref<!tpu.dma_semaphore, #tpu.memory_space<semaphore_mem>>) src(%arg12 : memref<800x16xf32, #tpu.memory_space<vmem>>) dst(%dma_wait3A_73 : memref<100352x16xf32, #tpu.memory_space<vmem_shared>>)
    }
    %scan3A_7 = arith.constant 62 : i32
    %add3A = arith.constant 99200 : i32
    %add3A_8 = arith.addi %mul3A_2, %add3A : i32
    "tpu.region"() ({
      %run_scoped3A = tpu.sem_alloc : memref<!tpu.dma_semaphore, #tpu.memory_space<semaphore_mem>>
      %dma_start3A_26 = tpu.memref_slice %arg2[%add3A_8] : memref<1600000xi32, #tpu.memory_space<hbm>> -> memref<800xi32, #tpu.memory_space<hbm>>
      %dma_start3A_27 = tpu.memref_slice %arg2[%add3A_8] : memref<1600000xi32, #tpu.memory_space<hbm>> -> memref<800xi32, #tpu.memory_space<hbm>>
      tpu.enqueue_dma source(%dma_start3A_27 : memref<800xi32, #tpu.memory_space<hbm>>) target(%arg7 : memref<800xi32, #tpu.memory_space<vmem>>) target_semaphore(%run_scoped3A : memref<!tpu.dma_semaphore, #tpu.memory_space<semaphore_mem>>)
      %dma_wait3A_28 = tpu.memref_slice %arg2[%add3A_8] : memref<1600000xi32, #tpu.memory_space<hbm>> -> memref<800xi32, #tpu.memory_space<hbm>>
      %dma_wait3A_29 = tpu.memref_slice %arg2[%add3A_8] : memref<1600000xi32, #tpu.memory_space<hbm>> -> memref<800xi32, #tpu.memory_space<hbm>>
      tpu.wait_dma2 semaphore(%run_scoped3A : memref<!tpu.dma_semaphore, #tpu.memory_space<semaphore_mem>>) src(%dma_wait3A_29 : memref<800xi32, #tpu.memory_space<hbm>>) dst(%arg7 : memref<800xi32, #tpu.memory_space<vmem>>)
      tpu.yield
    }) : () -> ()
    "tpu.region"() ({
      %run_scoped3A = tpu.sem_alloc : memref<!tpu.dma_semaphore, #tpu.memory_space<semaphore_mem>>
      %dma_start3A_26 = tpu.memref_slice %arg3[%add3A_8] : memref<1600000xi32, #tpu.memory_space<hbm>> -> memref<800xi32, #tpu.memory_space<hbm>>
      %dma_start3A_27 = tpu.memref_slice %arg3[%add3A_8] : memref<1600000xi32, #tpu.memory_space<hbm>> -> memref<800xi32, #tpu.memory_space<hbm>>
      tpu.enqueue_dma source(%dma_start3A_27 : memref<800xi32, #tpu.memory_space<hbm>>) target(%arg8 : memref<800xi32, #tpu.memory_space<vmem>>) target_semaphore(%run_scoped3A : memref<!tpu.dma_semaphore, #tpu.memory_space<semaphore_mem>>)
      %dma_wait3A_28 = tpu.memref_slice %arg3[%add3A_8] : memref<1600000xi32, #tpu.memory_space<hbm>> -> memref<800xi32, #tpu.memory_space<hbm>>
      %dma_wait3A_29 = tpu.memref_slice %arg3[%add3A_8] : memref<1600000xi32, #tpu.memory_space<hbm>> -> memref<800xi32, #tpu.memory_space<hbm>>
      tpu.wait_dma2 semaphore(%run_scoped3A : memref<!tpu.dma_semaphore, #tpu.memory_space<semaphore_mem>>) src(%dma_wait3A_29 : memref<800xi32, #tpu.memory_space<hbm>>) dst(%arg8 : memref<800xi32, #tpu.memory_space<vmem>>)
      tpu.yield
    }) : () -> ()
    %dma_start3A = arith.constant 0 : i32
    %dma_start3A_9 = arith.constant 0 : i32
    %dma_start3A_10 = tpu.memref_slice %arg4[%arg0, %dma_start3A, %dma_start3A_9] : memref<2x100352x16xf32, #tpu.memory_space<hbm>> -> memref<1x100352x16xf32, #tpu.memory_space<hbm>>
    %dma_start3A_11 = tpu.memref_squeeze %dma_start3A_10 : memref<1x100352x16xf32, #tpu.memory_space<hbm>> -> memref<100352x16xf32, #tpu.memory_space<hbm>>
    %dma_start3A_12 = arith.constant 0 : i32
    %dma_start3A_13 = arith.constant 0 : i32
    %dma_start3A_14 = tpu.memref_slice %dma_start3A_11[%dma_start3A_12, %dma_start3A_13] : memref<100352x16xf32, #tpu.memory_space<hbm>> -> memref<100352x16xf32, #tpu.memory_space<hbm>>
    tpu.enqueue_indirect_dma source(%dma_start3A_14 : memref<100352x16xf32, #tpu.memory_space<hbm>>) target(%arg9 : memref<800x16xf32, #tpu.memory_space<vmem>>) offsets(%arg7 : memref<800xi32, #tpu.memory_space<vmem>>) semaphore(%arg14 : memref<!tpu.dma_semaphore, #tpu.memory_space<semaphore_mem>>)
    %dma_wait3A = arith.constant 0 : i32
    %dma_wait3A_15 = arith.constant 0 : i32
    %dma_wait3A_16 = tpu.memref_slice %arg4[%arg0, %dma_wait3A, %dma_wait3A_15] : memref<2x100352x16xf32, #tpu.memory_space<hbm>> -> memref<1x100352x16xf32, #tpu.memory_space<hbm>>
    %dma_wait3A_17 = tpu.memref_squeeze %dma_wait3A_16 : memref<1x100352x16xf32, #tpu.memory_space<hbm>> -> memref<100352x16xf32, #tpu.memory_space<hbm>>
    %dma_wait3A_18 = arith.constant 0 : i32
    %dma_wait3A_19 = arith.constant 0 : i32
    %dma_wait3A_20 = tpu.memref_slice %dma_wait3A_17[%dma_wait3A_18, %dma_wait3A_19] : memref<100352x16xf32, #tpu.memory_space<hbm>> -> memref<100352x16xf32, #tpu.memory_space<hbm>>
    tpu.wait_indirect_dma semaphore(%arg14 : memref<!tpu.dma_semaphore, #tpu.memory_space<semaphore_mem>>) src(%dma_wait3A_20 : memref<100352x16xf32, #tpu.memory_space<hbm>>) dst(%arg9 : memref<800x16xf32, #tpu.memory_space<vmem>>)
    "tpu.region"() ({
      %run_scoped3A = tpu.sem_alloc : memref<!tpu.dma_semaphore, #tpu.memory_space<semaphore_mem>>
      %dma_start3A_26 = arith.constant 0 : i32
      %dma_start3A_27 = arith.constant 0 : i32
      %dma_start3A_28 = tpu.memref_slice %arg13[%dma_start3A_26, %dma_start3A_27] : memref<100352x16xf32, #tpu.memory_space<vmem_shared>> -> memref<100352x16xf32, #tpu.memory_space<vmem_shared>>
      tpu.enqueue_indirect_dma source(%arg9 : memref<800x16xf32, #tpu.memory_space<vmem>>) target(%dma_start3A_28 : memref<100352x16xf32, #tpu.memory_space<vmem_shared>>) offsets(%arg8 : memref<800xi32, #tpu.memory_space<vmem>>) semaphore(%run_scoped3A : memref<!tpu.dma_semaphore, #tpu.memory_space<semaphore_mem>>) {add = true}
      %dma_wait3A_29 = arith.constant 0 : i32
      %dma_wait3A_30 = arith.constant 0 : i32
      %dma_wait3A_31 = tpu.memref_slice %arg13[%dma_wait3A_29, %dma_wait3A_30] : memref<100352x16xf32, #tpu.memory_space<vmem_shared>> -> memref<100352x16xf32, #tpu.memory_space<vmem_shared>>
      tpu.wait_indirect_dma semaphore(%run_scoped3A : memref<!tpu.dma_semaphore, #tpu.memory_space<semaphore_mem>>) src(%arg9 : memref<800x16xf32, #tpu.memory_space<vmem>>) dst(%dma_wait3A_31 : memref<100352x16xf32, #tpu.memory_space<vmem_shared>>)
      tpu.yield
    }) : () -> ()
    %barrier3A_21 = arith.constant 0 : index
    tpu.barrier barrier_id(%barrier3A_21)
    %mul3A_22 = arith.constant 3136 : i32
    %mul3A_23 = arith.muli %arg1, %mul3A_22 : i32
    %mul3A_24 = arith.constant 3136 : i32
    %mul3A_25 = arith.muli %arg1, %mul3A_24 : i32
    "tpu.region"() ({
      %run_scoped3A = tpu.sem_alloc : memref<!tpu.dma_semaphore, #tpu.memory_space<semaphore_mem>>
      %dma_start3A_26 = arith.constant 0 : i32
      %dma_start3A_27 = tpu.memref_slice %arg6[%arg0, %mul3A_25, %dma_start3A_26] : memref<2x100352x16xf32, #tpu.memory_space<hbm>> -> memref<1x3136x16xf32, #tpu.memory_space<hbm>>
      %dma_start3A_28 = tpu.memref_squeeze %dma_start3A_27 : memref<1x3136x16xf32, #tpu.memory_space<hbm>> -> memref<3136x16xf32, #tpu.memory_space<hbm>>
      %dma_start3A_29 = arith.constant 0 : i32
      %dma_start3A_30 = tpu.memref_slice %arg13[%mul3A_23, %dma_start3A_29] : memref<100352x16xf32, #tpu.memory_space<vmem_shared>> -> memref<3136x16xf32, #tpu.memory_space<vmem_shared>>
      tpu.enqueue_dma source(%dma_start3A_30 : memref<3136x16xf32, #tpu.memory_space<vmem_shared>>) target(%dma_start3A_28 : memref<3136x16xf32, #tpu.memory_space<hbm>>) target_semaphore(%run_scoped3A : memref<!tpu.dma_semaphore, #tpu.memory_space<semaphore_mem>>)
      %dma_wait3A_31 = arith.constant 0 : i32
      %dma_wait3A_32 = tpu.memref_slice %arg6[%arg0, %mul3A_25, %dma_wait3A_31] : memref<2x100352x16xf32, #tpu.memory_space<hbm>> -> memref<1x3136x16xf32, #tpu.memory_space<hbm>>
      %dma_wait3A_33 = tpu.memref_squeeze %dma_wait3A_32 : memref<1x3136x16xf32, #tpu.memory_space<hbm>> -> memref<3136x16xf32, #tpu.memory_space<hbm>>
      %dma_wait3A_34 = arith.constant 0 : i32
      %dma_wait3A_35 = tpu.memref_slice %arg13[%mul3A_23, %dma_wait3A_34] : memref<100352x16xf32, #tpu.memory_space<vmem_shared>> -> memref<3136x16xf32, #tpu.memory_space<vmem_shared>>
      tpu.wait_dma2 semaphore(%run_scoped3A : memref<!tpu.dma_semaphore, #tpu.memory_space<semaphore_mem>>) src(%dma_wait3A_35 : memref<3136x16xf32, #tpu.memory_space<vmem_shared>>) dst(%dma_wait3A_33 : memref<3136x16xf32, #tpu.memory_space<hbm>>)
      tpu.yield
    }) : () -> ()
    return
  }
}

#map = affine_map<(d0, d1) -> (0)>
module attributes {stable_mosaic.version = 14 : i64} {
  func.func @_sc_slots(%arg0: i32, %arg1: i32, %arg2: memref<100352xi32, #tpu.memory_space<hbm>>, %arg3: memref<3848xi32, #tpu.memory_space<hbm>>, %arg4: memref<3840xi32, #tpu.memory_space<hbm>>, %arg5: memref<1024xi32, #tpu.memory_space<vmem>>, %arg6: memref<3848xi32, #tpu.memory_space<vmem>>) attributes {dimension_semantics = [#tpu.dimension_semantics<core_parallel>, #tpu.dimension_semantics<subcore_parallel>], iteration_bounds = array<i64: 2, 16>, scalar_prefetch = 0 : i64, scratch_operands = 2 : i64, tpu.core_type = #tpu.core_type<sc_vector_subcore>, window_params = [{transform_indices = #map}, {transform_indices = #map}, {transform_indices = #map}]} {
    %eq3A = arith.constant 0 : i32
    %eq3A_0 = arith.cmpi eq, %arg0, %eq3A : i32
    %eq3A_1 = arith.constant 0 : i32
    %eq3A_2 = arith.cmpi eq, %arg1, %eq3A_1 : i32
    %and3A = arith.andi %eq3A_0, %eq3A_2 : i1
    %convert_element_type3A = arith.extui %and3A : i1 to i32
    %cond3A = arith.constant 0 : i32
    %cond3A_3 = arith.cmpi ne, %convert_element_type3A, %cond3A : i32
    scf.if %cond3A_3 {
      "tpu.region"() ({
        %run_scoped3A = tpu.sem_alloc : memref<!tpu.dma_semaphore, #tpu.memory_space<semaphore_mem>>
        tpu.enqueue_dma source(%arg3 : memref<3848xi32, #tpu.memory_space<hbm>>) target(%arg6 : memref<3848xi32, #tpu.memory_space<vmem>>) target_semaphore(%run_scoped3A : memref<!tpu.dma_semaphore, #tpu.memory_space<semaphore_mem>>)
        tpu.wait_dma2 semaphore(%run_scoped3A : memref<!tpu.dma_semaphore, #tpu.memory_space<semaphore_mem>>) src(%arg3 : memref<3848xi32, #tpu.memory_space<hbm>>) dst(%arg6 : memref<3848xi32, #tpu.memory_space<vmem>>)
        tpu.yield
      }) : () -> ()
      %scan3A = arith.constant 0 : i32
      %scan3A_4 = arith.constant 0 : i32
      %scan3A_5 = arith.constant 98 : i32
      %scan3A_6 = arith.addi %scan3A_4, %scan3A_5 : i32
      %scan3A_7 = arith.constant 1 : i32
      scf.for %scan3A_9 = %scan3A_4 to %scan3A_6 step %scan3A_7  : i32 {
        %mul3A = arith.constant 1024 : i32
        %mul3A_10 = arith.muli %scan3A_9, %mul3A : i32
        "tpu.region"() ({
          %run_scoped3A = tpu.sem_alloc : memref<!tpu.dma_semaphore, #tpu.memory_space<semaphore_mem>>
          %dma_start3A = tpu.memref_slice %arg2[%mul3A_10] : memref<100352xi32, #tpu.memory_space<hbm>> -> memref<1024xi32, #tpu.memory_space<hbm>>
          %dma_start3A_17 = tpu.memref_slice %arg2[%mul3A_10] : memref<100352xi32, #tpu.memory_space<hbm>> -> memref<1024xi32, #tpu.memory_space<hbm>>
          tpu.enqueue_dma source(%dma_start3A_17 : memref<1024xi32, #tpu.memory_space<hbm>>) target(%arg5 : memref<1024xi32, #tpu.memory_space<vmem>>) target_semaphore(%run_scoped3A : memref<!tpu.dma_semaphore, #tpu.memory_space<semaphore_mem>>)
          %dma_wait3A = tpu.memref_slice %arg2[%mul3A_10] : memref<100352xi32, #tpu.memory_space<hbm>> -> memref<1024xi32, #tpu.memory_space<hbm>>
          %dma_wait3A_18 = tpu.memref_slice %arg2[%mul3A_10] : memref<100352xi32, #tpu.memory_space<hbm>> -> memref<1024xi32, #tpu.memory_space<hbm>>
          tpu.wait_dma2 semaphore(%run_scoped3A : memref<!tpu.dma_semaphore, #tpu.memory_space<semaphore_mem>>) src(%dma_wait3A_18 : memref<1024xi32, #tpu.memory_space<hbm>>) dst(%arg5 : memref<1024xi32, #tpu.memory_space<vmem>>)
          tpu.yield
        }) : () -> ()
        %scan3A_11 = arith.constant 0 : i32
        %scan3A_12 = arith.constant 0 : i32
        %scan3A_13 = arith.constant 64 : i32
        %scan3A_14 = arith.addi %scan3A_12, %scan3A_13 : i32
        %scan3A_15 = arith.constant 1 : i32
        scf.for %scan3A_17 = %scan3A_12 to %scan3A_14 step %scan3A_15  : i32 {
          %mul3A_18 = arith.constant 16 : i32
          %mul3A_19 = arith.muli %scan3A_17, %mul3A_18 : i32
          %get3A = arith.index_cast %mul3A_19 : i32 to index
          %get3A_20 = tpu.vector_load %arg5[%get3A] {strides = array<i32>} : memref<1024xi32, #tpu.memory_space<vmem>>, vector<16xi32>,
          %iota3A = tpu.iota {dimensions = array<i32: 0>} : vector<16xi32>
          %mul3A_21 = arith.constant 1024 : i32
          %mul3A_22 = arith.muli %scan3A_9, %mul3A_21 : i32
          %mul3A_23 = arith.constant 16 : i32
          %mul3A_24 = arith.muli %scan3A_17, %mul3A_23 : i32
          %add3A = arith.addi %mul3A_22, %mul3A_24 : i32
          %add3A_25 = vector.broadcast %add3A : i32 to vector<16xi32>
          %add3A_26 = arith.addi %iota3A, %add3A_25 : vector<16xi32>
          tpu.vector_store_idx %arg6[%get3A_20], %add3A_26 : memref<3848xi32, #tpu.memory_space<vmem>>[vector<16xi32>], vector<16xi32>,
        }
        %scan3A_16 = arith.constant 64 : i32
      }
      %scan3A_8 = arith.constant 98 : i32
      "tpu.region"() ({
        %run_scoped3A = tpu.sem_alloc : memref<!tpu.dma_semaphore, #tpu.memory_space<semaphore_mem>>
        %dma_start3A = arith.constant 0 : i32
        %dma_start3A_9 = tpu.memref_slice %arg6[%dma_start3A] : memref<3848xi32, #tpu.memory_space<vmem>> -> memref<3840xi32, #tpu.memory_space<vmem>>
        %dma_start3A_10 = arith.constant 0 : i32
        %dma_start3A_11 = tpu.memref_slice %arg6[%dma_start3A_10] : memref<3848xi32, #tpu.memory_space<vmem>> -> memref<3840xi32, #tpu.memory_space<vmem>>
        tpu.enqueue_dma source(%dma_start3A_11 : memref<3840xi32, #tpu.memory_space<vmem>>) target(%arg4 : memref<3840xi32, #tpu.memory_space<hbm>>) target_semaphore(%run_scoped3A : memref<!tpu.dma_semaphore, #tpu.memory_space<semaphore_mem>>)
        %dma_wait3A = arith.constant 0 : i32
        %dma_wait3A_12 = tpu.memref_slice %arg6[%dma_wait3A] : memref<3848xi32, #tpu.memory_space<vmem>> -> memref<3840xi32, #tpu.memory_space<vmem>>
        %dma_wait3A_13 = arith.constant 0 : i32
        %dma_wait3A_14 = tpu.memref_slice %arg6[%dma_wait3A_13] : memref<3848xi32, #tpu.memory_space<vmem>> -> memref<3840xi32, #tpu.memory_space<vmem>>
        tpu.wait_dma2 semaphore(%run_scoped3A : memref<!tpu.dma_semaphore, #tpu.memory_space<semaphore_mem>>) src(%dma_wait3A_14 : memref<3840xi32, #tpu.memory_space<vmem>>) dst(%arg4 : memref<3840xi32, #tpu.memory_space<hbm>>)
        tpu.yield
      }) : () -> ()
    } else {
    }
    return
  }
}

#map = affine_map<(d0, d1) -> (0)>
#map1 = affine_map<(d0, d1) -> (0, 0, 0)>
#map2 = affine_map<(d0, d1) -> (0, 0)>
module attributes {stable_mosaic.version = 14 : i64} {
  func.func @_sc_pool(%arg0: i32, %arg1: i32, %arg2: memref<3840xi32, #tpu.memory_space<hbm>>, %arg3: memref<2x100352x16xf32, #tpu.memory_space<hbm>>, %arg4: memref<2x100352x16xf32, #tpu.memory_space<hbm>>, %arg5: memref<2x100352x16xf32, #tpu.memory_space<hbm>>, %arg6: memref<100352x16xf32, #tpu.memory_space<hbm>>, %arg7: memref<3840x16xf32, #tpu.memory_space<hbm>>, %arg8: memref<3840x16xf32, #tpu.memory_space<hbm>>, %arg9: memref<3840x16xf32, #tpu.memory_space<hbm>>, %arg10: memref<3840x16xf32, #tpu.memory_space<hbm>>, %arg11: memref<3840x16xf32, #tpu.memory_space<hbm>>, %arg12: memref<3840x16xf32, #tpu.memory_space<hbm>>, %arg13: memref<3840x16xf32, #tpu.memory_space<hbm>>, %arg14: memref<120xi32, #tpu.memory_space<vmem>>, %arg15: memref<120x16xf32, #tpu.memory_space<vmem>>, %arg16: memref<!tpu.dma_semaphore, #tpu.memory_space<semaphore_mem>>) attributes {dimension_semantics = [#tpu.dimension_semantics<core_parallel>, #tpu.dimension_semantics<subcore_parallel>], iteration_bounds = array<i64: 2, 16>, scalar_prefetch = 0 : i64, scratch_operands = 3 : i64, tpu.core_type = #tpu.core_type<sc_vector_subcore>, window_params = [{transform_indices = #map}, {transform_indices = #map1}, {transform_indices = #map1}, {transform_indices = #map1}, {transform_indices = #map2}, {transform_indices = #map2}, {transform_indices = #map2}, {transform_indices = #map2}, {transform_indices = #map2}, {transform_indices = #map2}, {transform_indices = #map2}, {transform_indices = #map2}]} {
    %mul3A = arith.constant 2 : i32
    %mul3A_0 = arith.muli %arg1, %mul3A : i32
    %add3A = arith.addi %mul3A_0, %arg0 : i32
    %mul3A_1 = arith.constant 120 : i32
    %mul3A_2 = arith.muli %add3A, %mul3A_1 : i32
    "tpu.region"() ({
      %run_scoped3A = tpu.sem_alloc : memref<!tpu.dma_semaphore, #tpu.memory_space<semaphore_mem>>
      %dma_start3A_103 = tpu.memref_slice %arg2[%mul3A_2] : memref<3840xi32, #tpu.memory_space<hbm>> -> memref<120xi32, #tpu.memory_space<hbm>>
      %dma_start3A_104 = tpu.memref_slice %arg2[%mul3A_2] : memref<3840xi32, #tpu.memory_space<hbm>> -> memref<120xi32, #tpu.memory_space<hbm>>
      tpu.enqueue_dma source(%dma_start3A_104 : memref<120xi32, #tpu.memory_space<hbm>>) target(%arg14 : memref<120xi32, #tpu.memory_space<vmem>>) target_semaphore(%run_scoped3A : memref<!tpu.dma_semaphore, #tpu.memory_space<semaphore_mem>>)
      %dma_wait3A_105 = tpu.memref_slice %arg2[%mul3A_2] : memref<3840xi32, #tpu.memory_space<hbm>> -> memref<120xi32, #tpu.memory_space<hbm>>
      %dma_wait3A_106 = tpu.memref_slice %arg2[%mul3A_2] : memref<3840xi32, #tpu.memory_space<hbm>> -> memref<120xi32, #tpu.memory_space<hbm>>
      tpu.wait_dma2 semaphore(%run_scoped3A : memref<!tpu.dma_semaphore, #tpu.memory_space<semaphore_mem>>) src(%dma_wait3A_106 : memref<120xi32, #tpu.memory_space<hbm>>) dst(%arg14 : memref<120xi32, #tpu.memory_space<vmem>>)
      tpu.yield
    }) : () -> ()
    %dma_start3A = arith.constant 0 : i32
    %dma_start3A_3 = arith.constant 0 : i32
    %dma_start3A_4 = arith.constant 0 : i32
    %dma_start3A_5 = tpu.memref_slice %arg3[%dma_start3A, %dma_start3A_3, %dma_start3A_4] : memref<2x100352x16xf32, #tpu.memory_space<hbm>> -> memref<1x100352x16xf32, #tpu.memory_space<hbm>>
    %dma_start3A_6 = tpu.memref_squeeze %dma_start3A_5 : memref<1x100352x16xf32, #tpu.memory_space<hbm>> -> memref<100352x16xf32, #tpu.memory_space<hbm>>
    %dma_start3A_7 = arith.constant 0 : i32
    %dma_start3A_8 = arith.constant 0 : i32
    %dma_start3A_9 = tpu.memref_slice %dma_start3A_6[%dma_start3A_7, %dma_start3A_8] : memref<100352x16xf32, #tpu.memory_space<hbm>> -> memref<100352x16xf32, #tpu.memory_space<hbm>>
    tpu.enqueue_indirect_dma source(%dma_start3A_9 : memref<100352x16xf32, #tpu.memory_space<hbm>>) target(%arg15 : memref<120x16xf32, #tpu.memory_space<vmem>>) offsets(%arg14 : memref<120xi32, #tpu.memory_space<vmem>>) semaphore(%arg16 : memref<!tpu.dma_semaphore, #tpu.memory_space<semaphore_mem>>)
    %dma_wait3A = arith.constant 0 : i32
    %dma_wait3A_10 = arith.constant 0 : i32
    %dma_wait3A_11 = arith.constant 0 : i32
    %dma_wait3A_12 = tpu.memref_slice %arg3[%dma_wait3A, %dma_wait3A_10, %dma_wait3A_11] : memref<2x100352x16xf32, #tpu.memory_space<hbm>> -> memref<1x100352x16xf32, #tpu.memory_space<hbm>>
    %dma_wait3A_13 = tpu.memref_squeeze %dma_wait3A_12 : memref<1x100352x16xf32, #tpu.memory_space<hbm>> -> memref<100352x16xf32, #tpu.memory_space<hbm>>
    %dma_wait3A_14 = arith.constant 0 : i32
    %dma_wait3A_15 = arith.constant 0 : i32
    %dma_wait3A_16 = tpu.memref_slice %dma_wait3A_13[%dma_wait3A_14, %dma_wait3A_15] : memref<100352x16xf32, #tpu.memory_space<hbm>> -> memref<100352x16xf32, #tpu.memory_space<hbm>>
    tpu.wait_indirect_dma semaphore(%arg16 : memref<!tpu.dma_semaphore, #tpu.memory_space<semaphore_mem>>) src(%dma_wait3A_16 : memref<100352x16xf32, #tpu.memory_space<hbm>>) dst(%arg15 : memref<120x16xf32, #tpu.memory_space<vmem>>)
    "tpu.region"() ({
      %run_scoped3A = tpu.sem_alloc : memref<!tpu.dma_semaphore, #tpu.memory_space<semaphore_mem>>
      %dma_start3A_103 = arith.constant 0 : i32
      %dma_start3A_104 = tpu.memref_slice %arg7[%mul3A_2, %dma_start3A_103] : memref<3840x16xf32, #tpu.memory_space<hbm>> -> memref<120x16xf32, #tpu.memory_space<hbm>>
      %dma_start3A_105 = arith.constant 0 : i32
      %dma_start3A_106 = tpu.memref_slice %arg7[%mul3A_2, %dma_start3A_105] : memref<3840x16xf32, #tpu.memory_space<hbm>> -> memref<120x16xf32, #tpu.memory_space<hbm>>
      tpu.enqueue_dma source(%arg15 : memref<120x16xf32, #tpu.memory_space<vmem>>) target(%dma_start3A_106 : memref<120x16xf32, #tpu.memory_space<hbm>>) target_semaphore(%run_scoped3A : memref<!tpu.dma_semaphore, #tpu.memory_space<semaphore_mem>>)
      %dma_wait3A_107 = arith.constant 0 : i32
      %dma_wait3A_108 = tpu.memref_slice %arg7[%mul3A_2, %dma_wait3A_107] : memref<3840x16xf32, #tpu.memory_space<hbm>> -> memref<120x16xf32, #tpu.memory_space<hbm>>
      %dma_wait3A_109 = arith.constant 0 : i32
      %dma_wait3A_110 = tpu.memref_slice %arg7[%mul3A_2, %dma_wait3A_109] : memref<3840x16xf32, #tpu.memory_space<hbm>> -> memref<120x16xf32, #tpu.memory_space<hbm>>
      tpu.wait_dma2 semaphore(%run_scoped3A : memref<!tpu.dma_semaphore, #tpu.memory_space<semaphore_mem>>) src(%arg15 : memref<120x16xf32, #tpu.memory_space<vmem>>) dst(%dma_wait3A_110 : memref<120x16xf32, #tpu.memory_space<hbm>>)
      tpu.yield
    }) : () -> ()
    %dma_start3A_17 = arith.constant 1 : i32
    %dma_start3A_18 = arith.constant 0 : i32
    %dma_start3A_19 = arith.constant 0 : i32
    %dma_start3A_20 = tpu.memref_slice %arg3[%dma_start3A_17, %dma_start3A_18, %dma_start3A_19] : memref<2x100352x16xf32, #tpu.memory_space<hbm>> -> memref<1x100352x16xf32, #tpu.memory_space<hbm>>
    %dma_start3A_21 = tpu.memref_squeeze %dma_start3A_20 : memref<1x100352x16xf32, #tpu.memory_space<hbm>> -> memref<100352x16xf32, #tpu.memory_space<hbm>>
    %dma_start3A_22 = arith.constant 0 : i32
    %dma_start3A_23 = arith.constant 0 : i32
    %dma_start3A_24 = tpu.memref_slice %dma_start3A_21[%dma_start3A_22, %dma_start3A_23] : memref<100352x16xf32, #tpu.memory_space<hbm>> -> memref<100352x16xf32, #tpu.memory_space<hbm>>
    tpu.enqueue_indirect_dma source(%dma_start3A_24 : memref<100352x16xf32, #tpu.memory_space<hbm>>) target(%arg15 : memref<120x16xf32, #tpu.memory_space<vmem>>) offsets(%arg14 : memref<120xi32, #tpu.memory_space<vmem>>) semaphore(%arg16 : memref<!tpu.dma_semaphore, #tpu.memory_space<semaphore_mem>>)
    %dma_wait3A_25 = arith.constant 1 : i32
    %dma_wait3A_26 = arith.constant 0 : i32
    %dma_wait3A_27 = arith.constant 0 : i32
    %dma_wait3A_28 = tpu.memref_slice %arg3[%dma_wait3A_25, %dma_wait3A_26, %dma_wait3A_27] : memref<2x100352x16xf32, #tpu.memory_space<hbm>> -> memref<1x100352x16xf32, #tpu.memory_space<hbm>>
    %dma_wait3A_29 = tpu.memref_squeeze %dma_wait3A_28 : memref<1x100352x16xf32, #tpu.memory_space<hbm>> -> memref<100352x16xf32, #tpu.memory_space<hbm>>
    %dma_wait3A_30 = arith.constant 0 : i32
    %dma_wait3A_31 = arith.constant 0 : i32
    %dma_wait3A_32 = tpu.memref_slice %dma_wait3A_29[%dma_wait3A_30, %dma_wait3A_31] : memref<100352x16xf32, #tpu.memory_space<hbm>> -> memref<100352x16xf32, #tpu.memory_space<hbm>>
    tpu.wait_indirect_dma semaphore(%arg16 : memref<!tpu.dma_semaphore, #tpu.memory_space<semaphore_mem>>) src(%dma_wait3A_32 : memref<100352x16xf32, #tpu.memory_space<hbm>>) dst(%arg15 : memref<120x16xf32, #tpu.memory_space<vmem>>)
    "tpu.region"() ({
      %run_scoped3A = tpu.sem_alloc : memref<!tpu.dma_semaphore, #tpu.memory_space<semaphore_mem>>
      %dma_start3A_103 = arith.constant 0 : i32
      %dma_start3A_104 = tpu.memref_slice %arg8[%mul3A_2, %dma_start3A_103] : memref<3840x16xf32, #tpu.memory_space<hbm>> -> memref<120x16xf32, #tpu.memory_space<hbm>>
      %dma_start3A_105 = arith.constant 0 : i32
      %dma_start3A_106 = tpu.memref_slice %arg8[%mul3A_2, %dma_start3A_105] : memref<3840x16xf32, #tpu.memory_space<hbm>> -> memref<120x16xf32, #tpu.memory_space<hbm>>
      tpu.enqueue_dma source(%arg15 : memref<120x16xf32, #tpu.memory_space<vmem>>) target(%dma_start3A_106 : memref<120x16xf32, #tpu.memory_space<hbm>>) target_semaphore(%run_scoped3A : memref<!tpu.dma_semaphore, #tpu.memory_space<semaphore_mem>>)
      %dma_wait3A_107 = arith.constant 0 : i32
      %dma_wait3A_108 = tpu.memref_slice %arg8[%mul3A_2, %dma_wait3A_107] : memref<3840x16xf32, #tpu.memory_space<hbm>> -> memref<120x16xf32, #tpu.memory_space<hbm>>
      %dma_wait3A_109 = arith.constant 0 : i32
      %dma_wait3A_110 = tpu.memref_slice %arg8[%mul3A_2, %dma_wait3A_109] : memref<3840x16xf32, #tpu.memory_space<hbm>> -> memref<120x16xf32, #tpu.memory_space<hbm>>
      tpu.wait_dma2 semaphore(%run_scoped3A : memref<!tpu.dma_semaphore, #tpu.memory_space<semaphore_mem>>) src(%arg15 : memref<120x16xf32, #tpu.memory_space<vmem>>) dst(%dma_wait3A_110 : memref<120x16xf32, #tpu.memory_space<hbm>>)
      tpu.yield
    }) : () -> ()
    %dma_start3A_33 = arith.constant 0 : i32
    %dma_start3A_34 = arith.constant 0 : i32
    %dma_start3A_35 = arith.constant 0 : i32
    %dma_start3A_36 = tpu.memref_slice %arg4[%dma_start3A_33, %dma_start3A_34, %dma_start3A_35] : memref<2x100352x16xf32, #tpu.memory_space<hbm>> -> memref<1x100352x16xf32, #tpu.memory_space<hbm>>
    %dma_start3A_37 = tpu.memref_squeeze %dma_start3A_36 : memref<1x100352x16xf32, #tpu.memory_space<hbm>> -> memref<100352x16xf32, #tpu.memory_space<hbm>>
    %dma_start3A_38 = arith.constant 0 : i32
    %dma_start3A_39 = arith.constant 0 : i32
    %dma_start3A_40 = tpu.memref_slice %dma_start3A_37[%dma_start3A_38, %dma_start3A_39] : memref<100352x16xf32, #tpu.memory_space<hbm>> -> memref<100352x16xf32, #tpu.memory_space<hbm>>
    tpu.enqueue_indirect_dma source(%dma_start3A_40 : memref<100352x16xf32, #tpu.memory_space<hbm>>) target(%arg15 : memref<120x16xf32, #tpu.memory_space<vmem>>) offsets(%arg14 : memref<120xi32, #tpu.memory_space<vmem>>) semaphore(%arg16 : memref<!tpu.dma_semaphore, #tpu.memory_space<semaphore_mem>>)
    %dma_wait3A_41 = arith.constant 0 : i32
    %dma_wait3A_42 = arith.constant 0 : i32
    %dma_wait3A_43 = arith.constant 0 : i32
    %dma_wait3A_44 = tpu.memref_slice %arg4[%dma_wait3A_41, %dma_wait3A_42, %dma_wait3A_43] : memref<2x100352x16xf32, #tpu.memory_space<hbm>> -> memref<1x100352x16xf32, #tpu.memory_space<hbm>>
    %dma_wait3A_45 = tpu.memref_squeeze %dma_wait3A_44 : memref<1x100352x16xf32, #tpu.memory_space<hbm>> -> memref<100352x16xf32, #tpu.memory_space<hbm>>
    %dma_wait3A_46 = arith.constant 0 : i32
    %dma_wait3A_47 = arith.constant 0 : i32
    %dma_wait3A_48 = tpu.memref_slice %dma_wait3A_45[%dma_wait3A_46, %dma_wait3A_47] : memref<100352x16xf32, #tpu.memory_space<hbm>> -> memref<100352x16xf32, #tpu.memory_space<hbm>>
    tpu.wait_indirect_dma semaphore(%arg16 : memref<!tpu.dma_semaphore, #tpu.memory_space<semaphore_mem>>) src(%dma_wait3A_48 : memref<100352x16xf32, #tpu.memory_space<hbm>>) dst(%arg15 : memref<120x16xf32, #tpu.memory_space<vmem>>)
    "tpu.region"() ({
      %run_scoped3A = tpu.sem_alloc : memref<!tpu.dma_semaphore, #tpu.memory_space<semaphore_mem>>
      %dma_start3A_103 = arith.constant 0 : i32
      %dma_start3A_104 = tpu.memref_slice %arg9[%mul3A_2, %dma_start3A_103] : memref<3840x16xf32, #tpu.memory_space<hbm>> -> memref<120x16xf32, #tpu.memory_space<hbm>>
      %dma_start3A_105 = arith.constant 0 : i32
      %dma_start3A_106 = tpu.memref_slice %arg9[%mul3A_2, %dma_start3A_105] : memref<3840x16xf32, #tpu.memory_space<hbm>> -> memref<120x16xf32, #tpu.memory_space<hbm>>
      tpu.enqueue_dma source(%arg15 : memref<120x16xf32, #tpu.memory_space<vmem>>) target(%dma_start3A_106 : memref<120x16xf32, #tpu.memory_space<hbm>>) target_semaphore(%run_scoped3A : memref<!tpu.dma_semaphore, #tpu.memory_space<semaphore_mem>>)
      %dma_wait3A_107 = arith.constant 0 : i32
      %dma_wait3A_108 = tpu.memref_slice %arg9[%mul3A_2, %dma_wait3A_107] : memref<3840x16xf32, #tpu.memory_space<hbm>> -> memref<120x16xf32, #tpu.memory_space<hbm>>
      %dma_wait3A_109 = arith.constant 0 : i32
      %dma_wait3A_110 = tpu.memref_slice %arg9[%mul3A_2, %dma_wait3A_109] : memref<3840x16xf32, #tpu.memory_space<hbm>> -> memref<120x16xf32, #tpu.memory_space<hbm>>
      tpu.wait_dma2 semaphore(%run_scoped3A : memref<!tpu.dma_semaphore, #tpu.memory_space<semaphore_mem>>) src(%arg15 : memref<120x16xf32, #tpu.memory_space<vmem>>) dst(%dma_wait3A_110 : memref<120x16xf32, #tpu.memory_space<hbm>>)
      tpu.yield
    }) : () -> ()
    %dma_start3A_49 = arith.constant 1 : i32
    %dma_start3A_50 = arith.constant 0 : i32
    %dma_start3A_51 = arith.constant 0 : i32
    %dma_start3A_52 = tpu.memref_slice %arg4[%dma_start3A_49, %dma_start3A_50, %dma_start3A_51] : memref<2x100352x16xf32, #tpu.memory_space<hbm>> -> memref<1x100352x16xf32, #tpu.memory_space<hbm>>
    %dma_start3A_53 = tpu.memref_squeeze %dma_start3A_52 : memref<1x100352x16xf32, #tpu.memory_space<hbm>> -> memref<100352x16xf32, #tpu.memory_space<hbm>>
    %dma_start3A_54 = arith.constant 0 : i32
    %dma_start3A_55 = arith.constant 0 : i32
    %dma_start3A_56 = tpu.memref_slice %dma_start3A_53[%dma_start3A_54, %dma_start3A_55] : memref<100352x16xf32, #tpu.memory_space<hbm>> -> memref<100352x16xf32, #tpu.memory_space<hbm>>
    tpu.enqueue_indirect_dma source(%dma_start3A_56 : memref<100352x16xf32, #tpu.memory_space<hbm>>) target(%arg15 : memref<120x16xf32, #tpu.memory_space<vmem>>) offsets(%arg14 : memref<120xi32, #tpu.memory_space<vmem>>) semaphore(%arg16 : memref<!tpu.dma_semaphore, #tpu.memory_space<semaphore_mem>>)
    %dma_wait3A_57 = arith.constant 1 : i32
    %dma_wait3A_58 = arith.constant 0 : i32
    %dma_wait3A_59 = arith.constant 0 : i32
    %dma_wait3A_60 = tpu.memref_slice %arg4[%dma_wait3A_57, %dma_wait3A_58, %dma_wait3A_59] : memref<2x100352x16xf32, #tpu.memory_space<hbm>> -> memref<1x100352x16xf32, #tpu.memory_space<hbm>>
    %dma_wait3A_61 = tpu.memref_squeeze %dma_wait3A_60 : memref<1x100352x16xf32, #tpu.memory_space<hbm>> -> memref<100352x16xf32, #tpu.memory_space<hbm>>
    %dma_wait3A_62 = arith.constant 0 : i32
    %dma_wait3A_63 = arith.constant 0 : i32
    %dma_wait3A_64 = tpu.memref_slice %dma_wait3A_61[%dma_wait3A_62, %dma_wait3A_63] : memref<100352x16xf32, #tpu.memory_space<hbm>> -> memref<100352x16xf32, #tpu.memory_space<hbm>>
    tpu.wait_indirect_dma semaphore(%arg16 : memref<!tpu.dma_semaphore, #tpu.memory_space<semaphore_mem>>) src(%dma_wait3A_64 : memref<100352x16xf32, #tpu.memory_space<hbm>>) dst(%arg15 : memref<120x16xf32, #tpu.memory_space<vmem>>)
    "tpu.region"() ({
      %run_scoped3A = tpu.sem_alloc : memref<!tpu.dma_semaphore, #tpu.memory_space<semaphore_mem>>
      %dma_start3A_103 = arith.constant 0 : i32
      %dma_start3A_104 = tpu.memref_slice %arg10[%mul3A_2, %dma_start3A_103] : memref<3840x16xf32, #tpu.memory_space<hbm>> -> memref<120x16xf32, #tpu.memory_space<hbm>>
      %dma_start3A_105 = arith.constant 0 : i32
      %dma_start3A_106 = tpu.memref_slice %arg10[%mul3A_2, %dma_start3A_105] : memref<3840x16xf32, #tpu.memory_space<hbm>> -> memref<120x16xf32, #tpu.memory_space<hbm>>
      tpu.enqueue_dma source(%arg15 : memref<120x16xf32, #tpu.memory_space<vmem>>) target(%dma_start3A_106 : memref<120x16xf32, #tpu.memory_space<hbm>>) target_semaphore(%run_scoped3A : memref<!tpu.dma_semaphore, #tpu.memory_space<semaphore_mem>>)
      %dma_wait3A_107 = arith.constant 0 : i32
      %dma_wait3A_108 = tpu.memref_slice %arg10[%mul3A_2, %dma_wait3A_107] : memref<3840x16xf32, #tpu.memory_space<hbm>> -> memref<120x16xf32, #tpu.memory_space<hbm>>
      %dma_wait3A_109 = arith.constant 0 : i32
      %dma_wait3A_110 = tpu.memref_slice %arg10[%mul3A_2, %dma_wait3A_109] : memref<3840x16xf32, #tpu.memory_space<hbm>> -> memref<120x16xf32, #tpu.memory_space<hbm>>
      tpu.wait_dma2 semaphore(%run_scoped3A : memref<!tpu.dma_semaphore, #tpu.memory_space<semaphore_mem>>) src(%arg15 : memref<120x16xf32, #tpu.memory_space<vmem>>) dst(%dma_wait3A_110 : memref<120x16xf32, #tpu.memory_space<hbm>>)
      tpu.yield
    }) : () -> ()
    %dma_start3A_65 = arith.constant 0 : i32
    %dma_start3A_66 = arith.constant 0 : i32
    %dma_start3A_67 = arith.constant 0 : i32
    %dma_start3A_68 = tpu.memref_slice %arg5[%dma_start3A_65, %dma_start3A_66, %dma_start3A_67] : memref<2x100352x16xf32, #tpu.memory_space<hbm>> -> memref<1x100352x16xf32, #tpu.memory_space<hbm>>
    %dma_start3A_69 = tpu.memref_squeeze %dma_start3A_68 : memref<1x100352x16xf32, #tpu.memory_space<hbm>> -> memref<100352x16xf32, #tpu.memory_space<hbm>>
    %dma_start3A_70 = arith.constant 0 : i32
    %dma_start3A_71 = arith.constant 0 : i32
    %dma_start3A_72 = tpu.memref_slice %dma_start3A_69[%dma_start3A_70, %dma_start3A_71] : memref<100352x16xf32, #tpu.memory_space<hbm>> -> memref<100352x16xf32, #tpu.memory_space<hbm>>
    tpu.enqueue_indirect_dma source(%dma_start3A_72 : memref<100352x16xf32, #tpu.memory_space<hbm>>) target(%arg15 : memref<120x16xf32, #tpu.memory_space<vmem>>) offsets(%arg14 : memref<120xi32, #tpu.memory_space<vmem>>) semaphore(%arg16 : memref<!tpu.dma_semaphore, #tpu.memory_space<semaphore_mem>>)
    %dma_wait3A_73 = arith.constant 0 : i32
    %dma_wait3A_74 = arith.constant 0 : i32
    %dma_wait3A_75 = arith.constant 0 : i32
    %dma_wait3A_76 = tpu.memref_slice %arg5[%dma_wait3A_73, %dma_wait3A_74, %dma_wait3A_75] : memref<2x100352x16xf32, #tpu.memory_space<hbm>> -> memref<1x100352x16xf32, #tpu.memory_space<hbm>>
    %dma_wait3A_77 = tpu.memref_squeeze %dma_wait3A_76 : memref<1x100352x16xf32, #tpu.memory_space<hbm>> -> memref<100352x16xf32, #tpu.memory_space<hbm>>
    %dma_wait3A_78 = arith.constant 0 : i32
    %dma_wait3A_79 = arith.constant 0 : i32
    %dma_wait3A_80 = tpu.memref_slice %dma_wait3A_77[%dma_wait3A_78, %dma_wait3A_79] : memref<100352x16xf32, #tpu.memory_space<hbm>> -> memref<100352x16xf32, #tpu.memory_space<hbm>>
    tpu.wait_indirect_dma semaphore(%arg16 : memref<!tpu.dma_semaphore, #tpu.memory_space<semaphore_mem>>) src(%dma_wait3A_80 : memref<100352x16xf32, #tpu.memory_space<hbm>>) dst(%arg15 : memref<120x16xf32, #tpu.memory_space<vmem>>)
    "tpu.region"() ({
      %run_scoped3A = tpu.sem_alloc : memref<!tpu.dma_semaphore, #tpu.memory_space<semaphore_mem>>
      %dma_start3A_103 = arith.constant 0 : i32
      %dma_start3A_104 = tpu.memref_slice %arg11[%mul3A_2, %dma_start3A_103] : memref<3840x16xf32, #tpu.memory_space<hbm>> -> memref<120x16xf32, #tpu.memory_space<hbm>>
      %dma_start3A_105 = arith.constant 0 : i32
      %dma_start3A_106 = tpu.memref_slice %arg11[%mul3A_2, %dma_start3A_105] : memref<3840x16xf32, #tpu.memory_space<hbm>> -> memref<120x16xf32, #tpu.memory_space<hbm>>
      tpu.enqueue_dma source(%arg15 : memref<120x16xf32, #tpu.memory_space<vmem>>) target(%dma_start3A_106 : memref<120x16xf32, #tpu.memory_space<hbm>>) target_semaphore(%run_scoped3A : memref<!tpu.dma_semaphore, #tpu.memory_space<semaphore_mem>>)
      %dma_wait3A_107 = arith.constant 0 : i32
      %dma_wait3A_108 = tpu.memref_slice %arg11[%mul3A_2, %dma_wait3A_107] : memref<3840x16xf32, #tpu.memory_space<hbm>> -> memref<120x16xf32, #tpu.memory_space<hbm>>
      %dma_wait3A_109 = arith.constant 0 : i32
      %dma_wait3A_110 = tpu.memref_slice %arg11[%mul3A_2, %dma_wait3A_109] : memref<3840x16xf32, #tpu.memory_space<hbm>> -> memref<120x16xf32, #tpu.memory_space<hbm>>
      tpu.wait_dma2 semaphore(%run_scoped3A : memref<!tpu.dma_semaphore, #tpu.memory_space<semaphore_mem>>) src(%arg15 : memref<120x16xf32, #tpu.memory_space<vmem>>) dst(%dma_wait3A_110 : memref<120x16xf32, #tpu.memory_space<hbm>>)
      tpu.yield
    }) : () -> ()
    %dma_start3A_81 = arith.constant 1 : i32
    %dma_start3A_82 = arith.constant 0 : i32
    %dma_start3A_83 = arith.constant 0 : i32
    %dma_start3A_84 = tpu.memref_slice %arg5[%dma_start3A_81, %dma_start3A_82, %dma_start3A_83] : memref<2x100352x16xf32, #tpu.memory_space<hbm>> -> memref<1x100352x16xf32, #tpu.memory_space<hbm>>
    %dma_start3A_85 = tpu.memref_squeeze %dma_start3A_84 : memref<1x100352x16xf32, #tpu.memory_space<hbm>> -> memref<100352x16xf32, #tpu.memory_space<hbm>>
    %dma_start3A_86 = arith.constant 0 : i32
    %dma_start3A_87 = arith.constant 0 : i32
    %dma_start3A_88 = tpu.memref_slice %dma_start3A_85[%dma_start3A_86, %dma_start3A_87] : memref<100352x16xf32, #tpu.memory_space<hbm>> -> memref<100352x16xf32, #tpu.memory_space<hbm>>
    tpu.enqueue_indirect_dma source(%dma_start3A_88 : memref<100352x16xf32, #tpu.memory_space<hbm>>) target(%arg15 : memref<120x16xf32, #tpu.memory_space<vmem>>) offsets(%arg14 : memref<120xi32, #tpu.memory_space<vmem>>) semaphore(%arg16 : memref<!tpu.dma_semaphore, #tpu.memory_space<semaphore_mem>>)
    %dma_wait3A_89 = arith.constant 1 : i32
    %dma_wait3A_90 = arith.constant 0 : i32
    %dma_wait3A_91 = arith.constant 0 : i32
    %dma_wait3A_92 = tpu.memref_slice %arg5[%dma_wait3A_89, %dma_wait3A_90, %dma_wait3A_91] : memref<2x100352x16xf32, #tpu.memory_space<hbm>> -> memref<1x100352x16xf32, #tpu.memory_space<hbm>>
    %dma_wait3A_93 = tpu.memref_squeeze %dma_wait3A_92 : memref<1x100352x16xf32, #tpu.memory_space<hbm>> -> memref<100352x16xf32, #tpu.memory_space<hbm>>
    %dma_wait3A_94 = arith.constant 0 : i32
    %dma_wait3A_95 = arith.constant 0 : i32
    %dma_wait3A_96 = tpu.memref_slice %dma_wait3A_93[%dma_wait3A_94, %dma_wait3A_95] : memref<100352x16xf32, #tpu.memory_space<hbm>> -> memref<100352x16xf32, #tpu.memory_space<hbm>>
    tpu.wait_indirect_dma semaphore(%arg16 : memref<!tpu.dma_semaphore, #tpu.memory_space<semaphore_mem>>) src(%dma_wait3A_96 : memref<100352x16xf32, #tpu.memory_space<hbm>>) dst(%arg15 : memref<120x16xf32, #tpu.memory_space<vmem>>)
    "tpu.region"() ({
      %run_scoped3A = tpu.sem_alloc : memref<!tpu.dma_semaphore, #tpu.memory_space<semaphore_mem>>
      %dma_start3A_103 = arith.constant 0 : i32
      %dma_start3A_104 = tpu.memref_slice %arg12[%mul3A_2, %dma_start3A_103] : memref<3840x16xf32, #tpu.memory_space<hbm>> -> memref<120x16xf32, #tpu.memory_space<hbm>>
      %dma_start3A_105 = arith.constant 0 : i32
      %dma_start3A_106 = tpu.memref_slice %arg12[%mul3A_2, %dma_start3A_105] : memref<3840x16xf32, #tpu.memory_space<hbm>> -> memref<120x16xf32, #tpu.memory_space<hbm>>
      tpu.enqueue_dma source(%arg15 : memref<120x16xf32, #tpu.memory_space<vmem>>) target(%dma_start3A_106 : memref<120x16xf32, #tpu.memory_space<hbm>>) target_semaphore(%run_scoped3A : memref<!tpu.dma_semaphore, #tpu.memory_space<semaphore_mem>>)
      %dma_wait3A_107 = arith.constant 0 : i32
      %dma_wait3A_108 = tpu.memref_slice %arg12[%mul3A_2, %dma_wait3A_107] : memref<3840x16xf32, #tpu.memory_space<hbm>> -> memref<120x16xf32, #tpu.memory_space<hbm>>
      %dma_wait3A_109 = arith.constant 0 : i32
      %dma_wait3A_110 = tpu.memref_slice %arg12[%mul3A_2, %dma_wait3A_109] : memref<3840x16xf32, #tpu.memory_space<hbm>> -> memref<120x16xf32, #tpu.memory_space<hbm>>
      tpu.wait_dma2 semaphore(%run_scoped3A : memref<!tpu.dma_semaphore, #tpu.memory_space<semaphore_mem>>) src(%arg15 : memref<120x16xf32, #tpu.memory_space<vmem>>) dst(%dma_wait3A_110 : memref<120x16xf32, #tpu.memory_space<hbm>>)
      tpu.yield
    }) : () -> ()
    %dma_start3A_97 = arith.constant 0 : i32
    %dma_start3A_98 = arith.constant 0 : i32
    %dma_start3A_99 = tpu.memref_slice %arg6[%dma_start3A_97, %dma_start3A_98] : memref<100352x16xf32, #tpu.memory_space<hbm>> -> memref<100352x16xf32, #tpu.memory_space<hbm>>
    tpu.enqueue_indirect_dma source(%dma_start3A_99 : memref<100352x16xf32, #tpu.memory_space<hbm>>) target(%arg15 : memref<120x16xf32, #tpu.memory_space<vmem>>) offsets(%arg14 : memref<120xi32, #tpu.memory_space<vmem>>) semaphore(%arg16 : memref<!tpu.dma_semaphore, #tpu.memory_space<semaphore_mem>>)
    %dma_wait3A_100 = arith.constant 0 : i32
    %dma_wait3A_101 = arith.constant 0 : i32
    %dma_wait3A_102 = tpu.memref_slice %arg6[%dma_wait3A_100, %dma_wait3A_101] : memref<100352x16xf32, #tpu.memory_space<hbm>> -> memref<100352x16xf32, #tpu.memory_space<hbm>>
    tpu.wait_indirect_dma semaphore(%arg16 : memref<!tpu.dma_semaphore, #tpu.memory_space<semaphore_mem>>) src(%dma_wait3A_102 : memref<100352x16xf32, #tpu.memory_space<hbm>>) dst(%arg15 : memref<120x16xf32, #tpu.memory_space<vmem>>)
    "tpu.region"() ({
      %run_scoped3A = tpu.sem_alloc : memref<!tpu.dma_semaphore, #tpu.memory_space<semaphore_mem>>
      %dma_start3A_103 = arith.constant 0 : i32
      %dma_start3A_104 = tpu.memref_slice %arg13[%mul3A_2, %dma_start3A_103] : memref<3840x16xf32, #tpu.memory_space<hbm>> -> memref<120x16xf32, #tpu.memory_space<hbm>>
      %dma_start3A_105 = arith.constant 0 : i32
      %dma_start3A_106 = tpu.memref_slice %arg13[%mul3A_2, %dma_start3A_105] : memref<3840x16xf32, #tpu.memory_space<hbm>> -> memref<120x16xf32, #tpu.memory_space<hbm>>
      tpu.enqueue_dma source(%arg15 : memref<120x16xf32, #tpu.memory_space<vmem>>) target(%dma_start3A_106 : memref<120x16xf32, #tpu.memory_space<hbm>>) target_semaphore(%run_scoped3A : memref<!tpu.dma_semaphore, #tpu.memory_space<semaphore_mem>>)
      %dma_wait3A_107 = arith.constant 0 : i32
      %dma_wait3A_108 = tpu.memref_slice %arg13[%mul3A_2, %dma_wait3A_107] : memref<3840x16xf32, #tpu.memory_space<hbm>> -> memref<120x16xf32, #tpu.memory_space<hbm>>
      %dma_wait3A_109 = arith.constant 0 : i32
      %dma_wait3A_110 = tpu.memref_slice %arg13[%mul3A_2, %dma_wait3A_109] : memref<3840x16xf32, #tpu.memory_space<hbm>> -> memref<120x16xf32, #tpu.memory_space<hbm>>
      tpu.wait_dma2 semaphore(%run_scoped3A : memref<!tpu.dma_semaphore, #tpu.memory_space<semaphore_mem>>) src(%arg15 : memref<120x16xf32, #tpu.memory_space<vmem>>) dst(%dma_wait3A_110 : memref<120x16xf32, #tpu.memory_space<hbm>>)
      tpu.yield
    }) : () -> ()
    return
  }
}

module attributes {stable_mosaic.version = 14 : i64} {
  func.func @_premul_body(%arg0: memref<98x128xf32, #tpu.memory_space<vmem>>, %arg1: memref<10030x128xf32, #tpu.memory_space<vmem>>, %arg2: memref<21x128xf32, #tpu.memory_space<vmem>>, %arg3: memref<128x32xf32, #tpu.memory_space<vmem>>, %arg4: memref<98x32xf32, #tpu.memory_space<vmem>>, %arg5: memref<10030x32xf32, #tpu.memory_space<vmem>>, %arg6: memref<21x32xf32, #tpu.memory_space<vmem>>) attributes {dimension_semantics = [], scalar_prefetch = 0 : i64, scratch_operands = 0 : i64, tpu.core_type = #tpu.core_type<tc>} {
    %get3A = arith.constant 0 : index
    %get3A_0 = arith.constant 0 : index
    %get3A_1 = vector.load %arg0[%get3A, %get3A_0] : memref<98x128xf32, #tpu.memory_space<vmem>>, vector<98x128xf32>
    %get3A_2 = arith.constant 0 : index
    %get3A_3 = arith.constant 0 : index
    %get3A_4 = vector.load %arg3[%get3A_2, %get3A_3] : memref<128x32xf32, #tpu.memory_space<vmem>>, vector<128x32xf32>
    %dot_general3A = arith.constant dense<0.000000e+00> : vector<98x32xf32>
    %dot_general3A_5 = tpu.matmul %get3A_1, %get3A_4, %dot_general3A {dimension_numbers = #tpu.dot_dimension_numbers<[1], [0], [0], [1], [0, 0, 1, 1], [], []>, precision = #tpu.contract_precision<fp32>, transpose_lhs_hint = false} : vector<98x128xf32>, vector<128x32xf32>, vector<98x32xf32> -> vector<98x32xf32>
    %swap3A = arith.constant 0 : index
    %swap3A_6 = arith.constant 0 : index
    %swap3A_7 = vector.load %arg4[%swap3A, %swap3A_6] : memref<98x32xf32, #tpu.memory_space<vmem>>, vector<98x32xf32>
    tpu.vector_store %arg4[%swap3A, %swap3A_6], %dot_general3A_5 {strides = array<i32>} : memref<98x32xf32, #tpu.memory_space<vmem>>, vector<98x32xf32>,
    %get3A_8 = arith.constant 0 : index
    %get3A_9 = arith.constant 0 : index
    %get3A_10 = vector.load %arg1[%get3A_8, %get3A_9] : memref<10030x128xf32, #tpu.memory_space<vmem>>, vector<10030x128xf32>
    %get3A_11 = arith.constant 0 : index
    %get3A_12 = arith.constant 0 : index
    %get3A_13 = vector.load %arg3[%get3A_11, %get3A_12] : memref<128x32xf32, #tpu.memory_space<vmem>>, vector<128x32xf32>
    %dot_general3A_14 = arith.constant dense<0.000000e+00> : vector<10030x32xf32>
    %dot_general3A_15 = tpu.matmul %get3A_10, %get3A_13, %dot_general3A_14 {dimension_numbers = #tpu.dot_dimension_numbers<[1], [0], [0], [1], [0, 0, 1, 1], [], []>, precision = #tpu.contract_precision<fp32>, transpose_lhs_hint = false} : vector<10030x128xf32>, vector<128x32xf32>, vector<10030x32xf32> -> vector<10030x32xf32>
    %swap3A_16 = arith.constant 0 : index
    %swap3A_17 = arith.constant 0 : index
    %swap3A_18 = vector.load %arg5[%swap3A_16, %swap3A_17] : memref<10030x32xf32, #tpu.memory_space<vmem>>, vector<10030x32xf32>
    tpu.vector_store %arg5[%swap3A_16, %swap3A_17], %dot_general3A_15 {strides = array<i32>} : memref<10030x32xf32, #tpu.memory_space<vmem>>, vector<10030x32xf32>,
    %get3A_19 = arith.constant 0 : index
    %get3A_20 = arith.constant 0 : index
    %get3A_21 = vector.load %arg2[%get3A_19, %get3A_20] : memref<21x128xf32, #tpu.memory_space<vmem>>, vector<21x128xf32>
    %get3A_22 = arith.constant 0 : index
    %get3A_23 = arith.constant 0 : index
    %get3A_24 = vector.load %arg3[%get3A_22, %get3A_23] : memref<128x32xf32, #tpu.memory_space<vmem>>, vector<128x32xf32>
    %dot_general3A_25 = arith.constant dense<0.000000e+00> : vector<21x32xf32>
    %dot_general3A_26 = tpu.matmul %get3A_21, %get3A_24, %dot_general3A_25 {dimension_numbers = #tpu.dot_dimension_numbers<[1], [0], [0], [1], [0, 0, 1, 1], [], []>, precision = #tpu.contract_precision<fp32>, transpose_lhs_hint = false} : vector<21x128xf32>, vector<128x32xf32>, vector<21x32xf32> -> vector<21x32xf32>
    %swap3A_27 = arith.constant 0 : index
    %swap3A_28 = arith.constant 0 : index
    %swap3A_29 = vector.load %arg6[%swap3A_27, %swap3A_28] : memref<21x32xf32, #tpu.memory_space<vmem>>, vector<21x32xf32>
    tpu.vector_store %arg6[%swap3A_27, %swap3A_28], %dot_general3A_26 {strides = array<i32>} : memref<21x32xf32, #tpu.memory_space<vmem>>, vector<21x32xf32>,
    return
  }
}

module attributes {stable_mosaic.version = 14 : i64} {
  func.func @_prep1_body(%arg0: i32, %arg1: memref<2x1568x128xf32, #tpu.memory_space<vmem>>, %arg2: memref<1568x256xf32, #tpu.memory_space<vmem>>, %arg3: memref<128x128xf32, #tpu.memory_space<vmem>>, %arg4: memref<256x256xf32, #tpu.memory_space<vmem>>, %arg5: memref<1568x128xf32, #tpu.memory_space<vmem>>, %arg6: memref<2x1568x128xf32, #tpu.memory_space<vmem>>) attributes {dimension_semantics = [#tpu.dimension_semantics<arbitrary>], iteration_bounds = array<i64: 8>, scalar_prefetch = 0 : i64, scratch_operands = 0 : i64, tpu.core_type = #tpu.core_type<tc>, window_params = [{transform_indices = @transform_0, window_bounds = array<i64: 2, 1568, 128>}, {transform_indices = @transform_1, window_bounds = array<i64: 1568, 256>}, {pipeline_mode = #tpu.pipeline_mode<synchronous>, transform_indices = @transform_2, window_bounds = array<i64: 128, 128>}, {pipeline_mode = #tpu.pipeline_mode<synchronous>, transform_indices = @transform_3, window_bounds = array<i64: 256, 256>}, {transform_indices = @transform_4, window_bounds = array<i64: 1568, 128>}, {transform_indices = @transform_5, window_bounds = array<i64: 2, 1568, 128>}]} {
    %get3A = arith.constant 0 : index
    %get3A_0 = arith.constant 0 : index
    %get3A_1 = arith.constant 0 : index
    %get3A_2 = vector.load %arg1[%get3A, %get3A_0, %get3A_1] : memref<2x1568x128xf32, #tpu.memory_space<vmem>>, vector<1x1568x128xf32>
    %get3A_3 = vector.shape_cast %get3A_2 : vector<1x1568x128xf32> to vector<1568x128xf32>
    %get3A_4 = arith.constant 1 : index
    %get3A_5 = arith.constant 0 : index
    %get3A_6 = arith.constant 0 : index
    %get3A_7 = vector.load %arg1[%get3A_4, %get3A_5, %get3A_6] : memref<2x1568x128xf32, #tpu.memory_space<vmem>>, vector<1x1568x128xf32>
    %get3A_8 = vector.shape_cast %get3A_7 : vector<1x1568x128xf32> to vector<1568x128xf32>
    %add3A = arith.addf %get3A_3, %get3A_8 : vector<1568x128xf32>
    %get3A_9 = arith.constant 0 : index
    %get3A_10 = arith.constant 0 : index
    %get3A_11 = vector.load %arg3[%get3A_9, %get3A_10] : memref<128x128xf32, #tpu.memory_space<vmem>>, vector<128x128xf32>
    %dot_general3A = arith.constant dense<0.000000e+00> : vector<1568x128xf32>
    %dot_general3A_12 = tpu.matmul %add3A, %get3A_11, %dot_general3A {dimension_numbers = #tpu.dot_dimension_numbers<[1], [0], [0], [1], [0, 0, 1, 1], [], []>, precision = #tpu.contract_precision<fp32>, transpose_lhs_hint = false} : vector<1568x128xf32>, vector<128x128xf32>, vector<1568x128xf32> -> vector<1568x128xf32>
    %add3A_13 = arith.constant 1.000000e+00 : f32
    %add3A_14 = vector.broadcast %add3A_13 : f32 to vector<1568x128xf32>
    %add3A_15 = arith.addf %dot_general3A_12, %add3A_14 : vector<1568x128xf32>
    %rsqrt3A = math.rsqrt %add3A_15 : vector<1568x128xf32>
    %get3A_16 = arith.constant 0 : index
    %get3A_17 = arith.constant 0 : index
    %get3A_18 = vector.load %arg2[%get3A_16, %get3A_17] : memref<1568x256xf32, #tpu.memory_space<vmem>>, vector<1568x256xf32>
    %get3A_19 = arith.constant 0 : index
    %get3A_20 = arith.constant 0 : index
    %get3A_21 = vector.load %arg4[%get3A_19, %get3A_20] : memref<256x256xf32, #tpu.memory_space<vmem>>, vector<256x256xf32>
    %dot_general3A_22 = arith.constant dense<0.000000e+00> : vector<1568x256xf32>
    %dot_general3A_23 = tpu.matmul %get3A_18, %get3A_21, %dot_general3A_22 {dimension_numbers = #tpu.dot_dimension_numbers<[1], [0], [0], [1], [0, 0, 1, 1], [], []>, precision = #tpu.contract_precision<fp32>, transpose_lhs_hint = false} : vector<1568x256xf32>, vector<256x256xf32>, vector<1568x256xf32> -> vector<1568x256xf32>
    %swap3A = arith.constant 0 : index
    %swap3A_24 = arith.constant 0 : index
    %swap3A_25 = vector.load %arg5[%swap3A, %swap3A_24] : memref<1568x128xf32, #tpu.memory_space<vmem>>, vector<1568x128xf32>
    tpu.vector_store %arg5[%swap3A, %swap3A_24], %rsqrt3A {strides = array<i32>} : memref<1568x128xf32, #tpu.memory_space<vmem>>, vector<1568x128xf32>,
    %slice3A = vector.extract_strided_slice %dot_general3A_23 {offsets = [0, 0], sizes = [1568, 128], strides = [1, 1]} : vector<1568x256xf32> to vector<1568x128xf32>
    %mul3A = arith.mulf %rsqrt3A, %slice3A : vector<1568x128xf32>
    %slice3A_26 = vector.extract_strided_slice %dot_general3A_23 {offsets = [0, 128], sizes = [1568, 128], strides = [1, 1]} : vector<1568x256xf32> to vector<1568x128xf32>
    %mul3A_27 = arith.mulf %rsqrt3A, %slice3A_26 : vector<1568x128xf32>
    %stack3A = vector.shape_cast %mul3A : vector<1568x128xf32> to vector<1x1568x128xf32>
    %stack3A_28 = vector.shape_cast %mul3A_27 : vector<1568x128xf32> to vector<1x1568x128xf32>
    %stack3A_29 = tpu.concatenate %stack3A, %stack3A_28 in 0 : vector<1x1568x128xf32>, vector<1x1568x128xf32> -> vector<2x1568x128xf32>
    %swap3A_30 = arith.constant 0 : index
    %swap3A_31 = arith.constant 0 : index
    %swap3A_32 = arith.constant 0 : index
    %swap3A_33 = vector.load %arg6[%swap3A_30, %swap3A_31, %swap3A_32] : memref<2x1568x128xf32, #tpu.memory_space<vmem>>, vector<2x1568x128xf32>
    tpu.vector_store %arg6[%swap3A_30, %swap3A_31, %swap3A_32], %stack3A_29 {strides = array<i32>} : memref<2x1568x128xf32, #tpu.memory_space<vmem>>, vector<2x1568x128xf32>,
    return
  }
  func.func @transform_0(%arg0: i32) -> (i32, i32, i32) {
    %c0_i32 = arith.constant 0 : i32
    %c0_i32_0 = arith.constant 0 : i32
    %c0_i32_1 = arith.constant 0 : i32
    return %c0_i32, %arg0, %c0_i32_0 : i32, i32, i32
  }
  func.func @transform_1(%arg0: i32) -> (i32, i32) {
    %c0_i32 = arith.constant 0 : i32
    %c0_i32_0 = arith.constant 0 : i32
    return %arg0, %c0_i32 : i32, i32
  }
  func.func @transform_2(%arg0: i32) -> (i32, i32) {
    %c0_i32 = arith.constant 0 : i32
    %c0_i32_0 = arith.constant 0 : i32
    %c0_i32_1 = arith.constant 0 : i32
    return %c0_i32, %c0_i32_0 : i32, i32
  }
  func.func @transform_3(%arg0: i32) -> (i32, i32) {
    %c0_i32 = arith.constant 0 : i32
    %c0_i32_0 = arith.constant 0 : i32
    %c0_i32_1 = arith.constant 0 : i32
    return %c0_i32, %c0_i32_0 : i32, i32
  }
  func.func @transform_4(%arg0: i32) -> (i32, i32) {
    %c0_i32 = arith.constant 0 : i32
    %c0_i32_0 = arith.constant 0 : i32
    return %arg0, %c0_i32 : i32, i32
  }
  func.func @transform_5(%arg0: i32) -> (i32, i32, i32) {
    %c0_i32 = arith.constant 0 : i32
    %c0_i32_0 = arith.constant 0 : i32
    %c0_i32_1 = arith.constant 0 : i32
    return %c0_i32, %arg0, %c0_i32_0 : i32, i32, i32
  }
}

module attributes {stable_mosaic.version = 14 : i64} {
  func.func @_epi_body(%arg0: i32, %arg1: memref<2x1568x128xf32, #tpu.memory_space<vmem>>, %arg2: memref<2x1568x128xf32, #tpu.memory_space<vmem>>, %arg3: memref<1568x128xf32, #tpu.memory_space<vmem>>, %arg4: memref<1x256xf32, #tpu.memory_space<vmem>>, %arg5: memref<256x256xf32, #tpu.memory_space<vmem>>, %arg6: memref<2x1568x128xf32, #tpu.memory_space<vmem>>, %arg7: memref<2x1568x128xf32, #tpu.memory_space<vmem>>) attributes {dimension_semantics = [#tpu.dimension_semantics<arbitrary>], iteration_bounds = array<i64: 8>, scalar_prefetch = 0 : i64, scratch_operands = 0 : i64, tpu.core_type = #tpu.core_type<tc>, window_params = [{transform_indices = @transform_0, window_bounds = array<i64: 2, 1568, 128>}, {transform_indices = @transform_1, window_bounds = array<i64: 2, 1568, 128>}, {transform_indices = @transform_2, window_bounds = array<i64: 1568, 128>}, {pipeline_mode = #tpu.pipeline_mode<synchronous>, transform_indices = @transform_3, window_bounds = array<i64: 1, 256>}, {pipeline_mode = #tpu.pipeline_mode<synchronous>, transform_indices = @transform_4, window_bounds = array<i64: 256, 256>}, {transform_indices = @transform_5, window_bounds = array<i64: 2, 1568, 128>}, {transform_indices = @transform_6, window_bounds = array<i64: 2, 1568, 128>}]} {
    %get3A = arith.constant 0 : index
    %get3A_0 = arith.constant 0 : index
    %get3A_1 = vector.load %arg3[%get3A, %get3A_0] : memref<1568x128xf32, #tpu.memory_space<vmem>>, vector<1568x128xf32>
    %get3A_2 = arith.constant 0 : index
    %get3A_3 = arith.constant 0 : index
    %get3A_4 = arith.constant 0 : index
    %get3A_5 = vector.load %arg1[%get3A_2, %get3A_3, %get3A_4] : memref<2x1568x128xf32, #tpu.memory_space<vmem>>, vector<1x1568x128xf32>
    %get3A_6 = vector.shape_cast %get3A_5 : vector<1x1568x128xf32> to vector<1568x128xf32>
    %get3A_7 = arith.constant 0 : index
    %get3A_8 = arith.constant 0 : index
    %get3A_9 = arith.constant 0 : index
    %get3A_10 = vector.load %arg2[%get3A_7, %get3A_8, %get3A_9] : memref<2x1568x128xf32, #tpu.memory_space<vmem>>, vector<1x1568x128xf32>
    %get3A_11 = vector.shape_cast %get3A_10 : vector<1x1568x128xf32> to vector<1568x128xf32>
    %add3A = arith.addf %get3A_6, %get3A_11 : vector<1568x128xf32>
    %mul3A = arith.mulf %get3A_1, %add3A : vector<1568x128xf32>
    %get3A_12 = arith.constant 1 : index
    %get3A_13 = arith.constant 0 : index
    %get3A_14 = arith.constant 0 : index
    %get3A_15 = vector.load %arg1[%get3A_12, %get3A_13, %get3A_14] : memref<2x1568x128xf32, #tpu.memory_space<vmem>>, vector<1x1568x128xf32>
    %get3A_16 = vector.shape_cast %get3A_15 : vector<1x1568x128xf32> to vector<1568x128xf32>
    %get3A_17 = arith.constant 1 : index
    %get3A_18 = arith.constant 0 : index
    %get3A_19 = arith.constant 0 : index
    %get3A_20 = vector.load %arg2[%get3A_17, %get3A_18, %get3A_19] : memref<2x1568x128xf32, #tpu.memory_space<vmem>>, vector<1x1568x128xf32>
    %get3A_21 = vector.shape_cast %get3A_20 : vector<1x1568x128xf32> to vector<1568x128xf32>
    %add3A_22 = arith.addf %get3A_16, %get3A_21 : vector<1568x128xf32>
    %mul3A_23 = arith.mulf %get3A_1, %add3A_22 : vector<1568x128xf32>
    %concatenate3A = tpu.concatenate %mul3A, %mul3A_23 in 1 : vector<1568x128xf32>, vector<1568x128xf32> -> vector<1568x256xf32>
    %get3A_24 = arith.constant 0 : index
    %get3A_25 = arith.constant 0 : index
    %get3A_26 = vector.load %arg4[%get3A_24, %get3A_25] : memref<1x256xf32, #tpu.memory_space<vmem>>, vector<1x256xf32>
    %add3A_27 = vector.broadcast %get3A_26 : vector<1x256xf32> to vector<1568x256xf32>
    %add3A_28 = arith.addf %concatenate3A, %add3A_27 : vector<1568x256xf32>
    %tanh3A = math.tanh %add3A_28 : vector<1568x256xf32>
    %mul3A_29 = arith.constant 1568 : i32
    %mul3A_30 = arith.muli %arg0, %mul3A_29 : i32
    %iota3A = tpu.iota {dimensions = array<i32: 0>} : vector<1568x256xi32>
    %add3A_31 = vector.broadcast %mul3A_30 : i32 to vector<1568x256xi32>
    %add3A_32 = arith.addi %add3A_31, %iota3A : vector<1568x256xi32>
    %iota3A_33 = tpu.iota {dimensions = array<i32: 1>} : vector<1568x256xi32>
    %jit3A = arith.constant 128 : i32
    %eq3A = arith.constant 0 : i32
    %eq3A_34 = arith.cmpi eq, %jit3A, %eq3A : i32
    %jit3A_35 = arith.constant 1 : i32
    %select_n3A = arith.select %eq3A_34, %jit3A_35, %jit3A : i32
    %rem3A = vector.broadcast %select_n3A : i32 to vector<1568x256xi32>
    %rem3A_36 = arith.remsi %iota3A_33, %rem3A : vector<1568x256xi32>
    %ne3A = arith.constant 0 : i32
    %ne3A_37 = vector.broadcast %ne3A : i32 to vector<1568x256xi32>
    %ne3A_38 = arith.cmpi ne, %rem3A_36, %ne3A_37 : vector<1568x256xi32>
    %lt3A = arith.constant 0 : i32
    %lt3A_39 = vector.broadcast %lt3A : i32 to vector<1568x256xi32>
    %lt3A_40 = arith.cmpi slt, %rem3A_36, %lt3A_39 : vector<1568x256xi32>
    %lt3A_41 = arith.constant 0 : i32
    %lt3A_42 = arith.cmpi slt, %select_n3A, %lt3A_41 : i32
    %ne3A_43 = vector.broadcast %lt3A_42 : i1 to vector<1568x256xi1>
    %ne3A_44 = vector.broadcast %ne3A_43 : vector<1568x256xi1> to vector<1568x256xi1>
    %ne3A_45 = arith.xori %lt3A_40, %ne3A_44 : vector<1568x256xi1>
    %and3A = arith.andi %ne3A_45, %ne3A_38 : vector<1568x256xi1>
    %add3A_46 = vector.broadcast %select_n3A : i32 to vector<1568x256xi32>
    %add3A_47 = arith.addi %rem3A_36, %add3A_46 : vector<1568x256xi32>
    %select_n3A_48 = arith.select %and3A, %add3A_47, %rem3A_36 : vector<1568x256xi1>, vector<1568x256xi32>
    %jit3A_49 = arith.constant 16 : i32
    %div3A = vector.broadcast %jit3A_49 : i32 to vector<1568x256xi32>
    %div3A_50 = arith.divsi %select_n3A_48, %div3A : vector<1568x256xi32>
    %sign3A = arith.constant 0 : i32
    %sign3A_51 = vector.broadcast %sign3A : i32 to vector<1568x256xi32>
    %sign3A_52 = arith.cmpi sgt, %select_n3A_48, %sign3A_51 : vector<1568x256xi32>
    %sign3A_53 = arith.extui %sign3A_52 : vector<1568x256xi1> to vector<1568x256xi32>
    %sign3A_54 = arith.constant 0 : i32
    %sign3A_55 = vector.broadcast %sign3A_54 : i32 to vector<1568x256xi32>
    %sign3A_56 = arith.cmpi slt, %select_n3A_48, %sign3A_55 : vector<1568x256xi32>
    %sign3A_57 = arith.extui %sign3A_56 : vector<1568x256xi1> to vector<1568x256xi32>
    %sign3A_58 = arith.subi %sign3A_53, %sign3A_57 : vector<1568x256xi32>
    %sign3A_59 = arith.constant 0 : i32
    %sign3A_60 = arith.cmpi sgt, %jit3A_49, %sign3A_59 : i32
    %sign3A_61 = arith.extui %sign3A_60 : i1 to i32
    %sign3A_62 = arith.constant 0 : i32
    %sign3A_63 = arith.cmpi slt, %jit3A_49, %sign3A_62 : i32
    %sign3A_64 = arith.extui %sign3A_63 : i1 to i32
    %sign3A_65 = arith.subi %sign3A_61, %sign3A_64 : i32
    %ne3A_66 = vector.broadcast %sign3A_65 : i32 to vector<1568x256xi32>
    %ne3A_67 = arith.cmpi ne, %sign3A_58, %ne3A_66 : vector<1568x256xi32>
    %rem3A_68 = vector.broadcast %jit3A_49 : i32 to vector<1568x256xi32>
    %rem3A_69 = arith.remsi %select_n3A_48, %rem3A_68 : vector<1568x256xi32>
    %ne3A_70 = arith.constant 0 : i32
    %ne3A_71 = vector.broadcast %ne3A_70 : i32 to vector<1568x256xi32>
    %ne3A_72 = arith.cmpi ne, %rem3A_69, %ne3A_71 : vector<1568x256xi32>
    %and3A_73 = arith.andi %ne3A_67, %ne3A_72 : vector<1568x256xi1>
    %sub3A = arith.constant 1 : i32
    %sub3A_74 = vector.broadcast %sub3A : i32 to vector<1568x256xi32>
    %sub3A_75 = arith.subi %div3A_50, %sub3A_74 : vector<1568x256xi32>
    %select_n3A_76 = arith.select %and3A_73, %sub3A_75, %div3A_50 : vector<1568x256xi1>, vector<1568x256xi32>
    %mul3A_77 = arith.constant 8 : i32
    %mul3A_78 = vector.broadcast %mul3A_77 : i32 to vector<1568x256xi32>
    %mul3A_79 = arith.muli %add3A_32, %mul3A_78 : vector<1568x256xi32>
    %add3A_80 = arith.addi %mul3A_79, %select_n3A_76 : vector<1568x256xi32>
    %lt3A_81 = arith.constant 100000 : i32
    %lt3A_82 = vector.broadcast %lt3A_81 : i32 to vector<1568x256xi32>
    %lt3A_83 = arith.cmpi slt, %add3A_80, %lt3A_82 : vector<1568x256xi32>
    %jit3A_84 = arith.constant 0.000000e+00 : f32
    %broadcast_in_dim3A = vector.broadcast %jit3A_84 : f32 to vector<1568x256xf32>
    %select_n3A_85 = arith.select %lt3A_83, %tanh3A, %broadcast_in_dim3A : vector<1568x256xi1>, vector<1568x256xf32>
    %slice3A = vector.extract_strided_slice %select_n3A_85 {offsets = [0, 0], sizes = [1568, 128], strides = [1, 1]} : vector<1568x256xf32> to vector<1568x128xf32>
    %slice3A_86 = vector.extract_strided_slice %select_n3A_85 {offsets = [0, 128], sizes = [1568, 128], strides = [1, 1]} : vector<1568x256xf32> to vector<1568x128xf32>
    %stack3A = vector.shape_cast %slice3A : vector<1568x128xf32> to vector<1x1568x128xf32>
    %stack3A_87 = vector.shape_cast %slice3A_86 : vector<1568x128xf32> to vector<1x1568x128xf32>
    %stack3A_88 = tpu.concatenate %stack3A, %stack3A_87 in 0 : vector<1x1568x128xf32>, vector<1x1568x128xf32> -> vector<2x1568x128xf32>
    %swap3A = arith.constant 0 : index
    %swap3A_89 = arith.constant 0 : index
    %swap3A_90 = arith.constant 0 : index
    %swap3A_91 = vector.load %arg6[%swap3A, %swap3A_89, %swap3A_90] : memref<2x1568x128xf32, #tpu.memory_space<vmem>>, vector<2x1568x128xf32>
    tpu.vector_store %arg6[%swap3A, %swap3A_89, %swap3A_90], %stack3A_88 {strides = array<i32>} : memref<2x1568x128xf32, #tpu.memory_space<vmem>>, vector<2x1568x128xf32>,
    %get3A_92 = arith.constant 0 : index
    %get3A_93 = arith.constant 0 : index
    %get3A_94 = vector.load %arg5[%get3A_92, %get3A_93] : memref<256x256xf32, #tpu.memory_space<vmem>>, vector<256x256xf32>
    %dot_general3A = arith.constant dense<0.000000e+00> : vector<1568x256xf32>
    %dot_general3A_95 = tpu.matmul %select_n3A_85, %get3A_94, %dot_general3A {dimension_numbers = #tpu.dot_dimension_numbers<[1], [0], [0], [1], [0, 0, 1, 1], [], []>, precision = #tpu.contract_precision<fp32>, transpose_lhs_hint = false} : vector<1568x256xf32>, vector<256x256xf32>, vector<1568x256xf32> -> vector<1568x256xf32>
    %slice3A_96 = vector.extract_strided_slice %dot_general3A_95 {offsets = [0, 0], sizes = [1568, 128], strides = [1, 1]} : vector<1568x256xf32> to vector<1568x128xf32>
    %mul3A_97 = arith.mulf %get3A_1, %slice3A_96 : vector<1568x128xf32>
    %slice3A_98 = vector.extract_strided_slice %dot_general3A_95 {offsets = [0, 128], sizes = [1568, 128], strides = [1, 1]} : vector<1568x256xf32> to vector<1568x128xf32>
    %mul3A_99 = arith.mulf %get3A_1, %slice3A_98 : vector<1568x128xf32>
    %stack3A_100 = vector.shape_cast %mul3A_97 : vector<1568x128xf32> to vector<1x1568x128xf32>
    %stack3A_101 = vector.shape_cast %mul3A_99 : vector<1568x128xf32> to vector<1x1568x128xf32>
    %stack3A_102 = tpu.concatenate %stack3A_100, %stack3A_101 in 0 : vector<1x1568x128xf32>, vector<1x1568x128xf32> -> vector<2x1568x128xf32>
    %swap3A_103 = arith.constant 0 : index
    %swap3A_104 = arith.constant 0 : index
    %swap3A_105 = arith.constant 0 : index
    %swap3A_106 = vector.load %arg7[%swap3A_103, %swap3A_104, %swap3A_105] : memref<2x1568x128xf32, #tpu.memory_space<vmem>>, vector<2x1568x128xf32>
    tpu.vector_store %arg7[%swap3A_103, %swap3A_104, %swap3A_105], %stack3A_102 {strides = array<i32>} : memref<2x1568x128xf32, #tpu.memory_space<vmem>>, vector<2x1568x128xf32>,
    return
  }
  func.func @transform_0(%arg0: i32) -> (i32, i32, i32) {
    %c0_i32 = arith.constant 0 : i32
    %c0_i32_0 = arith.constant 0 : i32
    %c0_i32_1 = arith.constant 0 : i32
    return %c0_i32, %arg0, %c0_i32_0 : i32, i32, i32
  }
  func.func @transform_1(%arg0: i32) -> (i32, i32, i32) {
    %c0_i32 = arith.constant 0 : i32
    %c0_i32_0 = arith.constant 0 : i32
    %c0_i32_1 = arith.constant 0 : i32
    return %c0_i32, %arg0, %c0_i32_0 : i32, i32, i32
  }
  func.func @transform_2(%arg0: i32) -> (i32, i32) {
    %c0_i32 = arith.constant 0 : i32
    %c0_i32_0 = arith.constant 0 : i32
    return %arg0, %c0_i32 : i32, i32
  }
  func.func @transform_3(%arg0: i32) -> (i32, i32) {
    %c0_i32 = arith.constant 0 : i32
    %c0_i32_0 = arith.constant 0 : i32
    %c0_i32_1 = arith.constant 0 : i32
    return %c0_i32, %c0_i32_0 : i32, i32
  }
  func.func @transform_4(%arg0: i32) -> (i32, i32) {
    %c0_i32 = arith.constant 0 : i32
    %c0_i32_0 = arith.constant 0 : i32
    %c0_i32_1 = arith.constant 0 : i32
    return %c0_i32, %c0_i32_0 : i32, i32
  }
  func.func @transform_5(%arg0: i32) -> (i32, i32, i32) {
    %c0_i32 = arith.constant 0 : i32
    %c0_i32_0 = arith.constant 0 : i32
    %c0_i32_1 = arith.constant 0 : i32
    return %c0_i32, %arg0, %c0_i32_0 : i32, i32, i32
  }
  func.func @transform_6(%arg0: i32) -> (i32, i32, i32) {
    %c0_i32 = arith.constant 0 : i32
    %c0_i32_0 = arith.constant 0 : i32
    %c0_i32_1 = arith.constant 0 : i32
    return %c0_i32, %arg0, %c0_i32_0 : i32, i32, i32
  }
}

module attributes {stable_mosaic.version = 14 : i64} {
  func.func @_epi_body(%arg0: i32, %arg1: memref<2x1568x128xf32, #tpu.memory_space<vmem>>, %arg2: memref<2x1568x128xf32, #tpu.memory_space<vmem>>, %arg3: memref<1568x128xf32, #tpu.memory_space<vmem>>, %arg4: memref<1x256xf32, #tpu.memory_space<vmem>>, %arg5: memref<256x128xf32, #tpu.memory_space<vmem>>, %arg6: memref<2x1568x128xf32, #tpu.memory_space<vmem>>, %arg7: memref<2x1568x128xf32, #tpu.memory_space<vmem>>) attributes {dimension_semantics = [#tpu.dimension_semantics<arbitrary>], iteration_bounds = array<i64: 8>, scalar_prefetch = 0 : i64, scratch_operands = 0 : i64, tpu.core_type = #tpu.core_type<tc>, window_params = [{transform_indices = @transform_0, window_bounds = array<i64: 2, 1568, 128>}, {transform_indices = @transform_1, window_bounds = array<i64: 2, 1568, 128>}, {transform_indices = @transform_2, window_bounds = array<i64: 1568, 128>}, {pipeline_mode = #tpu.pipeline_mode<synchronous>, transform_indices = @transform_3, window_bounds = array<i64: 1, 256>}, {pipeline_mode = #tpu.pipeline_mode<synchronous>, transform_indices = @transform_4, window_bounds = array<i64: 256, 128>}, {transform_indices = @transform_5, window_bounds = array<i64: 2, 1568, 128>}, {transform_indices = @transform_6, window_bounds = array<i64: 2, 1568, 128>}]} {
    %get3A = arith.constant 0 : index
    %get3A_0 = arith.constant 0 : index
    %get3A_1 = vector.load %arg3[%get3A, %get3A_0] : memref<1568x128xf32, #tpu.memory_space<vmem>>, vector<1568x128xf32>
    %get3A_2 = arith.constant 0 : index
    %get3A_3 = arith.constant 0 : index
    %get3A_4 = arith.constant 0 : index
    %get3A_5 = vector.load %arg1[%get3A_2, %get3A_3, %get3A_4] : memref<2x1568x128xf32, #tpu.memory_space<vmem>>, vector<1x1568x128xf32>
    %get3A_6 = vector.shape_cast %get3A_5 : vector<1x1568x128xf32> to vector<1568x128xf32>
    %get3A_7 = arith.constant 0 : index
    %get3A_8 = arith.constant 0 : index
    %get3A_9 = arith.constant 0 : index
    %get3A_10 = vector.load %arg2[%get3A_7, %get3A_8, %get3A_9] : memref<2x1568x128xf32, #tpu.memory_space<vmem>>, vector<1x1568x128xf32>
    %get3A_11 = vector.shape_cast %get3A_10 : vector<1x1568x128xf32> to vector<1568x128xf32>
    %add3A = arith.addf %get3A_6, %get3A_11 : vector<1568x128xf32>
    %mul3A = arith.mulf %get3A_1, %add3A : vector<1568x128xf32>
    %get3A_12 = arith.constant 1 : index
    %get3A_13 = arith.constant 0 : index
    %get3A_14 = arith.constant 0 : index
    %get3A_15 = vector.load %arg1[%get3A_12, %get3A_13, %get3A_14] : memref<2x1568x128xf32, #tpu.memory_space<vmem>>, vector<1x1568x128xf32>
    %get3A_16 = vector.shape_cast %get3A_15 : vector<1x1568x128xf32> to vector<1568x128xf32>
    %get3A_17 = arith.constant 1 : index
    %get3A_18 = arith.constant 0 : index
    %get3A_19 = arith.constant 0 : index
    %get3A_20 = vector.load %arg2[%get3A_17, %get3A_18, %get3A_19] : memref<2x1568x128xf32, #tpu.memory_space<vmem>>, vector<1x1568x128xf32>
    %get3A_21 = vector.shape_cast %get3A_20 : vector<1x1568x128xf32> to vector<1568x128xf32>
    %add3A_22 = arith.addf %get3A_16, %get3A_21 : vector<1568x128xf32>
    %mul3A_23 = arith.mulf %get3A_1, %add3A_22 : vector<1568x128xf32>
    %concatenate3A = tpu.concatenate %mul3A, %mul3A_23 in 1 : vector<1568x128xf32>, vector<1568x128xf32> -> vector<1568x256xf32>
    %get3A_24 = arith.constant 0 : index
    %get3A_25 = arith.constant 0 : index
    %get3A_26 = vector.load %arg4[%get3A_24, %get3A_25] : memref<1x256xf32, #tpu.memory_space<vmem>>, vector<1x256xf32>
    %add3A_27 = vector.broadcast %get3A_26 : vector<1x256xf32> to vector<1568x256xf32>
    %add3A_28 = arith.addf %concatenate3A, %add3A_27 : vector<1568x256xf32>
    %tanh3A = math.tanh %add3A_28 : vector<1568x256xf32>
    %mul3A_29 = arith.constant 1568 : i32
    %mul3A_30 = arith.muli %arg0, %mul3A_29 : i32
    %iota3A = tpu.iota {dimensions = array<i32: 0>} : vector<1568x256xi32>
    %add3A_31 = vector.broadcast %mul3A_30 : i32 to vector<1568x256xi32>
    %add3A_32 = arith.addi %add3A_31, %iota3A : vector<1568x256xi32>
    %iota3A_33 = tpu.iota {dimensions = array<i32: 1>} : vector<1568x256xi32>
    %jit3A = arith.constant 128 : i32
    %eq3A = arith.constant 0 : i32
    %eq3A_34 = arith.cmpi eq, %jit3A, %eq3A : i32
    %jit3A_35 = arith.constant 1 : i32
    %select_n3A = arith.select %eq3A_34, %jit3A_35, %jit3A : i32
    %rem3A = vector.broadcast %select_n3A : i32 to vector<1568x256xi32>
    %rem3A_36 = arith.remsi %iota3A_33, %rem3A : vector<1568x256xi32>
    %ne3A = arith.constant 0 : i32
    %ne3A_37 = vector.broadcast %ne3A : i32 to vector<1568x256xi32>
    %ne3A_38 = arith.cmpi ne, %rem3A_36, %ne3A_37 : vector<1568x256xi32>
    %lt3A = arith.constant 0 : i32
    %lt3A_39 = vector.broadcast %lt3A : i32 to vector<1568x256xi32>
    %lt3A_40 = arith.cmpi slt, %rem3A_36, %lt3A_39 : vector<1568x256xi32>
    %lt3A_41 = arith.constant 0 : i32
    %lt3A_42 = arith.cmpi slt, %select_n3A, %lt3A_41 : i32
    %ne3A_43 = vector.broadcast %lt3A_42 : i1 to vector<1568x256xi1>
    %ne3A_44 = vector.broadcast %ne3A_43 : vector<1568x256xi1> to vector<1568x256xi1>
    %ne3A_45 = arith.xori %lt3A_40, %ne3A_44 : vector<1568x256xi1>
    %and3A = arith.andi %ne3A_45, %ne3A_38 : vector<1568x256xi1>
    %add3A_46 = vector.broadcast %select_n3A : i32 to vector<1568x256xi32>
    %add3A_47 = arith.addi %rem3A_36, %add3A_46 : vector<1568x256xi32>
    %select_n3A_48 = arith.select %and3A, %add3A_47, %rem3A_36 : vector<1568x256xi1>, vector<1568x256xi32>
    %jit3A_49 = arith.constant 16 : i32
    %div3A = vector.broadcast %jit3A_49 : i32 to vector<1568x256xi32>
    %div3A_50 = arith.divsi %select_n3A_48, %div3A : vector<1568x256xi32>
    %sign3A = arith.constant 0 : i32
    %sign3A_51 = vector.broadcast %sign3A : i32 to vector<1568x256xi32>
    %sign3A_52 = arith.cmpi sgt, %select_n3A_48, %sign3A_51 : vector<1568x256xi32>
    %sign3A_53 = arith.extui %sign3A_52 : vector<1568x256xi1> to vector<1568x256xi32>
    %sign3A_54 = arith.constant 0 : i32
    %sign3A_55 = vector.broadcast %sign3A_54 : i32 to vector<1568x256xi32>
    %sign3A_56 = arith.cmpi slt, %select_n3A_48, %sign3A_55 : vector<1568x256xi32>
    %sign3A_57 = arith.extui %sign3A_56 : vector<1568x256xi1> to vector<1568x256xi32>
    %sign3A_58 = arith.subi %sign3A_53, %sign3A_57 : vector<1568x256xi32>
    %sign3A_59 = arith.constant 0 : i32
    %sign3A_60 = arith.cmpi sgt, %jit3A_49, %sign3A_59 : i32
    %sign3A_61 = arith.extui %sign3A_60 : i1 to i32
    %sign3A_62 = arith.constant 0 : i32
    %sign3A_63 = arith.cmpi slt, %jit3A_49, %sign3A_62 : i32
    %sign3A_64 = arith.extui %sign3A_63 : i1 to i32
    %sign3A_65 = arith.subi %sign3A_61, %sign3A_64 : i32
    %ne3A_66 = vector.broadcast %sign3A_65 : i32 to vector<1568x256xi32>
    %ne3A_67 = arith.cmpi ne, %sign3A_58, %ne3A_66 : vector<1568x256xi32>
    %rem3A_68 = vector.broadcast %jit3A_49 : i32 to vector<1568x256xi32>
    %rem3A_69 = arith.remsi %select_n3A_48, %rem3A_68 : vector<1568x256xi32>
    %ne3A_70 = arith.constant 0 : i32
    %ne3A_71 = vector.broadcast %ne3A_70 : i32 to vector<1568x256xi32>
    %ne3A_72 = arith.cmpi ne, %rem3A_69, %ne3A_71 : vector<1568x256xi32>
    %and3A_73 = arith.andi %ne3A_67, %ne3A_72 : vector<1568x256xi1>
    %sub3A = arith.constant 1 : i32
    %sub3A_74 = vector.broadcast %sub3A : i32 to vector<1568x256xi32>
    %sub3A_75 = arith.subi %div3A_50, %sub3A_74 : vector<1568x256xi32>
    %select_n3A_76 = arith.select %and3A_73, %sub3A_75, %div3A_50 : vector<1568x256xi1>, vector<1568x256xi32>
    %mul3A_77 = arith.constant 8 : i32
    %mul3A_78 = vector.broadcast %mul3A_77 : i32 to vector<1568x256xi32>
    %mul3A_79 = arith.muli %add3A_32, %mul3A_78 : vector<1568x256xi32>
    %add3A_80 = arith.addi %mul3A_79, %select_n3A_76 : vector<1568x256xi32>
    %lt3A_81 = arith.constant 100000 : i32
    %lt3A_82 = vector.broadcast %lt3A_81 : i32 to vector<1568x256xi32>
    %lt3A_83 = arith.cmpi slt, %add3A_80, %lt3A_82 : vector<1568x256xi32>
    %jit3A_84 = arith.constant 0.000000e+00 : f32
    %broadcast_in_dim3A = vector.broadcast %jit3A_84 : f32 to vector<1568x256xf32>
    %select_n3A_85 = arith.select %lt3A_83, %tanh3A, %broadcast_in_dim3A : vector<1568x256xi1>, vector<1568x256xf32>
    %slice3A = vector.extract_strided_slice %select_n3A_85 {offsets = [0, 0], sizes = [1568, 128], strides = [1, 1]} : vector<1568x256xf32> to vector<1568x128xf32>
    %slice3A_86 = vector.extract_strided_slice %select_n3A_85 {offsets = [0, 128], sizes = [1568, 128], strides = [1, 1]} : vector<1568x256xf32> to vector<1568x128xf32>
    %stack3A = vector.shape_cast %slice3A : vector<1568x128xf32> to vector<1x1568x128xf32>
    %stack3A_87 = vector.shape_cast %slice3A_86 : vector<1568x128xf32> to vector<1x1568x128xf32>
    %stack3A_88 = tpu.concatenate %stack3A, %stack3A_87 in 0 : vector<1x1568x128xf32>, vector<1x1568x128xf32> -> vector<2x1568x128xf32>
    %swap3A = arith.constant 0 : index
    %swap3A_89 = arith.constant 0 : index
    %swap3A_90 = arith.constant 0 : index
    %swap3A_91 = vector.load %arg6[%swap3A, %swap3A_89, %swap3A_90] : memref<2x1568x128xf32, #tpu.memory_space<vmem>>, vector<2x1568x128xf32>
    tpu.vector_store %arg6[%swap3A, %swap3A_89, %swap3A_90], %stack3A_88 {strides = array<i32>} : memref<2x1568x128xf32, #tpu.memory_space<vmem>>, vector<2x1568x128xf32>,
    %get3A_92 = arith.constant 0 : index
    %get3A_93 = arith.constant 0 : index
    %get3A_94 = vector.load %arg5[%get3A_92, %get3A_93] : memref<256x128xf32, #tpu.memory_space<vmem>>, vector<256x128xf32>
    %dot_general3A = arith.constant dense<0.000000e+00> : vector<1568x128xf32>
    %dot_general3A_95 = tpu.matmul %select_n3A_85, %get3A_94, %dot_general3A {dimension_numbers = #tpu.dot_dimension_numbers<[1], [0], [0], [1], [0, 0, 1, 1], [], []>, precision = #tpu.contract_precision<fp32>, transpose_lhs_hint = false} : vector<1568x256xf32>, vector<256x128xf32>, vector<1568x128xf32> -> vector<1568x128xf32>
    %mul3A_96 = arith.mulf %get3A_1, %dot_general3A_95 : vector<1568x128xf32>
    %stack3A_97 = vector.shape_cast %mul3A_96 : vector<1568x128xf32> to vector<1x1568x128xf32>
    %stack3A_98 = vector.shape_cast %mul3A_96 : vector<1568x128xf32> to vector<1x1568x128xf32>
    %stack3A_99 = tpu.concatenate %stack3A_97, %stack3A_98 in 0 : vector<1x1568x128xf32>, vector<1x1568x128xf32> -> vector<2x1568x128xf32>
    %swap3A_100 = arith.constant 0 : index
    %swap3A_101 = arith.constant 0 : index
    %swap3A_102 = arith.constant 0 : index
    %swap3A_103 = vector.load %arg7[%swap3A_100, %swap3A_101, %swap3A_102] : memref<2x1568x128xf32, #tpu.memory_space<vmem>>, vector<2x1568x128xf32>
    tpu.vector_store %arg7[%swap3A_100, %swap3A_101, %swap3A_102], %stack3A_99 {strides = array<i32>} : memref<2x1568x128xf32, #tpu.memory_space<vmem>>, vector<2x1568x128xf32>,
    return
  }
  func.func @transform_0(%arg0: i32) -> (i32, i32, i32) {
    %c0_i32 = arith.constant 0 : i32
    %c0_i32_0 = arith.constant 0 : i32
    %c0_i32_1 = arith.constant 0 : i32
    return %c0_i32, %arg0, %c0_i32_0 : i32, i32, i32
  }
  func.func @transform_1(%arg0: i32) -> (i32, i32, i32) {
    %c0_i32 = arith.constant 0 : i32
    %c0_i32_0 = arith.constant 0 : i32
    %c0_i32_1 = arith.constant 0 : i32
    return %c0_i32, %arg0, %c0_i32_0 : i32, i32, i32
  }
  func.func @transform_2(%arg0: i32) -> (i32, i32) {
    %c0_i32 = arith.constant 0 : i32
    %c0_i32_0 = arith.constant 0 : i32
    return %arg0, %c0_i32 : i32, i32
  }
  func.func @transform_3(%arg0: i32) -> (i32, i32) {
    %c0_i32 = arith.constant 0 : i32
    %c0_i32_0 = arith.constant 0 : i32
    %c0_i32_1 = arith.constant 0 : i32
    return %c0_i32, %c0_i32_0 : i32, i32
  }
  func.func @transform_4(%arg0: i32) -> (i32, i32) {
    %c0_i32 = arith.constant 0 : i32
    %c0_i32_0 = arith.constant 0 : i32
    %c0_i32_1 = arith.constant 0 : i32
    return %c0_i32, %c0_i32_0 : i32, i32
  }
  func.func @transform_5(%arg0: i32) -> (i32, i32, i32) {
    %c0_i32 = arith.constant 0 : i32
    %c0_i32_0 = arith.constant 0 : i32
    %c0_i32_1 = arith.constant 0 : i32
    return %c0_i32, %arg0, %c0_i32_0 : i32, i32, i32
  }
  func.func @transform_6(%arg0: i32) -> (i32, i32, i32) {
    %c0_i32 = arith.constant 0 : i32
    %c0_i32_0 = arith.constant 0 : i32
    %c0_i32_1 = arith.constant 0 : i32
    return %c0_i32, %arg0, %c0_i32_0 : i32, i32, i32
  }
}

module attributes {stable_mosaic.version = 14 : i64} {
  func.func @_ends_body(%arg0: memref<392x256xf32, #tpu.memory_space<vmem>>, %arg1: memref<1x128xf32, #tpu.memory_space<vmem>>, %arg2: memref<1x128xf32, #tpu.memory_space<vmem>>) attributes {dimension_semantics = [], scalar_prefetch = 0 : i64, scratch_operands = 0 : i64, tpu.core_type = #tpu.core_type<tc>} {
    %iota3A = tpu.iota {dimensions = array<i32: 0>} : vector<128x256xi32>
    %convert_element_type3A = arith.sitofp %iota3A : vector<128x256xi32> to vector<128x256xf32>
    %broadcast_in_dim3A = arith.constant 0.000000e+00 : f32
    %broadcast_in_dim3A_0 = vector.broadcast %broadcast_in_dim3A : f32 to vector<128x256xf32>
    %scan3A = arith.constant 0 : i32
    %scan3A_1 = arith.constant 392 : i32
    %scan3A_2 = arith.addi %scan3A, %scan3A_1 : i32
    %scan3A_3 = arith.constant 1 : i32
    %scan3A_4:2 = scf.for %scan3A_15 = %scan3A to %scan3A_2 step %scan3A_3 iter_args(%scan3A_16 = %broadcast_in_dim3A_0, %scan3A_17 = %broadcast_in_dim3A_0) -> (vector<128x256xf32>, vector<128x256xf32>)  : i32 {
      %get3A = arith.index_cast %scan3A_15 : i32 to index
      %get3A_18 = arith.constant 0 : index
      %get3A_19 = vector.load %arg0[%get3A, %get3A_18] : memref<392x256xf32, #tpu.memory_space<vmem>>, vector<1x256xf32>
      %broadcast_in_dim3A_20 = vector.shape_cast %get3A_19 : vector<1x256xf32> to vector<1x256xf32>
      %broadcast_in_dim3A_21 = vector.broadcast %broadcast_in_dim3A_20 : vector<1x256xf32> to vector<128x256xf32>
      %lt3A = arith.cmpf olt, %broadcast_in_dim3A_21, %convert_element_type3A : vector<128x256xf32>
      %convert_element_type3A_22 = arith.extui %lt3A : vector<128x256xi1> to vector<128x256xi32>
      %convert_element_type3A_23 = arith.sitofp %convert_element_type3A_22 : vector<128x256xi32> to vector<128x256xf32>
      %add3A = arith.addf %scan3A_16, %convert_element_type3A_23 : vector<128x256xf32>
      %le3A = arith.cmpf ole, %broadcast_in_dim3A_21, %convert_element_type3A : vector<128x256xf32>
      %convert_element_type3A_24 = arith.extui %le3A : vector<128x256xi1> to vector<128x256xi32>
      %convert_element_type3A_25 = arith.sitofp %convert_element_type3A_24 : vector<128x256xi32> to vector<128x256xf32>
      %add3A_26 = arith.addf %scan3A_17, %convert_element_type3A_25 : vector<128x256xf32>
      scf.yield %add3A, %add3A_26 : vector<128x256xf32>, vector<128x256xf32>
    }
    %scan3A_5 = arith.constant 392 : i32
    %reduce_sum3A = arith.constant dense<0.000000e+00> : vector<128xf32>
    %reduce_sum3A_6 = vector.multi_reduction <add>, %scan3A_4#0, %reduce_sum3A [1] : vector<128x256xf32> to vector<128xf32>
    %reshape3A = vector.shape_cast %reduce_sum3A_6 : vector<128xf32> to vector<1x128xf32>
    %swap3A = arith.constant 0 : index
    %swap3A_7 = arith.constant 0 : index
    %swap3A_8 = vector.load %arg1[%swap3A, %swap3A_7] : memref<1x128xf32, #tpu.memory_space<vmem>>, vector<1x128xf32>
    tpu.vector_store %arg1[%swap3A, %swap3A_7], %reshape3A {strides = array<i32>} : memref<1x128xf32, #tpu.memory_space<vmem>>, vector<1x128xf32>,
    %reduce_sum3A_9 = arith.constant dense<0.000000e+00> : vector<128xf32>
    %reduce_sum3A_10 = vector.multi_reduction <add>, %scan3A_4#1, %reduce_sum3A_9 [1] : vector<128x256xf32> to vector<128xf32>
    %reshape3A_11 = vector.shape_cast %reduce_sum3A_10 : vector<128xf32> to vector<1x128xf32>
    %swap3A_12 = arith.constant 0 : index
    %swap3A_13 = arith.constant 0 : index
    %swap3A_14 = vector.load %arg2[%swap3A_12, %swap3A_13] : memref<1x128xf32, #tpu.memory_space<vmem>>, vector<1x128xf32>
    tpu.vector_store %arg2[%swap3A_12, %swap3A_13], %reshape3A_11 {strides = array<i32>} : memref<1x128xf32, #tpu.memory_space<vmem>>, vector<1x128xf32>,
    return
  }
}

module attributes {stable_mosaic.version = 14 : i64} {
  func.func @_epi4_body(%arg0: i32, %arg1: memref<2x1568x128xf32, #tpu.memory_space<vmem>>, %arg2: memref<2x1568x128xf32, #tpu.memory_space<vmem>>, %arg3: memref<1568x128xf32, #tpu.memory_space<vmem>>, %arg4: memref<1x128xf32, #tpu.memory_space<vmem>>, %arg5: memref<1568x128xf32, #tpu.memory_space<vmem>>) attributes {dimension_semantics = [#tpu.dimension_semantics<arbitrary>], iteration_bounds = array<i64: 8>, scalar_prefetch = 0 : i64, scratch_operands = 0 : i64, tpu.core_type = #tpu.core_type<tc>, window_params = [{transform_indices = @transform_0, window_bounds = array<i64: 2, 1568, 128>}, {transform_indices = @transform_1, window_bounds = array<i64: 2, 1568, 128>}, {transform_indices = @transform_2, window_bounds = array<i64: 1568, 128>}, {pipeline_mode = #tpu.pipeline_mode<synchronous>, transform_indices = @transform_3, window_bounds = array<i64: 1, 128>}, {transform_indices = @transform_4, window_bounds = array<i64: 1568, 128>}]} {
    %get3A = arith.constant 0 : index
    %get3A_0 = arith.constant 0 : index
    %get3A_1 = vector.load %arg3[%get3A, %get3A_0] : memref<1568x128xf32, #tpu.memory_space<vmem>>, vector<1568x128xf32>
    %get3A_2 = arith.constant 0 : index
    %get3A_3 = arith.constant 0 : index
    %get3A_4 = arith.constant 0 : index
    %get3A_5 = vector.load %arg1[%get3A_2, %get3A_3, %get3A_4] : memref<2x1568x128xf32, #tpu.memory_space<vmem>>, vector<1x1568x128xf32>
    %get3A_6 = vector.shape_cast %get3A_5 : vector<1x1568x128xf32> to vector<1568x128xf32>
    %get3A_7 = arith.constant 0 : index
    %get3A_8 = arith.constant 0 : index
    %get3A_9 = arith.constant 0 : index
    %get3A_10 = vector.load %arg2[%get3A_7, %get3A_8, %get3A_9] : memref<2x1568x128xf32, #tpu.memory_space<vmem>>, vector<1x1568x128xf32>
    %get3A_11 = vector.shape_cast %get3A_10 : vector<1x1568x128xf32> to vector<1568x128xf32>
    %add3A = arith.addf %get3A_6, %get3A_11 : vector<1568x128xf32>
    %mul3A = arith.mulf %get3A_1, %add3A : vector<1568x128xf32>
    %get3A_12 = arith.constant 0 : index
    %get3A_13 = arith.constant 0 : index
    %get3A_14 = vector.load %arg4[%get3A_12, %get3A_13] : memref<1x128xf32, #tpu.memory_space<vmem>>, vector<1x128xf32>
    %add3A_15 = vector.broadcast %get3A_14 : vector<1x128xf32> to vector<1568x128xf32>
    %add3A_16 = arith.addf %mul3A, %add3A_15 : vector<1568x128xf32>
    %tanh3A = math.tanh %add3A_16 : vector<1568x128xf32>
    %mul3A_17 = arith.constant 1568 : i32
    %mul3A_18 = arith.muli %arg0, %mul3A_17 : i32
    %iota3A = tpu.iota {dimensions = array<i32: 0>} : vector<1568x128xi32>
    %add3A_19 = vector.broadcast %mul3A_18 : i32 to vector<1568x128xi32>
    %add3A_20 = arith.addi %add3A_19, %iota3A : vector<1568x128xi32>
    %iota3A_21 = tpu.iota {dimensions = array<i32: 1>} : vector<1568x128xi32>
    %jit3A = arith.constant 16 : i32
    %div3A = vector.broadcast %jit3A : i32 to vector<1568x128xi32>
    %div3A_22 = arith.divsi %iota3A_21, %div3A : vector<1568x128xi32>
    %sign3A = arith.constant 0 : i32
    %sign3A_23 = vector.broadcast %sign3A : i32 to vector<1568x128xi32>
    %sign3A_24 = arith.cmpi sgt, %iota3A_21, %sign3A_23 : vector<1568x128xi32>
    %sign3A_25 = arith.extui %sign3A_24 : vector<1568x128xi1> to vector<1568x128xi32>
    %sign3A_26 = arith.constant 0 : i32
    %sign3A_27 = vector.broadcast %sign3A_26 : i32 to vector<1568x128xi32>
    %sign3A_28 = arith.cmpi slt, %iota3A_21, %sign3A_27 : vector<1568x128xi32>
    %sign3A_29 = arith.extui %sign3A_28 : vector<1568x128xi1> to vector<1568x128xi32>
    %sign3A_30 = arith.subi %sign3A_25, %sign3A_29 : vector<1568x128xi32>
    %sign3A_31 = arith.constant 0 : i32
    %sign3A_32 = arith.cmpi sgt, %jit3A, %sign3A_31 : i32
    %sign3A_33 = arith.extui %sign3A_32 : i1 to i32
    %sign3A_34 = arith.constant 0 : i32
    %sign3A_35 = arith.cmpi slt, %jit3A, %sign3A_34 : i32
    %sign3A_36 = arith.extui %sign3A_35 : i1 to i32
    %sign3A_37 = arith.subi %sign3A_33, %sign3A_36 : i32
    %ne3A = vector.broadcast %sign3A_37 : i32 to vector<1568x128xi32>
    %ne3A_38 = arith.cmpi ne, %sign3A_30, %ne3A : vector<1568x128xi32>
    %rem3A = vector.broadcast %jit3A : i32 to vector<1568x128xi32>
    %rem3A_39 = arith.remsi %iota3A_21, %rem3A : vector<1568x128xi32>
    %ne3A_40 = arith.constant 0 : i32
    %ne3A_41 = vector.broadcast %ne3A_40 : i32 to vector<1568x128xi32>
    %ne3A_42 = arith.cmpi ne, %rem3A_39, %ne3A_41 : vector<1568x128xi32>
    %and3A = arith.andi %ne3A_38, %ne3A_42 : vector<1568x128xi1>
    %sub3A = arith.constant 1 : i32
    %sub3A_43 = vector.broadcast %sub3A : i32 to vector<1568x128xi32>
    %sub3A_44 = arith.subi %div3A_22, %sub3A_43 : vector<1568x128xi32>
    %select_n3A = arith.select %and3A, %sub3A_44, %div3A_22 : vector<1568x128xi1>, vector<1568x128xi32>
    %mul3A_45 = arith.constant 8 : i32
    %mul3A_46 = vector.broadcast %mul3A_45 : i32 to vector<1568x128xi32>
    %mul3A_47 = arith.muli %add3A_20, %mul3A_46 : vector<1568x128xi32>
    %add3A_48 = arith.addi %mul3A_47, %select_n3A : vector<1568x128xi32>
    %lt3A = arith.constant 100000 : i32
    %lt3A_49 = vector.broadcast %lt3A : i32 to vector<1568x128xi32>
    %lt3A_50 = arith.cmpi slt, %add3A_48, %lt3A_49 : vector<1568x128xi32>
    %jit3A_51 = arith.constant 0.000000e+00 : f32
    %broadcast_in_dim3A = vector.broadcast %jit3A_51 : f32 to vector<1568x128xf32>
    %select_n3A_52 = arith.select %lt3A_50, %tanh3A, %broadcast_in_dim3A : vector<1568x128xi1>, vector<1568x128xf32>
    %swap3A = arith.constant 0 : index
    %swap3A_53 = arith.constant 0 : index
    %swap3A_54 = vector.load %arg5[%swap3A, %swap3A_53] : memref<1568x128xf32, #tpu.memory_space<vmem>>, vector<1568x128xf32>
    tpu.vector_store %arg5[%swap3A, %swap3A_53], %select_n3A_52 {strides = array<i32>} : memref<1568x128xf32, #tpu.memory_space<vmem>>, vector<1568x128xf32>,
    return
  }
  func.func @transform_0(%arg0: i32) -> (i32, i32, i32) {
    %c0_i32 = arith.constant 0 : i32
    %c0_i32_0 = arith.constant 0 : i32
    %c0_i32_1 = arith.constant 0 : i32
    return %c0_i32, %arg0, %c0_i32_0 : i32, i32, i32
  }
  func.func @transform_1(%arg0: i32) -> (i32, i32, i32) {
    %c0_i32 = arith.constant 0 : i32
    %c0_i32_0 = arith.constant 0 : i32
    %c0_i32_1 = arith.constant 0 : i32
    return %c0_i32, %arg0, %c0_i32_0 : i32, i32, i32
  }
  func.func @transform_2(%arg0: i32) -> (i32, i32) {
    %c0_i32 = arith.constant 0 : i32
    %c0_i32_0 = arith.constant 0 : i32
    return %arg0, %c0_i32 : i32, i32
  }
  func.func @transform_3(%arg0: i32) -> (i32, i32) {
    %c0_i32 = arith.constant 0 : i32
    %c0_i32_0 = arith.constant 0 : i32
    %c0_i32_1 = arith.constant 0 : i32
    return %c0_i32, %c0_i32_0 : i32, i32
  }
  func.func @transform_4(%arg0: i32) -> (i32, i32) {
    %c0_i32 = arith.constant 0 : i32
    %c0_i32_0 = arith.constant 0 : i32
    return %arg0, %c0_i32 : i32, i32
  }
}

module attributes {stable_mosaic.version = 14 : i64} {
  func.func @_rank_body(%arg0: i32, %arg1: memref<128x2xi32, #tpu.memory_space<smem>>, %arg2: memref<392x2xi32, #tpu.memory_space<smem>>, %arg3: memref<392x256xf32, #tpu.memory_space<vmem>>, %arg4: memref<392x256xf32, #tpu.memory_space<vmem>>, %arg5: memref<1x1x256xi32, #tpu.memory_space<vmem>>) attributes {dimension_semantics = [#tpu.dimension_semantics<arbitrary>], iteration_bounds = array<i64: 392>, scalar_prefetch = 0 : i64, scratch_operands = 0 : i64, tpu.core_type = #tpu.core_type<tc>, window_params = [{transform_indices = @transform_0, window_bounds = array<i64: 128, 2>}, {transform_indices = @transform_1, window_bounds = array<i64: 392, 2>}, {pipeline_mode = #tpu.pipeline_mode<synchronous>, transform_indices = @transform_2, window_bounds = array<i64: 392, 256>}, {pipeline_mode = #tpu.pipeline_mode<synchronous>, transform_indices = @transform_3, window_bounds = array<i64: 392, 256>}, {transform_indices = @transform_4, window_bounds = array<i64: 1, 1, 256>}]} {
    %get3A = arith.index_cast %arg0 : i32 to index
    %get3A_0 = arith.constant 0 : index
    %get3A_1 = memref.load %arg2[%get3A, %get3A_0] : memref<392x2xi32, #tpu.memory_space<smem>>
    %get3A_2 = arith.index_cast %arg0 : i32 to index
    %get3A_3 = arith.constant 1 : index
    %get3A_4 = memref.load %arg2[%get3A_2, %get3A_3] : memref<392x2xi32, #tpu.memory_space<smem>>
    %get3A_5 = arith.index_cast %get3A_1 : i32 to index
    %get3A_6 = arith.constant 0 : index
    %get3A_7 = memref.load %arg1[%get3A_5, %get3A_6] : memref<128x2xi32, #tpu.memory_space<smem>>
    %get3A_8 = arith.index_cast %get3A_4 : i32 to index
    %get3A_9 = arith.constant 1 : index
    %get3A_10 = memref.load %arg1[%get3A_8, %get3A_9] : memref<128x2xi32, #tpu.memory_space<smem>>
    %jit3A = arith.constant 256 : i32
    %div3A = arith.divsi %get3A_7, %jit3A : i32
    %sign3A = arith.constant 0 : i32
    %sign3A_11 = arith.cmpi sgt, %get3A_7, %sign3A : i32
    %sign3A_12 = arith.extui %sign3A_11 : i1 to i32
    %sign3A_13 = arith.constant 0 : i32
    %sign3A_14 = arith.cmpi slt, %get3A_7, %sign3A_13 : i32
    %sign3A_15 = arith.extui %sign3A_14 : i1 to i32
    %sign3A_16 = arith.subi %sign3A_12, %sign3A_15 : i32
    %sign3A_17 = arith.constant 0 : i32
    %sign3A_18 = arith.cmpi sgt, %jit3A, %sign3A_17 : i32
    %sign3A_19 = arith.extui %sign3A_18 : i1 to i32
    %sign3A_20 = arith.constant 0 : i32
    %sign3A_21 = arith.cmpi slt, %jit3A, %sign3A_20 : i32
    %sign3A_22 = arith.extui %sign3A_21 : i1 to i32
    %sign3A_23 = arith.subi %sign3A_19, %sign3A_22 : i32
    %ne3A = arith.cmpi ne, %sign3A_16, %sign3A_23 : i32
    %rem3A = arith.remsi %get3A_7, %jit3A : i32
    %ne3A_24 = arith.constant 0 : i32
    %ne3A_25 = arith.cmpi ne, %rem3A, %ne3A_24 : i32
    %and3A = arith.andi %ne3A, %ne3A_25 : i1
    %sub3A = arith.constant 1 : i32
    %sub3A_26 = arith.subi %div3A, %sub3A : i32
    %select_n3A = arith.select %and3A, %sub3A_26, %div3A : i32
    %add3A = arith.constant 256 : i32
    %add3A_27 = arith.addi %get3A_10, %add3A : i32
    %sub3A_28 = arith.constant 1 : i32
    %sub3A_29 = arith.subi %add3A_27, %sub3A_28 : i32
    %jit3A_30 = arith.constant 256 : i32
    %div3A_31 = arith.divsi %sub3A_29, %jit3A_30 : i32
    %sign3A_32 = arith.constant 0 : i32
    %sign3A_33 = arith.cmpi sgt, %sub3A_29, %sign3A_32 : i32
    %sign3A_34 = arith.extui %sign3A_33 : i1 to i32
    %sign3A_35 = arith.constant 0 : i32
    %sign3A_36 = arith.cmpi slt, %sub3A_29, %sign3A_35 : i32
    %sign3A_37 = arith.extui %sign3A_36 : i1 to i32
    %sign3A_38 = arith.subi %sign3A_34, %sign3A_37 : i32
    %sign3A_39 = arith.constant 0 : i32
    %sign3A_40 = arith.cmpi sgt, %jit3A_30, %sign3A_39 : i32
    %sign3A_41 = arith.extui %sign3A_40 : i1 to i32
    %sign3A_42 = arith.constant 0 : i32
    %sign3A_43 = arith.cmpi slt, %jit3A_30, %sign3A_42 : i32
    %sign3A_44 = arith.extui %sign3A_43 : i1 to i32
    %sign3A_45 = arith.subi %sign3A_41, %sign3A_44 : i32
    %ne3A_46 = arith.cmpi ne, %sign3A_38, %sign3A_45 : i32
    %rem3A_47 = arith.remsi %sub3A_29, %jit3A_30 : i32
    %ne3A_48 = arith.constant 0 : i32
    %ne3A_49 = arith.cmpi ne, %rem3A_47, %ne3A_48 : i32
    %and3A_50 = arith.andi %ne3A_46, %ne3A_49 : i1
    %sub3A_51 = arith.constant 1 : i32
    %sub3A_52 = arith.subi %div3A_31, %sub3A_51 : i32
    %select_n3A_53 = arith.select %and3A_50, %sub3A_52, %div3A_31 : i32
    %get3A_54 = arith.index_cast %arg0 : i32 to index
    %get3A_55 = arith.constant 0 : index
    %get3A_56 = vector.load %arg3[%get3A_54, %get3A_55] : memref<392x256xf32, #tpu.memory_space<vmem>>, vector<1x256xf32>
    %broadcast_in_dim3A = vector.shape_cast %get3A_56 : vector<1x256xf32> to vector<1x256xf32>
    %broadcast_in_dim3A_57 = vector.broadcast %broadcast_in_dim3A : vector<1x256xf32> to vector<256x256xf32>
    %transpose3A = tpu.transpose %broadcast_in_dim3A_57, [1, 0] : vector<256x256xf32> -> vector<256x256xf32>
    %get3A_58 = arith.index_cast %arg0 : i32 to index
    %get3A_59 = arith.constant 0 : index
    %get3A_60 = vector.load %arg4[%get3A_58, %get3A_59] : memref<392x256xf32, #tpu.memory_space<vmem>>, vector<1x256xf32>
    %broadcast_in_dim3A_61 = vector.shape_cast %get3A_60 : vector<1x256xf32> to vector<1x256xf32>
    %broadcast_in_dim3A_62 = vector.broadcast %broadcast_in_dim3A_61 : vector<1x256xf32> to vector<256x256xf32>
    %transpose3A_63 = tpu.transpose %broadcast_in_dim3A_62, [1, 0] : vector<256x256xf32> -> vector<256x256xf32>
    %iota3A = tpu.iota {dimensions = array<i32: 0>} : vector<256x256xi32>
    %mul3A = arith.constant 256 : i32
    %mul3A_64 = arith.muli %arg0, %mul3A : i32
    %add3A_65 = vector.broadcast %mul3A_64 : i32 to vector<256x256xi32>
    %add3A_66 = arith.addi %iota3A, %add3A_65 : vector<256x256xi32>
    %broadcast_in_dim3A_67 = arith.constant 0.000000e+00 : f32
    %broadcast_in_dim3A_68 = vector.broadcast %broadcast_in_dim3A_67 : f32 to vector<256x256xf32>
    %while3A = arith.subi %select_n3A_53, %select_n3A : i32
    %while3A_69 = arith.addi %select_n3A, %while3A : i32
    %while3A_70 = arith.constant 1 : i32
    %while3A_71 = arith.divsi %while3A, %while3A_70 : i32
    %while3A_72 = arith.muli %while3A_71, %while3A_70 : i32
    %while3A_73 = arith.addi %select_n3A, %while3A_72 : i32
    %while3A_74 = arith.constant 1 : i32
    %while3A_75 = scf.for %while3A_100 = %select_n3A to %while3A_73 step %while3A_74 iter_args(%while3A_101 = %broadcast_in_dim3A_68) -> (vector<256x256xf32>)  : i32 {
      %get3A_102 = arith.index_cast %while3A_100 : i32 to index
      %get3A_103 = arith.constant 0 : index
      %get3A_104 = vector.load %arg3[%get3A_102, %get3A_103] : memref<392x256xf32, #tpu.memory_space<vmem>>, vector<1x256xf32>
      %broadcast_in_dim3A_105 = vector.shape_cast %get3A_104 : vector<1x256xf32> to vector<1x256xf32>
      %broadcast_in_dim3A_106 = vector.broadcast %broadcast_in_dim3A_105 : vector<1x256xf32> to vector<256x256xf32>
      %get3A_107 = arith.index_cast %while3A_100 : i32 to index
      %get3A_108 = arith.constant 0 : index
      %get3A_109 = vector.load %arg4[%get3A_107, %get3A_108] : memref<392x256xf32, #tpu.memory_space<vmem>>, vector<1x256xf32>
      %broadcast_in_dim3A_110 = vector.shape_cast %get3A_109 : vector<1x256xf32> to vector<1x256xf32>
      %broadcast_in_dim3A_111 = vector.broadcast %broadcast_in_dim3A_110 : vector<1x256xf32> to vector<256x256xf32>
      %iota3A_112 = tpu.iota {dimensions = array<i32: 1>} : vector<256x256xi32>
      %mul3A_113 = arith.constant 256 : i32
      %mul3A_114 = arith.muli %while3A_100, %mul3A_113 : i32
      %add3A_115 = vector.broadcast %mul3A_114 : i32 to vector<256x256xi32>
      %add3A_116 = arith.addi %iota3A_112, %add3A_115 : vector<256x256xi32>
      %gt3A = arith.cmpf ogt, %broadcast_in_dim3A_106, %transpose3A : vector<256x256xf32>
      %eq3A = arith.cmpf oeq, %broadcast_in_dim3A_106, %transpose3A : vector<256x256xf32>
      %lt3A_117 = arith.cmpi slt, %add3A_116, %add3A_66 : vector<256x256xi32>
      %and3A_118 = arith.andi %eq3A, %lt3A_117 : vector<256x256xi1>
      %or3A = arith.ori %gt3A, %and3A_118 : vector<256x256xi1>
      %eq3A_119 = arith.cmpf oeq, %broadcast_in_dim3A_111, %transpose3A_63 : vector<256x256xf32>
      %and3A_120 = arith.andi %eq3A_119, %or3A : vector<256x256xi1>
      %convert_element_type3A_121 = arith.extui %and3A_120 : vector<256x256xi1> to vector<256x256xi32>
      %convert_element_type3A_122 = arith.sitofp %convert_element_type3A_121 : vector<256x256xi32> to vector<256x256xf32>
      %add3A_123 = arith.addf %while3A_101, %convert_element_type3A_122 : vector<256x256xf32>
      scf.yield %add3A_123 : vector<256x256xf32>
    }
    %while3A_76 = arith.constant 1 : i32
    %while3A_77 = scf.for %while3A_100 = %while3A_73 to %while3A_69 step %while3A_76 iter_args(%while3A_101 = %while3A_75) -> (vector<256x256xf32>)  : i32 {
      %get3A_102 = arith.index_cast %while3A_100 : i32 to index
      %get3A_103 = arith.constant 0 : index
      %get3A_104 = vector.load %arg3[%get3A_102, %get3A_103] : memref<392x256xf32, #tpu.memory_space<vmem>>, vector<1x256xf32>
      %broadcast_in_dim3A_105 = vector.shape_cast %get3A_104 : vector<1x256xf32> to vector<1x256xf32>
      %broadcast_in_dim3A_106 = vector.broadcast %broadcast_in_dim3A_105 : vector<1x256xf32> to vector<256x256xf32>
      %get3A_107 = arith.index_cast %while3A_100 : i32 to index
      %get3A_108 = arith.constant 0 : index
      %get3A_109 = vector.load %arg4[%get3A_107, %get3A_108] : memref<392x256xf32, #tpu.memory_space<vmem>>, vector<1x256xf32>
      %broadcast_in_dim3A_110 = vector.shape_cast %get3A_109 : vector<1x256xf32> to vector<1x256xf32>
      %broadcast_in_dim3A_111 = vector.broadcast %broadcast_in_dim3A_110 : vector<1x256xf32> to vector<256x256xf32>
      %iota3A_112 = tpu.iota {dimensions = array<i32: 1>} : vector<256x256xi32>
      %mul3A_113 = arith.constant 256 : i32
      %mul3A_114 = arith.muli %while3A_100, %mul3A_113 : i32
      %add3A_115 = vector.broadcast %mul3A_114 : i32 to vector<256x256xi32>
      %add3A_116 = arith.addi %iota3A_112, %add3A_115 : vector<256x256xi32>
      %gt3A = arith.cmpf ogt, %broadcast_in_dim3A_106, %transpose3A : vector<256x256xf32>
      %eq3A = arith.cmpf oeq, %broadcast_in_dim3A_106, %transpose3A : vector<256x256xf32>
      %lt3A_117 = arith.cmpi slt, %add3A_116, %add3A_66 : vector<256x256xi32>
      %and3A_118 = arith.andi %eq3A, %lt3A_117 : vector<256x256xi1>
      %or3A = arith.ori %gt3A, %and3A_118 : vector<256x256xi1>
      %eq3A_119 = arith.cmpf oeq, %broadcast_in_dim3A_111, %transpose3A_63 : vector<256x256xf32>
      %and3A_120 = arith.andi %eq3A_119, %or3A : vector<256x256xi1>
      %convert_element_type3A_121 = arith.extui %and3A_120 : vector<256x256xi1> to vector<256x256xi32>
      %convert_element_type3A_122 = arith.sitofp %convert_element_type3A_121 : vector<256x256xi32> to vector<256x256xf32>
      %add3A_123 = arith.addf %while3A_101, %convert_element_type3A_122 : vector<256x256xf32>
      scf.yield %add3A_123 : vector<256x256xf32>
    }
    %reduce_sum3A = arith.constant dense<0.000000e+00> : vector<256xf32>
    %reduce_sum3A_78 = vector.multi_reduction <add>, %while3A_77, %reduce_sum3A [1] : vector<256x256xf32> to vector<256xf32>
    %convert_element_type3A = arith.fptosi %reduce_sum3A_78 : vector<256xf32> to vector<256xi32>
    %reshape3A = vector.shape_cast %convert_element_type3A : vector<256xi32> to vector<1x256xi32>
    %get3A_79 = arith.index_cast %arg0 : i32 to index
    %get3A_80 = arith.constant 0 : index
    %get3A_81 = vector.load %arg4[%get3A_79, %get3A_80] : memref<392x256xf32, #tpu.memory_space<vmem>>, vector<1x256xf32>
    %convert_element_type3A_82 = arith.fptosi %get3A_81 : vector<1x256xf32> to vector<1x256xi32>
    %lt3A = arith.constant 128 : i32
    %lt3A_83 = vector.broadcast %lt3A : i32 to vector<1x256xi32>
    %lt3A_84 = arith.cmpi slt, %convert_element_type3A_82, %lt3A_83 : vector<1x256xi32>
    %lt3A_85 = arith.constant 30 : i32
    %lt3A_86 = vector.broadcast %lt3A_85 : i32 to vector<1x256xi32>
    %lt3A_87 = arith.cmpi slt, %reshape3A, %lt3A_86 : vector<1x256xi32>
    %and3A_88 = arith.andi %lt3A_84, %lt3A_87 : vector<1x256xi1>
    %mul3A_89 = arith.constant 30 : i32
    %mul3A_90 = vector.broadcast %mul3A_89 : i32 to vector<1x256xi32>
    %mul3A_91 = arith.muli %convert_element_type3A_82, %mul3A_90 : vector<1x256xi32>
    %add3A_92 = arith.addi %mul3A_91, %reshape3A : vector<1x256xi32>
    %jit3A_93 = arith.constant 3840 : i32
    %broadcast_in_dim3A_94 = vector.broadcast %jit3A_93 : i32 to vector<1x256xi32>
    %select_n3A_95 = arith.select %and3A_88, %add3A_92, %broadcast_in_dim3A_94 : vector<1x256xi1>, vector<1x256xi32>
    %broadcast_in_dim3A_96 = vector.shape_cast %select_n3A_95 : vector<1x256xi32> to vector<1x1x256xi32>
    %swap3A = arith.constant 0 : index
    %swap3A_97 = arith.constant 0 : index
    %swap3A_98 = arith.constant 0 : index
    %swap3A_99 = vector.load %arg5[%swap3A, %swap3A_97, %swap3A_98] : memref<1x1x256xi32, #tpu.memory_space<vmem>>, vector<1x1x256xi32>
    tpu.vector_store %arg5[%swap3A, %swap3A_97, %swap3A_98], %broadcast_in_dim3A_96 {strides = array<i32>} : memref<1x1x256xi32, #tpu.memory_space<vmem>>, vector<1x1x256xi32>,
    return
  }
  func.func @transform_0(%arg0: i32) -> (i32, i32) {
    %c0_i32 = arith.constant 0 : i32
    %c0_i32_0 = arith.constant 0 : i32
    %c0_i32_1 = arith.constant 0 : i32
    return %c0_i32, %c0_i32_0 : i32, i32
  }
  func.func @transform_1(%arg0: i32) -> (i32, i32) {
    %c0_i32 = arith.constant 0 : i32
    %c0_i32_0 = arith.constant 0 : i32
    %c0_i32_1 = arith.constant 0 : i32
    return %c0_i32, %c0_i32_0 : i32, i32
  }
  func.func @transform_2(%arg0: i32) -> (i32, i32) {
    %c0_i32 = arith.constant 0 : i32
    %c0_i32_0 = arith.constant 0 : i32
    %c0_i32_1 = arith.constant 0 : i32
    return %c0_i32, %c0_i32_0 : i32, i32
  }
  func.func @transform_3(%arg0: i32) -> (i32, i32) {
    %c0_i32 = arith.constant 0 : i32
    %c0_i32_0 = arith.constant 0 : i32
    %c0_i32_1 = arith.constant 0 : i32
    return %c0_i32, %c0_i32_0 : i32, i32
  }
  func.func @transform_4(%arg0: i32) -> (i32, i32, i32) {
    %c0_i32 = arith.constant 0 : i32
    %c0_i32_0 = arith.constant 0 : i32
    %c0_i32_1 = arith.constant 0 : i32
    return %arg0, %c0_i32, %c0_i32_0 : i32, i32, i32
  }
}

module attributes {stable_mosaic.version = 14 : i64} {
  func.func @_head1_body(%arg0: memref<3840x16xf32, #tpu.memory_space<vmem>>, %arg1: memref<3840x16xf32, #tpu.memory_space<vmem>>, %arg2: memref<3840x16xf32, #tpu.memory_space<vmem>>, %arg3: memref<3840x16xf32, #tpu.memory_space<vmem>>, %arg4: memref<3840x16xf32, #tpu.memory_space<vmem>>, %arg5: memref<3840x16xf32, #tpu.memory_space<vmem>>, %arg6: memref<3840x16xf32, #tpu.memory_space<vmem>>, %arg7: memref<97x16xf32, #tpu.memory_space<vmem>>, %arg8: memref<1x16xf32, #tpu.memory_space<vmem>>, %arg9: memref<5x16x32xf32, #tpu.memory_space<vmem>>, %arg10: memref<1x1x32xf32, #tpu.memory_space<vmem>>, %arg11: memref<128x352xf32, #tpu.memory_space<vmem>>) attributes {dimension_semantics = [], scalar_prefetch = 0 : i64, scratch_operands = 0 : i64, tpu.core_type = #tpu.core_type<tc>} {
    %get3A = arith.constant 0 : index
    %get3A_0 = arith.constant 0 : index
    %get3A_1 = vector.load %arg0[%get3A, %get3A_0] : memref<3840x16xf32, #tpu.memory_space<vmem>>, vector<3840x16xf32>
    %get3A_2 = arith.constant 0 : index
    %get3A_3 = arith.constant 0 : index
    %get3A_4 = vector.load %arg7[%get3A_2, %get3A_3] : memref<97x16xf32, #tpu.memory_space<vmem>>, vector<16x16xf32>
    %dot_general3A = arith.constant dense<0.000000e+00> : vector<3840x16xf32>
    %dot_general3A_5 = tpu.matmul %get3A_1, %get3A_4, %dot_general3A {dimension_numbers = #tpu.dot_dimension_numbers<[1], [0], [0], [1], [0, 0, 1, 1], [], []>, precision = #tpu.contract_precision<fp32>, transpose_lhs_hint = false} : vector<3840x16xf32>, vector<16x16xf32>, vector<3840x16xf32> -> vector<3840x16xf32>
    %get3A_6 = arith.constant 0 : index
    %get3A_7 = arith.constant 0 : index
    %get3A_8 = vector.load %arg1[%get3A_6, %get3A_7] : memref<3840x16xf32, #tpu.memory_space<vmem>>, vector<3840x16xf32>
    %get3A_9 = arith.constant 16 : index
    %get3A_10 = arith.constant 0 : index
    %get3A_11 = vector.load %arg7[%get3A_9, %get3A_10] : memref<97x16xf32, #tpu.memory_space<vmem>>, vector<16x16xf32>
    %dot_general3A_12 = arith.constant dense<0.000000e+00> : vector<3840x16xf32>
    %dot_general3A_13 = tpu.matmul %get3A_8, %get3A_11, %dot_general3A_12 {dimension_numbers = #tpu.dot_dimension_numbers<[1], [0], [0], [1], [0, 0, 1, 1], [], []>, precision = #tpu.contract_precision<fp32>, transpose_lhs_hint = false} : vector<3840x16xf32>, vector<16x16xf32>, vector<3840x16xf32> -> vector<3840x16xf32>
    %add3A = arith.addf %dot_general3A_5, %dot_general3A_13 : vector<3840x16xf32>
    %get3A_14 = arith.constant 0 : index
    %get3A_15 = arith.constant 0 : index
    %get3A_16 = vector.load %arg2[%get3A_14, %get3A_15] : memref<3840x16xf32, #tpu.memory_space<vmem>>, vector<3840x16xf32>
    %get3A_17 = arith.constant 32 : index
    %get3A_18 = arith.constant 0 : index
    %get3A_19 = vector.load %arg7[%get3A_17, %get3A_18] : memref<97x16xf32, #tpu.memory_space<vmem>>, vector<16x16xf32>
    %dot_general3A_20 = arith.constant dense<0.000000e+00> : vector<3840x16xf32>
    %dot_general3A_21 = tpu.matmul %get3A_16, %get3A_19, %dot_general3A_20 {dimension_numbers = #tpu.dot_dimension_numbers<[1], [0], [0], [1], [0, 0, 1, 1], [], []>, precision = #tpu.contract_precision<fp32>, transpose_lhs_hint = false} : vector<3840x16xf32>, vector<16x16xf32>, vector<3840x16xf32> -> vector<3840x16xf32>
    %add3A_22 = arith.addf %add3A, %dot_general3A_21 : vector<3840x16xf32>
    %get3A_23 = arith.constant 0 : index
    %get3A_24 = arith.constant 0 : index
    %get3A_25 = vector.load %arg3[%get3A_23, %get3A_24] : memref<3840x16xf32, #tpu.memory_space<vmem>>, vector<3840x16xf32>
    %get3A_26 = arith.constant 48 : index
    %get3A_27 = arith.constant 0 : index
    %get3A_28 = vector.load %arg7[%get3A_26, %get3A_27] : memref<97x16xf32, #tpu.memory_space<vmem>>, vector<16x16xf32>
    %dot_general3A_29 = arith.constant dense<0.000000e+00> : vector<3840x16xf32>
    %dot_general3A_30 = tpu.matmul %get3A_25, %get3A_28, %dot_general3A_29 {dimension_numbers = #tpu.dot_dimension_numbers<[1], [0], [0], [1], [0, 0, 1, 1], [], []>, precision = #tpu.contract_precision<fp32>, transpose_lhs_hint = false} : vector<3840x16xf32>, vector<16x16xf32>, vector<3840x16xf32> -> vector<3840x16xf32>
    %add3A_31 = arith.addf %add3A_22, %dot_general3A_30 : vector<3840x16xf32>
    %get3A_32 = arith.constant 0 : index
    %get3A_33 = arith.constant 0 : index
    %get3A_34 = vector.load %arg4[%get3A_32, %get3A_33] : memref<3840x16xf32, #tpu.memory_space<vmem>>, vector<3840x16xf32>
    %get3A_35 = arith.constant 64 : index
    %get3A_36 = arith.constant 0 : index
    %get3A_37 = vector.load %arg7[%get3A_35, %get3A_36] : memref<97x16xf32, #tpu.memory_space<vmem>>, vector<16x16xf32>
    %dot_general3A_38 = arith.constant dense<0.000000e+00> : vector<3840x16xf32>
    %dot_general3A_39 = tpu.matmul %get3A_34, %get3A_37, %dot_general3A_38 {dimension_numbers = #tpu.dot_dimension_numbers<[1], [0], [0], [1], [0, 0, 1, 1], [], []>, precision = #tpu.contract_precision<fp32>, transpose_lhs_hint = false} : vector<3840x16xf32>, vector<16x16xf32>, vector<3840x16xf32> -> vector<3840x16xf32>
    %add3A_40 = arith.addf %add3A_31, %dot_general3A_39 : vector<3840x16xf32>
    %get3A_41 = arith.constant 0 : index
    %get3A_42 = arith.constant 0 : index
    %get3A_43 = vector.load %arg5[%get3A_41, %get3A_42] : memref<3840x16xf32, #tpu.memory_space<vmem>>, vector<3840x16xf32>
    %get3A_44 = arith.constant 80 : index
    %get3A_45 = arith.constant 0 : index
    %get3A_46 = vector.load %arg7[%get3A_44, %get3A_45] : memref<97x16xf32, #tpu.memory_space<vmem>>, vector<16x16xf32>
    %dot_general3A_47 = arith.constant dense<0.000000e+00> : vector<3840x16xf32>
    %dot_general3A_48 = tpu.matmul %get3A_43, %get3A_46, %dot_general3A_47 {dimension_numbers = #tpu.dot_dimension_numbers<[1], [0], [0], [1], [0, 0, 1, 1], [], []>, precision = #tpu.contract_precision<fp32>, transpose_lhs_hint = false} : vector<3840x16xf32>, vector<16x16xf32>, vector<3840x16xf32> -> vector<3840x16xf32>
    %add3A_49 = arith.addf %add3A_40, %dot_general3A_48 : vector<3840x16xf32>
    %get3A_50 = arith.constant 0 : index
    %get3A_51 = arith.constant 0 : index
    %get3A_52 = vector.load %arg6[%get3A_50, %get3A_51] : memref<3840x16xf32, #tpu.memory_space<vmem>>, vector<3840x1xf32>
    %get3A_53 = arith.constant 96 : index
    %get3A_54 = arith.constant 0 : index
    %get3A_55 = vector.load %arg7[%get3A_53, %get3A_54] : memref<97x16xf32, #tpu.memory_space<vmem>>, vector<1x16xf32>
    %mul3A = vector.broadcast %get3A_52 : vector<3840x1xf32> to vector<3840x16xf32>
    %mul3A_56 = vector.broadcast %get3A_55 : vector<1x16xf32> to vector<3840x16xf32>
    %mul3A_57 = arith.mulf %mul3A, %mul3A_56 : vector<3840x16xf32>
    %add3A_58 = arith.addf %add3A_49, %mul3A_57 : vector<3840x16xf32>
    %get3A_59 = arith.constant 0 : index
    %get3A_60 = arith.constant 0 : index
    %get3A_61 = vector.load %arg8[%get3A_59, %get3A_60] : memref<1x16xf32, #tpu.memory_space<vmem>>, vector<1x16xf32>
    %add3A_62 = vector.broadcast %get3A_61 : vector<1x16xf32> to vector<3840x16xf32>
    %add3A_63 = arith.addf %add3A_58, %add3A_62 : vector<3840x16xf32>
    %max3A = arith.constant 0.000000e+00 : f32
    %max3A_64 = vector.broadcast %max3A : f32 to vector<3840x16xf32>
    %max3A_65 = arith.maximumf %add3A_63, %max3A_64 : vector<3840x16xf32>
    %reshape3A = vector.shape_cast %max3A_65 : vector<3840x16xf32> to vector<128x30x16xf32>
    %reshape3A_66 = vector.shape_cast %reshape3A : vector<128x30x16xf32> to vector<128x15x2x16xf32>
    %reduce_max3A = arith.constant dense<0xFF800000> : vector<128x15x16xf32>
    %reduce_max3A_67 = vector.multi_reduction <maximumf>, %reshape3A_66, %reduce_max3A [2] : vector<128x15x2x16xf32> to vector<128x15x16xf32>
    %broadcast_in_dim3A = arith.constant 0.000000e+00 : f32
    %broadcast_in_dim3A_68 = vector.broadcast %broadcast_in_dim3A : f32 to vector<128x11x32xf32>
    %slice3A = vector.extract_strided_slice %reduce_max3A_67 {offsets = [0, 0, 0], sizes = [128, 11, 16], strides = [1, 1, 1]} : vector<128x15x16xf32> to vector<128x11x16xf32>
    %get3A_69 = arith.constant 0 : index
    %get3A_70 = arith.constant 0 : index
    %get3A_71 = arith.constant 0 : index
    %get3A_72 = vector.load %arg9[%get3A_69, %get3A_70, %get3A_71] : memref<5x16x32xf32, #tpu.memory_space<vmem>>, vector<1x16x32xf32>
    %get3A_73 = vector.shape_cast %get3A_72 : vector<1x16x32xf32> to vector<16x32xf32>
    %dot_general3A_74 = arith.constant dense<0.000000e+00> : vector<128x11x32xf32>
    %dot_general3A_75 = tpu.matmul %slice3A, %get3A_73, %dot_general3A_74 {dimension_numbers = #tpu.dot_dimension_numbers<[2], [0], [0, 1], [1], [0, 0, 0, 1, 1, 1], [], []>, precision = #tpu.contract_precision<fp32>, transpose_lhs_hint = false} : vector<128x11x16xf32>, vector<16x32xf32>, vector<128x11x32xf32> -> vector<128x11x32xf32>
    %add3A_76 = arith.addf %broadcast_in_dim3A_68, %dot_general3A_75 : vector<128x11x32xf32>
    %slice3A_77 = vector.extract_strided_slice %reduce_max3A_67 {offsets = [0, 1, 0], sizes = [128, 11, 16], strides = [1, 1, 1]} : vector<128x15x16xf32> to vector<128x11x16xf32>
    %get3A_78 = arith.constant 1 : index
    %get3A_79 = arith.constant 0 : index
    %get3A_80 = arith.constant 0 : index
    %get3A_81 = vector.load %arg9[%get3A_78, %get3A_79, %get3A_80] : memref<5x16x32xf32, #tpu.memory_space<vmem>>, vector<1x16x32xf32>
    %get3A_82 = vector.shape_cast %get3A_81 : vector<1x16x32xf32> to vector<16x32xf32>
    %dot_general3A_83 = arith.constant dense<0.000000e+00> : vector<128x11x32xf32>
    %dot_general3A_84 = tpu.matmul %slice3A_77, %get3A_82, %dot_general3A_83 {dimension_numbers = #tpu.dot_dimension_numbers<[2], [0], [0, 1], [1], [0, 0, 0, 1, 1, 1], [], []>, precision = #tpu.contract_precision<fp32>, transpose_lhs_hint = false} : vector<128x11x16xf32>, vector<16x32xf32>, vector<128x11x32xf32> -> vector<128x11x32xf32>
    %add3A_85 = arith.addf %add3A_76, %dot_general3A_84 : vector<128x11x32xf32>
    %slice3A_86 = vector.extract_strided_slice %reduce_max3A_67 {offsets = [0, 2, 0], sizes = [128, 11, 16], strides = [1, 1, 1]} : vector<128x15x16xf32> to vector<128x11x16xf32>
    %get3A_87 = arith.constant 2 : index
    %get3A_88 = arith.constant 0 : index
    %get3A_89 = arith.constant 0 : index
    %get3A_90 = vector.load %arg9[%get3A_87, %get3A_88, %get3A_89] : memref<5x16x32xf32, #tpu.memory_space<vmem>>, vector<1x16x32xf32>
    %get3A_91 = vector.shape_cast %get3A_90 : vector<1x16x32xf32> to vector<16x32xf32>
    %dot_general3A_92 = arith.constant dense<0.000000e+00> : vector<128x11x32xf32>
    %dot_general3A_93 = tpu.matmul %slice3A_86, %get3A_91, %dot_general3A_92 {dimension_numbers = #tpu.dot_dimension_numbers<[2], [0], [0, 1], [1], [0, 0, 0, 1, 1, 1], [], []>, precision = #tpu.contract_precision<fp32>, transpose_lhs_hint = false} : vector<128x11x16xf32>, vector<16x32xf32>, vector<128x11x32xf32> -> vector<128x11x32xf32>
    %add3A_94 = arith.addf %add3A_85, %dot_general3A_93 : vector<128x11x32xf32>
    %slice3A_95 = vector.extract_strided_slice %reduce_max3A_67 {offsets = [0, 3, 0], sizes = [128, 11, 16], strides = [1, 1, 1]} : vector<128x15x16xf32> to vector<128x11x16xf32>
    %get3A_96 = arith.constant 3 : index
    %get3A_97 = arith.constant 0 : index
    %get3A_98 = arith.constant 0 : index
    %get3A_99 = vector.load %arg9[%get3A_96, %get3A_97, %get3A_98] : memref<5x16x32xf32, #tpu.memory_space<vmem>>, vector<1x16x32xf32>
    %get3A_100 = vector.shape_cast %get3A_99 : vector<1x16x32xf32> to vector<16x32xf32>
    %dot_general3A_101 = arith.constant dense<0.000000e+00> : vector<128x11x32xf32>
    %dot_general3A_102 = tpu.matmul %slice3A_95, %get3A_100, %dot_general3A_101 {dimension_numbers = #tpu.dot_dimension_numbers<[2], [0], [0, 1], [1], [0, 0, 0, 1, 1, 1], [], []>, precision = #tpu.contract_precision<fp32>, transpose_lhs_hint = false} : vector<128x11x16xf32>, vector<16x32xf32>, vector<128x11x32xf32> -> vector<128x11x32xf32>
    %add3A_103 = arith.addf %add3A_94, %dot_general3A_102 : vector<128x11x32xf32>
    %slice3A_104 = vector.extract_strided_slice %reduce_max3A_67 {offsets = [0, 4, 0], sizes = [128, 11, 16], strides = [1, 1, 1]} : vector<128x15x16xf32> to vector<128x11x16xf32>
    %get3A_105 = arith.constant 4 : index
    %get3A_106 = arith.constant 0 : index
    %get3A_107 = arith.constant 0 : index
    %get3A_108 = vector.load %arg9[%get3A_105, %get3A_106, %get3A_107] : memref<5x16x32xf32, #tpu.memory_space<vmem>>, vector<1x16x32xf32>
    %get3A_109 = vector.shape_cast %get3A_108 : vector<1x16x32xf32> to vector<16x32xf32>
    %dot_general3A_110 = arith.constant dense<0.000000e+00> : vector<128x11x32xf32>
    %dot_general3A_111 = tpu.matmul %slice3A_104, %get3A_109, %dot_general3A_110 {dimension_numbers = #tpu.dot_dimension_numbers<[2], [0], [0, 1], [1], [0, 0, 0, 1, 1, 1], [], []>, precision = #tpu.contract_precision<fp32>, transpose_lhs_hint = false} : vector<128x11x16xf32>, vector<16x32xf32>, vector<128x11x32xf32> -> vector<128x11x32xf32>
    %add3A_112 = arith.addf %add3A_103, %dot_general3A_111 : vector<128x11x32xf32>
    %get3A_113 = arith.constant 0 : index
    %get3A_114 = arith.constant 0 : index
    %get3A_115 = arith.constant 0 : index
    %get3A_116 = vector.load %arg10[%get3A_113, %get3A_114, %get3A_115] : memref<1x1x32xf32, #tpu.memory_space<vmem>>, vector<1x1x32xf32>
    %add3A_117 = vector.broadcast %get3A_116 : vector<1x1x32xf32> to vector<128x11x32xf32>
    %add3A_118 = arith.addf %add3A_112, %add3A_117 : vector<128x11x32xf32>
    %max3A_119 = arith.constant 0.000000e+00 : f32
    %max3A_120 = vector.broadcast %max3A_119 : f32 to vector<128x11x32xf32>
    %max3A_121 = arith.maximumf %add3A_118, %max3A_120 : vector<128x11x32xf32>
    %transpose3A = tpu.transpose %max3A_121, [0, 2, 1] : vector<128x11x32xf32> -> vector<128x32x11xf32>
    %reshape3A_122 = vector.shape_cast %transpose3A : vector<128x32x11xf32> to vector<128x352xf32>
    %swap3A = arith.constant 0 : index
    %swap3A_123 = arith.constant 0 : index
    %swap3A_124 = vector.load %arg11[%swap3A, %swap3A_123] : memref<128x352xf32, #tpu.memory_space<vmem>>, vector<128x352xf32>
    tpu.vector_store %arg11[%swap3A, %swap3A_123], %reshape3A_122 {strides = array<i32>} : memref<128x352xf32, #tpu.memory_space<vmem>>, vector<128x352xf32>,
    return
  }
}

module attributes {stable_mosaic.version = 14 : i64} {
  func.func @_head2_body(%arg0: i32, %arg1: memref<128x352xf32, #tpu.memory_space<vmem>>, %arg2: memref<1x352x5000xf32, #tpu.memory_space<vmem>>, %arg3: memref<1x1x5000xf32, #tpu.memory_space<vmem>>, %arg4: memref<1x128x5000xf32, #tpu.memory_space<vmem>>) attributes {dimension_semantics = [#tpu.dimension_semantics<arbitrary>], iteration_bounds = array<i64: 5>, scalar_prefetch = 0 : i64, scratch_operands = 0 : i64, tpu.core_type = #tpu.core_type<tc>, window_params = [{pipeline_mode = #tpu.pipeline_mode<synchronous>, transform_indices = @transform_0, window_bounds = array<i64: 128, 352>}, {transform_indices = @transform_1, window_bounds = array<i64: 1, 352, 5000>}, {transform_indices = @transform_2, window_bounds = array<i64: 1, 1, 5000>}, {transform_indices = @transform_3, window_bounds = array<i64: 1, 128, 5000>}]} {
    %get3A = arith.constant 0 : index
    %get3A_0 = arith.constant 0 : index
    %get3A_1 = vector.load %arg1[%get3A, %get3A_0] : memref<128x352xf32, #tpu.memory_space<vmem>>, vector<128x352xf32>
    %get3A_2 = arith.constant 0 : index
    %get3A_3 = arith.constant 0 : index
    %get3A_4 = arith.constant 0 : index
    %get3A_5 = vector.load %arg2[%get3A_2, %get3A_3, %get3A_4] : memref<1x352x5000xf32, #tpu.memory_space<vmem>>, vector<1x352x5000xf32>
    %get3A_6 = vector.shape_cast %get3A_5 : vector<1x352x5000xf32> to vector<352x5000xf32>
    %dot_general3A = arith.constant dense<0.000000e+00> : vector<128x5000xf32>
    %dot_general3A_7 = tpu.matmul %get3A_1, %get3A_6, %dot_general3A {dimension_numbers = #tpu.dot_dimension_numbers<[1], [0], [0], [1], [0, 0, 1, 1], [], []>, precision = #tpu.contract_precision<fp32>, transpose_lhs_hint = false} : vector<128x352xf32>, vector<352x5000xf32>, vector<128x5000xf32> -> vector<128x5000xf32>
    %get3A_8 = arith.constant 0 : index
    %get3A_9 = arith.constant 0 : index
    %get3A_10 = arith.constant 0 : index
    %get3A_11 = vector.load %arg3[%get3A_8, %get3A_9, %get3A_10] : memref<1x1x5000xf32, #tpu.memory_space<vmem>>, vector<1x1x5000xf32>
    %get3A_12 = vector.shape_cast %get3A_11 : vector<1x1x5000xf32> to vector<1x5000xf32>
    %add3A = vector.broadcast %get3A_12 : vector<1x5000xf32> to vector<128x5000xf32>
    %add3A_13 = arith.addf %dot_general3A_7, %add3A : vector<128x5000xf32>
    %broadcast_in_dim3A = vector.shape_cast %add3A_13 : vector<128x5000xf32> to vector<1x128x5000xf32>
    %swap3A = arith.constant 0 : index
    %swap3A_14 = arith.constant 0 : index
    %swap3A_15 = arith.constant 0 : index
    %swap3A_16 = vector.load %arg4[%swap3A, %swap3A_14, %swap3A_15] : memref<1x128x5000xf32, #tpu.memory_space<vmem>>, vector<1x128x5000xf32>
    tpu.vector_store %arg4[%swap3A, %swap3A_14, %swap3A_15], %broadcast_in_dim3A {strides = array<i32>} : memref<1x128x5000xf32, #tpu.memory_space<vmem>>, vector<1x128x5000xf32>,
    return
  }
  func.func @transform_0(%arg0: i32) -> (i32, i32) {
    %c0_i32 = arith.constant 0 : i32
    %c0_i32_0 = arith.constant 0 : i32
    %c0_i32_1 = arith.constant 0 : i32
    return %c0_i32, %c0_i32_0 : i32, i32
  }
  func.func @transform_1(%arg0: i32) -> (i32, i32, i32) {
    %c0_i32 = arith.constant 0 : i32
    %c0_i32_0 = arith.constant 0 : i32
    %c0_i32_1 = arith.constant 0 : i32
    return %arg0, %c0_i32, %c0_i32_0 : i32, i32, i32
  }
  func.func @transform_2(%arg0: i32) -> (i32, i32, i32) {
    %c0_i32 = arith.constant 0 : i32
    %c0_i32_0 = arith.constant 0 : i32
    %c0_i32_1 = arith.constant 0 : i32
    return %arg0, %c0_i32, %c0_i32_0 : i32, i32, i32
  }
  func.func @transform_3(%arg0: i32) -> (i32, i32, i32) {
    %c0_i32 = arith.constant 0 : i32
    %c0_i32_0 = arith.constant 0 : i32
    %c0_i32_1 = arith.constant 0 : i32
    return %arg0, %c0_i32, %c0_i32_0 : i32, i32, i32
  }
}

</mosaic_0001>

<sc_bundles>
// kernel: kernel.20.cloned.1.call-start
scs
__scs_entry_jumppad:
0x0: {  	(pc) =	sbr.rel $0x88, $3  }
0x1: {  	(tag) =	ssettag $0x0;
	lr =	simm.s32 $0x1  }
0x2: {  	[smem:$0x3F8C] =	sst lr;
	_ =	strace $0xD0000000  }
0x3: {  	_ = 	snop  }
0x4: {  	_ = 	snop  }
0x5: {  	_ = 	snop  }
0x6: {  	_ = 	snop  }
0x7: {  	_ = 	snop  }
__scs_overlays_trampoline_lowered:
0x8: {  	[smem:$0x3F9B] =	sst s0  }
0x9: {  	[smem:$0x3F9C] =	sst s1  }
0xa: {  	[smem:$0x3F9D] =	sst s2  }
0xb: {  	[smem:$0x3F9E] =	sst s3  }
0xc: {  	[smem:$0x3F9F] =	sst s4  }
0xd: {  	[smem:$0x3FA0] =	sst s5  }
0xe: {  	[smem:$0x3FA1] =	sst s6  }
0xf: {  	[smem:$0x3FA2] =	sst s7  }
0x10: {  	[smem:$0x3FA3] =	sst s8  }
0x11: {  	[smem:$0x3FA4] =	sst s9;
	s0 =	simm.s32 @!p0 $0x0  }
0x12: {  	s1 =	sld [smem:$0x3F8A];
	s0 =	simm.s32 @p0 $0x1  }
0x13: {  	[smem:$0x3FA5] =	sst s0;
	s0 =	simm.s32 @!p1 $0x0  }
0x14: {  	s2 =	sld [smem:$0x3F89];
	s0 =	simm.s32 @p1 $0x1  }
0x15: {  	[smem:$0x3FA6] =	sst s0;
	s0 =	simm.s32 @!p2 $0x0  }
0x16: {  	s3 =	sld [smem:$0x3FDB];
	s0 =	simm.s32 @p2 $0x1  }
0x17: {  	s4 =	simm.s32 $0x1BF5;
	[smem:$0x3FA8] =	sst s0  }
0x18: {  	s0 =	sld [smem:$0x3F8B];
	_ =	swait.ge [sflag:s4], $0x0  }
0x19: {  	s7 =	sld [smem:$0x3F8C]  }
0x1a: {  	s8 =	sadd.s32 $0xFFFFE003, lr  }
0x1b: {  	s9 =	sadd.s32 $0xFFFFFEF7, lr;
	s5 =	simm.s32 $0xFFFFFFFF;
	p2 =	slt.u32 s8, $0xFFFFF086  }
0x1c: {  	p1 =	slt.u32 s9, $0xF7A;
	s5 =	simm.s32 @!p2 $0x0  }
0x1d: {  	s5 =	simm.s32 @p1 $0x1;
	p0 =	seq.s32 s7, s2  }
0x1e: {  	s7 =	smul.u32 @!p0 $0xF7A, s2;
	p2 =	seq.s32 @!p0 s5, $0x0  }
0x1f: {  	s9 =	smul.u32 $0xF7A, s1;
	s8 =	simm.s32 @!p0 $0x1BF5;
	p2 =	por !p2, p0  }
0x20: {  	[sflag:s8] =	ssyncset.s32 @!p0 $0xFFFFF086;
	s6 =	sadd.s32 @!p0 s3, s7;
	s7 =	simm.s32 @!p0 $0x108  }
0x21: {  	s3 =	sadd.s32 s3, s9;
	s6 =	sadd.s32 @!p0 $0x88, s6;
	s7 =	simm.s32 @p2 $0x1082  }
0x22: {  	[simem:s7], [sflag:s8] =	dma.local @!p0 [hbm:s6], $0xF7A  }
0x23: {  	s9 =	sor.u32 $0xD0000000, s2;
	s6 =	simm.s32 $0x108;
	_ =	swait.ge @!p0 [sflag:s8], $0x0  }
0x24: {  	s3 =	sadd.s32 $0x88, s3;
	s6 =	simm.s32 @!p1 $0x1082;
	[sflag:s4] =	ssyncset.s32 $0xFFFFF086  }
0x25: {  	[simem:s6], [sflag:s4] =	dma.local [hbm:s3], $0xF7A  }
0x26: {  	[smem:$0x3F8C] =	sst s1;
	(tag) =	ssettag s2;
	_ =	strace s9  }
0x27: {  	s1 =	sld [smem:$0x3F9C]  }
0x28: {  	s2 =	sld [smem:$0x3F9D]  }
0x29: {  	s4 =	sld [smem:$0x3F9F]  }
0x2a: {  	p0 =	seq.s32 s5, $0x0;
	s5 =	sld [smem:$0x3FA0]  }
0x2b: {  	s6 =	sld [smem:$0x3FA1]  }
0x2c: {  	s7 =	sld [smem:$0x3FA2]  }
0x2d: {  	s3 =	simm.s32 $0x108;
	s8 =	sld [smem:$0x3FA3]  }
0x2e: {  	s3 =	simm.s32 @!p0 $0x1082;
	s9 =	sld [smem:$0x3FA4]  }
0x2f: {  	lr =	sadd.s32 s0, s3;
	s0 =	sld [smem:$0x3F9B]  }
0x30: {  	s3 =	sld [smem:$0x3F9E]  }
0x31: {  	[smem:$0x3FA7] =	sst s10  }
0x32: {  	s10 =	sld [smem:$0x3FA5];
	_ =	sdelay $0x3  }
0x33: {  	p0 =	seq.s32 s10, $0x1;
	s10 =	sld [smem:$0x3FA7];
	_ =	sdelay $0x3  }
0x34: {  	[smem:$0x3FA7] =	sst s10  }
0x35: {  	s10 =	sld [smem:$0x3FA6];
	_ =	sdelay $0x3  }
0x36: {  	p1 =	seq.s32 s10, $0x1;
	s10 =	sld [smem:$0x3FA7];
	_ =	sdelay $0x3  }
0x37: {  	[smem:$0x3FA7] =	sst s10  }
0x38: {  	s10 =	sld [smem:$0x3FA8]  }
0x39: {  	_ = 	snop;
	(pc) =	sbr.ind lr, $3  }
0x3a: {  	_ = 	snop  }
0x3b: {  	_ = 	snop  }
0x3c: {  	p2 =	seq.s32 s10, $0x1;
	s10 =	sld [smem:$0x3FA7]  }
0x3d: {  	_ =	shalt  }
0x3e: {  	_ =	shalt  }
0x3f: {  	_ =	shalt  }
0x40: {  	_ =	shalt  }
0x41: {  	_ =	shalt  }
0x42: {  	_ =	shalt  }
0x43: {  	_ =	shalt  }
0x44: {  	_ =	shalt  }
0x45: {  	_ =	shalt  }
0x46: {  	_ =	shalt  }
0x47: {  	_ =	shalt  }
0x48: {  	_ =	shalt  }
0x49: {  	_ =	shalt  }
0x4a: {  	_ =	shalt  }
0x4b: {  	_ =	shalt  }
0x4c: {  	_ =	shalt  }
0x4d: {  	_ =	shalt  }
0x4e: {  	_ =	shalt  }
0x4f: {  	_ =	shalt  }
0x50: {  	_ =	shalt  }
0x51: {  	_ =	shalt  }
0x52: {  	_ =	shalt  }
0x53: {  	_ =	shalt  }
0x54: {  	_ =	shalt  }
0x55: {  	_ =	shalt  }
0x56: {  	_ =	shalt  }
0x57: {  	_ =	shalt  }
0x58: {  	_ =	shalt  }
0x59: {  	_ =	shalt  }
0x5a: {  	_ =	shalt  }
0x5b: {  	_ =	shalt  }
0x5c: {  	_ =	shalt  }
0x5d: {  	_ =	shalt  }
0x5e: {  	_ =	shalt  }
0x5f: {  	_ =	shalt  }
0x60: {  	_ =	shalt  }
0x61: {  	_ =	shalt  }
0x62: {  	_ =	shalt  }
0x63: {  	_ =	shalt  }
0x64: {  	_ =	shalt  }
0x65: {  	_ =	shalt  }
0x66: {  	_ =	shalt  }
0x67: {  	_ =	shalt  }
0x68: {  	_ =	shalt  }
0x69: {  	_ =	shalt  }
0x6a: {  	_ =	shalt  }
0x6b: {  	_ =	shalt  }
0x6c: {  	_ =	shalt  }
0x6d: {  	_ =	shalt  }
0x6e: {  	_ =	shalt  }
0x6f: {  	_ =	shalt  }
0x70: {  	_ =	shalt  }
0x71: {  	_ =	shalt  }
0x72: {  	_ =	shalt  }
0x73: {  	_ =	shalt  }
0x74: {  	_ =	shalt  }
0x75: {  	_ =	shalt  }
0x76: {  	_ =	shalt  }
0x77: {  	_ =	shalt  }
0x78: {  	_ =	shalt  }
0x79: {  	_ =	shalt  }
0x7a: {  	_ =	shalt  }
0x7b: {  	_ =	shalt  }
0x7c: {  	_ =	shalt  }
0x7d: {  	_ =	shalt  }
0x7e: {  	_ =	shalt  }
0x7f: {  	_ =	shalt  }
0x80: {  	_ =	shalt  }
0x81: {  	_ =	shalt  }
0x82: {  	_ =	shalt  }
0x83: {  	_ =	shalt  }
0x84: {  	_ =	shalt  }
0x85: {  	_ =	shalt  }
0x86: {  	_ =	shalt  }
0x87: {  	_ =	shalt  }
.Lfunc_end0:
.L_simem_size_0:
called_computation_lowered:
.L_overlay_start_0:
0x88: {  	s2 =	sld [smem:$0x3FD9]  }
0x89: {  	s3 =	sld [smem:$0x3FFE];
	_ =	sdelay $0x1  }
0x8a: {  	s1 =	srdreg.scid  }
0x8b: {  	s0 =	sand.u32 $0x1, s1  }
0x8c: {  	s14 =	sshll.u32 s0, $0xA;
	s2 =	sadd.s32 s3, s2  }
0x8d: {  	s2 =	sadd.s32 s2, s14  }
0x8e: {  	[smem:$0x3FB3] =	sst s2  }
0x8f: {  	_ = 	snop  }
0x90: {  	s2 =	sld [smem:$0x3FD0];
	_ =	sdelay $0x2  }
0x91: {  	s15 =	simm.s32 $0xB;
	s4 =	simm.s32 $0x10  }
0x92: {  	[smem:s4], [sflag:s15] =	dma.local [hbm:s2], $0x1  }
0x93: {  	_ =	swait.eq [sflag:s15], $0x1  }
0x94: {  	s16 =	sld [smem:$0x11]  }
0x95: {  	s17 =	sld [smem:$0x12];
	[sflag:s15] =	ssyncset.done $0x0  }
0x96: {  	s5 =	sld [smem:$0x13];
	[sflag:s15] =	ssyncadd.s32 $0xFFFFFFFF  }
0x97: {  	s18 =	sld [smem:$0x14];
	(tm) =	ssettm $0x1  }
0x98: {  	s6 =	sld [smem:$0x3FFB];
	_ =	sdelay $0x3  }
0x99: {  	_ =	strace s6  }
0x9a: {  	s6 =	sld [smem:$0x3FFC];
	_ =	sdelay $0x3  }
0x9b: {  	_ =	strace s6  }
0x9c: {  	s6 =	sld [smem:$0x3FFD];
	_ =	sdelay $0x3  }
0x9d: {  	_ =	strace s6  }
0x9e: {  	_ =	strace $0x8FFFFFFF  }
0x9f: {  	s19 =	sld [smem:$0x3FDB];
	_ =	sdelay $0x1  }
0xa0: {  	s7 =	simm.s32 $_scs_section_size  }
0xa1: {  	s8 =	simm.s32 $_size__tile_overlayer_lowered;
	s9 =	simm.s32 $_tile_overlayer_lowered  }
0xa2: {  	s22 =	simm.s32 $0x1BFF;
	s21 =	sshll.u32 s9, $0x1;
	s6 =	sadd.s32 s7, s19  }
0xa3: {  	s10 =	simm.s32 $0x0;
	s20 =	sshll.u32 s8, $0x1;
	s8 =	sadd.s32 s21, s6  }
0xa4: {  	[timem:s10], [sflag:s22] =	dma.local [hbm:s8], s20  }
0xa5: {  	_ =	swait.ge [sflag:s22], s20  }
0xa6: {  	s7 =	ssub.s32 $0x0, s20;
	[sflag:s22] =	ssyncset.done $0x0  }
0xa7: {  	[sflag:s22] =	ssyncadd.s32 s7;
	_ =	sdelay $0x1  }
0xa8: {  	s23 =	simm.s32 $0x1B8B  }
0xa9: {  	_ =	swait.ge [sflag:s23], $0x1  }
0xaa: {  	[sflag:s23] =	ssyncset.done $0x0  }
0xab: {  	s25 =	simm.s32 $0x1B8E;
	s24 =	sld [smem:$0x3FFE];
	[sflag:s23] =	ssyncadd.s32 $0xFFFFFFFF  }
0xac: {  	s26 =	simm.s32 $execute0_lowered;
	[smem:$0x3FD2] =	sst s25  }
0xad: {  	s8 =	sshll.u32 s26, $0x1;
	_ =	strace $0x80000046;
	[dreg:$0x1] =	wrdreg $0xFFFFFFFF  }
0xae: {  	s28 =	simm.s32 $_size_execute0_lowered;
	s6 =	sadd.s32 s6, s8;
	[dreg:$0x0] =	wrdreg $0x0  }
0xaf: {  	s8 =	sshll.u32 s28, $0x1;
	[dreg:$0x2] =	wrdreg s6  }
0xb0: {  	[dreg:$0x3] =	wrdreg s8  }
0xb1: {  	[dreg:$0x4] =	wrdreg $0xC0  }
0xb2: {  	_ =	task [dreg:s10], $0x5FFFF  }
0xb3: {  	[dreg:$0x1] =	wrdreg $0xFFFFFFFF  }
0xb4: {  	[dreg:$0x0] =	wrdreg $0x60  }
0xb5: {  	[dreg:$0x2] =	wrdreg s5  }
0xb6: {  	[dreg:$0x3] =	wrdreg s17  }
0xb7: {  	[dreg:$0x4] =	wrdreg s16  }
0xb8: {  	[dreg:$0x5] =	wrdreg s24  }
0xb9: {  	[dreg:$0x6] =	wrdreg s18  }
0xba: {  	[dreg:$0x7] =	wrdreg $0x9  }
0xbb: {  	_ =	task.clear_ibuf [dreg:s10], $0x8FFFF;
	_ =	strace $0x90000046  }
0xbc: {  	s29 =	simm.s32 $0x9;
	_ =	strace $0x80000048  }
0xbd: {  	_ =	swait.ge [sflag:s29], $0x1  }
0xbe: {  	[sflag:s29] =	ssyncadd.s32 $0xFFFFFFFF  }
0xbf: {  	_ =	strace $0x90000048  }
0xc0: {  	_ =	sfence  }
0xc1: {  	s30 =	sld [smem:$0x0];
	_ =	sdelay $0x2  }
0xc2: {  	s31 =	sshll.u32 s1, $0xD;
	s1 =	sshrl.u32 s1, $0x2  }
0xc3: {  	s3 =	sand.u32 $0x4000, s31;
	s1 =	sadd.s32 s1, s30  }
0xc4: {  	s0 =	sor.u32 s3, s0;
	s1 =	sshll.u32 s1, $0x11  }
0xc5: {  	s0 =	sor.u32 s1, s0  }
0xc6: {  	s0 =	sadd.s32 $0x8F2B, s0  }
0xc7: {  	[sflag:s0] =	ssyncadd.remote.s32 $0x1  }
0xc8: {  	_ =	sfence.sel $0xFFFF  }
0xc9: {  	[dreg:$0x0] =	wrdreg $0xFFFFFFFF;
	(pc) =	sbr.abs _section_cstart, $3  }
0xca: {  	[dreg:$0x1] =	wrdreg $0xFFFFFFFF  }
0xcb: {  	_ =	task.clear_ibuf [dreg:s10], $0x2FFFF;
	_ =	strace $0x9FFFFFFF  }
0xcc: {  	(tm) =	ssettm $0x7FFFFFFF  }
0xcd: {  	_ =	shalt  }
tec
execute0_lowered:
.L_overlay_start_1:
0x0: {  	(tag) =	ssettag $0x1  }
0x1: {  	s0 =	rddreg [dreg:$0x0]  }
0x2: {  	s1 =	rddreg [dreg:$0x1]  }
0x3: {  	s20 =	rddreg [dreg:$0x2]  }
0x4: {  	s6 =	rddreg [dreg:$0x3]  }
0x5: {  	s2 =	rddreg [dreg:$0x4];
	s3 =	simm.s32 $0x0  }
0x6: {  	s4 =	srdreg.scid;
	s5 =	stileid.u32;
	s28 =	simm.s32 $0x1  }
0x7: {  	s29 =	simm.s32 $0x6B30;
	s30 =	simm.s32 $0xCD30;
	s31 =	simm.s32 $0x0  }
0x8: {  	[smem:$0x7FF] =	sst s3;
	s4 =	sand.u32 $0x1, s4;
	s5 =	sshll.u32 s5, $0x1  }
0x9: {  	s21 =	sadd.s32 $0x6600, s6;
	_ =	strace $0x80000047;
	s8 =	sor.u32 s4, s5  }
0xa: {  	s7 =	ssub.s32 $0x2, s4;
	s4 =	sadd.s32 $0x6200, s6;
	s16 =	smul.u32 $0xC40, s8  }
0xb: {  	s5 =	sadd.s32 $0x6400, s6;
	s9 =	sshrl.u32 s7, $0x1;
	s10 =	smul.u32 $0x3100, s8  }
0xc: {  	s22 =	ssub.s32 s7, s9;
	s24 =	sshrl.u32 s16, $0x3;
	s12 =	sadd.s32 $0x310, s16  }
0xd: {  	s9 =	sadd.s32 s21, s10;
	s17 =	sadd.s32 $0x620, s16;
	s19 =	sadd.s32 $0x930, s16  }
0xe: {  	s22 =	smax.u32 s22, $0x1;
	s25 =	sadd.s32 s0, s24;
	s7 =	sadd.s32 s1, s24  }
0xf: {  	s13 =	sshrl.u32 s12, $0x3;
	s8 =	sadd.s32 s20, s24;
	s14 =	sshll.u32 s12, $0x2  }
0x10: {  	s18 =	sshrl.u32 s17, $0x3;
	s17 =	sshll.u32 s17, $0x2;
	s23 =	sshrl.u32 s19, $0x3  }
0x11: {  	s26 =	sshll.u32 s19, $0x2;
	s24 =	simm.s32 $0x310;
	[dreg:$0x6] =	wrdreg s25  }
0x12: {  	s10 =	sadd.s32 s0, s13;
	s11 =	sadd.s32 s1, s13;
	s12 =	sadd.s32 s20, s13  }
0x13: {  	s13 =	sadd.s32 s21, s14;
	s14 =	sadd.s32 s0, s18;
	s15 =	sadd.s32 s1, s18  }
0x14: {  	s16 =	sadd.s32 s20, s18;
	s17 =	sadd.s32 s21, s17;
	s18 =	sadd.s32 s0, s23  }
0x15: {  	s19 =	sadd.s32 s1, s23;
	s20 =	sadd.s32 s20, s23;
	s21 =	sadd.s32 s21, s26  }
0x16: {  	s23 =	simm.s32 $0x2;
	s25 =	simm.s32 $0x620;
	s26 =	simm.s32 $0x930  }
.LBB2_1:
0x17: {  	s0 =	rddreg [dreg:$0x6]  }
0x18: {  	[tilespmem:s3], [sflag:$0x2] =	stream.linear.gather [hbm4b:s0+s3], $0x310, $0x38;
	[tilespmem:$0x12F30] =	vst v63  }
0x19: {  	_ =	swait.ge [sflag:s23], $0x310  }
0x1a: {  	[sflag:s23] =	ssyncset.done $0x0  }
0x1b: {  	[sflag:s23] =	ssyncadd.s32 $0xFFFFFCF0  }
0x1c: {  	[tilespmem:s24], [sflag:$0x2] =	stream.linear.gather [hbm4b:s7+s3], $0x310, $0x38;
	[tilespmem:$0x12F30] =	vst v63  }
0x1d: {  	_ =	swait.ge [sflag:s23], $0x310  }
0x1e: {  	[sflag:s23] =	ssyncset.done $0x0  }
0x1f: {  	[sflag:s23] =	ssyncadd.s32 $0xFFFFFCF0  }
0x20: {  	[tilespmem:s25], [sflag:$0x2] =	stream.linear.gather [hbm4b:s8+s3], $0x310, $0x38;
	[tilespmem:$0x12F30] =	vst v63  }
0x21: {  	_ =	swait.ge [sflag:s23], $0x310  }
0x22: {  	[sflag:s23] =	ssyncset.done $0x0  }
0x23: {  	[sflag:s23] =	ssyncadd.s32 $0xFFFFFCF0  }
0x24: {  	[tilespmem:s26], [sflag:$0x1] =	stream.indirect.gather [hbm4b:s4+s24], $0x20, s3, s24, $0xb8;
	[tilespmem:$0x12F30] =	vst v63  }
0x25: {  	_ =	swait.ge [sflag:s28], $0x6200  }
0x26: {  	[sflag:s28] =	ssyncset.done $0x0  }
0x27: {  	[sflag:s28] =	ssyncadd.s32 $0xFFFF9E00  }
0x28: {  	[tilespmem:s29], [sflag:$0x1] =	stream.indirect.gather [hbm4b:s2+s24], $0x20, s24, s24, $0xb8;
	[tilespmem:$0x12F30] =	vst v63  }
0x29: {  	_ =	swait.ge [sflag:s28], $0x6200  }
0x2a: {  	[sflag:s28] =	ssyncset.done $0x0  }
0x2b: {  	[sflag:s28] =	ssyncadd.s32 $0xFFFF9E00  }
0x2c: {  	[tilespmem:s30], [sflag:$0x1] =	stream.indirect.gather [hbm4b:s5+s24], $0x20, s25, s24, $0xb8;
	[tilespmem:$0x12F30] =	vst v63  }
0x2d: {  	_ =	swait.ge [sflag:s28], $0x6200  }
0x2e: {  	[sflag:s28] =	ssyncset.done $0x0  }
0x2f: {  	s0 =	simm.s32 $0x0;
	[sflag:s28] =	ssyncadd.s32 $0xFFFF9E00  }
0x30: {  	v0 =	vld [tilespmem:s0+$0x6B30]  }
0x31: {  	v1 =	vld [tilespmem:s0+$0x6B40]  }
0x32: {  	s1 =	simm.s32 $0x80;
	v2 =	vld [tilespmem:s0+$0x930]  }
.LBB2_2:
0x33: {  	p0 =	sne.s32 s1, $0x18780;
	v3 =	vld [tilespmem:s0+$0x940]  }
0x34: {  	v4 =	vld [tilespmem:s0+$0xCD30]  }
0x35: {  	v5 =	vld [tilespmem:s0+$0xCD40];
	_ =	sdelay $0x1  }
0x36: {  	v0 =	vadd.f32 v0, v2  }
.Ltmp0:
0x37: {  	v1 =	vadd.f32 v1, v3;
	(pc) =	sbr.rel @p0 .LBB2_2-.Ltmp0, $4  }
0x38: {  	s6 =	sshra.s32 s1, $0x2;
	v2 =	vadd.f32 v4, v0  }
0x39: {  	v0 =	vld [tilespmem:s6+$0x6B30];
	v3 =	vadd.f32 v5, v1  }
0x3a: {  	v1 =	vld [tilespmem:s6+$0x6B40];
	[tilespmem:s0+$0x930] =	vst v2  }
0x3b: {  	s1 =	sadd.s32 $0x80, s1;
	v2 =	vld [tilespmem:s6+$0x930];
	[tilespmem:s0+$0x940] =	vst v3;
	s0 =	smov.u32 s6  }
0x3c: {  	v3 =	vld [tilespmem:s0+$0x940]  }
0x3d: {  	v4 =	vld [tilespmem:s0+$0xCD30]  }
0x3e: {  	v5 =	vld [tilespmem:s0+$0xCD40];
	_ =	sdelay $0x1  }
0x3f: {  	v0 =	vadd.f32 v0, v2  }
0x40: {  	v1 =	vadd.f32 v1, v3  }
0x41: {  	v0 =	vadd.f32 v4, v0  }
0x42: {  	v1 =	vadd.f32 v5, v1  }
0x43: {  	[tilespmem:s0+$0x930] =	vst v0  }
0x44: {  	s6 =	simm.s32 $0x0;
	[tilespmem:s0+$0x940] =	vst v1  }
0x45: {  	[hbm4b:s9+s6] =	stream.linear.scatter [tilespmem:s26], [sflag:$0x2], $0x6200, $0x38;
	[tilespmem:$0x12F30] =	vst v63  }
0x46: {  	_ =	swait.ge [sflag:s23], $0x6200  }
0x47: {  	[sflag:s23] =	ssyncset.done $0x0  }
0x48: {  	[sflag:s23] =	ssyncadd.s32 $0xFFFF9E00  }
0x49: {  	[tilespmem:s6], [sflag:$0x2] =	stream.linear.gather [hbm4b:s10+s6], $0x310, $0x38;
	[tilespmem:$0x12F30] =	vst v63  }
0x4a: {  	_ =	swait.ge [sflag:s23], $0x310  }
0x4b: {  	[sflag:s23] =	ssyncset.done $0x0  }
0x4c: {  	[sflag:s23] =	ssyncadd.s32 $0xFFFFFCF0  }
0x4d: {  	[tilespmem:s24], [sflag:$0x2] =	stream.linear.gather [hbm4b:s11+s6], $0x310, $0x38;
	[tilespmem:$0x12F30] =	vst v63  }
0x4e: {  	_ =	swait.ge [sflag:s23], $0x310  }
0x4f: {  	[sflag:s23] =	ssyncset.done $0x0  }
0x50: {  	[sflag:s23] =	ssyncadd.s32 $0xFFFFFCF0  }
0x51: {  	[tilespmem:s25], [sflag:$0x2] =	stream.linear.gather [hbm4b:s12+s6], $0x310, $0x38;
	[tilespmem:$0x12F30] =	vst v63  }
0x52: {  	_ =	swait.ge [sflag:s23], $0x310  }
0x53: {  	[sflag:s23] =	ssyncset.done $0x0  }
0x54: {  	[sflag:s23] =	ssyncadd.s32 $0xFFFFFCF0  }
0x55: {  	[tilespmem:s26], [sflag:$0x1] =	stream.indirect.gather [hbm4b:s4+s24], $0x20, s6, s24, $0xb8;
	[tilespmem:$0x12F30] =	vst v63  }
0x56: {  	_ =	swait.ge [sflag:s28], $0x6200  }
0x57: {  	[sflag:s28] =	ssyncset.done $0x0  }
0x58: {  	[sflag:s28] =	ssyncadd.s32 $0xFFFF9E00  }
0x59: {  	[tilespmem:s29], [sflag:$0x1] =	stream.indirect.gather [hbm4b:s2+s24], $0x20, s24, s24, $0xb8;
	[tilespmem:$0x12F30] =	vst v63  }
0x5a: {  	_ =	swait.ge [sflag:s28], $0x6200  }
0x5b: {  	[sflag:s28] =	ssyncset.done $0x0  }
0x5c: {  	[sflag:s28] =	ssyncadd.s32 $0xFFFF9E00  }
0x5d: {  	[tilespmem:s30], [sflag:$0x1] =	stream.indirect.gather [hbm4b:s5+s24], $0x20, s25, s24, $0xb8;
	[tilespmem:$0x12F30] =	vst v63  }
0x5e: {  	_ =	swait.ge [sflag:s28], $0x6200  }
0x5f: {  	[sflag:s28] =	ssyncset.done $0x0  }
0x60: {  	s0 =	simm.s32 $0x0;
	[sflag:s28] =	ssyncadd.s32 $0xFFFF9E00  }
0x61: {  	v0 =	vld [tilespmem:s0+$0x6B30]  }
0x62: {  	v1 =	vld [tilespmem:s0+$0x6B40]  }
0x63: {  	s1 =	simm.s32 $0x80;
	v2 =	vld [tilespmem:s0+$0x930]  }
.LBB2_4:
0x64: {  	p0 =	sne.s32 s1, $0x18780;
	v3 =	vld [tilespmem:s0+$0x940]  }
0x65: {  	v4 =	vld [tilespmem:s0+$0xCD30]  }
0x66: {  	v5 =	vld [tilespmem:s0+$0xCD40];
	_ =	sdelay $0x1  }
0x67: {  	v0 =	vadd.f32 v0, v2  }
.Ltmp1:
0x68: {  	v1 =	vadd.f32 v1, v3;
	(pc) =	sbr.rel @p0 .LBB2_4-.Ltmp1, $4  }
0x69: {  	s6 =	sshra.s32 s1, $0x2;
	v2 =	vadd.f32 v4, v0  }
0x6a: {  	v0 =	vld [tilespmem:s6+$0x6B30];
	v3 =	vadd.f32 v5, v1  }
0x6b: {  	v1 =	vld [tilespmem:s6+$0x6B40];
	[tilespmem:s0+$0x930] =	vst v2  }
0x6c: {  	s1 =	sadd.s32 $0x80, s1;
	v2 =	vld [tilespmem:s6+$0x930];
	[tilespmem:s0+$0x940] =	vst v3;
	s0 =	smov.u32 s6  }
0x6d: {  	v3 =	vld [tilespmem:s0+$0x940]  }
0x6e: {  	v4 =	vld [tilespmem:s0+$0xCD30]  }
0x6f: {  	v5 =	vld [tilespmem:s0+$0xCD40];
	_ =	sdelay $0x1  }
0x70: {  	v0 =	vadd.f32 v0, v2  }
0x71: {  	v1 =	vadd.f32 v1, v3  }
0x72: {  	v0 =	vadd.f32 v4, v0  }
0x73: {  	v1 =	vadd.f32 v5, v1  }
0x74: {  	[tilespmem:s0+$0x930] =	vst v0  }
0x75: {  	s6 =	simm.s32 $0x0;
	[tilespmem:s0+$0x940] =	vst v1  }
0x76: {  	[hbm4b:s13+s6] =	stream.linear.scatter [tilespmem:s26], [sflag:$0x2], $0x6200, $0x38;
	[tilespmem:$0x12F30] =	vst v63  }
0x77: {  	_ =	swait.ge [sflag:s23], $0x6200  }
0x78: {  	[sflag:s23] =	ssyncset.done $0x0  }
0x79: {  	[sflag:s23] =	ssyncadd.s32 $0xFFFF9E00  }
0x7a: {  	[tilespmem:s6], [sflag:$0x2] =	stream.linear.gather [hbm4b:s14+s6], $0x310, $0x38;
	[tilespmem:$0x12F30] =	vst v63  }
0x7b: {  	_ =	swait.ge [sflag:s23], $0x310  }
0x7c: {  	[sflag:s23] =	ssyncset.done $0x0  }
0x7d: {  	[sflag:s23] =	ssyncadd.s32 $0xFFFFFCF0  }
0x7e: {  	[tilespmem:s24], [sflag:$0x2] =	stream.linear.gather [hbm4b:s15+s6], $0x310, $0x38;
	[tilespmem:$0x12F30] =	vst v63  }
0x7f: {  	_ =	swait.ge [sflag:s23], $0x310  }
0x80: {  	[sflag:s23] =	ssyncset.done $0x0  }
0x81: {  	[sflag:s23] =	ssyncadd.s32 $0xFFFFFCF0  }
0x82: {  	[tilespmem:s25], [sflag:$0x2] =	stream.linear.gather [hbm4b:s16+s6], $0x310, $0x38;
	[tilespmem:$0x12F30] =	vst v63  }
0x83: {  	_ =	swait.ge [sflag:s23], $0x310  }
0x84: {  	[sflag:s23] =	ssyncset.done $0x0  }
0x85: {  	[sflag:s23] =	ssyncadd.s32 $0xFFFFFCF0  }
0x86: {  	[tilespmem:s26], [sflag:$0x1] =	stream.indirect.gather [hbm4b:s4+s24], $0x20, s6, s24, $0xb8;
	[tilespmem:$0x12F30] =	vst v63  }
0x87: {  	_ =	swait.ge [sflag:s28], $0x6200  }
0x88: {  	[sflag:s28] =	ssyncset.done $0x0  }
0x89: {  	[sflag:s28] =	ssyncadd.s32 $0xFFFF9E00  }
0x8a: {  	[tilespmem:s29], [sflag:$0x1] =	stream.indirect.gather [hbm4b:s2+s24], $0x20, s24, s24, $0xb8;
	[tilespmem:$0x12F30] =	vst v63  }
0x8b: {  	_ =	swait.ge [sflag:s28], $0x6200  }
0x8c: {  	[sflag:s28] =	ssyncset.done $0x0  }
0x8d: {  	[sflag:s28] =	ssyncadd.s32 $0xFFFF9E00  }
0x8e: {  	[tilespmem:s30], [sflag:$0x1] =	stream.indirect.gather [hbm4b:s5+s24], $0x20, s25, s24, $0xb8;
	[tilespmem:$0x12F30] =	vst v63  }
0x8f: {  	_ =	swait.ge [sflag:s28], $0x6200  }
0x90: {  	[sflag:s28] =	ssyncset.done $0x0  }
0x91: {  	s0 =	simm.s32 $0x0;
	[sflag:s28] =	ssyncadd.s32 $0xFFFF9E00  }
0x92: {  	v0 =	vld [tilespmem:s0+$0x6B30]  }
0x93: {  	v1 =	vld [tilespmem:s0+$0x6B40]  }
0x94: {  	s1 =	simm.s32 $0x80;
	v2 =	vld [tilespmem:s0+$0x930]  }
.LBB2_6:
0x95: {  	p0 =	sne.s32 s1, $0x18780;
	v3 =	vld [tilespmem:s0+$0x940]  }
0x96: {  	v4 =	vld [tilespmem:s0+$0xCD30]  }
0x97: {  	v5 =	vld [tilespmem:s0+$0xCD40];
	_ =	sdelay $0x1  }
0x98: {  	v0 =	vadd.f32 v0, v2  }
.Ltmp2:
0x99: {  	v1 =	vadd.f32 v1, v3;
	(pc) =	sbr.rel @p0 .LBB2_6-.Ltmp2, $4  }
0x9a: {  	s6 =	sshra.s32 s1, $0x2;
	v2 =	vadd.f32 v4, v0  }
0x9b: {  	v0 =	vld [tilespmem:s6+$0x6B30];
	v3 =	vadd.f32 v5, v1  }
0x9c: {  	v1 =	vld [tilespmem:s6+$0x6B40];
	[tilespmem:s0+$0x930] =	vst v2  }
0x9d: {  	s1 =	sadd.s32 $0x80, s1;
	v2 =	vld [tilespmem:s6+$0x930];
	[tilespmem:s0+$0x940] =	vst v3;
	s0 =	smov.u32 s6  }
0x9e: {  	v3 =	vld [tilespmem:s0+$0x940]  }
0x9f: {  	v4 =	vld [tilespmem:s0+$0xCD30]  }
0xa0: {  	v5 =	vld [tilespmem:s0+$0xCD40];
	_ =	sdelay $0x1  }
0xa1: {  	v0 =	vadd.f32 v0, v2  }
0xa2: {  	v1 =	vadd.f32 v1, v3  }
0xa3: {  	v0 =	vadd.f32 v4, v0  }
0xa4: {  	v1 =	vadd.f32 v5, v1  }
0xa5: {  	[tilespmem:s0+$0x930] =	vst v0  }
0xa6: {  	s6 =	simm.s32 $0x0;
	[tilespmem:s0+$0x940] =	vst v1  }
0xa7: {  	[hbm4b:s17+s6] =	stream.linear.scatter [tilespmem:s26], [sflag:$0x2], $0x6200, $0x38;
	[tilespmem:$0x12F30] =	vst v63  }
0xa8: {  	_ =	swait.ge [sflag:s23], $0x6200  }
0xa9: {  	[sflag:s23] =	ssyncset.done $0x0  }
0xaa: {  	[sflag:s23] =	ssyncadd.s32 $0xFFFF9E00  }
0xab: {  	[tilespmem:s6], [sflag:$0x2] =	stream.linear.gather [hbm4b:s18+s6], $0x310, $0x38;
	[tilespmem:$0x12F30] =	vst v63  }
0xac: {  	_ =	swait.ge [sflag:s23], $0x310  }
0xad: {  	[sflag:s23] =	ssyncset.done $0x0  }
0xae: {  	[sflag:s23] =	ssyncadd.s32 $0xFFFFFCF0  }
0xaf: {  	[tilespmem:s24], [sflag:$0x2] =	stream.linear.gather [hbm4b:s19+s6], $0x310, $0x38;
	[tilespmem:$0x12F30] =	vst v63  }
0xb0: {  	_ =	swait.ge [sflag:s23], $0x310  }
0xb1: {  	[sflag:s23] =	ssyncset.done $0x0  }
0xb2: {  	[sflag:s23] =	ssyncadd.s32 $0xFFFFFCF0  }
0xb3: {  	[tilespmem:s25], [sflag:$0x2] =	stream.linear.gather [hbm4b:s20+s6], $0x310, $0x38;
	[tilespmem:$0x12F30] =	vst v63  }
0xb4: {  	_ =	swait.ge [sflag:s23], $0x310  }
0xb5: {  	[sflag:s23] =	ssyncset.done $0x0  }
0xb6: {  	[sflag:s23] =	ssyncadd.s32 $0xFFFFFCF0  }
0xb7: {  	[tilespmem:s26], [sflag:$0x1] =	stream.indirect.gather [hbm4b:s4+s24], $0x20, s6, s24, $0xb8;
	[tilespmem:$0x12F30] =	vst v63  }
0xb8: {  	_ =	swait.ge [sflag:s28], $0x6200  }
0xb9: {  	[sflag:s28] =	ssyncset.done $0x0  }
0xba: {  	[sflag:s28] =	ssyncadd.s32 $0xFFFF9E00  }
0xbb: {  	[tilespmem:s29], [sflag:$0x1] =	stream.indirect.gather [hbm4b:s2+s24], $0x20, s24, s24, $0xb8;
	[tilespmem:$0x12F30] =	vst v63  }
0xbc: {  	_ =	swait.ge [sflag:s28], $0x6200  }
0xbd: {  	[sflag:s28] =	ssyncset.done $0x0  }
0xbe: {  	[sflag:s28] =	ssyncadd.s32 $0xFFFF9E00  }
0xbf: {  	[tilespmem:s30], [sflag:$0x1] =	stream.indirect.gather [hbm4b:s5+s24], $0x20, s25, s24, $0xb8;
	[tilespmem:$0x12F30] =	vst v63  }
0xc0: {  	_ =	swait.ge [sflag:s28], $0x6200  }
0xc1: {  	[sflag:s28] =	ssyncset.done $0x0  }
0xc2: {  	s0 =	simm.s32 $0x0;
	[sflag:s28] =	ssyncadd.s32 $0xFFFF9E00  }
0xc3: {  	v0 =	vld [tilespmem:s0+$0x6B30]  }
0xc4: {  	v1 =	vld [tilespmem:s0+$0x6B40]  }
0xc5: {  	s1 =	simm.s32 $0x80;
	v2 =	vld [tilespmem:s0+$0x930]  }
.LBB2_8:
0xc6: {  	p0 =	sne.s32 s1, $0x18780;
	v3 =	vld [tilespmem:s0+$0x940]  }
0xc7: {  	v4 =	vld [tilespmem:s0+$0xCD30]  }
0xc8: {  	v5 =	vld [tilespmem:s0+$0xCD40];
	_ =	sdelay $0x1  }
0xc9: {  	v0 =	vadd.f32 v0, v2  }
.Ltmp3:
0xca: {  	v1 =	vadd.f32 v1, v3;
	(pc) =	sbr.rel @p0 .LBB2_8-.Ltmp3, $4  }
0xcb: {  	s6 =	sshra.s32 s1, $0x2;
	v2 =	vadd.f32 v4, v0  }
0xcc: {  	v0 =	vld [tilespmem:s6+$0x6B30];
	v3 =	vadd.f32 v5, v1  }
0xcd: {  	v1 =	vld [tilespmem:s6+$0x6B40];
	[tilespmem:s0+$0x930] =	vst v2  }
0xce: {  	s1 =	sadd.s32 $0x80, s1;
	v2 =	vld [tilespmem:s6+$0x930];
	[tilespmem:s0+$0x940] =	vst v3;
	s0 =	smov.u32 s6  }
0xcf: {  	v3 =	vld [tilespmem:s0+$0x940]  }
0xd0: {  	v4 =	vld [tilespmem:s0+$0xCD30]  }
0xd1: {  	v5 =	vld [tilespmem:s0+$0xCD40];
	_ =	sdelay $0x1  }
0xd2: {  	v0 =	vadd.f32 v0, v2  }
0xd3: {  	v1 =	vadd.f32 v1, v3  }
0xd4: {  	v0 =	vadd.f32 v4, v0  }
0xd5: {  	s31 =	sadd.s32 $0x1, s31;
	v1 =	vadd.f32 v5, v1  }
0xd6: {  	p0 =	sne.s32 s31, s22;
	[tilespmem:s0+$0x930] =	vst v0  }
.Ltmp4:
0xd7: {  	[tilespmem:s0+$0x940] =	vst v1;
	(pc) =	sbr.rel @p0 .LBB2_1-.Ltmp4, $4  }
0xd8: {  	[hbm4b:s21+s3] =	stream.linear.scatter [tilespmem:s26], [sflag:$0x2], $0x6200, $0x38;
	[tilespmem:$0x12F30] =	vst v63  }
0xd9: {  	_ =	swait.ge [sflag:s23], $0x6200  }
0xda: {  	[sflag:s23] =	ssyncset.done $0x0  }
0xdb: {  	[sflag:s23] =	ssyncadd.s32 $0xFFFF9E00  }
0xdc: {  	_ =	sfence.sel $0x180000  }
0xdd: {  	[bflag:$0x0] =	sbarrier.arrive $0xFFFF  }
0xde: {  	_ =	strace $0x90000047  }
0xdf: {  	s0 =	stileid.u32;
	[bflag:$0x2] =	sbarrier.arrive $0xFFFF  }
0xe0: {  	p0 =	sne.s32 s0, $0x0;
	s0 =	rddreg [dreg:$0x5]  }
0xe1: {  	s0 =	sadd.s32 @!p0 $0x100000, s0  }
0xe2: {  	[sflag:s0] =	ssyncadd.tile.s32 @!p0 $0x1;
	_ =	shalt  }
.Lfunc_end2:
_tile_overlayer_lowered:
.L_overlay_start_2:
0xe3: {  	(tag) =	ssettag $0x2  }
0xe4: {  	s0 =	rddreg [dreg:$0x0];
	s2 =	stileid.u32  }
0xe5: {  	s1 =	rddreg [dreg:$0x1];
	p0 =	sne.s32 s2, $0x0  }
0xe6: {  	s3 =	rddreg [dreg:$0x2];
	[bflag:$0x3] =	sbarrier.arrive $0xFFFF;
	s2 =	simm.s32 @!p0 $0x1C02  }
0xe7: {  	[timem:s3], [sflag:s2] =	dma.local @!p0 [hbm:s0], s1  }
0xe8: {  	s0 =	simm.s32 @!p0 $0x2  }
0xe9: {  	_ =	swait.ge @!p0 [sflag:s0], s1  }
0xea: {  	s1 =	ssub.s32 @!p0 $0x0, s1;
	[sflag:s0] =	ssyncset.done @!p0 $0x0  }
0xeb: {  	[sflag:s0] =	ssyncadd.s32 @!p0 s1  }
0xec: {  	[bflag:$0x3] =	sbarrier.arrive $0xFFFF  }
0xed: {  	_ =	shalt  }

// kernel: kernel.23.cloned.1.call-start
scs
__scs_entry_jumppad:
0x0: {  	(pc) =	sbr.rel $0x88, $3  }
0x1: {  	(tag) =	ssettag $0x0;
	lr =	simm.s32 $0x1  }
0x2: {  	[smem:$0x3F8C] =	sst lr;
	_ =	strace $0xD0000000  }
0x3: {  	_ = 	snop  }
0x4: {  	_ = 	snop  }
0x5: {  	_ = 	snop  }
0x6: {  	_ = 	snop  }
0x7: {  	_ = 	snop  }
__scs_overlays_trampoline_lowered:
0x8: {  	[smem:$0x3F9B] =	sst s0  }
0x9: {  	[smem:$0x3F9C] =	sst s1  }
0xa: {  	[smem:$0x3F9D] =	sst s2  }
0xb: {  	[smem:$0x3F9E] =	sst s3  }
0xc: {  	[smem:$0x3F9F] =	sst s4  }
0xd: {  	[smem:$0x3FA0] =	sst s5  }
0xe: {  	[smem:$0x3FA1] =	sst s6  }
0xf: {  	[smem:$0x3FA2] =	sst s7  }
0x10: {  	[smem:$0x3FA3] =	sst s8  }
0x11: {  	[smem:$0x3FA4] =	sst s9;
	s0 =	simm.s32 @!p0 $0x0  }
0x12: {  	s1 =	sld [smem:$0x3F8A];
	s0 =	simm.s32 @p0 $0x1  }
0x13: {  	[smem:$0x3FA5] =	sst s0;
	s0 =	simm.s32 @!p1 $0x0  }
0x14: {  	s2 =	sld [smem:$0x3F89];
	s0 =	simm.s32 @p1 $0x1  }
0x15: {  	[smem:$0x3FA6] =	sst s0;
	s0 =	simm.s32 @!p2 $0x0  }
0x16: {  	s3 =	sld [smem:$0x3FDB];
	s0 =	simm.s32 @p2 $0x1  }
0x17: {  	s4 =	simm.s32 $0x1BF5;
	[smem:$0x3FA8] =	sst s0  }
0x18: {  	s0 =	sld [smem:$0x3F8B];
	_ =	swait.ge [sflag:s4], $0x0  }
0x19: {  	s7 =	sld [smem:$0x3F8C]  }
0x1a: {  	s8 =	sadd.s32 $0xFFFFE003, lr  }
0x1b: {  	s9 =	sadd.s32 $0xFFFFFEF7, lr;
	s5 =	simm.s32 $0xFFFFFFFF;
	p2 =	slt.u32 s8, $0xFFFFF086  }
0x1c: {  	p1 =	slt.u32 s9, $0xF7A;
	s5 =	simm.s32 @!p2 $0x0  }
0x1d: {  	s5 =	simm.s32 @p1 $0x1;
	p0 =	seq.s32 s7, s2  }
0x1e: {  	s7 =	smul.u32 @!p0 $0xF7A, s2;
	p2 =	seq.s32 @!p0 s5, $0x0  }
0x1f: {  	s9 =	smul.u32 $0xF7A, s1;
	s8 =	simm.s32 @!p0 $0x1BF5;
	p2 =	por !p2, p0  }
0x20: {  	[sflag:s8] =	ssyncset.s32 @!p0 $0xFFFFF086;
	s6 =	sadd.s32 @!p0 s3, s7;
	s7 =	simm.s32 @!p0 $0x108  }
0x21: {  	s3 =	sadd.s32 s3, s9;
	s6 =	sadd.s32 @!p0 $0x88, s6;
	s7 =	simm.s32 @p2 $0x1082  }
0x22: {  	[simem:s7], [sflag:s8] =	dma.local @!p0 [hbm:s6], $0xF7A  }
0x23: {  	s9 =	sor.u32 $0xD0000000, s2;
	s6 =	simm.s32 $0x108;
	_ =	swait.ge @!p0 [sflag:s8], $0x0  }
0x24: {  	s3 =	sadd.s32 $0x88, s3;
	s6 =	simm.s32 @!p1 $0x1082;
	[sflag:s4] =	ssyncset.s32 $0xFFFFF086  }
0x25: {  	[simem:s6], [sflag:s4] =	dma.local [hbm:s3], $0xF7A  }
0x26: {  	[smem:$0x3F8C] =	sst s1;
	(tag) =	ssettag s2;
	_ =	strace s9  }
0x27: {  	s1 =	sld [smem:$0x3F9C]  }
0x28: {  	s2 =	sld [smem:$0x3F9D]  }
0x29: {  	s4 =	sld [smem:$0x3F9F]  }
0x2a: {  	p0 =	seq.s32 s5, $0x0;
	s5 =	sld [smem:$0x3FA0]  }
0x2b: {  	s6 =	sld [smem:$0x3FA1]  }
0x2c: {  	s7 =	sld [smem:$0x3FA2]  }
0x2d: {  	s3 =	simm.s32 $0x108;
	s8 =	sld [smem:$0x3FA3]  }
0x2e: {  	s3 =	simm.s32 @!p0 $0x1082;
	s9 =	sld [smem:$0x3FA4]  }
0x2f: {  	lr =	sadd.s32 s0, s3;
	s0 =	sld [smem:$0x3F9B]  }
0x30: {  	s3 =	sld [smem:$0x3F9E]  }
0x31: {  	[smem:$0x3FA7] =	sst s10  }
0x32: {  	s10 =	sld [smem:$0x3FA5];
	_ =	sdelay $0x3  }
0x33: {  	p0 =	seq.s32 s10, $0x1;
	s10 =	sld [smem:$0x3FA7];
	_ =	sdelay $0x3  }
0x34: {  	[smem:$0x3FA7] =	sst s10  }
0x35: {  	s10 =	sld [smem:$0x3FA6];
	_ =	sdelay $0x3  }
0x36: {  	p1 =	seq.s32 s10, $0x1;
	s10 =	sld [smem:$0x3FA7];
	_ =	sdelay $0x3  }
0x37: {  	[smem:$0x3FA7] =	sst s10  }
0x38: {  	s10 =	sld [smem:$0x3FA8]  }
0x39: {  	_ = 	snop;
	(pc) =	sbr.ind lr, $3  }
0x3a: {  	_ = 	snop  }
0x3b: {  	_ = 	snop  }
0x3c: {  	p2 =	seq.s32 s10, $0x1;
	s10 =	sld [smem:$0x3FA7]  }
0x3d: {  	_ =	shalt  }
0x3e: {  	_ =	shalt  }
0x3f: {  	_ =	shalt  }
0x40: {  	_ =	shalt  }
0x41: {  	_ =	shalt  }
0x42: {  	_ =	shalt  }
0x43: {  	_ =	shalt  }
0x44: {  	_ =	shalt  }
0x45: {  	_ =	shalt  }
0x46: {  	_ =	shalt  }
0x47: {  	_ =	shalt  }
0x48: {  	_ =	shalt  }
0x49: {  	_ =	shalt  }
0x4a: {  	_ =	shalt  }
0x4b: {  	_ =	shalt  }
0x4c: {  	_ =	shalt  }
0x4d: {  	_ =	shalt  }
0x4e: {  	_ =	shalt  }
0x4f: {  	_ =	shalt  }
0x50: {  	_ =	shalt  }
0x51: {  	_ =	shalt  }
0x52: {  	_ =	shalt  }
0x53: {  	_ =	shalt  }
0x54: {  	_ =	shalt  }
0x55: {  	_ =	shalt  }
0x56: {  	_ =	shalt  }
0x57: {  	_ =	shalt  }
0x58: {  	_ =	shalt  }
0x59: {  	_ =	shalt  }
0x5a: {  	_ =	shalt  }
0x5b: {  	_ =	shalt  }
0x5c: {  	_ =	shalt  }
0x5d: {  	_ =	shalt  }
0x5e: {  	_ =	shalt  }
0x5f: {  	_ =	shalt  }
0x60: {  	_ =	shalt  }
0x61: {  	_ =	shalt  }
0x62: {  	_ =	shalt  }
0x63: {  	_ =	shalt  }
0x64: {  	_ =	shalt  }
0x65: {  	_ =	shalt  }
0x66: {  	_ =	shalt  }
0x67: {  	_ =	shalt  }
0x68: {  	_ =	shalt  }
0x69: {  	_ =	shalt  }
0x6a: {  	_ =	shalt  }
0x6b: {  	_ =	shalt  }
0x6c: {  	_ =	shalt  }
0x6d: {  	_ =	shalt  }
0x6e: {  	_ =	shalt  }
0x6f: {  	_ =	shalt  }
0x70: {  	_ =	shalt  }
0x71: {  	_ =	shalt  }
0x72: {  	_ =	shalt  }
0x73: {  	_ =	shalt  }
0x74: {  	_ =	shalt  }
0x75: {  	_ =	shalt  }
0x76: {  	_ =	shalt  }
0x77: {  	_ =	shalt  }
0x78: {  	_ =	shalt  }
0x79: {  	_ =	shalt  }
0x7a: {  	_ =	shalt  }
0x7b: {  	_ =	shalt  }
0x7c: {  	_ =	shalt  }
0x7d: {  	_ =	shalt  }
0x7e: {  	_ =	shalt  }
0x7f: {  	_ =	shalt  }
0x80: {  	_ =	shalt  }
0x81: {  	_ =	shalt  }
0x82: {  	_ =	shalt  }
0x83: {  	_ =	shalt  }
0x84: {  	_ =	shalt  }
0x85: {  	_ =	shalt  }
0x86: {  	_ =	shalt  }
0x87: {  	_ =	shalt  }
.Lfunc_end0:
.L_simem_size_0:
called_computation.1_lowered:
.L_overlay_start_0:
0x88: {  	s2 =	sld [smem:$0x3FD9]  }
0x89: {  	s3 =	sld [smem:$0x3FFE];
	_ =	sdelay $0x1  }
0x8a: {  	s1 =	srdreg.scid  }
0x8b: {  	s0 =	sand.u32 $0x1, s1  }
0x8c: {  	s15 =	sshll.u32 s0, $0xA;
	s2 =	sadd.s32 s3, s2  }
0x8d: {  	s2 =	sadd.s32 s2, s15  }
0x8e: {  	[smem:$0x3FB3] =	sst s2  }
0x8f: {  	_ = 	snop  }
0x90: {  	s2 =	sld [smem:$0x3FD0];
	_ =	sdelay $0x2  }
0x91: {  	s16 =	simm.s32 $0xB;
	s4 =	simm.s32 $0x10  }
0x92: {  	[smem:s4], [sflag:s16] =	dma.local [hbm:s2], $0x1  }
0x93: {  	_ =	swait.eq [sflag:s16], $0x1  }
0x94: {  	[sflag:s16] =	ssyncset.done $0x0  }
0x95: {  	[sflag:s16] =	ssyncadd.s32 $0xFFFFFFFF  }
0x96: {  	s17 =	sld [smem:$0x10];
	(tm) =	ssettm $0x1  }
0x97: {  	s18 =	sld [smem:$0x3FFB];
	_ =	sdelay $0x3  }
0x98: {  	_ =	strace s18  }
0x99: {  	s2 =	sld [smem:$0x3FFC];
	_ =	sdelay $0x3  }
0x9a: {  	_ =	strace s2  }
0x9b: {  	s2 =	sld [smem:$0x3FFD];
	_ =	sdelay $0x3  }
0x9c: {  	_ =	strace s2  }
0x9d: {  	_ =	strace $0x8FFFFFFF  }
0x9e: {  	s19 =	sld [smem:$0x3FDB];
	_ =	sdelay $0x1  }
0x9f: {  	s20 =	simm.s32 $_scs_section_size  }
0xa0: {  	s5 =	simm.s32 $_size__tile_overlayer_lowered;
	s6 =	simm.s32 $_tile_overlayer_lowered  }
0xa1: {  	s7 =	simm.s32 $0x1BFF;
	s21 =	sshll.u32 s6, $0x1;
	s4 =	sadd.s32 s20, s19  }
0xa2: {  	s22 =	simm.s32 $0x0;
	s5 =	sshll.u32 s5, $0x1;
	s6 =	sadd.s32 s21, s4  }
0xa3: {  	[timem:s22], [sflag:s7] =	dma.local [hbm:s6], s5  }
0xa4: {  	_ =	swait.ge [sflag:s7], s5  }
0xa5: {  	s5 =	ssub.s32 $0x0, s5;
	[sflag:s7] =	ssyncset.done $0x0  }
0xa6: {  	[sflag:s7] =	ssyncadd.s32 s5;
	_ =	sdelay $0x1  }
0xa7: {  	s23 =	simm.s32 $0x1B8B  }
0xa8: {  	_ =	swait.ge [sflag:s23], $0x1  }
0xa9: {  	[sflag:s23] =	ssyncset.done $0x0  }
0xaa: {  	[sflag:s23] =	ssyncadd.s32 $0xFFFFFFFF  }
0xab: {  	s5 =	sld [smem:$0x0]  }
0xac: {  	s6 =	sand.u32 $0xFFFFFFFE, s1  }
0xad: {  	p0 =	sne.s32 s1, s6  }
0xae: {  	s6 =	sshll.u32 @p0 s6, $0xE  }
0xaf: {  	s6 =	sadd.s32 @p0 $0x11B8D, s6;
	s7 =	sshll.u32 @p0 s5, $0x11  }
0xb0: {  	s6 =	sor.u32 @p0 s7, s6  }
0xb1: {  	[sflag:s6] =	ssyncadd.remote.s32 @p0 $0x1;
	_ =	sdelay $0x1  }
0xb2: {  	s6 =	simm.s32 @p0 $0x1B8D  }
0xb3: {  	_ =	swait.eq @p0 [sflag:s6], $0x1  }
0xb4: {  	[sflag:s6] =	ssyncadd.s32 @p0 $0xFFFFFFFF  }
0xb5: {  	s7 =	sshll.u32 @!p0 s1, $0xE  }
0xb6: {  	s7 =	sor.u32 @!p0 $0x4000, s7;
	s6 =	simm.s32 @!p0 $0x1B8D  }
0xb7: {  	s5 =	sshll.u32 @!p0 s5, $0x11;
	s7 =	sadd.s32 @!p0 $0x11B8D, s7;
	_ =	swait.eq @!p0 [sflag:s6], $0x1  }
0xb8: {  	s5 =	sor.u32 @!p0 s5, s7;
	[sflag:s6] =	ssyncadd.s32 @!p0 $0xFFFFFFFF  }
0xb9: {  	s25 =	simm.s32 $0x1B8E;
	s24 =	sld [smem:$0x3FFE];
	[sflag:s5] =	ssyncadd.remote.s32 @!p0 $0x1  }
0xba: {  	s26 =	simm.s32 $execute0_lowered;
	[smem:$0x3FD2] =	sst s25  }
0xbb: {  	s6 =	sshll.u32 s26, $0x1;
	_ =	strace $0x80000049;
	[dreg:$0x1] =	wrdreg $0xFFFFFFFF  }
0xbc: {  	s28 =	simm.s32 $_size_execute0_lowered;
	s4 =	sadd.s32 s4, s6;
	[dreg:$0x0] =	wrdreg $0x0  }
0xbd: {  	s6 =	sshll.u32 s28, $0x1;
	[dreg:$0x2] =	wrdreg s4  }
0xbe: {  	[dreg:$0x3] =	wrdreg s6  }
0xbf: {  	[dreg:$0x4] =	wrdreg $0xC0  }
0xc0: {  	_ =	task [dreg:s22], $0x5FFFF  }
0xc1: {  	[dreg:$0x1] =	wrdreg $0xFFFFFFFF  }
0xc2: {  	[dreg:$0x0] =	wrdreg $0x60  }
0xc3: {  	[dreg:$0x2] =	wrdreg s24  }
0xc4: {  	[dreg:$0x3] =	wrdreg s17  }
0xc5: {  	[dreg:$0x4] =	wrdreg $0x70800  }
0xc6: {  	[dreg:$0x5] =	wrdreg $0xA  }
0xc7: {  	_ =	task.clear_ibuf [dreg:s22], $0x6FFFF;
	_ =	strace $0x90000049  }
0xc8: {  	s29 =	simm.s32 $0xA;
	_ =	strace $0x8000004B  }
0xc9: {  	_ =	swait.ge [sflag:s29], $0x1  }
0xca: {  	[sflag:s29] =	ssyncadd.s32 $0xFFFFFFFF  }
0xcb: {  	_ =	strace $0x9000004B  }
0xcc: {  	_ =	sfence  }
0xcd: {  	s30 =	sld [smem:$0x0];
	_ =	sdelay $0x2  }
0xce: {  	s31 =	sshll.u32 s1, $0xD;
	s1 =	sshrl.u32 s1, $0x2  }
0xcf: {  	s4 =	sand.u32 $0x4000, s31;
	s1 =	sadd.s32 s1, s30  }
0xd0: {  	s0 =	sor.u32 s4, s0;
	s1 =	sshll.u32 s1, $0x11  }
0xd1: {  	s0 =	sor.u32 s1, s0  }
0xd2: {  	s0 =	sadd.s32 $0x8F2B, s0  }
0xd3: {  	[sflag:s0] =	ssyncadd.remote.s32 $0x1  }
0xd4: {  	_ =	sfence.sel $0xFFFF  }
0xd5: {  	[dreg:$0x0] =	wrdreg $0xFFFFFFFF;
	(pc) =	sbr.abs _section_cstart, $3  }
0xd6: {  	[dreg:$0x1] =	wrdreg $0xFFFFFFFF  }
0xd7: {  	_ =	task.clear_ibuf [dreg:s22], $0x2FFFF;
	_ =	strace $0x9FFFFFFF  }
0xd8: {  	(tm) =	ssettm $0x7FFFFFFF  }
0xd9: {  	_ =	shalt  }
tec
execute0_lowered:
.L_overlay_start_1:
0x0: {  	(tag) =	ssettag $0x1  }
0x1: {  	s5 =	rddreg [dreg:$0x0]  }
0x2: {  	s2 =	rddreg [dreg:$0x1]  }
0x3: {  	s3 =	rddreg [dreg:$0x2]  }
0x4: {  	s0 =	rddreg [dreg:$0x3];
	s6 =	srdreg.scid  }
0x5: {  	s1 =	stileid.u32;
	s4 =	simm.s32 $0x0;
	s18 =	simm.s32 $0x3840  }
0x6: {  	s19 =	simm.s32 $0x3B60;
	s20 =	simm.s32 $0x3E80;
	s21 =	simm.s32 $0x1  }
0x7: {  	s22 =	simm.s32 $0x2;
	s23 =	simm.s32 $0x3;
	s24 =	simm.s32 $0x4  }
0x8: {  	s25 =	simm.s32 $0x0;
	s6 =	sand.u32 $0x1, s6;
	s7 =	smul.u32 $0xC400, s1  }
0x9: {  	[smem:$0x7FF] =	sst s4;
	s13 =	sadd.s32 $0x99400, s5;
	s15 =	smul.u32 $0x186A0, s1  }
0xa: {  	s12 =	sadd.s32 $0x68600, s5;
	s9 =	sadd.s32 $0x378600, s5;
	s17 =	smul.u32 $0x30D4, s1  }
0xb: {  	s30 =	sshll.u32 s1, $0x6;
	s8 =	smul.u32 $0x188000, s6;
	s11 =	ssub.s32 $0x2, s6  }
0xc: {  	_ =	strace $0x8000004A;
	s6 =	smul.u32 $0x31000, s6;
	s14 =	sshrl.u32 s11, $0x1  }
0xd: {  	s29 =	sadd.s32 s7, s3;
	s31 =	sshrl.u32 s15, $0x3;
	s10 =	sadd.s32 s7, s8  }
0xe: {  	s11 =	ssub.s32 s11, s14;
	s6 =	sadd.s32 s9, s6;
	s15 =	sadd.s32 $0x3070, s31  }
0xf: {  	s16 =	sshrl.u32 s8, $0x3;
	s14 =	sshrl.u32 s29, $0x3;
	s10 =	sshrl.u32 s10, $0x3  }
0x10: {  	s7 =	sadd.s32 s13, s15;
	s8 =	sadd.s32 s12, s15;
	s9 =	sadd.s32 s9, s16  }
0x11: {  	s11 =	smax.u32 s11, $0x1;
	s12 =	sadd.s32 s17, s12;
	s13 =	sadd.s32 s17, s13  }
0x12: {  	s15 =	simm.s32 $0x5;
	s16 =	simm.s32 $0x320;
	s10 =	sadd.s32 s10, s5  }
0x13: {  	s17 =	simm.s32 $0x640;
	s5 =	sor.u32 $0x1C05, s30;
	s10 =	sadd.s32 $0xCA200, s10  }
.LBB2_1:
0x14: {  	[spmem:s14], [sflag:s5] =	dma.local [hbm:s2], $0x1880  }
0x15: {  	_ =	swait.ge [sflag:s15], $0x1880  }
0x16: {  	[sflag:s15] =	ssyncset.done $0x0  }
0x17: {  	[sflag:s15] =	ssyncadd.s32 $0xFFFFE780  }
0x18: {  	s26 =	sadd.s32 $0x0, s13;
	[bflag:$0x0] =	sbarrier.arrive $0xFFFF  }
0x19: {  	[tilespmem:s4], [sflag:$0x5] =	stream.linear.gather [hbm4b:s26+s4], $0x320, $0x38;
	[tilespmem:$0x1F880] =	vst v63  }
0x1a: {  	_ =	swait.ge [sflag:s15], $0x320  }
0x1b: {  	[sflag:s15] =	ssyncset.done $0x0  }
0x1c: {  	s28 =	sadd.s32 $0x0, s12;
	[sflag:s15] =	ssyncadd.s32 $0xFFFFFCE0  }
0x1d: {  	[tilespmem:s16], [sflag:$0x5] =	stream.linear.gather [hbm4b:s28+s4], $0x320, $0x38;
	[tilespmem:$0x1F880] =	vst v63  }
0x1e: {  	_ =	swait.ge [sflag:s15], $0x320  }
0x1f: {  	[sflag:s15] =	ssyncset.done $0x0  }
0x20: {  	[sflag:s15] =	ssyncadd.s32 $0xFFFFFCE0  }
0x21: {  	[tilespmem:s17], [sflag:$0x1] =	stream.indirect.gather [hbm4b:s6+s16], $0x10, s4, s16, $0xb8;
	[tilespmem:$0x1F880] =	vst v63  }
0x22: {  	s26 =	sadd.s32 $0x64, s26  }
0x23: {  	[tilespmem:s18], [sflag:$0x5] =	stream.linear.gather [hbm4b:s26+s4], $0x320, $0x38;
	[tilespmem:$0x1F880] =	vst v63  }
0x24: {  	_ =	swait.ge [sflag:s15], $0x320  }
0x25: {  	[sflag:s15] =	ssyncset.done $0x0  }
0x26: {  	s31 =	sadd.s32 $0x64, s28;
	[sflag:s15] =	ssyncadd.s32 $0xFFFFFCE0  }
0x27: {  	[tilespmem:s19], [sflag:$0x5] =	stream.linear.gather [hbm4b:s31+s4], $0x320, $0x38;
	[tilespmem:$0x1F880] =	vst v63  }
0x28: {  	_ =	swait.ge [sflag:s15], $0x320  }
0x29: {  	[sflag:s15] =	ssyncset.done $0x0  }
0x2a: {  	[sflag:s15] =	ssyncadd.s32 $0xFFFFFCE0  }
0x2b: {  	[tilespmem:s20], [sflag:$0x2] =	stream.indirect.gather [hbm4b:s6+s16], $0x10, s18, s16, $0xb8;
	[tilespmem:$0x1F880] =	vst v63  }
0x2c: {  	_ =	swait.ge [sflag:s21], $0x3200  }
0x2d: {  	[sflag:s21] =	ssyncset.done $0x0  }
0x2e: {  	[sflag:s21] =	ssyncadd.s32 $0xFFFFCE00  }
0x2f: {  	[spmem:s3] =	stream.indirect.scatter.add.f32 [tilespmem:s17], [sflag:$0x3], $0x10, s16, s16, $0xb8;
	[tilespmem:$0x1F880] =	vst v63  }
0x30: {  	_ =	swait.ge [sflag:s22], $0x3200  }
0x31: {  	[sflag:s22] =	ssyncset.done $0x0  }
0x32: {  	[sflag:s22] =	ssyncadd.s32 $0xFFFFCE00  }
0x33: {  	[spmem:s3] =	stream.indirect.scatter.add.f32 [tilespmem:s20], [sflag:$0x4], $0x10, s19, s16, $0xb8;
	[tilespmem:$0x1F880] =	vst v63  }
0x34: {  	_ =	swait.ge [sflag:s23], $0x3200  }
0x35: {  	[sflag:s23] =	ssyncset.done $0x0  }
0x36: {  	[sflag:s23] =	ssyncadd.s32 $0xFFFFCE00  }
0x37: {  	_ =	swait.ge [sflag:s24], $0x3200  }
0x38: {  	s29 =	simm.s32 $0x190;
	s26 =	simm.s32 $0xC8;
	[sflag:s24] =	ssyncset.done $0x0  }
.LBB2_2:
0x39: {  	s30 =	sadd.s32 s26, s13  }
0x3a: {  	[sflag:s24] =	ssyncadd.s32 $0xFFFFCE00;
	s31 =	smov.u32 s29;
	s28 =	sadd.s32 $0xC8, s29  }
0x3b: {  	[tilespmem:s4], [sflag:$0x5] =	stream.linear.gather [hbm4b:s30+s4], $0x320, $0x38;
	[tilespmem:$0x1F880] =	vst v63  }
0x3c: {  	p0 =	sne.s32 s29, $0x2FA8;
	_ =	swait.ge [sflag:s15], $0x320  }
0x3d: {  	[sflag:s15] =	ssyncset.done $0x0  }
0x3e: {  	s29 =	sadd.s32 s26, s12;
	s26 =	smov.u32 s31;
	[sflag:s15] =	ssyncadd.s32 $0xFFFFFCE0  }
0x3f: {  	[tilespmem:s16], [sflag:$0x5] =	stream.linear.gather [hbm4b:s29+s4], $0x320, $0x38;
	[tilespmem:$0x1F880] =	vst v63  }
0x40: {  	_ =	swait.ge [sflag:s15], $0x320  }
0x41: {  	[sflag:s15] =	ssyncset.done $0x0  }
0x42: {  	[sflag:s15] =	ssyncadd.s32 $0xFFFFFCE0  }
0x43: {  	[tilespmem:s17], [sflag:$0x1] =	stream.indirect.gather [hbm4b:s6+s16], $0x10, s4, s16, $0xb8;
	[tilespmem:$0x1F880] =	vst v63  }
0x44: {  	s30 =	sadd.s32 $0x64, s30  }
0x45: {  	[tilespmem:s18], [sflag:$0x5] =	stream.linear.gather [hbm4b:s30+s4], $0x320, $0x38;
	[tilespmem:$0x1F880] =	vst v63  }
0x46: {  	_ =	swait.ge [sflag:s15], $0x320  }
0x47: {  	[sflag:s15] =	ssyncset.done $0x0  }
0x48: {  	s29 =	sadd.s32 $0x64, s29;
	[sflag:s15] =	ssyncadd.s32 $0xFFFFFCE0  }
0x49: {  	[tilespmem:s19], [sflag:$0x5] =	stream.linear.gather [hbm4b:s29+s4], $0x320, $0x38;
	[tilespmem:$0x1F880] =	vst v63  }
0x4a: {  	_ =	swait.ge [sflag:s15], $0x320  }
0x4b: {  	[sflag:s15] =	ssyncset.done $0x0  }
0x4c: {  	[sflag:s15] =	ssyncadd.s32 $0xFFFFFCE0  }
0x4d: {  	[tilespmem:s20], [sflag:$0x2] =	stream.indirect.gather [hbm4b:s6+s16], $0x10, s18, s16, $0xb8;
	[tilespmem:$0x1F880] =	vst v63  }
0x4e: {  	_ =	swait.ge [sflag:s21], $0x3200  }
0x4f: {  	[sflag:s21] =	ssyncset.done $0x0  }
0x50: {  	[sflag:s21] =	ssyncadd.s32 $0xFFFFCE00  }
0x51: {  	[spmem:s3] =	stream.indirect.scatter.add.f32 [tilespmem:s17], [sflag:$0x3], $0x10, s16, s16, $0xb8;
	[tilespmem:$0x1F880] =	vst v63  }
0x52: {  	_ =	swait.ge [sflag:s22], $0x3200  }
0x53: {  	[sflag:s22] =	ssyncset.done $0x0  }
0x54: {  	[sflag:s22] =	ssyncadd.s32 $0xFFFFCE00  }
0x55: {  	[spmem:s3] =	stream.indirect.scatter.add.f32 [tilespmem:s20], [sflag:$0x4], $0x10, s19, s16, $0xb8;
	[tilespmem:$0x1F880] =	vst v63  }
.Ltmp0:
0x56: {  	_ =	swait.ge [sflag:s23], $0x3200;
	(pc) =	sbr.rel @p0 .LBB2_2-.Ltmp0, $4  }
0x57: {  	[sflag:s23] =	ssyncset.done $0x0  }
0x58: {  	[sflag:s23] =	ssyncadd.s32 $0xFFFFCE00  }
0x59: {  	_ =	swait.ge [sflag:s24], $0x3200  }
0x5a: {  	s29 =	smov.u32 s28;
	[sflag:s24] =	ssyncset.done $0x0  }
0x5b: {  	s28 =	sadd.s32 s26, s13;
	[sflag:s24] =	ssyncadd.s32 $0xFFFFCE00  }
0x5c: {  	[tilespmem:s4], [sflag:$0x5] =	stream.linear.gather [hbm4b:s28+s4], $0x320, $0x38;
	[tilespmem:$0x1F880] =	vst v63  }
0x5d: {  	_ =	swait.ge [sflag:s15], $0x320  }
0x5e: {  	[sflag:s15] =	ssyncset.done $0x0  }
0x5f: {  	s31 =	sadd.s32 s26, s12;
	[sflag:s15] =	ssyncadd.s32 $0xFFFFFCE0  }
0x60: {  	[tilespmem:s16], [sflag:$0x5] =	stream.linear.gather [hbm4b:s31+s4], $0x320, $0x38;
	[tilespmem:$0x1F880] =	vst v63  }
0x61: {  	_ =	swait.ge [sflag:s15], $0x320  }
0x62: {  	[sflag:s15] =	ssyncset.done $0x0  }
0x63: {  	[sflag:s15] =	ssyncadd.s32 $0xFFFFFCE0  }
0x64: {  	[tilespmem:s17], [sflag:$0x1] =	stream.indirect.gather [hbm4b:s6+s16], $0x10, s4, s16, $0xb8;
	[tilespmem:$0x1F880] =	vst v63  }
0x65: {  	s28 =	sadd.s32 $0x64, s28  }
0x66: {  	[tilespmem:s18], [sflag:$0x5] =	stream.linear.gather [hbm4b:s28+s4], $0x320, $0x38;
	[tilespmem:$0x1F880] =	vst v63  }
0x67: {  	_ =	swait.ge [sflag:s15], $0x320  }
0x68: {  	[sflag:s15] =	ssyncset.done $0x0  }
0x69: {  	s26 =	sadd.s32 $0x64, s31;
	[sflag:s15] =	ssyncadd.s32 $0xFFFFFCE0  }
0x6a: {  	[tilespmem:s19], [sflag:$0x5] =	stream.linear.gather [hbm4b:s26+s4], $0x320, $0x38;
	[tilespmem:$0x1F880] =	vst v63  }
0x6b: {  	_ =	swait.ge [sflag:s15], $0x320  }
0x6c: {  	[sflag:s15] =	ssyncset.done $0x0  }
0x6d: {  	[sflag:s15] =	ssyncadd.s32 $0xFFFFFCE0  }
0x6e: {  	[tilespmem:s20], [sflag:$0x2] =	stream.indirect.gather [hbm4b:s6+s16], $0x10, s18, s16, $0xb8;
	[tilespmem:$0x1F880] =	vst v63  }
0x6f: {  	_ =	swait.ge [sflag:s21], $0x3200  }
0x70: {  	[sflag:s21] =	ssyncset.done $0x0  }
0x71: {  	[sflag:s21] =	ssyncadd.s32 $0xFFFFCE00  }
0x72: {  	[spmem:s3] =	stream.indirect.scatter.add.f32 [tilespmem:s17], [sflag:$0x3], $0x10, s16, s16, $0xb8;
	[tilespmem:$0x1F880] =	vst v63  }
0x73: {  	_ =	swait.ge [sflag:s22], $0x3200  }
0x74: {  	[sflag:s22] =	ssyncset.done $0x0  }
0x75: {  	[sflag:s22] =	ssyncadd.s32 $0xFFFFCE00  }
0x76: {  	[spmem:s3] =	stream.indirect.scatter.add.f32 [tilespmem:s20], [sflag:$0x4], $0x10, s19, s16, $0xb8;
	[tilespmem:$0x1F880] =	vst v63  }
0x77: {  	_ =	swait.ge [sflag:s23], $0x3200  }
0x78: {  	[sflag:s23] =	ssyncset.done $0x0  }
0x79: {  	[sflag:s23] =	ssyncadd.s32 $0xFFFFCE00  }
0x7a: {  	_ =	swait.ge [sflag:s24], $0x3200  }
0x7b: {  	[sflag:s24] =	ssyncset.done $0x0  }
0x7c: {  	[sflag:s24] =	ssyncadd.s32 $0xFFFFCE00  }
0x7d: {  	[tilespmem:s4], [sflag:$0x5] =	stream.linear.gather [hbm4b:s7+s4], $0x320, $0x38;
	[tilespmem:$0x1F880] =	vst v63  }
0x7e: {  	_ =	swait.ge [sflag:s15], $0x320  }
0x7f: {  	[sflag:s15] =	ssyncset.done $0x0  }
0x80: {  	[sflag:s15] =	ssyncadd.s32 $0xFFFFFCE0  }
0x81: {  	[tilespmem:s16], [sflag:$0x5] =	stream.linear.gather [hbm4b:s8+s4], $0x320, $0x38;
	[tilespmem:$0x1F880] =	vst v63  }
0x82: {  	_ =	swait.ge [sflag:s15], $0x320  }
0x83: {  	[sflag:s15] =	ssyncset.done $0x0  }
0x84: {  	[sflag:s15] =	ssyncadd.s32 $0xFFFFFCE0  }
0x85: {  	[tilespmem:s17], [sflag:$0x1] =	stream.indirect.gather [hbm4b:s9+s16], $0x10, s4, s16, $0xb8;
	[tilespmem:$0x1F880] =	vst v63  }
0x86: {  	_ =	swait.ge [sflag:s21], $0x3200  }
0x87: {  	[sflag:s21] =	ssyncset.done $0x0  }
0x88: {  	[sflag:s21] =	ssyncadd.s32 $0xFFFFCE00  }
0x89: {  	[spmem:s3] =	stream.indirect.scatter.add.f32 [tilespmem:s17], [sflag:$0x5], $0x10, s16, s16, $0xb8;
	[tilespmem:$0x1F880] =	vst v63  }
0x8a: {  	_ =	swait.ge [sflag:s15], $0x3200  }
0x8b: {  	s25 =	sadd.s32 $0x1, s25;
	[sflag:s15] =	ssyncset.done $0x0  }
0x8c: {  	p0 =	sne.s32 s25, s11;
	[sflag:s15] =	ssyncadd.s32 $0xFFFFCE00  }
.Ltmp1:
0x8d: {  	[bflag:$0x0] =	sbarrier.arrive $0xFFFF;
	(pc) =	sbr.rel @p0 .LBB2_1-.Ltmp1, $4  }
0x8e: {  	[hbm:s10], [sflag:s5] =	dma.local [spmem:s14], $0x1880  }
0x8f: {  	_ =	swait.ge [sflag:s15], $0x1880  }
0x90: {  	[sflag:s15] =	ssyncset.done $0x0  }
0x91: {  	[sflag:s15] =	ssyncadd.s32 $0xFFFFE780  }
0x92: {  	_ =	sfence.sel $0x180000  }
0x93: {  	[bflag:$0x0] =	sbarrier.arrive $0xFFFF  }
0x94: {  	p0 =	sne.s32 s1, $0x0;
	_ =	strace $0x9000004A  }
0x95: {  	s0 =	sadd.s32 @!p0 $0x100000, s0;
	[bflag:$0x2] =	sbarrier.arrive $0xFFFF  }
0x96: {  	[sflag:s0] =	ssyncadd.tile.s32 @!p0 $0x1;
	_ =	shalt  }
.Lfunc_end2:
_tile_overlayer_lowered:
.L_overlay_start_2:
0x97: {  	(tag) =	ssettag $0x2  }
0x98: {  	s0 =	rddreg [dreg:$0x0];
	s2 =	stileid.u32  }
0x99: {  	s1 =	rddreg [dreg:$0x1];
	p0 =	sne.s32 s2, $0x0  }
0x9a: {  	s3 =	rddreg [dreg:$0x2];
	[bflag:$0x3] =	sbarrier.arrive $0xFFFF;
	s2 =	simm.s32 @!p0 $0x1C05  }
0x9b: {  	[timem:s3], [sflag:s2] =	dma.local @!p0 [hbm:s0], s1  }
0x9c: {  	s0 =	simm.s32 @!p0 $0x5  }
0x9d: {  	_ =	swait.ge @!p0 [sflag:s0], s1  }
0x9e: {  	s1 =	ssub.s32 @!p0 $0x0, s1;
	[sflag:s0] =	ssyncset.done @!p0 $0x0  }
0x9f: {  	[sflag:s0] =	ssyncadd.s32 @!p0 s1  }
0xa0: {  	[bflag:$0x3] =	sbarrier.arrive $0xFFFF  }
0xa1: {  	_ =	shalt  }

// kernel: kernel.26.cloned.1.call-start
scs
__scs_entry_jumppad:
0x0: {  	(pc) =	sbr.rel $0x88, $3  }
0x1: {  	(tag) =	ssettag $0x0;
	lr =	simm.s32 $0x1  }
0x2: {  	[smem:$0x3F8C] =	sst lr;
	_ =	strace $0xD0000000  }
0x3: {  	_ = 	snop  }
0x4: {  	_ = 	snop  }
0x5: {  	_ = 	snop  }
0x6: {  	_ = 	snop  }
0x7: {  	_ = 	snop  }
__scs_overlays_trampoline_lowered:
0x8: {  	[smem:$0x3F9B] =	sst s0  }
0x9: {  	[smem:$0x3F9C] =	sst s1  }
0xa: {  	[smem:$0x3F9D] =	sst s2  }
0xb: {  	[smem:$0x3F9E] =	sst s3  }
0xc: {  	[smem:$0x3F9F] =	sst s4  }
0xd: {  	[smem:$0x3FA0] =	sst s5  }
0xe: {  	[smem:$0x3FA1] =	sst s6  }
0xf: {  	[smem:$0x3FA2] =	sst s7  }
0x10: {  	[smem:$0x3FA3] =	sst s8  }
0x11: {  	[smem:$0x3FA4] =	sst s9;
	s0 =	simm.s32 @!p0 $0x0  }
0x12: {  	s1 =	sld [smem:$0x3F8A];
	s0 =	simm.s32 @p0 $0x1  }
0x13: {  	[smem:$0x3FA5] =	sst s0;
	s0 =	simm.s32 @!p1 $0x0  }
0x14: {  	s2 =	sld [smem:$0x3F89];
	s0 =	simm.s32 @p1 $0x1  }
0x15: {  	[smem:$0x3FA6] =	sst s0;
	s0 =	simm.s32 @!p2 $0x0  }
0x16: {  	s3 =	sld [smem:$0x3FDB];
	s0 =	simm.s32 @p2 $0x1  }
0x17: {  	s4 =	simm.s32 $0x1BF5;
	[smem:$0x3FA8] =	sst s0  }
0x18: {  	s0 =	sld [smem:$0x3F8B];
	_ =	swait.ge [sflag:s4], $0x0  }
0x19: {  	s7 =	sld [smem:$0x3F8C]  }
0x1a: {  	s8 =	sadd.s32 $0xFFFFE003, lr  }
0x1b: {  	s9 =	sadd.s32 $0xFFFFFEF7, lr;
	s5 =	simm.s32 $0xFFFFFFFF;
	p2 =	slt.u32 s8, $0xFFFFF086  }
0x1c: {  	p1 =	slt.u32 s9, $0xF7A;
	s5 =	simm.s32 @!p2 $0x0  }
0x1d: {  	s5 =	simm.s32 @p1 $0x1;
	p0 =	seq.s32 s7, s2  }
0x1e: {  	s7 =	smul.u32 @!p0 $0xF7A, s2;
	p2 =	seq.s32 @!p0 s5, $0x0  }
0x1f: {  	s9 =	smul.u32 $0xF7A, s1;
	s8 =	simm.s32 @!p0 $0x1BF5;
	p2 =	por !p2, p0  }
0x20: {  	[sflag:s8] =	ssyncset.s32 @!p0 $0xFFFFF086;
	s6 =	sadd.s32 @!p0 s3, s7;
	s7 =	simm.s32 @!p0 $0x108  }
0x21: {  	s3 =	sadd.s32 s3, s9;
	s6 =	sadd.s32 @!p0 $0x88, s6;
	s7 =	simm.s32 @p2 $0x1082  }
0x22: {  	[simem:s7], [sflag:s8] =	dma.local @!p0 [hbm:s6], $0xF7A  }
0x23: {  	s9 =	sor.u32 $0xD0000000, s2;
	s6 =	simm.s32 $0x108;
	_ =	swait.ge @!p0 [sflag:s8], $0x0  }
0x24: {  	s3 =	sadd.s32 $0x88, s3;
	s6 =	simm.s32 @!p1 $0x1082;
	[sflag:s4] =	ssyncset.s32 $0xFFFFF086  }
0x25: {  	[simem:s6], [sflag:s4] =	dma.local [hbm:s3], $0xF7A  }
0x26: {  	[smem:$0x3F8C] =	sst s1;
	(tag) =	ssettag s2;
	_ =	strace s9  }
0x27: {  	s1 =	sld [smem:$0x3F9C]  }
0x28: {  	s2 =	sld [smem:$0x3F9D]  }
0x29: {  	s4 =	sld [smem:$0x3F9F]  }
0x2a: {  	p0 =	seq.s32 s5, $0x0;
	s5 =	sld [smem:$0x3FA0]  }
0x2b: {  	s6 =	sld [smem:$0x3FA1]  }
0x2c: {  	s7 =	sld [smem:$0x3FA2]  }
0x2d: {  	s3 =	simm.s32 $0x108;
	s8 =	sld [smem:$0x3FA3]  }
0x2e: {  	s3 =	simm.s32 @!p0 $0x1082;
	s9 =	sld [smem:$0x3FA4]  }
0x2f: {  	lr =	sadd.s32 s0, s3;
	s0 =	sld [smem:$0x3F9B]  }
0x30: {  	s3 =	sld [smem:$0x3F9E]  }
0x31: {  	[smem:$0x3FA7] =	sst s10  }
0x32: {  	s10 =	sld [smem:$0x3FA5];
	_ =	sdelay $0x3  }
0x33: {  	p0 =	seq.s32 s10, $0x1;
	s10 =	sld [smem:$0x3FA7];
	_ =	sdelay $0x3  }
0x34: {  	[smem:$0x3FA7] =	sst s10  }
0x35: {  	s10 =	sld [smem:$0x3FA6];
	_ =	sdelay $0x3  }
0x36: {  	p1 =	seq.s32 s10, $0x1;
	s10 =	sld [smem:$0x3FA7];
	_ =	sdelay $0x3  }
0x37: {  	[smem:$0x3FA7] =	sst s10  }
0x38: {  	s10 =	sld [smem:$0x3FA8]  }
0x39: {  	_ = 	snop;
	(pc) =	sbr.ind lr, $3  }
0x3a: {  	_ = 	snop  }
0x3b: {  	_ = 	snop  }
0x3c: {  	p2 =	seq.s32 s10, $0x1;
	s10 =	sld [smem:$0x3FA7]  }
0x3d: {  	_ =	shalt  }
0x3e: {  	_ =	shalt  }
0x3f: {  	_ =	shalt  }
0x40: {  	_ =	shalt  }
0x41: {  	_ =	shalt  }
0x42: {  	_ =	shalt  }
0x43: {  	_ =	shalt  }
0x44: {  	_ =	shalt  }
0x45: {  	_ =	shalt  }
0x46: {  	_ =	shalt  }
0x47: {  	_ =	shalt  }
0x48: {  	_ =	shalt  }
0x49: {  	_ =	shalt  }
0x4a: {  	_ =	shalt  }
0x4b: {  	_ =	shalt  }
0x4c: {  	_ =	shalt  }
0x4d: {  	_ =	shalt  }
0x4e: {  	_ =	shalt  }
0x4f: {  	_ =	shalt  }
0x50: {  	_ =	shalt  }
0x51: {  	_ =	shalt  }
0x52: {  	_ =	shalt  }
0x53: {  	_ =	shalt  }
0x54: {  	_ =	shalt  }
0x55: {  	_ =	shalt  }
0x56: {  	_ =	shalt  }
0x57: {  	_ =	shalt  }
0x58: {  	_ =	shalt  }
0x59: {  	_ =	shalt  }
0x5a: {  	_ =	shalt  }
0x5b: {  	_ =	shalt  }
0x5c: {  	_ =	shalt  }
0x5d: {  	_ =	shalt  }
0x5e: {  	_ =	shalt  }
0x5f: {  	_ =	shalt  }
0x60: {  	_ =	shalt  }
0x61: {  	_ =	shalt  }
0x62: {  	_ =	shalt  }
0x63: {  	_ =	shalt  }
0x64: {  	_ =	shalt  }
0x65: {  	_ =	shalt  }
0x66: {  	_ =	shalt  }
0x67: {  	_ =	shalt  }
0x68: {  	_ =	shalt  }
0x69: {  	_ =	shalt  }
0x6a: {  	_ =	shalt  }
0x6b: {  	_ =	shalt  }
0x6c: {  	_ =	shalt  }
0x6d: {  	_ =	shalt  }
0x6e: {  	_ =	shalt  }
0x6f: {  	_ =	shalt  }
0x70: {  	_ =	shalt  }
0x71: {  	_ =	shalt  }
0x72: {  	_ =	shalt  }
0x73: {  	_ =	shalt  }
0x74: {  	_ =	shalt  }
0x75: {  	_ =	shalt  }
0x76: {  	_ =	shalt  }
0x77: {  	_ =	shalt  }
0x78: {  	_ =	shalt  }
0x79: {  	_ =	shalt  }
0x7a: {  	_ =	shalt  }
0x7b: {  	_ =	shalt  }
0x7c: {  	_ =	shalt  }
0x7d: {  	_ =	shalt  }
0x7e: {  	_ =	shalt  }
0x7f: {  	_ =	shalt  }
0x80: {  	_ =	shalt  }
0x81: {  	_ =	shalt  }
0x82: {  	_ =	shalt  }
0x83: {  	_ =	shalt  }
0x84: {  	_ =	shalt  }
0x85: {  	_ =	shalt  }
0x86: {  	_ =	shalt  }
0x87: {  	_ =	shalt  }
.Lfunc_end0:
.L_simem_size_0:
called_computation.2_lowered:
.L_overlay_start_0:
0x88: {  	s2 =	sld [smem:$0x3FD9]  }
0x89: {  	s3 =	sld [smem:$0x3FFE];
	_ =	sdelay $0x1  }
0x8a: {  	s1 =	srdreg.scid  }
0x8b: {  	s0 =	sand.u32 $0x1, s1  }
0x8c: {  	s14 =	sshll.u32 s0, $0xA;
	s2 =	sadd.s32 s3, s2  }
0x8d: {  	s2 =	sadd.s32 s2, s14  }
0x8e: {  	[smem:$0x3FB3] =	sst s2  }
0x8f: {  	_ = 	snop  }
0x90: {  	s2 =	sld [smem:$0x3FD0];
	_ =	sdelay $0x2  }
0x91: {  	s15 =	simm.s32 $0xB;
	s4 =	simm.s32 $0x10  }
0x92: {  	[smem:s4], [sflag:s15] =	dma.local [hbm:s2], $0x1  }
0x93: {  	_ =	swait.eq [sflag:s15], $0x1  }
0x94: {  	[sflag:s15] =	ssyncset.done $0x0  }
0x95: {  	[sflag:s15] =	ssyncadd.s32 $0xFFFFFFFF  }
0x96: {  	s16 =	sld [smem:$0x10];
	(tm) =	ssettm $0x1  }
0x97: {  	s17 =	sld [smem:$0x3FFB];
	_ =	sdelay $0x3  }
0x98: {  	_ =	strace s17  }
0x99: {  	s3 =	sld [smem:$0x3FFC];
	_ =	sdelay $0x3  }
0x9a: {  	_ =	strace s3  }
0x9b: {  	s3 =	sld [smem:$0x3FFD];
	_ =	sdelay $0x3  }
0x9c: {  	_ =	strace s3  }
0x9d: {  	_ =	strace $0x8FFFFFFF  }
0x9e: {  	s18 =	sld [smem:$0x3FDB];
	_ =	sdelay $0x1  }
0x9f: {  	s19 =	simm.s32 $_scs_section_size  }
0xa0: {  	s5 =	simm.s32 $_size__tile_overlayer_lowered;
	s6 =	simm.s32 $_tile_overlayer_lowered  }
0xa1: {  	s22 =	simm.s32 $0x1BFF;
	s21 =	sshll.u32 s6, $0x1;
	s3 =	sadd.s32 s19, s18  }
0xa2: {  	s7 =	simm.s32 $0x0;
	s20 =	sshll.u32 s5, $0x1;
	s5 =	sadd.s32 s21, s3  }
0xa3: {  	[timem:s7], [sflag:s22] =	dma.local [hbm:s5], s20  }
0xa4: {  	_ =	swait.ge [sflag:s22], s20  }
0xa5: {  	s4 =	ssub.s32 $0x0, s20;
	[sflag:s22] =	ssyncset.done $0x0  }
0xa6: {  	[sflag:s22] =	ssyncadd.s32 s4;
	_ =	sdelay $0x1  }
0xa7: {  	s23 =	simm.s32 $0x1B8B  }
0xa8: {  	_ =	swait.ge [sflag:s23], $0x1  }
0xa9: {  	[sflag:s23] =	ssyncset.done $0x0  }
0xaa: {  	s25 =	simm.s32 $0x1B8E;
	s24 =	sld [smem:$0x3FFE];
	[sflag:s23] =	ssyncadd.s32 $0xFFFFFFFF  }
0xab: {  	s26 =	simm.s32 $execute0_lowered;
	[smem:$0x3FD2] =	sst s25  }
0xac: {  	s5 =	sshll.u32 s26, $0x1;
	_ =	strace $0x8000004C;
	[dreg:$0x1] =	wrdreg $0xFFFFFFFF  }
0xad: {  	s28 =	simm.s32 $_size_execute0_lowered;
	s3 =	sadd.s32 s3, s5;
	[dreg:$0x0] =	wrdreg $0x0  }
0xae: {  	s5 =	sshll.u32 s28, $0x1;
	[dreg:$0x2] =	wrdreg s3  }
0xaf: {  	[dreg:$0x3] =	wrdreg s5  }
0xb0: {  	[dreg:$0x4] =	wrdreg $0xC0  }
0xb1: {  	_ =	task [dreg:s7], $0x5FFFF  }
0xb2: {  	[dreg:$0x1] =	wrdreg $0xFFFFFFFF  }
0xb3: {  	[dreg:$0x0] =	wrdreg $0x60  }
0xb4: {  	[dreg:$0x2] =	wrdreg s24  }
0xb5: {  	[dreg:$0x3] =	wrdreg s16  }
0xb6: {  	[dreg:$0x4] =	wrdreg $0x70800  }
0xb7: {  	[dreg:$0x5] =	wrdreg $0x9  }
0xb8: {  	_ =	task.clear_ibuf [dreg:s7], $0x6FFFF;
	_ =	strace $0x9000004C  }
0xb9: {  	s29 =	simm.s32 $0x9;
	_ =	strace $0x8000004E  }
0xba: {  	_ =	swait.ge [sflag:s29], $0x1  }
0xbb: {  	[sflag:s29] =	ssyncadd.s32 $0xFFFFFFFF  }
0xbc: {  	_ =	strace $0x9000004E  }
0xbd: {  	_ =	sfence  }
0xbe: {  	s30 =	sld [smem:$0x0];
	_ =	sdelay $0x2  }
0xbf: {  	s31 =	sshll.u32 s1, $0xD;
	s1 =	sshrl.u32 s1, $0x2  }
0xc0: {  	s3 =	sand.u32 $0x4000, s31;
	s1 =	sadd.s32 s1, s30  }
0xc1: {  	s0 =	sor.u32 s3, s0;
	s1 =	sshll.u32 s1, $0x11  }
0xc2: {  	s0 =	sor.u32 s1, s0  }
0xc3: {  	s0 =	sadd.s32 $0x8F2B, s0  }
0xc4: {  	[sflag:s0] =	ssyncadd.remote.s32 $0x1  }
0xc5: {  	_ =	sfence.sel $0xFFFF  }
0xc6: {  	[dreg:$0x0] =	wrdreg $0xFFFFFFFF;
	(pc) =	sbr.abs _section_cstart, $3  }
0xc7: {  	[dreg:$0x1] =	wrdreg $0xFFFFFFFF  }
0xc8: {  	_ =	task.clear_ibuf [dreg:s7], $0x2FFFF;
	_ =	strace $0x9FFFFFFF  }
0xc9: {  	(tm) =	ssettm $0x7FFFFFFF  }
tec
execute0_lowered:
.L_overlay_start_1:
0x0: {  	(tag) =	ssettag $0x1  }
0x1: {  	s5 =	rddreg [dreg:$0x0]  }
0x2: {  	s2 =	rddreg [dreg:$0x1]  }
0x3: {  	s3 =	rddreg [dreg:$0x2]  }
0x4: {  	s0 =	rddreg [dreg:$0x3];
	s6 =	srdreg.scid  }
0x5: {  	s1 =	stileid.u32;
	s4 =	simm.s32 $0x0;
	s18 =	simm.s32 $0x3840  }
0x6: {  	s19 =	simm.s32 $0x3B60;
	s20 =	simm.s32 $0x3E80;
	s21 =	simm.s32 $0x1  }
0x7: {  	s22 =	simm.s32 $0x2;
	s23 =	simm.s32 $0x3;
	s24 =	simm.s32 $0x4  }
0x8: {  	s25 =	simm.s32 $0x0;
	s6 =	sand.u32 $0x1, s6;
	s7 =	smul.u32 $0xC400, s1  }
0x9: {  	[smem:$0x7FF] =	sst s4;
	s13 =	sadd.s32 $0x99400, s5;
	s15 =	smul.u32 $0x186A0, s1  }
0xa: {  	s12 =	sadd.s32 $0x68600, s5;
	s9 =	sadd.s32 $0x6200, s5;
	s17 =	smul.u32 $0x30D4, s1  }
0xb: {  	s30 =	sshll.u32 s1, $0x6;
	s8 =	smul.u32 $0x188000, s6;
	s11 =	ssub.s32 $0x2, s6  }
0xc: {  	_ =	strace $0x8000004D;
	s6 =	smul.u32 $0x31000, s6;
	s14 =	sshrl.u32 s11, $0x1  }
0xd: {  	s29 =	sadd.s32 s7, s3;
	s31 =	sshrl.u32 s15, $0x3;
	s10 =	sadd.s32 s7, s8  }
0xe: {  	s11 =	ssub.s32 s11, s14;
	s6 =	sadd.s32 s9, s6;
	s15 =	sadd.s32 $0x3070, s31  }
0xf: {  	s16 =	sshrl.u32 s8, $0x3;
	s14 =	sshrl.u32 s29, $0x3;
	s10 =	sshrl.u32 s10, $0x3  }
0x10: {  	s7 =	sadd.s32 s13, s15;
	s8 =	sadd.s32 s12, s15;
	s9 =	sadd.s32 s9, s16  }
0x11: {  	s11 =	smax.u32 s11, $0x1;
	s12 =	sadd.s32 s17, s12;
	s13 =	sadd.s32 s17, s13  }
0x12: {  	s15 =	simm.s32 $0x5;
	s16 =	simm.s32 $0x320;
	s10 =	sadd.s32 s10, s5  }
0x13: {  	s17 =	simm.s32 $0x640;
	s5 =	sor.u32 $0x1C05, s30;
	s10 =	sadd.s32 $0xCA200, s10  }
.LBB2_1:
0x14: {  	[spmem:s14], [sflag:s5] =	dma.local [hbm:s2], $0x1880  }
0x15: {  	_ =	swait.ge [sflag:s15], $0x1880  }
0x16: {  	[sflag:s15] =	ssyncset.done $0x0  }
0x17: {  	[sflag:s15] =	ssyncadd.s32 $0xFFFFE780  }
0x18: {  	s26 =	sadd.s32 $0x0, s13;
	[bflag:$0x0] =	sbarrier.arrive $0xFFFF  }
0x19: {  	[tilespmem:s4], [sflag:$0x5] =	stream.linear.gather [hbm4b:s26+s4], $0x320, $0x38;
	[tilespmem:$0x1F880] =	vst v63  }
0x1a: {  	_ =	swait.ge [sflag:s15], $0x320  }
0x1b: {  	[sflag:s15] =	ssyncset.done $0x0  }
0x1c: {  	s28 =	sadd.s32 $0x0, s12;
	[sflag:s15] =	ssyncadd.s32 $0xFFFFFCE0  }
0x1d: {  	[tilespmem:s16], [sflag:$0x5] =	stream.linear.gather [hbm4b:s28+s4], $0x320, $0x38;
	[tilespmem:$0x1F880] =	vst v63  }
0x1e: {  	_ =	swait.ge [sflag:s15], $0x320  }
0x1f: {  	[sflag:s15] =	ssyncset.done $0x0  }
0x20: {  	[sflag:s15] =	ssyncadd.s32 $0xFFFFFCE0  }
0x21: {  	[tilespmem:s17], [sflag:$0x1] =	stream.indirect.gather [hbm4b:s6+s16], $0x10, s4, s16, $0xb8;
	[tilespmem:$0x1F880] =	vst v63  }
0x22: {  	s26 =	sadd.s32 $0x64, s26  }
0x23: {  	[tilespmem:s18], [sflag:$0x5] =	stream.linear.gather [hbm4b:s26+s4], $0x320, $0x38;
	[tilespmem:$0x1F880] =	vst v63  }
0x24: {  	_ =	swait.ge [sflag:s15], $0x320  }
0x25: {  	[sflag:s15] =	ssyncset.done $0x0  }
0x26: {  	s31 =	sadd.s32 $0x64, s28;
	[sflag:s15] =	ssyncadd.s32 $0xFFFFFCE0  }
0x27: {  	[tilespmem:s19], [sflag:$0x5] =	stream.linear.gather [hbm4b:s31+s4], $0x320, $0x38;
	[tilespmem:$0x1F880] =	vst v63  }
0x28: {  	_ =	swait.ge [sflag:s15], $0x320  }
0x29: {  	[sflag:s15] =	ssyncset.done $0x0  }
0x2a: {  	[sflag:s15] =	ssyncadd.s32 $0xFFFFFCE0  }
0x2b: {  	[tilespmem:s20], [sflag:$0x2] =	stream.indirect.gather [hbm4b:s6+s16], $0x10, s18, s16, $0xb8;
	[tilespmem:$0x1F880] =	vst v63  }
0x2c: {  	_ =	swait.ge [sflag:s21], $0x3200  }
0x2d: {  	[sflag:s21] =	ssyncset.done $0x0  }
0x2e: {  	[sflag:s21] =	ssyncadd.s32 $0xFFFFCE00  }
0x2f: {  	[spmem:s3] =	stream.indirect.scatter.add.f32 [tilespmem:s17], [sflag:$0x3], $0x10, s16, s16, $0xb8;
	[tilespmem:$0x1F880] =	vst v63  }
0x30: {  	_ =	swait.ge [sflag:s22], $0x3200  }
0x31: {  	[sflag:s22] =	ssyncset.done $0x0  }
0x32: {  	[sflag:s22] =	ssyncadd.s32 $0xFFFFCE00  }
0x33: {  	[spmem:s3] =	stream.indirect.scatter.add.f32 [tilespmem:s20], [sflag:$0x4], $0x10, s19, s16, $0xb8;
	[tilespmem:$0x1F880] =	vst v63  }
0x34: {  	_ =	swait.ge [sflag:s23], $0x3200  }
0x35: {  	[sflag:s23] =	ssyncset.done $0x0  }
0x36: {  	[sflag:s23] =	ssyncadd.s32 $0xFFFFCE00  }
0x37: {  	_ =	swait.ge [sflag:s24], $0x3200  }
0x38: {  	s29 =	simm.s32 $0x190;
	s26 =	simm.s32 $0xC8;
	[sflag:s24] =	ssyncset.done $0x0  }
.LBB2_2:
0x39: {  	s30 =	sadd.s32 s26, s13  }
0x3a: {  	[sflag:s24] =	ssyncadd.s32 $0xFFFFCE00;
	s31 =	smov.u32 s29;
	s28 =	sadd.s32 $0xC8, s29  }
0x3b: {  	[tilespmem:s4], [sflag:$0x5] =	stream.linear.gather [hbm4b:s30+s4], $0x320, $0x38;
	[tilespmem:$0x1F880] =	vst v63  }
0x3c: {  	p0 =	sne.s32 s29, $0x2FA8;
	_ =	swait.ge [sflag:s15], $0x320  }
0x3d: {  	[sflag:s15] =	ssyncset.done $0x0  }
0x3e: {  	s29 =	sadd.s32 s26, s12;
	s26 =	smov.u32 s31;
	[sflag:s15] =	ssyncadd.s32 $0xFFFFFCE0  }
0x3f: {  	[tilespmem:s16], [sflag:$0x5] =	stream.linear.gather [hbm4b:s29+s4], $0x320, $0x38;
	[tilespmem:$0x1F880] =	vst v63  }
0x40: {  	_ =	swait.ge [sflag:s15], $0x320  }
0x41: {  	[sflag:s15] =	ssyncset.done $0x0  }
0x42: {  	[sflag:s15] =	ssyncadd.s32 $0xFFFFFCE0  }
0x43: {  	[tilespmem:s17], [sflag:$0x1] =	stream.indirect.gather [hbm4b:s6+s16], $0x10, s4, s16, $0xb8;
	[tilespmem:$0x1F880] =	vst v63  }
0x44: {  	s30 =	sadd.s32 $0x64, s30  }
0x45: {  	[tilespmem:s18], [sflag:$0x5] =	stream.linear.gather [hbm4b:s30+s4], $0x320, $0x38;
	[tilespmem:$0x1F880] =	vst v63  }
0x46: {  	_ =	swait.ge [sflag:s15], $0x320  }
0x47: {  	[sflag:s15] =	ssyncset.done $0x0  }
0x48: {  	s29 =	sadd.s32 $0x64, s29;
	[sflag:s15] =	ssyncadd.s32 $0xFFFFFCE0  }
0x49: {  	[tilespmem:s19], [sflag:$0x5] =	stream.linear.gather [hbm4b:s29+s4], $0x320, $0x38;
	[tilespmem:$0x1F880] =	vst v63  }
0x4a: {  	_ =	swait.ge [sflag:s15], $0x320  }
0x4b: {  	[sflag:s15] =	ssyncset.done $0x0  }
0x4c: {  	[sflag:s15] =	ssyncadd.s32 $0xFFFFFCE0  }
0x4d: {  	[tilespmem:s20], [sflag:$0x2] =	stream.indirect.gather [hbm4b:s6+s16], $0x10, s18, s16, $0xb8;
	[tilespmem:$0x1F880] =	vst v63  }
0x4e: {  	_ =	swait.ge [sflag:s21], $0x3200  }
0x4f: {  	[sflag:s21] =	ssyncset.done $0x0  }
0x50: {  	[sflag:s21] =	ssyncadd.s32 $0xFFFFCE00  }
0x51: {  	[spmem:s3] =	stream.indirect.scatter.add.f32 [tilespmem:s17], [sflag:$0x3], $0x10, s16, s16, $0xb8;
	[tilespmem:$0x1F880] =	vst v63  }
0x52: {  	_ =	swait.ge [sflag:s22], $0x3200  }
0x53: {  	[sflag:s22] =	ssyncset.done $0x0  }
0x54: {  	[sflag:s22] =	ssyncadd.s32 $0xFFFFCE00  }
0x55: {  	[spmem:s3] =	stream.indirect.scatter.add.f32 [tilespmem:s20], [sflag:$0x4], $0x10, s19, s16, $0xb8;
	[tilespmem:$0x1F880] =	vst v63  }
.Ltmp0:
0x56: {  	_ =	swait.ge [sflag:s23], $0x3200;
	(pc) =	sbr.rel @p0 .LBB2_2-.Ltmp0, $4  }
0x57: {  	[sflag:s23] =	ssyncset.done $0x0  }
0x58: {  	[sflag:s23] =	ssyncadd.s32 $0xFFFFCE00  }
0x59: {  	_ =	swait.ge [sflag:s24], $0x3200  }
0x5a: {  	s29 =	smov.u32 s28;
	[sflag:s24] =	ssyncset.done $0x0  }
0x5b: {  	s28 =	sadd.s32 s26, s13;
	[sflag:s24] =	ssyncadd.s32 $0xFFFFCE00  }
0x5c: {  	[tilespmem:s4], [sflag:$0x5] =	stream.linear.gather [hbm4b:s28+s4], $0x320, $0x38;
	[tilespmem:$0x1F880] =	vst v63  }
0x5d: {  	_ =	swait.ge [sflag:s15], $0x320  }
0x5e: {  	[sflag:s15] =	ssyncset.done $0x0  }
0x5f: {  	s31 =	sadd.s32 s26, s12;
	[sflag:s15] =	ssyncadd.s32 $0xFFFFFCE0  }
0x60: {  	[tilespmem:s16], [sflag:$0x5] =	stream.linear.gather [hbm4b:s31+s4], $0x320, $0x38;
	[tilespmem:$0x1F880] =	vst v63  }
0x61: {  	_ =	swait.ge [sflag:s15], $0x320  }
0x62: {  	[sflag:s15] =	ssyncset.done $0x0  }
0x63: {  	[sflag:s15] =	ssyncadd.s32 $0xFFFFFCE0  }
0x64: {  	[tilespmem:s17], [sflag:$0x1] =	stream.indirect.gather [hbm4b:s6+s16], $0x10, s4, s16, $0xb8;
	[tilespmem:$0x1F880] =	vst v63  }
0x65: {  	s28 =	sadd.s32 $0x64, s28  }
0x66: {  	[tilespmem:s18], [sflag:$0x5] =	stream.linear.gather [hbm4b:s28+s4], $0x320, $0x38;
	[tilespmem:$0x1F880] =	vst v63  }
0x67: {  	_ =	swait.ge [sflag:s15], $0x320  }
0x68: {  	[sflag:s15] =	ssyncset.done $0x0  }
0x69: {  	s26 =	sadd.s32 $0x64, s31;
	[sflag:s15] =	ssyncadd.s32 $0xFFFFFCE0  }
0x6a: {  	[tilespmem:s19], [sflag:$0x5] =	stream.linear.gather [hbm4b:s26+s4], $0x320, $0x38;
	[tilespmem:$0x1F880] =	vst v63  }
0x6b: {  	_ =	swait.ge [sflag:s15], $0x320  }
0x6c: {  	[sflag:s15] =	ssyncset.done $0x0  }
0x6d: {  	[sflag:s15] =	ssyncadd.s32 $0xFFFFFCE0  }
0x6e: {  	[tilespmem:s20], [sflag:$0x2] =	stream.indirect.gather [hbm4b:s6+s16], $0x10, s18, s16, $0xb8;
	[tilespmem:$0x1F880] =	vst v63  }
0x6f: {  	_ =	swait.ge [sflag:s21], $0x3200  }
0x70: {  	[sflag:s21] =	ssyncset.done $0x0  }
0x71: {  	[sflag:s21] =	ssyncadd.s32 $0xFFFFCE00  }
0x72: {  	[spmem:s3] =	stream.indirect.scatter.add.f32 [tilespmem:s17], [sflag:$0x3], $0x10, s16, s16, $0xb8;
	[tilespmem:$0x1F880] =	vst v63  }
0x73: {  	_ =	swait.ge [sflag:s22], $0x3200  }
0x74: {  	[sflag:s22] =	ssyncset.done $0x0  }
0x75: {  	[sflag:s22] =	ssyncadd.s32 $0xFFFFCE00  }
0x76: {  	[spmem:s3] =	stream.indirect.scatter.add.f32 [tilespmem:s20], [sflag:$0x4], $0x10, s19, s16, $0xb8;
	[tilespmem:$0x1F880] =	vst v63  }
0x77: {  	_ =	swait.ge [sflag:s23], $0x3200  }
0x78: {  	[sflag:s23] =	ssyncset.done $0x0  }
0x79: {  	[sflag:s23] =	ssyncadd.s32 $0xFFFFCE00  }
0x7a: {  	_ =	swait.ge [sflag:s24], $0x3200  }
0x7b: {  	[sflag:s24] =	ssyncset.done $0x0  }
0x7c: {  	[sflag:s24] =	ssyncadd.s32 $0xFFFFCE00  }
0x7d: {  	[tilespmem:s4], [sflag:$0x5] =	stream.linear.gather [hbm4b:s7+s4], $0x320, $0x38;
	[tilespmem:$0x1F880] =	vst v63  }
0x7e: {  	_ =	swait.ge [sflag:s15], $0x320  }
0x7f: {  	[sflag:s15] =	ssyncset.done $0x0  }
0x80: {  	[sflag:s15] =	ssyncadd.s32 $0xFFFFFCE0  }
0x81: {  	[tilespmem:s16], [sflag:$0x5] =	stream.linear.gather [hbm4b:s8+s4], $0x320, $0x38;
	[tilespmem:$0x1F880] =	vst v63  }
0x82: {  	_ =	swait.ge [sflag:s15], $0x320  }
0x83: {  	[sflag:s15] =	ssyncset.done $0x0  }
0x84: {  	[sflag:s15] =	ssyncadd.s32 $0xFFFFFCE0  }
0x85: {  	[tilespmem:s17], [sflag:$0x1] =	stream.indirect.gather [hbm4b:s9+s16], $0x10, s4, s16, $0xb8;
	[tilespmem:$0x1F880] =	vst v63  }
0x86: {  	_ =	swait.ge [sflag:s21], $0x3200  }
0x87: {  	[sflag:s21] =	ssyncset.done $0x0  }
0x88: {  	[sflag:s21] =	ssyncadd.s32 $0xFFFFCE00  }
0x89: {  	[spmem:s3] =	stream.indirect.scatter.add.f32 [tilespmem:s17], [sflag:$0x5], $0x10, s16, s16, $0xb8;
	[tilespmem:$0x1F880] =	vst v63  }
0x8a: {  	_ =	swait.ge [sflag:s15], $0x3200  }
0x8b: {  	s25 =	sadd.s32 $0x1, s25;
	[sflag:s15] =	ssyncset.done $0x0  }
0x8c: {  	p0 =	sne.s32 s25, s11;
	[sflag:s15] =	ssyncadd.s32 $0xFFFFCE00  }
.Ltmp1:
0x8d: {  	[bflag:$0x0] =	sbarrier.arrive $0xFFFF;
	(pc) =	sbr.rel @p0 .LBB2_1-.Ltmp1, $4  }
0x8e: {  	[hbm:s10], [sflag:s5] =	dma.local [spmem:s14], $0x1880  }
0x8f: {  	_ =	swait.ge [sflag:s15], $0x1880  }
0x90: {  	[sflag:s15] =	ssyncset.done $0x0  }
0x91: {  	[sflag:s15] =	ssyncadd.s32 $0xFFFFE780  }
0x92: {  	_ =	sfence.sel $0x180000  }
0x93: {  	[bflag:$0x0] =	sbarrier.arrive $0xFFFF  }
0x94: {  	p0 =	sne.s32 s1, $0x0;
	_ =	strace $0x9000004D  }
0x95: {  	s0 =	sadd.s32 @!p0 $0x100000, s0;
	[bflag:$0x2] =	sbarrier.arrive $0xFFFF  }
0x96: {  	[sflag:s0] =	ssyncadd.tile.s32 @!p0 $0x1;
	_ =	shalt  }
.Lfunc_end2:
_tile_overlayer_lowered:
.L_overlay_start_2:
0x97: {  	(tag) =	ssettag $0x2  }
0x98: {  	s0 =	rddreg [dreg:$0x0];
	s2 =	stileid.u32  }
0x99: {  	s1 =	rddreg [dreg:$0x1];
	p0 =	sne.s32 s2, $0x0  }
0x9a: {  	s3 =	rddreg [dreg:$0x2];
	[bflag:$0x3] =	sbarrier.arrive $0xFFFF;
	s2 =	simm.s32 @!p0 $0x1C05  }
0x9b: {  	[timem:s3], [sflag:s2] =	dma.local @!p0 [hbm:s0], s1  }
0x9c: {  	s0 =	simm.s32 @!p0 $0x5  }
0x9d: {  	_ =	swait.ge @!p0 [sflag:s0], s1  }
0x9e: {  	s1 =	ssub.s32 @!p0 $0x0, s1;
	[sflag:s0] =	ssyncset.done @!p0 $0x0  }
0x9f: {  	[sflag:s0] =	ssyncadd.s32 @!p0 s1  }
0xa0: {  	[bflag:$0x3] =	sbarrier.arrive $0xFFFF  }
0xa1: {  	_ =	shalt  }

// kernel: kernel.29.cloned.1.call-start
scs
__scs_entry_jumppad:
0x0: {  	(pc) =	sbr.rel $0x88, $3  }
0x1: {  	(tag) =	ssettag $0x0;
	lr =	simm.s32 $0x1  }
0x2: {  	[smem:$0x3F8C] =	sst lr;
	_ =	strace $0xD0000000  }
0x3: {  	_ = 	snop  }
0x4: {  	_ = 	snop  }
0x5: {  	_ = 	snop  }
0x6: {  	_ = 	snop  }
0x7: {  	_ = 	snop  }
__scs_overlays_trampoline_lowered:
0x8: {  	[smem:$0x3F9B] =	sst s0  }
0x9: {  	[smem:$0x3F9C] =	sst s1  }
0xa: {  	[smem:$0x3F9D] =	sst s2  }
0xb: {  	[smem:$0x3F9E] =	sst s3  }
0xc: {  	[smem:$0x3F9F] =	sst s4  }
0xd: {  	[smem:$0x3FA0] =	sst s5  }
0xe: {  	[smem:$0x3FA1] =	sst s6  }
0xf: {  	[smem:$0x3FA2] =	sst s7  }
0x10: {  	[smem:$0x3FA3] =	sst s8  }
0x11: {  	[smem:$0x3FA4] =	sst s9;
	s0 =	simm.s32 @!p0 $0x0  }
0x12: {  	s1 =	sld [smem:$0x3F8A];
	s0 =	simm.s32 @p0 $0x1  }
0x13: {  	[smem:$0x3FA5] =	sst s0;
	s0 =	simm.s32 @!p1 $0x0  }
0x14: {  	s2 =	sld [smem:$0x3F89];
	s0 =	simm.s32 @p1 $0x1  }
0x15: {  	[smem:$0x3FA6] =	sst s0;
	s0 =	simm.s32 @!p2 $0x0  }
0x16: {  	s3 =	sld [smem:$0x3FDB];
	s0 =	simm.s32 @p2 $0x1  }
0x17: {  	s4 =	simm.s32 $0x1BF5;
	[smem:$0x3FA8] =	sst s0  }
0x18: {  	s0 =	sld [smem:$0x3F8B];
	_ =	swait.ge [sflag:s4], $0x0  }
0x19: {  	s7 =	sld [smem:$0x3F8C]  }
0x1a: {  	s8 =	sadd.s32 $0xFFFFE003, lr  }
0x1b: {  	s9 =	sadd.s32 $0xFFFFFEF7, lr;
	s5 =	simm.s32 $0xFFFFFFFF;
	p2 =	slt.u32 s8, $0xFFFFF086  }
0x1c: {  	p1 =	slt.u32 s9, $0xF7A;
	s5 =	simm.s32 @!p2 $0x0  }
0x1d: {  	s5 =	simm.s32 @p1 $0x1;
	p0 =	seq.s32 s7, s2  }
0x1e: {  	s7 =	smul.u32 @!p0 $0xF7A, s2;
	p2 =	seq.s32 @!p0 s5, $0x0  }
0x1f: {  	s9 =	smul.u32 $0xF7A, s1;
	s8 =	simm.s32 @!p0 $0x1BF5;
	p2 =	por !p2, p0  }
0x20: {  	[sflag:s8] =	ssyncset.s32 @!p0 $0xFFFFF086;
	s6 =	sadd.s32 @!p0 s3, s7;
	s7 =	simm.s32 @!p0 $0x108  }
0x21: {  	s3 =	sadd.s32 s3, s9;
	s6 =	sadd.s32 @!p0 $0x88, s6;
	s7 =	simm.s32 @p2 $0x1082  }
0x22: {  	[simem:s7], [sflag:s8] =	dma.local @!p0 [hbm:s6], $0xF7A  }
0x23: {  	s9 =	sor.u32 $0xD0000000, s2;
	s6 =	simm.s32 $0x108;
	_ =	swait.ge @!p0 [sflag:s8], $0x0  }
0x24: {  	s3 =	sadd.s32 $0x88, s3;
	s6 =	simm.s32 @!p1 $0x1082;
	[sflag:s4] =	ssyncset.s32 $0xFFFFF086  }
0x25: {  	[simem:s6], [sflag:s4] =	dma.local [hbm:s3], $0xF7A  }
0x26: {  	[smem:$0x3F8C] =	sst s1;
	(tag) =	ssettag s2;
	_ =	strace s9  }
0x27: {  	s1 =	sld [smem:$0x3F9C]  }
0x28: {  	s2 =	sld [smem:$0x3F9D]  }
0x29: {  	s4 =	sld [smem:$0x3F9F]  }
0x2a: {  	p0 =	seq.s32 s5, $0x0;
	s5 =	sld [smem:$0x3FA0]  }
0x2b: {  	s6 =	sld [smem:$0x3FA1]  }
0x2c: {  	s7 =	sld [smem:$0x3FA2]  }
0x2d: {  	s3 =	simm.s32 $0x108;
	s8 =	sld [smem:$0x3FA3]  }
0x2e: {  	s3 =	simm.s32 @!p0 $0x1082;
	s9 =	sld [smem:$0x3FA4]  }
0x2f: {  	lr =	sadd.s32 s0, s3;
	s0 =	sld [smem:$0x3F9B]  }
0x30: {  	s3 =	sld [smem:$0x3F9E]  }
0x31: {  	[smem:$0x3FA7] =	sst s10  }
0x32: {  	s10 =	sld [smem:$0x3FA5];
	_ =	sdelay $0x3  }
0x33: {  	p0 =	seq.s32 s10, $0x1;
	s10 =	sld [smem:$0x3FA7];
	_ =	sdelay $0x3  }
0x34: {  	[smem:$0x3FA7] =	sst s10  }
0x35: {  	s10 =	sld [smem:$0x3FA6];
	_ =	sdelay $0x3  }
0x36: {  	p1 =	seq.s32 s10, $0x1;
	s10 =	sld [smem:$0x3FA7];
	_ =	sdelay $0x3  }
0x37: {  	[smem:$0x3FA7] =	sst s10  }
0x38: {  	s10 =	sld [smem:$0x3FA8]  }
0x39: {  	_ = 	snop;
	(pc) =	sbr.ind lr, $3  }
0x3a: {  	_ = 	snop  }
0x3b: {  	_ = 	snop  }
0x3c: {  	p2 =	seq.s32 s10, $0x1;
	s10 =	sld [smem:$0x3FA7]  }
0x3d: {  	_ =	shalt  }
0x3e: {  	_ =	shalt  }
0x3f: {  	_ =	shalt  }
0x40: {  	_ =	shalt  }
0x41: {  	_ =	shalt  }
0x42: {  	_ =	shalt  }
0x43: {  	_ =	shalt  }
0x44: {  	_ =	shalt  }
0x45: {  	_ =	shalt  }
0x46: {  	_ =	shalt  }
0x47: {  	_ =	shalt  }
0x48: {  	_ =	shalt  }
0x49: {  	_ =	shalt  }
0x4a: {  	_ =	shalt  }
0x4b: {  	_ =	shalt  }
0x4c: {  	_ =	shalt  }
0x4d: {  	_ =	shalt  }
0x4e: {  	_ =	shalt  }
0x4f: {  	_ =	shalt  }
0x50: {  	_ =	shalt  }
0x51: {  	_ =	shalt  }
0x52: {  	_ =	shalt  }
0x53: {  	_ =	shalt  }
0x54: {  	_ =	shalt  }
0x55: {  	_ =	shalt  }
0x56: {  	_ =	shalt  }
0x57: {  	_ =	shalt  }
0x58: {  	_ =	shalt  }
0x59: {  	_ =	shalt  }
0x5a: {  	_ =	shalt  }
0x5b: {  	_ =	shalt  }
0x5c: {  	_ =	shalt  }
0x5d: {  	_ =	shalt  }
0x5e: {  	_ =	shalt  }
0x5f: {  	_ =	shalt  }
0x60: {  	_ =	shalt  }
0x61: {  	_ =	shalt  }
0x62: {  	_ =	shalt  }
0x63: {  	_ =	shalt  }
0x64: {  	_ =	shalt  }
0x65: {  	_ =	shalt  }
0x66: {  	_ =	shalt  }
0x67: {  	_ =	shalt  }
0x68: {  	_ =	shalt  }
0x69: {  	_ =	shalt  }
0x6a: {  	_ =	shalt  }
0x6b: {  	_ =	shalt  }
0x6c: {  	_ =	shalt  }
0x6d: {  	_ =	shalt  }
0x6e: {  	_ =	shalt  }
0x6f: {  	_ =	shalt  }
0x70: {  	_ =	shalt  }
0x71: {  	_ =	shalt  }
0x72: {  	_ =	shalt  }
0x73: {  	_ =	shalt  }
0x74: {  	_ =	shalt  }
0x75: {  	_ =	shalt  }
0x76: {  	_ =	shalt  }
0x77: {  	_ =	shalt  }
0x78: {  	_ =	shalt  }
0x79: {  	_ =	shalt  }
0x7a: {  	_ =	shalt  }
0x7b: {  	_ =	shalt  }
0x7c: {  	_ =	shalt  }
0x7d: {  	_ =	shalt  }
0x7e: {  	_ =	shalt  }
0x7f: {  	_ =	shalt  }
0x80: {  	_ =	shalt  }
0x81: {  	_ =	shalt  }
0x82: {  	_ =	shalt  }
0x83: {  	_ =	shalt  }
0x84: {  	_ =	shalt  }
0x85: {  	_ =	shalt  }
0x86: {  	_ =	shalt  }
0x87: {  	_ =	shalt  }
.Lfunc_end0:
.L_simem_size_0:
called_computation.3_lowered:
.L_overlay_start_0:
0x88: {  	s2 =	sld [smem:$0x3FD9]  }
0x89: {  	s3 =	sld [smem:$0x3FFE];
	_ =	sdelay $0x1  }
0x8a: {  	s1 =	srdreg.scid  }
0x8b: {  	s0 =	sand.u32 $0x1, s1  }
0x8c: {  	s14 =	sshll.u32 s0, $0xA;
	s2 =	sadd.s32 s3, s2  }
0x8d: {  	s2 =	sadd.s32 s2, s14  }
0x8e: {  	[smem:$0x3FB3] =	sst s2  }
0x8f: {  	_ = 	snop  }
0x90: {  	s2 =	sld [smem:$0x3FD0];
	_ =	sdelay $0x2  }
0x91: {  	s15 =	simm.s32 $0xB;
	s4 =	simm.s32 $0x10  }
0x92: {  	[smem:s4], [sflag:s15] =	dma.local [hbm:s2], $0x1  }
0x93: {  	_ =	swait.eq [sflag:s15], $0x1  }
0x94: {  	[sflag:s15] =	ssyncset.done $0x0  }
0x95: {  	[sflag:s15] =	ssyncadd.s32 $0xFFFFFFFF  }
0x96: {  	s16 =	sld [smem:$0x10];
	(tm) =	ssettm $0x1  }
0x97: {  	s17 =	sld [smem:$0x3FFB];
	_ =	sdelay $0x3  }
0x98: {  	_ =	strace s17  }
0x99: {  	s3 =	sld [smem:$0x3FFC];
	_ =	sdelay $0x3  }
0x9a: {  	_ =	strace s3  }
0x9b: {  	s3 =	sld [smem:$0x3FFD];
	_ =	sdelay $0x3  }
0x9c: {  	_ =	strace s3  }
0x9d: {  	_ =	strace $0x8FFFFFFF  }
0x9e: {  	s18 =	sld [smem:$0x3FDB];
	_ =	sdelay $0x1  }
0x9f: {  	s19 =	simm.s32 $_scs_section_size  }
0xa0: {  	s5 =	simm.s32 $_size__tile_overlayer_lowered;
	s6 =	simm.s32 $_tile_overlayer_lowered  }
0xa1: {  	s22 =	simm.s32 $0x1BFF;
	s21 =	sshll.u32 s6, $0x1;
	s3 =	sadd.s32 s19, s18  }
0xa2: {  	s7 =	simm.s32 $0x0;
	s20 =	sshll.u32 s5, $0x1;
	s5 =	sadd.s32 s21, s3  }
0xa3: {  	[timem:s7], [sflag:s22] =	dma.local [hbm:s5], s20  }
0xa4: {  	_ =	swait.ge [sflag:s22], s20  }
0xa5: {  	s4 =	ssub.s32 $0x0, s20;
	[sflag:s22] =	ssyncset.done $0x0  }
0xa6: {  	[sflag:s22] =	ssyncadd.s32 s4;
	_ =	sdelay $0x1  }
0xa7: {  	s23 =	simm.s32 $0x1B8B  }
0xa8: {  	_ =	swait.ge [sflag:s23], $0x1  }
0xa9: {  	[sflag:s23] =	ssyncset.done $0x0  }
0xaa: {  	s25 =	simm.s32 $0x1B8E;
	s24 =	sld [smem:$0x3FFE];
	[sflag:s23] =	ssyncadd.s32 $0xFFFFFFFF  }
0xab: {  	s26 =	simm.s32 $execute0_lowered;
	[smem:$0x3FD2] =	sst s25  }
0xac: {  	s5 =	sshll.u32 s26, $0x1;
	_ =	strace $0x8000004F;
	[dreg:$0x1] =	wrdreg $0xFFFFFFFF  }
0xad: {  	s28 =	simm.s32 $_size_execute0_lowered;
	s3 =	sadd.s32 s3, s5;
	[dreg:$0x0] =	wrdreg $0x0  }
0xae: {  	s5 =	sshll.u32 s28, $0x1;
	[dreg:$0x2] =	wrdreg s3  }
0xaf: {  	[dreg:$0x3] =	wrdreg s5  }
0xb0: {  	[dreg:$0x4] =	wrdreg $0xC0  }
0xb1: {  	_ =	task [dreg:s7], $0x5FFFF  }
0xb2: {  	[dreg:$0x1] =	wrdreg $0xFFFFFFFF  }
0xb3: {  	[dreg:$0x0] =	wrdreg $0x60  }
0xb4: {  	[dreg:$0x2] =	wrdreg s24  }
0xb5: {  	[dreg:$0x3] =	wrdreg s16  }
0xb6: {  	[dreg:$0x4] =	wrdreg $0x70800  }
0xb7: {  	[dreg:$0x5] =	wrdreg $0x9  }
0xb8: {  	_ =	task.clear_ibuf [dreg:s7], $0x6FFFF;
	_ =	strace $0x9000004F  }
0xb9: {  	s29 =	simm.s32 $0x9;
	_ =	strace $0x80000051  }
0xba: {  	_ =	swait.ge [sflag:s29], $0x1  }
0xbb: {  	[sflag:s29] =	ssyncadd.s32 $0xFFFFFFFF  }
0xbc: {  	_ =	strace $0x90000051  }
0xbd: {  	_ =	sfence  }
0xbe: {  	s30 =	sld [smem:$0x0];
	_ =	sdelay $0x2  }
0xbf: {  	s31 =	sshll.u32 s1, $0xD;
	s1 =	sshrl.u32 s1, $0x2  }
0xc0: {  	s3 =	sand.u32 $0x4000, s31;
	s1 =	sadd.s32 s1, s30  }
0xc1: {  	s0 =	sor.u32 s3, s0;
	s1 =	sshll.u32 s1, $0x11  }
0xc2: {  	s0 =	sor.u32 s1, s0  }
0xc3: {  	s0 =	sadd.s32 $0x8F2B, s0  }
0xc4: {  	[sflag:s0] =	ssyncadd.remote.s32 $0x1  }
0xc5: {  	_ =	sfence.sel $0xFFFF  }
0xc6: {  	[dreg:$0x0] =	wrdreg $0xFFFFFFFF;
	(pc) =	sbr.abs _section_cstart, $3  }
0xc7: {  	[dreg:$0x1] =	wrdreg $0xFFFFFFFF  }
0xc8: {  	_ =	task.clear_ibuf [dreg:s7], $0x2FFFF;
	_ =	strace $0x9FFFFFFF  }
0xc9: {  	(tm) =	ssettm $0x7FFFFFFF  }
tec
execute0_lowered:
.L_overlay_start_1:
0x0: {  	(tag) =	ssettag $0x1  }
0x1: {  	s5 =	rddreg [dreg:$0x0]  }
0x2: {  	s2 =	rddreg [dreg:$0x1]  }
0x3: {  	s3 =	rddreg [dreg:$0x2]  }
0x4: {  	s0 =	rddreg [dreg:$0x3];
	s6 =	srdreg.scid  }
0x5: {  	s1 =	stileid.u32;
	s4 =	simm.s32 $0x0;
	s18 =	simm.s32 $0x3840  }
0x6: {  	s19 =	simm.s32 $0x3B60;
	s20 =	simm.s32 $0x3E80;
	s21 =	simm.s32 $0x1  }
0x7: {  	s22 =	simm.s32 $0x2;
	s23 =	simm.s32 $0x3;
	s24 =	simm.s32 $0x4  }
0x8: {  	s25 =	simm.s32 $0x0;
	s6 =	sand.u32 $0x1, s6;
	s7 =	smul.u32 $0xC400, s1  }
0x9: {  	[smem:$0x7FF] =	sst s4;
	s13 =	sadd.s32 $0x99400, s5;
	s15 =	smul.u32 $0x186A0, s1  }
0xa: {  	s12 =	sadd.s32 $0x68600, s5;
	s9 =	sadd.s32 $0x12C200, s5;
	s17 =	smul.u32 $0x30D4, s1  }
0xb: {  	s30 =	sshll.u32 s1, $0x6;
	s8 =	smul.u32 $0x188000, s6;
	s11 =	ssub.s32 $0x2, s6  }
0xc: {  	_ =	strace $0x80000050;
	s6 =	smul.u32 $0x31000, s6;
	s14 =	sshrl.u32 s11, $0x1  }
0xd: {  	s29 =	sadd.s32 s7, s3;
	s31 =	sshrl.u32 s15, $0x3;
	s10 =	sadd.s32 s7, s8  }
0xe: {  	s11 =	ssub.s32 s11, s14;
	s6 =	sadd.s32 s9, s6;
	s15 =	sadd.s32 $0x3070, s31  }
0xf: {  	s16 =	sshrl.u32 s8, $0x3;
	s14 =	sshrl.u32 s29, $0x3;
	s10 =	sshrl.u32 s10, $0x3  }
0x10: {  	s7 =	sadd.s32 s13, s15;
	s8 =	sadd.s32 s12, s15;
	s9 =	sadd.s32 s9, s16  }
0x11: {  	s11 =	smax.u32 s11, $0x1;
	s12 =	sadd.s32 s17, s12;
	s13 =	sadd.s32 s17, s13  }
0x12: {  	s15 =	simm.s32 $0x5;
	s16 =	simm.s32 $0x320;
	s10 =	sadd.s32 s10, s5  }
0x13: {  	s17 =	simm.s32 $0x640;
	s5 =	sor.u32 $0x1C05, s30;
	s10 =	sadd.s32 $0x6200, s10  }
.LBB2_1:
0x14: {  	[spmem:s14], [sflag:s5] =	dma.local [hbm:s2], $0x1880  }
0x15: {  	_ =	swait.ge [sflag:s15], $0x1880  }
0x16: {  	[sflag:s15] =	ssyncset.done $0x0  }
0x17: {  	[sflag:s15] =	ssyncadd.s32 $0xFFFFE780  }
0x18: {  	s26 =	sadd.s32 $0x0, s13;
	[bflag:$0x0] =	sbarrier.arrive $0xFFFF  }
0x19: {  	[tilespmem:s4], [sflag:$0x5] =	stream.linear.gather [hbm4b:s26+s4], $0x320, $0x38;
	[tilespmem:$0x1F880] =	vst v63  }
0x1a: {  	_ =	swait.ge [sflag:s15], $0x320  }
0x1b: {  	[sflag:s15] =	ssyncset.done $0x0  }
0x1c: {  	s28 =	sadd.s32 $0x0, s12;
	[sflag:s15] =	ssyncadd.s32 $0xFFFFFCE0  }
0x1d: {  	[tilespmem:s16], [sflag:$0x5] =	stream.linear.gather [hbm4b:s28+s4], $0x320, $0x38;
	[tilespmem:$0x1F880] =	vst v63  }
0x1e: {  	_ =	swait.ge [sflag:s15], $0x320  }
0x1f: {  	[sflag:s15] =	ssyncset.done $0x0  }
0x20: {  	[sflag:s15] =	ssyncadd.s32 $0xFFFFFCE0  }
0x21: {  	[tilespmem:s17], [sflag:$0x1] =	stream.indirect.gather [hbm4b:s6+s16], $0x10, s4, s16, $0xb8;
	[tilespmem:$0x1F880] =	vst v63  }
0x22: {  	s26 =	sadd.s32 $0x64, s26  }
0x23: {  	[tilespmem:s18], [sflag:$0x5] =	stream.linear.gather [hbm4b:s26+s4], $0x320, $0x38;
	[tilespmem:$0x1F880] =	vst v63  }
0x24: {  	_ =	swait.ge [sflag:s15], $0x320  }
0x25: {  	[sflag:s15] =	ssyncset.done $0x0  }
0x26: {  	s31 =	sadd.s32 $0x64, s28;
	[sflag:s15] =	ssyncadd.s32 $0xFFFFFCE0  }
0x27: {  	[tilespmem:s19], [sflag:$0x5] =	stream.linear.gather [hbm4b:s31+s4], $0x320, $0x38;
	[tilespmem:$0x1F880] =	vst v63  }
0x28: {  	_ =	swait.ge [sflag:s15], $0x320  }
0x29: {  	[sflag:s15] =	ssyncset.done $0x0  }
0x2a: {  	[sflag:s15] =	ssyncadd.s32 $0xFFFFFCE0  }
0x2b: {  	[tilespmem:s20], [sflag:$0x2] =	stream.indirect.gather [hbm4b:s6+s16], $0x10, s18, s16, $0xb8;
	[tilespmem:$0x1F880] =	vst v63  }
0x2c: {  	_ =	swait.ge [sflag:s21], $0x3200  }
0x2d: {  	[sflag:s21] =	ssyncset.done $0x0  }
0x2e: {  	[sflag:s21] =	ssyncadd.s32 $0xFFFFCE00  }
0x2f: {  	[spmem:s3] =	stream.indirect.scatter.add.f32 [tilespmem:s17], [sflag:$0x3], $0x10, s16, s16, $0xb8;
	[tilespmem:$0x1F880] =	vst v63  }
0x30: {  	_ =	swait.ge [sflag:s22], $0x3200  }
0x31: {  	[sflag:s22] =	ssyncset.done $0x0  }
0x32: {  	[sflag:s22] =	ssyncadd.s32 $0xFFFFCE00  }
0x33: {  	[spmem:s3] =	stream.indirect.scatter.add.f32 [tilespmem:s20], [sflag:$0x4], $0x10, s19, s16, $0xb8;
	[tilespmem:$0x1F880] =	vst v63  }
0x34: {  	_ =	swait.ge [sflag:s23], $0x3200  }
0x35: {  	[sflag:s23] =	ssyncset.done $0x0  }
0x36: {  	[sflag:s23] =	ssyncadd.s32 $0xFFFFCE00  }
0x37: {  	_ =	swait.ge [sflag:s24], $0x3200  }
0x38: {  	s29 =	simm.s32 $0x190;
	s26 =	simm.s32 $0xC8;
	[sflag:s24] =	ssyncset.done $0x0  }
.LBB2_2:
0x39: {  	s30 =	sadd.s32 s26, s13  }
0x3a: {  	[sflag:s24] =	ssyncadd.s32 $0xFFFFCE00;
	s31 =	smov.u32 s29;
	s28 =	sadd.s32 $0xC8, s29  }
0x3b: {  	[tilespmem:s4], [sflag:$0x5] =	stream.linear.gather [hbm4b:s30+s4], $0x320, $0x38;
	[tilespmem:$0x1F880] =	vst v63  }
0x3c: {  	p0 =	sne.s32 s29, $0x2FA8;
	_ =	swait.ge [sflag:s15], $0x320  }
0x3d: {  	[sflag:s15] =	ssyncset.done $0x0  }
0x3e: {  	s29 =	sadd.s32 s26, s12;
	s26 =	smov.u32 s31;
	[sflag:s15] =	ssyncadd.s32 $0xFFFFFCE0  }
0x3f: {  	[tilespmem:s16], [sflag:$0x5] =	stream.linear.gather [hbm4b:s29+s4], $0x320, $0x38;
	[tilespmem:$0x1F880] =	vst v63  }
0x40: {  	_ =	swait.ge [sflag:s15], $0x320  }
0x41: {  	[sflag:s15] =	ssyncset.done $0x0  }
0x42: {  	[sflag:s15] =	ssyncadd.s32 $0xFFFFFCE0  }
0x43: {  	[tilespmem:s17], [sflag:$0x1] =	stream.indirect.gather [hbm4b:s6+s16], $0x10, s4, s16, $0xb8;
	[tilespmem:$0x1F880] =	vst v63  }
0x44: {  	s30 =	sadd.s32 $0x64, s30  }
0x45: {  	[tilespmem:s18], [sflag:$0x5] =	stream.linear.gather [hbm4b:s30+s4], $0x320, $0x38;
	[tilespmem:$0x1F880] =	vst v63  }
0x46: {  	_ =	swait.ge [sflag:s15], $0x320  }
0x47: {  	[sflag:s15] =	ssyncset.done $0x0  }
0x48: {  	s29 =	sadd.s32 $0x64, s29;
	[sflag:s15] =	ssyncadd.s32 $0xFFFFFCE0  }
0x49: {  	[tilespmem:s19], [sflag:$0x5] =	stream.linear.gather [hbm4b:s29+s4], $0x320, $0x38;
	[tilespmem:$0x1F880] =	vst v63  }
0x4a: {  	_ =	swait.ge [sflag:s15], $0x320  }
0x4b: {  	[sflag:s15] =	ssyncset.done $0x0  }
0x4c: {  	[sflag:s15] =	ssyncadd.s32 $0xFFFFFCE0  }
0x4d: {  	[tilespmem:s20], [sflag:$0x2] =	stream.indirect.gather [hbm4b:s6+s16], $0x10, s18, s16, $0xb8;
	[tilespmem:$0x1F880] =	vst v63  }
0x4e: {  	_ =	swait.ge [sflag:s21], $0x3200  }
0x4f: {  	[sflag:s21] =	ssyncset.done $0x0  }
0x50: {  	[sflag:s21] =	ssyncadd.s32 $0xFFFFCE00  }
0x51: {  	[spmem:s3] =	stream.indirect.scatter.add.f32 [tilespmem:s17], [sflag:$0x3], $0x10, s16, s16, $0xb8;
	[tilespmem:$0x1F880] =	vst v63  }
0x52: {  	_ =	swait.ge [sflag:s22], $0x3200  }
0x53: {  	[sflag:s22] =	ssyncset.done $0x0  }
0x54: {  	[sflag:s22] =	ssyncadd.s32 $0xFFFFCE00  }
0x55: {  	[spmem:s3] =	stream.indirect.scatter.add.f32 [tilespmem:s20], [sflag:$0x4], $0x10, s19, s16, $0xb8;
	[tilespmem:$0x1F880] =	vst v63  }
.Ltmp0:
0x56: {  	_ =	swait.ge [sflag:s23], $0x3200;
	(pc) =	sbr.rel @p0 .LBB2_2-.Ltmp0, $4  }
0x57: {  	[sflag:s23] =	ssyncset.done $0x0  }
0x58: {  	[sflag:s23] =	ssyncadd.s32 $0xFFFFCE00  }
0x59: {  	_ =	swait.ge [sflag:s24], $0x3200  }
0x5a: {  	s29 =	smov.u32 s28;
	[sflag:s24] =	ssyncset.done $0x0  }
0x5b: {  	s28 =	sadd.s32 s26, s13;
	[sflag:s24] =	ssyncadd.s32 $0xFFFFCE00  }
0x5c: {  	[tilespmem:s4], [sflag:$0x5] =	stream.linear.gather [hbm4b:s28+s4], $0x320, $0x38;
	[tilespmem:$0x1F880] =	vst v63  }
0x5d: {  	_ =	swait.ge [sflag:s15], $0x320  }
0x5e: {  	[sflag:s15] =	ssyncset.done $0x0  }
0x5f: {  	s31 =	sadd.s32 s26, s12;
	[sflag:s15] =	ssyncadd.s32 $0xFFFFFCE0  }
0x60: {  	[tilespmem:s16], [sflag:$0x5] =	stream.linear.gather [hbm4b:s31+s4], $0x320, $0x38;
	[tilespmem:$0x1F880] =	vst v63  }
0x61: {  	_ =	swait.ge [sflag:s15], $0x320  }
0x62: {  	[sflag:s15] =	ssyncset.done $0x0  }
0x63: {  	[sflag:s15] =	ssyncadd.s32 $0xFFFFFCE0  }
0x64: {  	[tilespmem:s17], [sflag:$0x1] =	stream.indirect.gather [hbm4b:s6+s16], $0x10, s4, s16, $0xb8;
	[tilespmem:$0x1F880] =	vst v63  }
0x65: {  	s28 =	sadd.s32 $0x64, s28  }
0x66: {  	[tilespmem:s18], [sflag:$0x5] =	stream.linear.gather [hbm4b:s28+s4], $0x320, $0x38;
	[tilespmem:$0x1F880] =	vst v63  }
0x67: {  	_ =	swait.ge [sflag:s15], $0x320  }
0x68: {  	[sflag:s15] =	ssyncset.done $0x0  }
0x69: {  	s26 =	sadd.s32 $0x64, s31;
	[sflag:s15] =	ssyncadd.s32 $0xFFFFFCE0  }
0x6a: {  	[tilespmem:s19], [sflag:$0x5] =	stream.linear.gather [hbm4b:s26+s4], $0x320, $0x38;
	[tilespmem:$0x1F880] =	vst v63  }
0x6b: {  	_ =	swait.ge [sflag:s15], $0x320  }
0x6c: {  	[sflag:s15] =	ssyncset.done $0x0  }
0x6d: {  	[sflag:s15] =	ssyncadd.s32 $0xFFFFFCE0  }
0x6e: {  	[tilespmem:s20], [sflag:$0x2] =	stream.indirect.gather [hbm4b:s6+s16], $0x10, s18, s16, $0xb8;
	[tilespmem:$0x1F880] =	vst v63  }
0x6f: {  	_ =	swait.ge [sflag:s21], $0x3200  }
0x70: {  	[sflag:s21] =	ssyncset.done $0x0  }
0x71: {  	[sflag:s21] =	ssyncadd.s32 $0xFFFFCE00  }
0x72: {  	[spmem:s3] =	stream.indirect.scatter.add.f32 [tilespmem:s17], [sflag:$0x3], $0x10, s16, s16, $0xb8;
	[tilespmem:$0x1F880] =	vst v63  }
0x73: {  	_ =	swait.ge [sflag:s22], $0x3200  }
0x74: {  	[sflag:s22] =	ssyncset.done $0x0  }
0x75: {  	[sflag:s22] =	ssyncadd.s32 $0xFFFFCE00  }
0x76: {  	[spmem:s3] =	stream.indirect.scatter.add.f32 [tilespmem:s20], [sflag:$0x4], $0x10, s19, s16, $0xb8;
	[tilespmem:$0x1F880] =	vst v63  }
0x77: {  	_ =	swait.ge [sflag:s23], $0x3200  }
0x78: {  	[sflag:s23] =	ssyncset.done $0x0  }
0x79: {  	[sflag:s23] =	ssyncadd.s32 $0xFFFFCE00  }
0x7a: {  	_ =	swait.ge [sflag:s24], $0x3200  }
0x7b: {  	[sflag:s24] =	ssyncset.done $0x0  }
0x7c: {  	[sflag:s24] =	ssyncadd.s32 $0xFFFFCE00  }
0x7d: {  	[tilespmem:s4], [sflag:$0x5] =	stream.linear.gather [hbm4b:s7+s4], $0x320, $0x38;
	[tilespmem:$0x1F880] =	vst v63  }
0x7e: {  	_ =	swait.ge [sflag:s15], $0x320  }
0x7f: {  	[sflag:s15] =	ssyncset.done $0x0  }
0x80: {  	[sflag:s15] =	ssyncadd.s32 $0xFFFFFCE0  }
0x81: {  	[tilespmem:s16], [sflag:$0x5] =	stream.linear.gather [hbm4b:s8+s4], $0x320, $0x38;
	[tilespmem:$0x1F880] =	vst v63  }
0x82: {  	_ =	swait.ge [sflag:s15], $0x320  }
0x83: {  	[sflag:s15] =	ssyncset.done $0x0  }
0x84: {  	[sflag:s15] =	ssyncadd.s32 $0xFFFFFCE0  }
0x85: {  	[tilespmem:s17], [sflag:$0x1] =	stream.indirect.gather [hbm4b:s9+s16], $0x10, s4, s16, $0xb8;
	[tilespmem:$0x1F880] =	vst v63  }
0x86: {  	_ =	swait.ge [sflag:s21], $0x3200  }
0x87: {  	[sflag:s21] =	ssyncset.done $0x0  }
0x88: {  	[sflag:s21] =	ssyncadd.s32 $0xFFFFCE00  }
0x89: {  	[spmem:s3] =	stream.indirect.scatter.add.f32 [tilespmem:s17], [sflag:$0x5], $0x10, s16, s16, $0xb8;
	[tilespmem:$0x1F880] =	vst v63  }
0x8a: {  	_ =	swait.ge [sflag:s15], $0x3200  }
0x8b: {  	s25 =	sadd.s32 $0x1, s25;
	[sflag:s15] =	ssyncset.done $0x0  }
0x8c: {  	p0 =	sne.s32 s25, s11;
	[sflag:s15] =	ssyncadd.s32 $0xFFFFCE00  }
.Ltmp1:
0x8d: {  	[bflag:$0x0] =	sbarrier.arrive $0xFFFF;
	(pc) =	sbr.rel @p0 .LBB2_1-.Ltmp1, $4  }
0x8e: {  	[hbm:s10], [sflag:s5] =	dma.local [spmem:s14], $0x1880  }
0x8f: {  	_ =	swait.ge [sflag:s15], $0x1880  }
0x90: {  	[sflag:s15] =	ssyncset.done $0x0  }
0x91: {  	[sflag:s15] =	ssyncadd.s32 $0xFFFFE780  }
0x92: {  	_ =	sfence.sel $0x180000  }
0x93: {  	[bflag:$0x0] =	sbarrier.arrive $0xFFFF  }
0x94: {  	p0 =	sne.s32 s1, $0x0;
	_ =	strace $0x90000050  }
0x95: {  	s0 =	sadd.s32 @!p0 $0x100000, s0;
	[bflag:$0x2] =	sbarrier.arrive $0xFFFF  }
0x96: {  	[sflag:s0] =	ssyncadd.tile.s32 @!p0 $0x1;
	_ =	shalt  }
.Lfunc_end2:
_tile_overlayer_lowered:
.L_overlay_start_2:
0x97: {  	(tag) =	ssettag $0x2  }
0x98: {  	s0 =	rddreg [dreg:$0x0];
	s2 =	stileid.u32  }
0x99: {  	s1 =	rddreg [dreg:$0x1];
	p0 =	sne.s32 s2, $0x0  }
0x9a: {  	s3 =	rddreg [dreg:$0x2];
	[bflag:$0x3] =	sbarrier.arrive $0xFFFF;
	s2 =	simm.s32 @!p0 $0x1C05  }
0x9b: {  	[timem:s3], [sflag:s2] =	dma.local @!p0 [hbm:s0], s1  }
0x9c: {  	s0 =	simm.s32 @!p0 $0x5  }
0x9d: {  	_ =	swait.ge @!p0 [sflag:s0], s1  }
0x9e: {  	s1 =	ssub.s32 @!p0 $0x0, s1;
	[sflag:s0] =	ssyncset.done @!p0 $0x0  }
0x9f: {  	[sflag:s0] =	ssyncadd.s32 @!p0 s1  }
0xa0: {  	[bflag:$0x3] =	sbarrier.arrive $0xFFFF  }
0xa1: {  	_ =	shalt  }

// kernel: kernel.32.cloned.1.call-start
scs
__scs_entry_jumppad:
0x0: {  	(pc) =	sbr.rel $0x88, $3  }
0x1: {  	(tag) =	ssettag $0x0;
	lr =	simm.s32 $0x1  }
0x2: {  	[smem:$0x3F8C] =	sst lr;
	_ =	strace $0xD0000000  }
0x3: {  	_ = 	snop  }
0x4: {  	_ = 	snop  }
0x5: {  	_ = 	snop  }
0x6: {  	_ = 	snop  }
0x7: {  	_ = 	snop  }
__scs_overlays_trampoline_lowered:
0x8: {  	[smem:$0x3F9B] =	sst s0  }
0x9: {  	[smem:$0x3F9C] =	sst s1  }
0xa: {  	[smem:$0x3F9D] =	sst s2  }
0xb: {  	[smem:$0x3F9E] =	sst s3  }
0xc: {  	[smem:$0x3F9F] =	sst s4  }
0xd: {  	[smem:$0x3FA0] =	sst s5  }
0xe: {  	[smem:$0x3FA1] =	sst s6  }
0xf: {  	[smem:$0x3FA2] =	sst s7  }
0x10: {  	[smem:$0x3FA3] =	sst s8  }
0x11: {  	[smem:$0x3FA4] =	sst s9;
	s0 =	simm.s32 @!p0 $0x0  }
0x12: {  	s1 =	sld [smem:$0x3F8A];
	s0 =	simm.s32 @p0 $0x1  }
0x13: {  	[smem:$0x3FA5] =	sst s0;
	s0 =	simm.s32 @!p1 $0x0  }
0x14: {  	s2 =	sld [smem:$0x3F89];
	s0 =	simm.s32 @p1 $0x1  }
0x15: {  	[smem:$0x3FA6] =	sst s0;
	s0 =	simm.s32 @!p2 $0x0  }
0x16: {  	s3 =	sld [smem:$0x3FDB];
	s0 =	simm.s32 @p2 $0x1  }
0x17: {  	s4 =	simm.s32 $0x1BF5;
	[smem:$0x3FA8] =	sst s0  }
0x18: {  	s0 =	sld [smem:$0x3F8B];
	_ =	swait.ge [sflag:s4], $0x0  }
0x19: {  	s7 =	sld [smem:$0x3F8C]  }
0x1a: {  	s8 =	sadd.s32 $0xFFFFE003, lr  }
0x1b: {  	s9 =	sadd.s32 $0xFFFFFEF7, lr;
	s5 =	simm.s32 $0xFFFFFFFF;
	p2 =	slt.u32 s8, $0xFFFFF086  }
0x1c: {  	p1 =	slt.u32 s9, $0xF7A;
	s5 =	simm.s32 @!p2 $0x0  }
0x1d: {  	s5 =	simm.s32 @p1 $0x1;
	p0 =	seq.s32 s7, s2  }
0x1e: {  	s7 =	smul.u32 @!p0 $0xF7A, s2;
	p2 =	seq.s32 @!p0 s5, $0x0  }
0x1f: {  	s9 =	smul.u32 $0xF7A, s1;
	s8 =	simm.s32 @!p0 $0x1BF5;
	p2 =	por !p2, p0  }
0x20: {  	[sflag:s8] =	ssyncset.s32 @!p0 $0xFFFFF086;
	s6 =	sadd.s32 @!p0 s3, s7;
	s7 =	simm.s32 @!p0 $0x108  }
0x21: {  	s3 =	sadd.s32 s3, s9;
	s6 =	sadd.s32 @!p0 $0x88, s6;
	s7 =	simm.s32 @p2 $0x1082  }
0x22: {  	[simem:s7], [sflag:s8] =	dma.local @!p0 [hbm:s6], $0xF7A  }
0x23: {  	s9 =	sor.u32 $0xD0000000, s2;
	s6 =	simm.s32 $0x108;
	_ =	swait.ge @!p0 [sflag:s8], $0x0  }
0x24: {  	s3 =	sadd.s32 $0x88, s3;
	s6 =	simm.s32 @!p1 $0x1082;
	[sflag:s4] =	ssyncset.s32 $0xFFFFF086  }
0x25: {  	[simem:s6], [sflag:s4] =	dma.local [hbm:s3], $0xF7A  }
0x26: {  	[smem:$0x3F8C] =	sst s1;
	(tag) =	ssettag s2;
	_ =	strace s9  }
0x27: {  	s1 =	sld [smem:$0x3F9C]  }
0x28: {  	s2 =	sld [smem:$0x3F9D]  }
0x29: {  	s4 =	sld [smem:$0x3F9F]  }
0x2a: {  	p0 =	seq.s32 s5, $0x0;
	s5 =	sld [smem:$0x3FA0]  }
0x2b: {  	s6 =	sld [smem:$0x3FA1]  }
0x2c: {  	s7 =	sld [smem:$0x3FA2]  }
0x2d: {  	s3 =	simm.s32 $0x108;
	s8 =	sld [smem:$0x3FA3]  }
0x2e: {  	s3 =	simm.s32 @!p0 $0x1082;
	s9 =	sld [smem:$0x3FA4]  }
0x2f: {  	lr =	sadd.s32 s0, s3;
	s0 =	sld [smem:$0x3F9B]  }
0x30: {  	s3 =	sld [smem:$0x3F9E]  }
0x31: {  	[smem:$0x3FA7] =	sst s10  }
0x32: {  	s10 =	sld [smem:$0x3FA5];
	_ =	sdelay $0x3  }
0x33: {  	p0 =	seq.s32 s10, $0x1;
	s10 =	sld [smem:$0x3FA7];
	_ =	sdelay $0x3  }
0x34: {  	[smem:$0x3FA7] =	sst s10  }
0x35: {  	s10 =	sld [smem:$0x3FA6];
	_ =	sdelay $0x3  }
0x36: {  	p1 =	seq.s32 s10, $0x1;
	s10 =	sld [smem:$0x3FA7];
	_ =	sdelay $0x3  }
0x37: {  	[smem:$0x3FA7] =	sst s10  }
0x38: {  	s10 =	sld [smem:$0x3FA8]  }
0x39: {  	_ = 	snop;
	(pc) =	sbr.ind lr, $3  }
0x3a: {  	_ = 	snop  }
0x3b: {  	_ = 	snop  }
0x3c: {  	p2 =	seq.s32 s10, $0x1;
	s10 =	sld [smem:$0x3FA7]  }
0x3d: {  	_ =	shalt  }
0x3e: {  	_ =	shalt  }
0x3f: {  	_ =	shalt  }
0x40: {  	_ =	shalt  }
0x41: {  	_ =	shalt  }
0x42: {  	_ =	shalt  }
0x43: {  	_ =	shalt  }
0x44: {  	_ =	shalt  }
0x45: {  	_ =	shalt  }
0x46: {  	_ =	shalt  }
0x47: {  	_ =	shalt  }
0x48: {  	_ =	shalt  }
0x49: {  	_ =	shalt  }
0x4a: {  	_ =	shalt  }
0x4b: {  	_ =	shalt  }
0x4c: {  	_ =	shalt  }
0x4d: {  	_ =	shalt  }
0x4e: {  	_ =	shalt  }
0x4f: {  	_ =	shalt  }
0x50: {  	_ =	shalt  }
0x51: {  	_ =	shalt  }
0x52: {  	_ =	shalt  }
0x53: {  	_ =	shalt  }
0x54: {  	_ =	shalt  }
0x55: {  	_ =	shalt  }
0x56: {  	_ =	shalt  }
0x57: {  	_ =	shalt  }
0x58: {  	_ =	shalt  }
0x59: {  	_ =	shalt  }
0x5a: {  	_ =	shalt  }
0x5b: {  	_ =	shalt  }
0x5c: {  	_ =	shalt  }
0x5d: {  	_ =	shalt  }
0x5e: {  	_ =	shalt  }
0x5f: {  	_ =	shalt  }
0x60: {  	_ =	shalt  }
0x61: {  	_ =	shalt  }
0x62: {  	_ =	shalt  }
0x63: {  	_ =	shalt  }
0x64: {  	_ =	shalt  }
0x65: {  	_ =	shalt  }
0x66: {  	_ =	shalt  }
0x67: {  	_ =	shalt  }
0x68: {  	_ =	shalt  }
0x69: {  	_ =	shalt  }
0x6a: {  	_ =	shalt  }
0x6b: {  	_ =	shalt  }
0x6c: {  	_ =	shalt  }
0x6d: {  	_ =	shalt  }
0x6e: {  	_ =	shalt  }
0x6f: {  	_ =	shalt  }
0x70: {  	_ =	shalt  }
0x71: {  	_ =	shalt  }
0x72: {  	_ =	shalt  }
0x73: {  	_ =	shalt  }
0x74: {  	_ =	shalt  }
0x75: {  	_ =	shalt  }
0x76: {  	_ =	shalt  }
0x77: {  	_ =	shalt  }
0x78: {  	_ =	shalt  }
0x79: {  	_ =	shalt  }
0x7a: {  	_ =	shalt  }
0x7b: {  	_ =	shalt  }
0x7c: {  	_ =	shalt  }
0x7d: {  	_ =	shalt  }
0x7e: {  	_ =	shalt  }
0x7f: {  	_ =	shalt  }
0x80: {  	_ =	shalt  }
0x81: {  	_ =	shalt  }
0x82: {  	_ =	shalt  }
0x83: {  	_ =	shalt  }
0x84: {  	_ =	shalt  }
0x85: {  	_ =	shalt  }
0x86: {  	_ =	shalt  }
0x87: {  	_ =	shalt  }
.Lfunc_end0:
.L_simem_size_0:
called_computation.4_lowered:
.L_overlay_start_0:
0x88: {  	s2 =	sld [smem:$0x3FD9]  }
0x89: {  	s3 =	sld [smem:$0x3FFE];
	_ =	sdelay $0x1  }
0x8a: {  	s1 =	srdreg.scid  }
0x8b: {  	s0 =	sand.u32 $0x1, s1  }
0x8c: {  	s14 =	sshll.u32 s0, $0xA;
	s2 =	sadd.s32 s3, s2  }
0x8d: {  	s2 =	sadd.s32 s2, s14  }
0x8e: {  	[smem:$0x3FB3] =	sst s2  }
0x8f: {  	_ = 	snop  }
0x90: {  	s2 =	sld [smem:$0x3FD0];
	_ =	sdelay $0x2  }
0x91: {  	s15 =	simm.s32 $0xB;
	s4 =	simm.s32 $0x10  }
0x92: {  	[smem:s4], [sflag:s15] =	dma.local [hbm:s2], $0x1  }
0x93: {  	_ =	swait.eq [sflag:s15], $0x1  }
0x94: {  	[sflag:s15] =	ssyncset.done $0x0  }
0x95: {  	[sflag:s15] =	ssyncadd.s32 $0xFFFFFFFF  }
0x96: {  	s16 =	sld [smem:$0x10];
	(tm) =	ssettm $0x1  }
0x97: {  	s17 =	sld [smem:$0x3FFB];
	_ =	sdelay $0x3  }
0x98: {  	_ =	strace s17  }
0x99: {  	s3 =	sld [smem:$0x3FFC];
	_ =	sdelay $0x3  }
0x9a: {  	_ =	strace s3  }
0x9b: {  	s3 =	sld [smem:$0x3FFD];
	_ =	sdelay $0x3  }
0x9c: {  	_ =	strace s3  }
0x9d: {  	_ =	strace $0x8FFFFFFF  }
0x9e: {  	s18 =	sld [smem:$0x3FDB];
	_ =	sdelay $0x1  }
0x9f: {  	s19 =	simm.s32 $_scs_section_size  }
0xa0: {  	s5 =	simm.s32 $_size__tile_overlayer_lowered;
	s6 =	simm.s32 $_tile_overlayer_lowered  }
0xa1: {  	s22 =	simm.s32 $0x1BFF;
	s21 =	sshll.u32 s6, $0x1;
	s3 =	sadd.s32 s19, s18  }
0xa2: {  	s7 =	simm.s32 $0x0;
	s20 =	sshll.u32 s5, $0x1;
	s5 =	sadd.s32 s21, s3  }
0xa3: {  	[timem:s7], [sflag:s22] =	dma.local [hbm:s5], s20  }
0xa4: {  	_ =	swait.ge [sflag:s22], s20  }
0xa5: {  	s4 =	ssub.s32 $0x0, s20;
	[sflag:s22] =	ssyncset.done $0x0  }
0xa6: {  	[sflag:s22] =	ssyncadd.s32 s4;
	_ =	sdelay $0x1  }
0xa7: {  	s23 =	simm.s32 $0x1B8B  }
0xa8: {  	_ =	swait.ge [sflag:s23], $0x1  }
0xa9: {  	[sflag:s23] =	ssyncset.done $0x0  }
0xaa: {  	s25 =	simm.s32 $0x1B8E;
	s24 =	sld [smem:$0x3FFE];
	[sflag:s23] =	ssyncadd.s32 $0xFFFFFFFF  }
0xab: {  	s26 =	simm.s32 $execute0_lowered;
	[smem:$0x3FD2] =	sst s25  }
0xac: {  	s5 =	sshll.u32 s26, $0x1;
	_ =	strace $0x80000052;
	[dreg:$0x1] =	wrdreg $0xFFFFFFFF  }
0xad: {  	s28 =	simm.s32 $_size_execute0_lowered;
	s3 =	sadd.s32 s3, s5;
	[dreg:$0x0] =	wrdreg $0x0  }
0xae: {  	s5 =	sshll.u32 s28, $0x1;
	[dreg:$0x2] =	wrdreg s3  }
0xaf: {  	[dreg:$0x3] =	wrdreg s5  }
0xb0: {  	[dreg:$0x4] =	wrdreg $0xC0  }
0xb1: {  	_ =	task [dreg:s7], $0x5FFFF  }
0xb2: {  	[dreg:$0x1] =	wrdreg $0xFFFFFFFF  }
0xb3: {  	[dreg:$0x0] =	wrdreg $0x60  }
0xb4: {  	[dreg:$0x2] =	wrdreg s24  }
0xb5: {  	[dreg:$0x3] =	wrdreg s16  }
0xb6: {  	[dreg:$0x4] =	wrdreg $0x70800  }
0xb7: {  	[dreg:$0x5] =	wrdreg $0x9  }
0xb8: {  	_ =	task.clear_ibuf [dreg:s7], $0x6FFFF;
	_ =	strace $0x90000052  }
0xb9: {  	s29 =	simm.s32 $0x9;
	_ =	strace $0x80000054  }
0xba: {  	_ =	swait.ge [sflag:s29], $0x1  }
0xbb: {  	[sflag:s29] =	ssyncadd.s32 $0xFFFFFFFF  }
0xbc: {  	_ =	strace $0x90000054  }
0xbd: {  	_ =	sfence  }
0xbe: {  	s30 =	sld [smem:$0x0];
	_ =	sdelay $0x2  }
0xbf: {  	s31 =	sshll.u32 s1, $0xD;
	s1 =	sshrl.u32 s1, $0x2  }
0xc0: {  	s3 =	sand.u32 $0x4000, s31;
	s1 =	sadd.s32 s1, s30  }
0xc1: {  	s0 =	sor.u32 s3, s0;
	s1 =	sshll.u32 s1, $0x11  }
0xc2: {  	s0 =	sor.u32 s1, s0  }
0xc3: {  	s0 =	sadd.s32 $0x8F2B, s0  }
0xc4: {  	[sflag:s0] =	ssyncadd.remote.s32 $0x1  }
0xc5: {  	_ =	sfence.sel $0xFFFF  }
0xc6: {  	[dreg:$0x0] =	wrdreg $0xFFFFFFFF;
	(pc) =	sbr.abs _section_cstart, $3  }
0xc7: {  	[dreg:$0x1] =	wrdreg $0xFFFFFFFF  }
0xc8: {  	_ =	task.clear_ibuf [dreg:s7], $0x2FFFF;
	_ =	strace $0x9FFFFFFF  }
0xc9: {  	(tm) =	ssettm $0x7FFFFFFF  }
tec
execute0_lowered:
.L_overlay_start_1:
0x0: {  	(tag) =	ssettag $0x1  }
0x1: {  	s5 =	rddreg [dreg:$0x0]  }
0x2: {  	s2 =	rddreg [dreg:$0x1]  }
0x3: {  	s3 =	rddreg [dreg:$0x2]  }
0x4: {  	s0 =	rddreg [dreg:$0x3];
	s6 =	srdreg.scid  }
0x5: {  	s1 =	stileid.u32;
	s4 =	simm.s32 $0x0;
	s18 =	simm.s32 $0x3840  }
0x6: {  	s19 =	simm.s32 $0x3B60;
	s20 =	simm.s32 $0x3E80;
	s21 =	simm.s32 $0x1  }
0x7: {  	s22 =	simm.s32 $0x2;
	s23 =	simm.s32 $0x3;
	s24 =	simm.s32 $0x4  }
0x8: {  	s25 =	simm.s32 $0x0;
	s6 =	sand.u32 $0x1, s6;
	s7 =	smul.u32 $0xC400, s1  }
0x9: {  	[smem:$0x7FF] =	sst s4;
	s13 =	sadd.s32 $0x99400, s5;
	s15 =	smul.u32 $0x186A0, s1  }
0xa: {  	s12 =	sadd.s32 $0x68600, s5;
	s9 =	sadd.s32 $0x18E200, s5;
	s17 =	smul.u32 $0x30D4, s1  }
0xb: {  	s30 =	sshll.u32 s1, $0x6;
	s8 =	smul.u32 $0x188000, s6;
	s11 =	ssub.s32 $0x2, s6  }
0xc: {  	_ =	strace $0x80000053;
	s6 =	smul.u32 $0x31000, s6;
	s14 =	sshrl.u32 s11, $0x1  }
0xd: {  	s29 =	sadd.s32 s7, s3;
	s31 =	sshrl.u32 s15, $0x3;
	s10 =	sadd.s32 s7, s8  }
0xe: {  	s11 =	ssub.s32 s11, s14;
	s6 =	sadd.s32 s9, s6;
	s15 =	sadd.s32 $0x3070, s31  }
0xf: {  	s16 =	sshrl.u32 s8, $0x3;
	s14 =	sshrl.u32 s29, $0x3;
	s10 =	sshrl.u32 s10, $0x3  }
0x10: {  	s7 =	sadd.s32 s13, s15;
	s8 =	sadd.s32 s12, s15;
	s9 =	sadd.s32 s9, s16  }
0x11: {  	s11 =	smax.u32 s11, $0x1;
	s12 =	sadd.s32 s17, s12;
	s13 =	sadd.s32 s17, s13  }
0x12: {  	s15 =	simm.s32 $0x5;
	s16 =	simm.s32 $0x320;
	s10 =	sadd.s32 s10, s5  }
0x13: {  	s17 =	simm.s32 $0x640;
	s5 =	sor.u32 $0x1C05, s30;
	s10 =	sadd.s32 $0x6200, s10  }
.LBB2_1:
0x14: {  	[spmem:s14], [sflag:s5] =	dma.local [hbm:s2], $0x1880  }
0x15: {  	_ =	swait.ge [sflag:s15], $0x1880  }
0x16: {  	[sflag:s15] =	ssyncset.done $0x0  }
0x17: {  	[sflag:s15] =	ssyncadd.s32 $0xFFFFE780  }
0x18: {  	s26 =	sadd.s32 $0x0, s13;
	[bflag:$0x0] =	sbarrier.arrive $0xFFFF  }
0x19: {  	[tilespmem:s4], [sflag:$0x5] =	stream.linear.gather [hbm4b:s26+s4], $0x320, $0x38;
	[tilespmem:$0x1F880] =	vst v63  }
0x1a: {  	_ =	swait.ge [sflag:s15], $0x320  }
0x1b: {  	[sflag:s15] =	ssyncset.done $0x0  }
0x1c: {  	s28 =	sadd.s32 $0x0, s12;
	[sflag:s15] =	ssyncadd.s32 $0xFFFFFCE0  }
0x1d: {  	[tilespmem:s16], [sflag:$0x5] =	stream.linear.gather [hbm4b:s28+s4], $0x320, $0x38;
	[tilespmem:$0x1F880] =	vst v63  }
0x1e: {  	_ =	swait.ge [sflag:s15], $0x320  }
0x1f: {  	[sflag:s15] =	ssyncset.done $0x0  }
0x20: {  	[sflag:s15] =	ssyncadd.s32 $0xFFFFFCE0  }
0x21: {  	[tilespmem:s17], [sflag:$0x1] =	stream.indirect.gather [hbm4b:s6+s16], $0x10, s4, s16, $0xb8;
	[tilespmem:$0x1F880] =	vst v63  }
0x22: {  	s26 =	sadd.s32 $0x64, s26  }
0x23: {  	[tilespmem:s18], [sflag:$0x5] =	stream.linear.gather [hbm4b:s26+s4], $0x320, $0x38;
	[tilespmem:$0x1F880] =	vst v63  }
0x24: {  	_ =	swait.ge [sflag:s15], $0x320  }
0x25: {  	[sflag:s15] =	ssyncset.done $0x0  }
0x26: {  	s31 =	sadd.s32 $0x64, s28;
	[sflag:s15] =	ssyncadd.s32 $0xFFFFFCE0  }
0x27: {  	[tilespmem:s19], [sflag:$0x5] =	stream.linear.gather [hbm4b:s31+s4], $0x320, $0x38;
	[tilespmem:$0x1F880] =	vst v63  }
0x28: {  	_ =	swait.ge [sflag:s15], $0x320  }
0x29: {  	[sflag:s15] =	ssyncset.done $0x0  }
0x2a: {  	[sflag:s15] =	ssyncadd.s32 $0xFFFFFCE0  }
0x2b: {  	[tilespmem:s20], [sflag:$0x2] =	stream.indirect.gather [hbm4b:s6+s16], $0x10, s18, s16, $0xb8;
	[tilespmem:$0x1F880] =	vst v63  }
0x2c: {  	_ =	swait.ge [sflag:s21], $0x3200  }
0x2d: {  	[sflag:s21] =	ssyncset.done $0x0  }
0x2e: {  	[sflag:s21] =	ssyncadd.s32 $0xFFFFCE00  }
0x2f: {  	[spmem:s3] =	stream.indirect.scatter.add.f32 [tilespmem:s17], [sflag:$0x3], $0x10, s16, s16, $0xb8;
	[tilespmem:$0x1F880] =	vst v63  }
0x30: {  	_ =	swait.ge [sflag:s22], $0x3200  }
0x31: {  	[sflag:s22] =	ssyncset.done $0x0  }
0x32: {  	[sflag:s22] =	ssyncadd.s32 $0xFFFFCE00  }
0x33: {  	[spmem:s3] =	stream.indirect.scatter.add.f32 [tilespmem:s20], [sflag:$0x4], $0x10, s19, s16, $0xb8;
	[tilespmem:$0x1F880] =	vst v63  }
0x34: {  	_ =	swait.ge [sflag:s23], $0x3200  }
0x35: {  	[sflag:s23] =	ssyncset.done $0x0  }
0x36: {  	[sflag:s23] =	ssyncadd.s32 $0xFFFFCE00  }
0x37: {  	_ =	swait.ge [sflag:s24], $0x3200  }
0x38: {  	s29 =	simm.s32 $0x190;
	s26 =	simm.s32 $0xC8;
	[sflag:s24] =	ssyncset.done $0x0  }
.LBB2_2:
0x39: {  	s30 =	sadd.s32 s26, s13  }
0x3a: {  	[sflag:s24] =	ssyncadd.s32 $0xFFFFCE00;
	s31 =	smov.u32 s29;
	s28 =	sadd.s32 $0xC8, s29  }
0x3b: {  	[tilespmem:s4], [sflag:$0x5] =	stream.linear.gather [hbm4b:s30+s4], $0x320, $0x38;
	[tilespmem:$0x1F880] =	vst v63  }
0x3c: {  	p0 =	sne.s32 s29, $0x2FA8;
	_ =	swait.ge [sflag:s15], $0x320  }
0x3d: {  	[sflag:s15] =	ssyncset.done $0x0  }
0x3e: {  	s29 =	sadd.s32 s26, s12;
	s26 =	smov.u32 s31;
	[sflag:s15] =	ssyncadd.s32 $0xFFFFFCE0  }
0x3f: {  	[tilespmem:s16], [sflag:$0x5] =	stream.linear.gather [hbm4b:s29+s4], $0x320, $0x38;
	[tilespmem:$0x1F880] =	vst v63  }
0x40: {  	_ =	swait.ge [sflag:s15], $0x320  }
0x41: {  	[sflag:s15] =	ssyncset.done $0x0  }
0x42: {  	[sflag:s15] =	ssyncadd.s32 $0xFFFFFCE0  }
0x43: {  	[tilespmem:s17], [sflag:$0x1] =	stream.indirect.gather [hbm4b:s6+s16], $0x10, s4, s16, $0xb8;
	[tilespmem:$0x1F880] =	vst v63  }
0x44: {  	s30 =	sadd.s32 $0x64, s30  }
0x45: {  	[tilespmem:s18], [sflag:$0x5] =	stream.linear.gather [hbm4b:s30+s4], $0x320, $0x38;
	[tilespmem:$0x1F880] =	vst v63  }
0x46: {  	_ =	swait.ge [sflag:s15], $0x320  }
0x47: {  	[sflag:s15] =	ssyncset.done $0x0  }
0x48: {  	s29 =	sadd.s32 $0x64, s29;
	[sflag:s15] =	ssyncadd.s32 $0xFFFFFCE0  }
0x49: {  	[tilespmem:s19], [sflag:$0x5] =	stream.linear.gather [hbm4b:s29+s4], $0x320, $0x38;
	[tilespmem:$0x1F880] =	vst v63  }
0x4a: {  	_ =	swait.ge [sflag:s15], $0x320  }
0x4b: {  	[sflag:s15] =	ssyncset.done $0x0  }
0x4c: {  	[sflag:s15] =	ssyncadd.s32 $0xFFFFFCE0  }
0x4d: {  	[tilespmem:s20], [sflag:$0x2] =	stream.indirect.gather [hbm4b:s6+s16], $0x10, s18, s16, $0xb8;
	[tilespmem:$0x1F880] =	vst v63  }
0x4e: {  	_ =	swait.ge [sflag:s21], $0x3200  }
0x4f: {  	[sflag:s21] =	ssyncset.done $0x0  }
0x50: {  	[sflag:s21] =	ssyncadd.s32 $0xFFFFCE00  }
0x51: {  	[spmem:s3] =	stream.indirect.scatter.add.f32 [tilespmem:s17], [sflag:$0x3], $0x10, s16, s16, $0xb8;
	[tilespmem:$0x1F880] =	vst v63  }
0x52: {  	_ =	swait.ge [sflag:s22], $0x3200  }
0x53: {  	[sflag:s22] =	ssyncset.done $0x0  }
0x54: {  	[sflag:s22] =	ssyncadd.s32 $0xFFFFCE00  }
0x55: {  	[spmem:s3] =	stream.indirect.scatter.add.f32 [tilespmem:s20], [sflag:$0x4], $0x10, s19, s16, $0xb8;
	[tilespmem:$0x1F880] =	vst v63  }
.Ltmp0:
0x56: {  	_ =	swait.ge [sflag:s23], $0x3200;
	(pc) =	sbr.rel @p0 .LBB2_2-.Ltmp0, $4  }
0x57: {  	[sflag:s23] =	ssyncset.done $0x0  }
0x58: {  	[sflag:s23] =	ssyncadd.s32 $0xFFFFCE00  }
0x59: {  	_ =	swait.ge [sflag:s24], $0x3200  }
0x5a: {  	s29 =	smov.u32 s28;
	[sflag:s24] =	ssyncset.done $0x0  }
0x5b: {  	s28 =	sadd.s32 s26, s13;
	[sflag:s24] =	ssyncadd.s32 $0xFFFFCE00  }
0x5c: {  	[tilespmem:s4], [sflag:$0x5] =	stream.linear.gather [hbm4b:s28+s4], $0x320, $0x38;
	[tilespmem:$0x1F880] =	vst v63  }
0x5d: {  	_ =	swait.ge [sflag:s15], $0x320  }
0x5e: {  	[sflag:s15] =	ssyncset.done $0x0  }
0x5f: {  	s31 =	sadd.s32 s26, s12;
	[sflag:s15] =	ssyncadd.s32 $0xFFFFFCE0  }
0x60: {  	[tilespmem:s16], [sflag:$0x5] =	stream.linear.gather [hbm4b:s31+s4], $0x320, $0x38;
	[tilespmem:$0x1F880] =	vst v63  }
0x61: {  	_ =	swait.ge [sflag:s15], $0x320  }
0x62: {  	[sflag:s15] =	ssyncset.done $0x0  }
0x63: {  	[sflag:s15] =	ssyncadd.s32 $0xFFFFFCE0  }
0x64: {  	[tilespmem:s17], [sflag:$0x1] =	stream.indirect.gather [hbm4b:s6+s16], $0x10, s4, s16, $0xb8;
	[tilespmem:$0x1F880] =	vst v63  }
0x65: {  	s28 =	sadd.s32 $0x64, s28  }
0x66: {  	[tilespmem:s18], [sflag:$0x5] =	stream.linear.gather [hbm4b:s28+s4], $0x320, $0x38;
	[tilespmem:$0x1F880] =	vst v63  }
0x67: {  	_ =	swait.ge [sflag:s15], $0x320  }
0x68: {  	[sflag:s15] =	ssyncset.done $0x0  }
0x69: {  	s26 =	sadd.s32 $0x64, s31;
	[sflag:s15] =	ssyncadd.s32 $0xFFFFFCE0  }
0x6a: {  	[tilespmem:s19], [sflag:$0x5] =	stream.linear.gather [hbm4b:s26+s4], $0x320, $0x38;
	[tilespmem:$0x1F880] =	vst v63  }
0x6b: {  	_ =	swait.ge [sflag:s15], $0x320  }
0x6c: {  	[sflag:s15] =	ssyncset.done $0x0  }
0x6d: {  	[sflag:s15] =	ssyncadd.s32 $0xFFFFFCE0  }
0x6e: {  	[tilespmem:s20], [sflag:$0x2] =	stream.indirect.gather [hbm4b:s6+s16], $0x10, s18, s16, $0xb8;
	[tilespmem:$0x1F880] =	vst v63  }
0x6f: {  	_ =	swait.ge [sflag:s21], $0x3200  }
0x70: {  	[sflag:s21] =	ssyncset.done $0x0  }
0x71: {  	[sflag:s21] =	ssyncadd.s32 $0xFFFFCE00  }
0x72: {  	[spmem:s3] =	stream.indirect.scatter.add.f32 [tilespmem:s17], [sflag:$0x3], $0x10, s16, s16, $0xb8;
	[tilespmem:$0x1F880] =	vst v63  }
0x73: {  	_ =	swait.ge [sflag:s22], $0x3200  }
0x74: {  	[sflag:s22] =	ssyncset.done $0x0  }
0x75: {  	[sflag:s22] =	ssyncadd.s32 $0xFFFFCE00  }
0x76: {  	[spmem:s3] =	stream.indirect.scatter.add.f32 [tilespmem:s20], [sflag:$0x4], $0x10, s19, s16, $0xb8;
	[tilespmem:$0x1F880] =	vst v63  }
0x77: {  	_ =	swait.ge [sflag:s23], $0x3200  }
0x78: {  	[sflag:s23] =	ssyncset.done $0x0  }
0x79: {  	[sflag:s23] =	ssyncadd.s32 $0xFFFFCE00  }
0x7a: {  	_ =	swait.ge [sflag:s24], $0x3200  }
0x7b: {  	[sflag:s24] =	ssyncset.done $0x0  }
0x7c: {  	[sflag:s24] =	ssyncadd.s32 $0xFFFFCE00  }
0x7d: {  	[tilespmem:s4], [sflag:$0x5] =	stream.linear.gather [hbm4b:s7+s4], $0x320, $0x38;
	[tilespmem:$0x1F880] =	vst v63  }
0x7e: {  	_ =	swait.ge [sflag:s15], $0x320  }
0x7f: {  	[sflag:s15] =	ssyncset.done $0x0  }
0x80: {  	[sflag:s15] =	ssyncadd.s32 $0xFFFFFCE0  }
0x81: {  	[tilespmem:s16], [sflag:$0x5] =	stream.linear.gather [hbm4b:s8+s4], $0x320, $0x38;
	[tilespmem:$0x1F880] =	vst v63  }
0x82: {  	_ =	swait.ge [sflag:s15], $0x320  }
0x83: {  	[sflag:s15] =	ssyncset.done $0x0  }
0x84: {  	[sflag:s15] =	ssyncadd.s32 $0xFFFFFCE0  }
0x85: {  	[tilespmem:s17], [sflag:$0x1] =	stream.indirect.gather [hbm4b:s9+s16], $0x10, s4, s16, $0xb8;
	[tilespmem:$0x1F880] =	vst v63  }
0x86: {  	_ =	swait.ge [sflag:s21], $0x3200  }
0x87: {  	[sflag:s21] =	ssyncset.done $0x0  }
0x88: {  	[sflag:s21] =	ssyncadd.s32 $0xFFFFCE00  }
0x89: {  	[spmem:s3] =	stream.indirect.scatter.add.f32 [tilespmem:s17], [sflag:$0x5], $0x10, s16, s16, $0xb8;
	[tilespmem:$0x1F880] =	vst v63  }
0x8a: {  	_ =	swait.ge [sflag:s15], $0x3200  }
0x8b: {  	s25 =	sadd.s32 $0x1, s25;
	[sflag:s15] =	ssyncset.done $0x0  }
0x8c: {  	p0 =	sne.s32 s25, s11;
	[sflag:s15] =	ssyncadd.s32 $0xFFFFCE00  }
.Ltmp1:
0x8d: {  	[bflag:$0x0] =	sbarrier.arrive $0xFFFF;
	(pc) =	sbr.rel @p0 .LBB2_1-.Ltmp1, $4  }
0x8e: {  	[hbm:s10], [sflag:s5] =	dma.local [spmem:s14], $0x1880  }
0x8f: {  	_ =	swait.ge [sflag:s15], $0x1880  }
0x90: {  	[sflag:s15] =	ssyncset.done $0x0  }
0x91: {  	[sflag:s15] =	ssyncadd.s32 $0xFFFFE780  }
0x92: {  	_ =	sfence.sel $0x180000  }
0x93: {  	[bflag:$0x0] =	sbarrier.arrive $0xFFFF  }
0x94: {  	p0 =	sne.s32 s1, $0x0;
	_ =	strace $0x90000053  }
0x95: {  	s0 =	sadd.s32 @!p0 $0x100000, s0;
	[bflag:$0x2] =	sbarrier.arrive $0xFFFF  }
0x96: {  	[sflag:s0] =	ssyncadd.tile.s32 @!p0 $0x1;
	_ =	shalt  }
.Lfunc_end2:
_tile_overlayer_lowered:
.L_overlay_start_2:
0x97: {  	(tag) =	ssettag $0x2  }
0x98: {  	s0 =	rddreg [dreg:$0x0];
	s2 =	stileid.u32  }
0x99: {  	s1 =	rddreg [dreg:$0x1];
	p0 =	sne.s32 s2, $0x0  }
0x9a: {  	s3 =	rddreg [dreg:$0x2];
	[bflag:$0x3] =	sbarrier.arrive $0xFFFF;
	s2 =	simm.s32 @!p0 $0x1C05  }
0x9b: {  	[timem:s3], [sflag:s2] =	dma.local @!p0 [hbm:s0], s1  }
0x9c: {  	s0 =	simm.s32 @!p0 $0x5  }
0x9d: {  	_ =	swait.ge @!p0 [sflag:s0], s1  }
0x9e: {  	s1 =	ssub.s32 @!p0 $0x0, s1;
	[sflag:s0] =	ssyncset.done @!p0 $0x0  }
0x9f: {  	[sflag:s0] =	ssyncadd.s32 @!p0 s1  }
0xa0: {  	[bflag:$0x3] =	sbarrier.arrive $0xFFFF  }
0xa1: {  	_ =	shalt  }

// kernel: kernel.35.cloned.1.call-start
scs
__scs_entry_jumppad:
0x0: {  	(pc) =	sbr.rel $0x88, $3  }
0x1: {  	(tag) =	ssettag $0x0;
	lr =	simm.s32 $0x1  }
0x2: {  	[smem:$0x3F8C] =	sst lr;
	_ =	strace $0xD0000000  }
0x3: {  	_ = 	snop  }
0x4: {  	_ = 	snop  }
0x5: {  	_ = 	snop  }
0x6: {  	_ = 	snop  }
0x7: {  	_ = 	snop  }
__scs_overlays_trampoline_lowered:
0x8: {  	[smem:$0x3F9B] =	sst s0  }
0x9: {  	[smem:$0x3F9C] =	sst s1  }
0xa: {  	[smem:$0x3F9D] =	sst s2  }
0xb: {  	[smem:$0x3F9E] =	sst s3  }
0xc: {  	[smem:$0x3F9F] =	sst s4  }
0xd: {  	[smem:$0x3FA0] =	sst s5  }
0xe: {  	[smem:$0x3FA1] =	sst s6  }
0xf: {  	[smem:$0x3FA2] =	sst s7  }
0x10: {  	[smem:$0x3FA3] =	sst s8  }
0x11: {  	[smem:$0x3FA4] =	sst s9;
	s0 =	simm.s32 @!p0 $0x0  }
0x12: {  	s1 =	sld [smem:$0x3F8A];
	s0 =	simm.s32 @p0 $0x1  }
0x13: {  	[smem:$0x3FA5] =	sst s0;
	s0 =	simm.s32 @!p1 $0x0  }
0x14: {  	s2 =	sld [smem:$0x3F89];
	s0 =	simm.s32 @p1 $0x1  }
0x15: {  	[smem:$0x3FA6] =	sst s0;
	s0 =	simm.s32 @!p2 $0x0  }
0x16: {  	s3 =	sld [smem:$0x3FDB];
	s0 =	simm.s32 @p2 $0x1  }
0x17: {  	s4 =	simm.s32 $0x1BF5;
	[smem:$0x3FA8] =	sst s0  }
0x18: {  	s0 =	sld [smem:$0x3F8B];
	_ =	swait.ge [sflag:s4], $0x0  }
0x19: {  	s7 =	sld [smem:$0x3F8C]  }
0x1a: {  	s8 =	sadd.s32 $0xFFFFE003, lr  }
0x1b: {  	s9 =	sadd.s32 $0xFFFFFEF7, lr;
	s5 =	simm.s32 $0xFFFFFFFF;
	p2 =	slt.u32 s8, $0xFFFFF086  }
0x1c: {  	p1 =	slt.u32 s9, $0xF7A;
	s5 =	simm.s32 @!p2 $0x0  }
0x1d: {  	s5 =	simm.s32 @p1 $0x1;
	p0 =	seq.s32 s7, s2  }
0x1e: {  	s7 =	smul.u32 @!p0 $0xF7A, s2;
	p2 =	seq.s32 @!p0 s5, $0x0  }
0x1f: {  	s9 =	smul.u32 $0xF7A, s1;
	s8 =	simm.s32 @!p0 $0x1BF5;
	p2 =	por !p2, p0  }
0x20: {  	[sflag:s8] =	ssyncset.s32 @!p0 $0xFFFFF086;
	s6 =	sadd.s32 @!p0 s3, s7;
	s7 =	simm.s32 @!p0 $0x108  }
0x21: {  	s3 =	sadd.s32 s3, s9;
	s6 =	sadd.s32 @!p0 $0x88, s6;
	s7 =	simm.s32 @p2 $0x1082  }
0x22: {  	[simem:s7], [sflag:s8] =	dma.local @!p0 [hbm:s6], $0xF7A  }
0x23: {  	s9 =	sor.u32 $0xD0000000, s2;
	s6 =	simm.s32 $0x108;
	_ =	swait.ge @!p0 [sflag:s8], $0x0  }
0x24: {  	s3 =	sadd.s32 $0x88, s3;
	s6 =	simm.s32 @!p1 $0x1082;
	[sflag:s4] =	ssyncset.s32 $0xFFFFF086  }
0x25: {  	[simem:s6], [sflag:s4] =	dma.local [hbm:s3], $0xF7A  }
0x26: {  	[smem:$0x3F8C] =	sst s1;
	(tag) =	ssettag s2;
	_ =	strace s9  }
0x27: {  	s1 =	sld [smem:$0x3F9C]  }
0x28: {  	s2 =	sld [smem:$0x3F9D]  }
0x29: {  	s4 =	sld [smem:$0x3F9F]  }
0x2a: {  	p0 =	seq.s32 s5, $0x0;
	s5 =	sld [smem:$0x3FA0]  }
0x2b: {  	s6 =	sld [smem:$0x3FA1]  }
0x2c: {  	s7 =	sld [smem:$0x3FA2]  }
0x2d: {  	s3 =	simm.s32 $0x108;
	s8 =	sld [smem:$0x3FA3]  }
0x2e: {  	s3 =	simm.s32 @!p0 $0x1082;
	s9 =	sld [smem:$0x3FA4]  }
0x2f: {  	lr =	sadd.s32 s0, s3;
	s0 =	sld [smem:$0x3F9B]  }
0x30: {  	s3 =	sld [smem:$0x3F9E]  }
0x31: {  	[smem:$0x3FA7] =	sst s10  }
0x32: {  	s10 =	sld [smem:$0x3FA5];
	_ =	sdelay $0x3  }
0x33: {  	p0 =	seq.s32 s10, $0x1;
	s10 =	sld [smem:$0x3FA7];
	_ =	sdelay $0x3  }
0x34: {  	[smem:$0x3FA7] =	sst s10  }
0x35: {  	s10 =	sld [smem:$0x3FA6];
	_ =	sdelay $0x3  }
0x36: {  	p1 =	seq.s32 s10, $0x1;
	s10 =	sld [smem:$0x3FA7];
	_ =	sdelay $0x3  }
0x37: {  	[smem:$0x3FA7] =	sst s10  }
0x38: {  	s10 =	sld [smem:$0x3FA8]  }
0x39: {  	_ = 	snop;
	(pc) =	sbr.ind lr, $3  }
0x3a: {  	_ = 	snop  }
0x3b: {  	_ = 	snop  }
0x3c: {  	p2 =	seq.s32 s10, $0x1;
	s10 =	sld [smem:$0x3FA7]  }
0x3d: {  	_ =	shalt  }
0x3e: {  	_ =	shalt  }
0x3f: {  	_ =	shalt  }
0x40: {  	_ =	shalt  }
0x41: {  	_ =	shalt  }
0x42: {  	_ =	shalt  }
0x43: {  	_ =	shalt  }
0x44: {  	_ =	shalt  }
0x45: {  	_ =	shalt  }
0x46: {  	_ =	shalt  }
0x47: {  	_ =	shalt  }
0x48: {  	_ =	shalt  }
0x49: {  	_ =	shalt  }
0x4a: {  	_ =	shalt  }
0x4b: {  	_ =	shalt  }
0x4c: {  	_ =	shalt  }
0x4d: {  	_ =	shalt  }
0x4e: {  	_ =	shalt  }
0x4f: {  	_ =	shalt  }
0x50: {  	_ =	shalt  }
0x51: {  	_ =	shalt  }
0x52: {  	_ =	shalt  }
0x53: {  	_ =	shalt  }
0x54: {  	_ =	shalt  }
0x55: {  	_ =	shalt  }
0x56: {  	_ =	shalt  }
0x57: {  	_ =	shalt  }
0x58: {  	_ =	shalt  }
0x59: {  	_ =	shalt  }
0x5a: {  	_ =	shalt  }
0x5b: {  	_ =	shalt  }
0x5c: {  	_ =	shalt  }
0x5d: {  	_ =	shalt  }
0x5e: {  	_ =	shalt  }
0x5f: {  	_ =	shalt  }
0x60: {  	_ =	shalt  }
0x61: {  	_ =	shalt  }
0x62: {  	_ =	shalt  }
0x63: {  	_ =	shalt  }
0x64: {  	_ =	shalt  }
0x65: {  	_ =	shalt  }
0x66: {  	_ =	shalt  }
0x67: {  	_ =	shalt  }
0x68: {  	_ =	shalt  }
0x69: {  	_ =	shalt  }
0x6a: {  	_ =	shalt  }
0x6b: {  	_ =	shalt  }
0x6c: {  	_ =	shalt  }
0x6d: {  	_ =	shalt  }
0x6e: {  	_ =	shalt  }
0x6f: {  	_ =	shalt  }
0x70: {  	_ =	shalt  }
0x71: {  	_ =	shalt  }
0x72: {  	_ =	shalt  }
0x73: {  	_ =	shalt  }
0x74: {  	_ =	shalt  }
0x75: {  	_ =	shalt  }
0x76: {  	_ =	shalt  }
0x77: {  	_ =	shalt  }
0x78: {  	_ =	shalt  }
0x79: {  	_ =	shalt  }
0x7a: {  	_ =	shalt  }
0x7b: {  	_ =	shalt  }
0x7c: {  	_ =	shalt  }
0x7d: {  	_ =	shalt  }
0x7e: {  	_ =	shalt  }
0x7f: {  	_ =	shalt  }
0x80: {  	_ =	shalt  }
0x81: {  	_ =	shalt  }
0x82: {  	_ =	shalt  }
0x83: {  	_ =	shalt  }
0x84: {  	_ =	shalt  }
0x85: {  	_ =	shalt  }
0x86: {  	_ =	shalt  }
0x87: {  	_ =	shalt  }
.Lfunc_end0:
.L_simem_size_0:
called_computation.5_lowered:
.L_overlay_start_0:
0x88: {  	s2 =	sld [smem:$0x3FD9]  }
0x89: {  	s3 =	sld [smem:$0x3FFE];
	_ =	sdelay $0x1  }
0x8a: {  	s1 =	srdreg.scid  }
0x8b: {  	s0 =	sand.u32 $0x1, s1  }
0x8c: {  	s14 =	sshll.u32 s0, $0xA;
	s2 =	sadd.s32 s3, s2  }
0x8d: {  	s2 =	sadd.s32 s2, s14  }
0x8e: {  	[smem:$0x3FB3] =	sst s2  }
0x8f: {  	_ = 	snop  }
0x90: {  	s2 =	sld [smem:$0x3FD0];
	_ =	sdelay $0x2  }
0x91: {  	s15 =	simm.s32 $0xB;
	s4 =	simm.s32 $0x10  }
0x92: {  	[smem:s4], [sflag:s15] =	dma.local [hbm:s2], $0x1  }
0x93: {  	_ =	swait.eq [sflag:s15], $0x1  }
0x94: {  	[sflag:s15] =	ssyncset.done $0x0  }
0x95: {  	[sflag:s15] =	ssyncadd.s32 $0xFFFFFFFF  }
0x96: {  	s16 =	sld [smem:$0x10];
	(tm) =	ssettm $0x1  }
0x97: {  	s17 =	sld [smem:$0x3FFB];
	_ =	sdelay $0x3  }
0x98: {  	_ =	strace s17  }
0x99: {  	s3 =	sld [smem:$0x3FFC];
	_ =	sdelay $0x3  }
0x9a: {  	_ =	strace s3  }
0x9b: {  	s3 =	sld [smem:$0x3FFD];
	_ =	sdelay $0x3  }
0x9c: {  	_ =	strace s3  }
0x9d: {  	_ =	strace $0x8FFFFFFF  }
0x9e: {  	s18 =	sld [smem:$0x3FDB];
	_ =	sdelay $0x1  }
0x9f: {  	s19 =	simm.s32 $_scs_section_size  }
0xa0: {  	s5 =	simm.s32 $_size__tile_overlayer_lowered;
	s6 =	simm.s32 $_tile_overlayer_lowered  }
0xa1: {  	s22 =	simm.s32 $0x1BFF;
	s21 =	sshll.u32 s6, $0x1;
	s3 =	sadd.s32 s19, s18  }
0xa2: {  	s7 =	simm.s32 $0x0;
	s20 =	sshll.u32 s5, $0x1;
	s5 =	sadd.s32 s21, s3  }
0xa3: {  	[timem:s7], [sflag:s22] =	dma.local [hbm:s5], s20  }
0xa4: {  	_ =	swait.ge [sflag:s22], s20  }
0xa5: {  	s4 =	ssub.s32 $0x0, s20;
	[sflag:s22] =	ssyncset.done $0x0  }
0xa6: {  	[sflag:s22] =	ssyncadd.s32 s4;
	_ =	sdelay $0x1  }
0xa7: {  	s23 =	simm.s32 $0x1B8B  }
0xa8: {  	_ =	swait.ge [sflag:s23], $0x1  }
0xa9: {  	[sflag:s23] =	ssyncset.done $0x0  }
0xaa: {  	s25 =	simm.s32 $0x1B8E;
	s24 =	sld [smem:$0x3FFE];
	[sflag:s23] =	ssyncadd.s32 $0xFFFFFFFF  }
0xab: {  	s26 =	simm.s32 $execute0_lowered;
	[smem:$0x3FD2] =	sst s25  }
0xac: {  	s5 =	sshll.u32 s26, $0x1;
	_ =	strace $0x80000055;
	[dreg:$0x1] =	wrdreg $0xFFFFFFFF  }
0xad: {  	s28 =	simm.s32 $_size_execute0_lowered;
	s3 =	sadd.s32 s3, s5;
	[dreg:$0x0] =	wrdreg $0x0  }
0xae: {  	s5 =	sshll.u32 s28, $0x1;
	[dreg:$0x2] =	wrdreg s3  }
0xaf: {  	[dreg:$0x3] =	wrdreg s5  }
0xb0: {  	[dreg:$0x4] =	wrdreg $0xC0  }
0xb1: {  	_ =	task [dreg:s7], $0x5FFFF  }
0xb2: {  	[dreg:$0x1] =	wrdreg $0xFFFFFFFF  }
0xb3: {  	[dreg:$0x0] =	wrdreg $0x60  }
0xb4: {  	[dreg:$0x2] =	wrdreg s24  }
0xb5: {  	[dreg:$0x3] =	wrdreg s16  }
0xb6: {  	[dreg:$0x4] =	wrdreg $0x70800  }
0xb7: {  	[dreg:$0x5] =	wrdreg $0x9  }
0xb8: {  	_ =	task.clear_ibuf [dreg:s7], $0x6FFFF;
	_ =	strace $0x90000055  }
0xb9: {  	s29 =	simm.s32 $0x9;
	_ =	strace $0x80000057  }
0xba: {  	_ =	swait.ge [sflag:s29], $0x1  }
0xbb: {  	[sflag:s29] =	ssyncadd.s32 $0xFFFFFFFF  }
0xbc: {  	_ =	strace $0x90000057  }
0xbd: {  	_ =	sfence  }
0xbe: {  	s30 =	sld [smem:$0x0];
	_ =	sdelay $0x2  }
0xbf: {  	s31 =	sshll.u32 s1, $0xD;
	s1 =	sshrl.u32 s1, $0x2  }
0xc0: {  	s3 =	sand.u32 $0x4000, s31;
	s1 =	sadd.s32 s1, s30  }
0xc1: {  	s0 =	sor.u32 s3, s0;
	s1 =	sshll.u32 s1, $0x11  }
0xc2: {  	s0 =	sor.u32 s1, s0  }
0xc3: {  	s0 =	sadd.s32 $0x8F2B, s0  }
0xc4: {  	[sflag:s0] =	ssyncadd.remote.s32 $0x1  }
0xc5: {  	_ =	sfence.sel $0xFFFF  }
0xc6: {  	[dreg:$0x0] =	wrdreg $0xFFFFFFFF;
	(pc) =	sbr.abs _section_cstart, $3  }
0xc7: {  	[dreg:$0x1] =	wrdreg $0xFFFFFFFF  }
0xc8: {  	_ =	task.clear_ibuf [dreg:s7], $0x2FFFF;
	_ =	strace $0x9FFFFFFF  }
0xc9: {  	(tm) =	ssettm $0x7FFFFFFF  }
tec
execute0_lowered:
.L_overlay_start_1:
0x0: {  	(tag) =	ssettag $0x1  }
0x1: {  	s5 =	rddreg [dreg:$0x0]  }
0x2: {  	s2 =	rddreg [dreg:$0x1]  }
0x3: {  	s3 =	rddreg [dreg:$0x2]  }
0x4: {  	s0 =	rddreg [dreg:$0x3];
	s6 =	srdreg.scid  }
0x5: {  	s1 =	stileid.u32;
	s4 =	simm.s32 $0x0;
	s18 =	simm.s32 $0x3840  }
0x6: {  	s19 =	simm.s32 $0x3B60;
	s20 =	simm.s32 $0x3E80;
	s21 =	simm.s32 $0x1  }
0x7: {  	s22 =	simm.s32 $0x2;
	s23 =	simm.s32 $0x3;
	s24 =	simm.s32 $0x4  }
0x8: {  	s25 =	simm.s32 $0x0;
	s6 =	sand.u32 $0x1, s6;
	s7 =	smul.u32 $0xC400, s1  }
0x9: {  	[smem:$0x7FF] =	sst s4;
	s13 =	sadd.s32 $0x99400, s5;
	s15 =	smul.u32 $0x186A0, s1  }
0xa: {  	s12 =	sadd.s32 $0x68600, s5;
	s9 =	sadd.s32 $0x1F0200, s5;
	s17 =	smul.u32 $0x30D4, s1  }
0xb: {  	s30 =	sshll.u32 s1, $0x6;
	s8 =	smul.u32 $0x188000, s6;
	s11 =	ssub.s32 $0x2, s6  }
0xc: {  	_ =	strace $0x80000056;
	s6 =	smul.u32 $0x31000, s6;
	s14 =	sshrl.u32 s11, $0x1  }
0xd: {  	s29 =	sadd.s32 s7, s3;
	s31 =	sshrl.u32 s15, $0x3;
	s10 =	sadd.s32 s7, s8  }
0xe: {  	s11 =	ssub.s32 s11, s14;
	s6 =	sadd.s32 s9, s6;
	s15 =	sadd.s32 $0x3070, s31  }
0xf: {  	s16 =	sshrl.u32 s8, $0x3;
	s14 =	sshrl.u32 s29, $0x3;
	s10 =	sshrl.u32 s10, $0x3  }
0x10: {  	s7 =	sadd.s32 s13, s15;
	s8 =	sadd.s32 s12, s15;
	s9 =	sadd.s32 s9, s16  }
0x11: {  	s11 =	smax.u32 s11, $0x1;
	s12 =	sadd.s32 s17, s12;
	s13 =	sadd.s32 s17, s13  }
0x12: {  	s15 =	simm.s32 $0x5;
	s16 =	simm.s32 $0x320;
	s10 =	sadd.s32 s10, s5  }
0x13: {  	s17 =	simm.s32 $0x640;
	s5 =	sor.u32 $0x1C05, s30;
	s10 =	sadd.s32 $0x6200, s10  }
.LBB2_1:
0x14: {  	[spmem:s14], [sflag:s5] =	dma.local [hbm:s2], $0x1880  }
0x15: {  	_ =	swait.ge [sflag:s15], $0x1880  }
0x16: {  	[sflag:s15] =	ssyncset.done $0x0  }
0x17: {  	[sflag:s15] =	ssyncadd.s32 $0xFFFFE780  }
0x18: {  	s26 =	sadd.s32 $0x0, s13;
	[bflag:$0x0] =	sbarrier.arrive $0xFFFF  }
0x19: {  	[tilespmem:s4], [sflag:$0x5] =	stream.linear.gather [hbm4b:s26+s4], $0x320, $0x38;
	[tilespmem:$0x1F880] =	vst v63  }
0x1a: {  	_ =	swait.ge [sflag:s15], $0x320  }
0x1b: {  	[sflag:s15] =	ssyncset.done $0x0  }
0x1c: {  	s28 =	sadd.s32 $0x0, s12;
	[sflag:s15] =	ssyncadd.s32 $0xFFFFFCE0  }
0x1d: {  	[tilespmem:s16], [sflag:$0x5] =	stream.linear.gather [hbm4b:s28+s4], $0x320, $0x38;
	[tilespmem:$0x1F880] =	vst v63  }
0x1e: {  	_ =	swait.ge [sflag:s15], $0x320  }
0x1f: {  	[sflag:s15] =	ssyncset.done $0x0  }
0x20: {  	[sflag:s15] =	ssyncadd.s32 $0xFFFFFCE0  }
0x21: {  	[tilespmem:s17], [sflag:$0x1] =	stream.indirect.gather [hbm4b:s6+s16], $0x10, s4, s16, $0xb8;
	[tilespmem:$0x1F880] =	vst v63  }
0x22: {  	s26 =	sadd.s32 $0x64, s26  }
0x23: {  	[tilespmem:s18], [sflag:$0x5] =	stream.linear.gather [hbm4b:s26+s4], $0x320, $0x38;
	[tilespmem:$0x1F880] =	vst v63  }
0x24: {  	_ =	swait.ge [sflag:s15], $0x320  }
0x25: {  	[sflag:s15] =	ssyncset.done $0x0  }
0x26: {  	s31 =	sadd.s32 $0x64, s28;
	[sflag:s15] =	ssyncadd.s32 $0xFFFFFCE0  }
0x27: {  	[tilespmem:s19], [sflag:$0x5] =	stream.linear.gather [hbm4b:s31+s4], $0x320, $0x38;
	[tilespmem:$0x1F880] =	vst v63  }
0x28: {  	_ =	swait.ge [sflag:s15], $0x320  }
0x29: {  	[sflag:s15] =	ssyncset.done $0x0  }
0x2a: {  	[sflag:s15] =	ssyncadd.s32 $0xFFFFFCE0  }
0x2b: {  	[tilespmem:s20], [sflag:$0x2] =	stream.indirect.gather [hbm4b:s6+s16], $0x10, s18, s16, $0xb8;
	[tilespmem:$0x1F880] =	vst v63  }
0x2c: {  	_ =	swait.ge [sflag:s21], $0x3200  }
0x2d: {  	[sflag:s21] =	ssyncset.done $0x0  }
0x2e: {  	[sflag:s21] =	ssyncadd.s32 $0xFFFFCE00  }
0x2f: {  	[spmem:s3] =	stream.indirect.scatter.add.f32 [tilespmem:s17], [sflag:$0x3], $0x10, s16, s16, $0xb8;
	[tilespmem:$0x1F880] =	vst v63  }
0x30: {  	_ =	swait.ge [sflag:s22], $0x3200  }
0x31: {  	[sflag:s22] =	ssyncset.done $0x0  }
0x32: {  	[sflag:s22] =	ssyncadd.s32 $0xFFFFCE00  }
0x33: {  	[spmem:s3] =	stream.indirect.scatter.add.f32 [tilespmem:s20], [sflag:$0x4], $0x10, s19, s16, $0xb8;
	[tilespmem:$0x1F880] =	vst v63  }
0x34: {  	_ =	swait.ge [sflag:s23], $0x3200  }
0x35: {  	[sflag:s23] =	ssyncset.done $0x0  }
0x36: {  	[sflag:s23] =	ssyncadd.s32 $0xFFFFCE00  }
0x37: {  	_ =	swait.ge [sflag:s24], $0x3200  }
0x38: {  	s29 =	simm.s32 $0x190;
	s26 =	simm.s32 $0xC8;
	[sflag:s24] =	ssyncset.done $0x0  }
.LBB2_2:
0x39: {  	s30 =	sadd.s32 s26, s13  }
0x3a: {  	[sflag:s24] =	ssyncadd.s32 $0xFFFFCE00;
	s31 =	smov.u32 s29;
	s28 =	sadd.s32 $0xC8, s29  }
0x3b: {  	[tilespmem:s4], [sflag:$0x5] =	stream.linear.gather [hbm4b:s30+s4], $0x320, $0x38;
	[tilespmem:$0x1F880] =	vst v63  }
0x3c: {  	p0 =	sne.s32 s29, $0x2FA8;
	_ =	swait.ge [sflag:s15], $0x320  }
0x3d: {  	[sflag:s15] =	ssyncset.done $0x0  }
0x3e: {  	s29 =	sadd.s32 s26, s12;
	s26 =	smov.u32 s31;
	[sflag:s15] =	ssyncadd.s32 $0xFFFFFCE0  }
0x3f: {  	[tilespmem:s16], [sflag:$0x5] =	stream.linear.gather [hbm4b:s29+s4], $0x320, $0x38;
	[tilespmem:$0x1F880] =	vst v63  }
0x40: {  	_ =	swait.ge [sflag:s15], $0x320  }
0x41: {  	[sflag:s15] =	ssyncset.done $0x0  }
0x42: {  	[sflag:s15] =	ssyncadd.s32 $0xFFFFFCE0  }
0x43: {  	[tilespmem:s17], [sflag:$0x1] =	stream.indirect.gather [hbm4b:s6+s16], $0x10, s4, s16, $0xb8;
	[tilespmem:$0x1F880] =	vst v63  }
0x44: {  	s30 =	sadd.s32 $0x64, s30  }
0x45: {  	[tilespmem:s18], [sflag:$0x5] =	stream.linear.gather [hbm4b:s30+s4], $0x320, $0x38;
	[tilespmem:$0x1F880] =	vst v63  }
0x46: {  	_ =	swait.ge [sflag:s15], $0x320  }
0x47: {  	[sflag:s15] =	ssyncset.done $0x0  }
0x48: {  	s29 =	sadd.s32 $0x64, s29;
	[sflag:s15] =	ssyncadd.s32 $0xFFFFFCE0  }
0x49: {  	[tilespmem:s19], [sflag:$0x5] =	stream.linear.gather [hbm4b:s29+s4], $0x320, $0x38;
	[tilespmem:$0x1F880] =	vst v63  }
0x4a: {  	_ =	swait.ge [sflag:s15], $0x320  }
0x4b: {  	[sflag:s15] =	ssyncset.done $0x0  }
0x4c: {  	[sflag:s15] =	ssyncadd.s32 $0xFFFFFCE0  }
0x4d: {  	[tilespmem:s20], [sflag:$0x2] =	stream.indirect.gather [hbm4b:s6+s16], $0x10, s18, s16, $0xb8;
	[tilespmem:$0x1F880] =	vst v63  }
0x4e: {  	_ =	swait.ge [sflag:s21], $0x3200  }
0x4f: {  	[sflag:s21] =	ssyncset.done $0x0  }
0x50: {  	[sflag:s21] =	ssyncadd.s32 $0xFFFFCE00  }
0x51: {  	[spmem:s3] =	stream.indirect.scatter.add.f32 [tilespmem:s17], [sflag:$0x3], $0x10, s16, s16, $0xb8;
	[tilespmem:$0x1F880] =	vst v63  }
0x52: {  	_ =	swait.ge [sflag:s22], $0x3200  }
0x53: {  	[sflag:s22] =	ssyncset.done $0x0  }
0x54: {  	[sflag:s22] =	ssyncadd.s32 $0xFFFFCE00  }
0x55: {  	[spmem:s3] =	stream.indirect.scatter.add.f32 [tilespmem:s20], [sflag:$0x4], $0x10, s19, s16, $0xb8;
	[tilespmem:$0x1F880] =	vst v63  }
.Ltmp0:
0x56: {  	_ =	swait.ge [sflag:s23], $0x3200;
	(pc) =	sbr.rel @p0 .LBB2_2-.Ltmp0, $4  }
0x57: {  	[sflag:s23] =	ssyncset.done $0x0  }
0x58: {  	[sflag:s23] =	ssyncadd.s32 $0xFFFFCE00  }
0x59: {  	_ =	swait.ge [sflag:s24], $0x3200  }
0x5a: {  	s29 =	smov.u32 s28;
	[sflag:s24] =	ssyncset.done $0x0  }
0x5b: {  	s28 =	sadd.s32 s26, s13;
	[sflag:s24] =	ssyncadd.s32 $0xFFFFCE00  }
0x5c: {  	[tilespmem:s4], [sflag:$0x5] =	stream.linear.gather [hbm4b:s28+s4], $0x320, $0x38;
	[tilespmem:$0x1F880] =	vst v63  }
0x5d: {  	_ =	swait.ge [sflag:s15], $0x320  }
0x5e: {  	[sflag:s15] =	ssyncset.done $0x0  }
0x5f: {  	s31 =	sadd.s32 s26, s12;
	[sflag:s15] =	ssyncadd.s32 $0xFFFFFCE0  }
0x60: {  	[tilespmem:s16], [sflag:$0x5] =	stream.linear.gather [hbm4b:s31+s4], $0x320, $0x38;
	[tilespmem:$0x1F880] =	vst v63  }
0x61: {  	_ =	swait.ge [sflag:s15], $0x320  }
0x62: {  	[sflag:s15] =	ssyncset.done $0x0  }
0x63: {  	[sflag:s15] =	ssyncadd.s32 $0xFFFFFCE0  }
0x64: {  	[tilespmem:s17], [sflag:$0x1] =	stream.indirect.gather [hbm4b:s6+s16], $0x10, s4, s16, $0xb8;
	[tilespmem:$0x1F880] =	vst v63  }
0x65: {  	s28 =	sadd.s32 $0x64, s28  }
0x66: {  	[tilespmem:s18], [sflag:$0x5] =	stream.linear.gather [hbm4b:s28+s4], $0x320, $0x38;
	[tilespmem:$0x1F880] =	vst v63  }
0x67: {  	_ =	swait.ge [sflag:s15], $0x320  }
0x68: {  	[sflag:s15] =	ssyncset.done $0x0  }
0x69: {  	s26 =	sadd.s32 $0x64, s31;
	[sflag:s15] =	ssyncadd.s32 $0xFFFFFCE0  }
0x6a: {  	[tilespmem:s19], [sflag:$0x5] =	stream.linear.gather [hbm4b:s26+s4], $0x320, $0x38;
	[tilespmem:$0x1F880] =	vst v63  }
0x6b: {  	_ =	swait.ge [sflag:s15], $0x320  }
0x6c: {  	[sflag:s15] =	ssyncset.done $0x0  }
0x6d: {  	[sflag:s15] =	ssyncadd.s32 $0xFFFFFCE0  }
0x6e: {  	[tilespmem:s20], [sflag:$0x2] =	stream.indirect.gather [hbm4b:s6+s16], $0x10, s18, s16, $0xb8;
	[tilespmem:$0x1F880] =	vst v63  }
0x6f: {  	_ =	swait.ge [sflag:s21], $0x3200  }
0x70: {  	[sflag:s21] =	ssyncset.done $0x0  }
0x71: {  	[sflag:s21] =	ssyncadd.s32 $0xFFFFCE00  }
0x72: {  	[spmem:s3] =	stream.indirect.scatter.add.f32 [tilespmem:s17], [sflag:$0x3], $0x10, s16, s16, $0xb8;
	[tilespmem:$0x1F880] =	vst v63  }
0x73: {  	_ =	swait.ge [sflag:s22], $0x3200  }
0x74: {  	[sflag:s22] =	ssyncset.done $0x0  }
0x75: {  	[sflag:s22] =	ssyncadd.s32 $0xFFFFCE00  }
0x76: {  	[spmem:s3] =	stream.indirect.scatter.add.f32 [tilespmem:s20], [sflag:$0x4], $0x10, s19, s16, $0xb8;
	[tilespmem:$0x1F880] =	vst v63  }
0x77: {  	_ =	swait.ge [sflag:s23], $0x3200  }
0x78: {  	[sflag:s23] =	ssyncset.done $0x0  }
0x79: {  	[sflag:s23] =	ssyncadd.s32 $0xFFFFCE00  }
0x7a: {  	_ =	swait.ge [sflag:s24], $0x3200  }
0x7b: {  	[sflag:s24] =	ssyncset.done $0x0  }
0x7c: {  	[sflag:s24] =	ssyncadd.s32 $0xFFFFCE00  }
0x7d: {  	[tilespmem:s4], [sflag:$0x5] =	stream.linear.gather [hbm4b:s7+s4], $0x320, $0x38;
	[tilespmem:$0x1F880] =	vst v63  }
0x7e: {  	_ =	swait.ge [sflag:s15], $0x320  }
0x7f: {  	[sflag:s15] =	ssyncset.done $0x0  }
0x80: {  	[sflag:s15] =	ssyncadd.s32 $0xFFFFFCE0  }
0x81: {  	[tilespmem:s16], [sflag:$0x5] =	stream.linear.gather [hbm4b:s8+s4], $0x320, $0x38;
	[tilespmem:$0x1F880] =	vst v63  }
0x82: {  	_ =	swait.ge [sflag:s15], $0x320  }
0x83: {  	[sflag:s15] =	ssyncset.done $0x0  }
0x84: {  	[sflag:s15] =	ssyncadd.s32 $0xFFFFFCE0  }
0x85: {  	[tilespmem:s17], [sflag:$0x1] =	stream.indirect.gather [hbm4b:s9+s16], $0x10, s4, s16, $0xb8;
	[tilespmem:$0x1F880] =	vst v63  }
0x86: {  	_ =	swait.ge [sflag:s21], $0x3200  }
0x87: {  	[sflag:s21] =	ssyncset.done $0x0  }
0x88: {  	[sflag:s21] =	ssyncadd.s32 $0xFFFFCE00  }
0x89: {  	[spmem:s3] =	stream.indirect.scatter.add.f32 [tilespmem:s17], [sflag:$0x5], $0x10, s16, s16, $0xb8;
	[tilespmem:$0x1F880] =	vst v63  }
0x8a: {  	_ =	swait.ge [sflag:s15], $0x3200  }
0x8b: {  	s25 =	sadd.s32 $0x1, s25;
	[sflag:s15] =	ssyncset.done $0x0  }
0x8c: {  	p0 =	sne.s32 s25, s11;
	[sflag:s15] =	ssyncadd.s32 $0xFFFFCE00  }
.Ltmp1:
0x8d: {  	[bflag:$0x0] =	sbarrier.arrive $0xFFFF;
	(pc) =	sbr.rel @p0 .LBB2_1-.Ltmp1, $4  }
0x8e: {  	[hbm:s10], [sflag:s5] =	dma.local [spmem:s14], $0x1880  }
0x8f: {  	_ =	swait.ge [sflag:s15], $0x1880  }
0x90: {  	[sflag:s15] =	ssyncset.done $0x0  }
0x91: {  	[sflag:s15] =	ssyncadd.s32 $0xFFFFE780  }
0x92: {  	_ =	sfence.sel $0x180000  }
0x93: {  	[bflag:$0x0] =	sbarrier.arrive $0xFFFF  }
0x94: {  	p0 =	sne.s32 s1, $0x0;
	_ =	strace $0x90000056  }
0x95: {  	s0 =	sadd.s32 @!p0 $0x100000, s0;
	[bflag:$0x2] =	sbarrier.arrive $0xFFFF  }
0x96: {  	[sflag:s0] =	ssyncadd.tile.s32 @!p0 $0x1;
	_ =	shalt  }
.Lfunc_end2:
_tile_overlayer_lowered:
.L_overlay_start_2:
0x97: {  	(tag) =	ssettag $0x2  }
0x98: {  	s0 =	rddreg [dreg:$0x0];
	s2 =	stileid.u32  }
0x99: {  	s1 =	rddreg [dreg:$0x1];
	p0 =	sne.s32 s2, $0x0  }
0x9a: {  	s3 =	rddreg [dreg:$0x2];
	[bflag:$0x3] =	sbarrier.arrive $0xFFFF;
	s2 =	simm.s32 @!p0 $0x1C05  }
0x9b: {  	[timem:s3], [sflag:s2] =	dma.local @!p0 [hbm:s0], s1  }
0x9c: {  	s0 =	simm.s32 @!p0 $0x5  }
0x9d: {  	_ =	swait.ge @!p0 [sflag:s0], s1  }
0x9e: {  	s1 =	ssub.s32 @!p0 $0x0, s1;
	[sflag:s0] =	ssyncset.done @!p0 $0x0  }
0x9f: {  	[sflag:s0] =	ssyncadd.s32 @!p0 s1  }
0xa0: {  	[bflag:$0x3] =	sbarrier.arrive $0xFFFF  }
0xa1: {  	_ =	shalt  }

// kernel: kernel.38.cloned.1.call-start
scs
__scs_entry_jumppad:
0x0: {  	(pc) =	sbr.rel $0x88, $3  }
0x1: {  	(tag) =	ssettag $0x0;
	lr =	simm.s32 $0x1  }
0x2: {  	[smem:$0x3F8C] =	sst lr;
	_ =	strace $0xD0000000  }
0x3: {  	_ = 	snop  }
0x4: {  	_ = 	snop  }
0x5: {  	_ = 	snop  }
0x6: {  	_ = 	snop  }
0x7: {  	_ = 	snop  }
__scs_overlays_trampoline_lowered:
0x8: {  	[smem:$0x3F9B] =	sst s0  }
0x9: {  	[smem:$0x3F9C] =	sst s1  }
0xa: {  	[smem:$0x3F9D] =	sst s2  }
0xb: {  	[smem:$0x3F9E] =	sst s3  }
0xc: {  	[smem:$0x3F9F] =	sst s4  }
0xd: {  	[smem:$0x3FA0] =	sst s5  }
0xe: {  	[smem:$0x3FA1] =	sst s6  }
0xf: {  	[smem:$0x3FA2] =	sst s7  }
0x10: {  	[smem:$0x3FA3] =	sst s8  }
0x11: {  	[smem:$0x3FA4] =	sst s9;
	s0 =	simm.s32 @!p0 $0x0  }
0x12: {  	s1 =	sld [smem:$0x3F8A];
	s0 =	simm.s32 @p0 $0x1  }
0x13: {  	[smem:$0x3FA5] =	sst s0;
	s0 =	simm.s32 @!p1 $0x0  }
0x14: {  	s2 =	sld [smem:$0x3F89];
	s0 =	simm.s32 @p1 $0x1  }
0x15: {  	[smem:$0x3FA6] =	sst s0;
	s0 =	simm.s32 @!p2 $0x0  }
0x16: {  	s3 =	sld [smem:$0x3FDB];
	s0 =	simm.s32 @p2 $0x1  }
0x17: {  	s4 =	simm.s32 $0x1BF5;
	[smem:$0x3FA8] =	sst s0  }
0x18: {  	s0 =	sld [smem:$0x3F8B];
	_ =	swait.ge [sflag:s4], $0x0  }
0x19: {  	s7 =	sld [smem:$0x3F8C]  }
0x1a: {  	s8 =	sadd.s32 $0xFFFFE003, lr  }
0x1b: {  	s9 =	sadd.s32 $0xFFFFFEF7, lr;
	s5 =	simm.s32 $0xFFFFFFFF;
	p2 =	slt.u32 s8, $0xFFFFF086  }
0x1c: {  	p1 =	slt.u32 s9, $0xF7A;
	s5 =	simm.s32 @!p2 $0x0  }
0x1d: {  	s5 =	simm.s32 @p1 $0x1;
	p0 =	seq.s32 s7, s2  }
0x1e: {  	s7 =	smul.u32 @!p0 $0xF7A, s2;
	p2 =	seq.s32 @!p0 s5, $0x0  }
0x1f: {  	s9 =	smul.u32 $0xF7A, s1;
	s8 =	simm.s32 @!p0 $0x1BF5;
	p2 =	por !p2, p0  }
0x20: {  	[sflag:s8] =	ssyncset.s32 @!p0 $0xFFFFF086;
	s6 =	sadd.s32 @!p0 s3, s7;
	s7 =	simm.s32 @!p0 $0x108  }
0x21: {  	s3 =	sadd.s32 s3, s9;
	s6 =	sadd.s32 @!p0 $0x88, s6;
	s7 =	simm.s32 @p2 $0x1082  }
0x22: {  	[simem:s7], [sflag:s8] =	dma.local @!p0 [hbm:s6], $0xF7A  }
0x23: {  	s9 =	sor.u32 $0xD0000000, s2;
	s6 =	simm.s32 $0x108;
	_ =	swait.ge @!p0 [sflag:s8], $0x0  }
0x24: {  	s3 =	sadd.s32 $0x88, s3;
	s6 =	simm.s32 @!p1 $0x1082;
	[sflag:s4] =	ssyncset.s32 $0xFFFFF086  }
0x25: {  	[simem:s6], [sflag:s4] =	dma.local [hbm:s3], $0xF7A  }
0x26: {  	[smem:$0x3F8C] =	sst s1;
	(tag) =	ssettag s2;
	_ =	strace s9  }
0x27: {  	s1 =	sld [smem:$0x3F9C]  }
0x28: {  	s2 =	sld [smem:$0x3F9D]  }
0x29: {  	s4 =	sld [smem:$0x3F9F]  }
0x2a: {  	p0 =	seq.s32 s5, $0x0;
	s5 =	sld [smem:$0x3FA0]  }
0x2b: {  	s6 =	sld [smem:$0x3FA1]  }
0x2c: {  	s7 =	sld [smem:$0x3FA2]  }
0x2d: {  	s3 =	simm.s32 $0x108;
	s8 =	sld [smem:$0x3FA3]  }
0x2e: {  	s3 =	simm.s32 @!p0 $0x1082;
	s9 =	sld [smem:$0x3FA4]  }
0x2f: {  	lr =	sadd.s32 s0, s3;
	s0 =	sld [smem:$0x3F9B]  }
0x30: {  	s3 =	sld [smem:$0x3F9E]  }
0x31: {  	[smem:$0x3FA7] =	sst s10  }
0x32: {  	s10 =	sld [smem:$0x3FA5];
	_ =	sdelay $0x3  }
0x33: {  	p0 =	seq.s32 s10, $0x1;
	s10 =	sld [smem:$0x3FA7];
	_ =	sdelay $0x3  }
0x34: {  	[smem:$0x3FA7] =	sst s10  }
0x35: {  	s10 =	sld [smem:$0x3FA6];
	_ =	sdelay $0x3  }
0x36: {  	p1 =	seq.s32 s10, $0x1;
	s10 =	sld [smem:$0x3FA7];
	_ =	sdelay $0x3  }
0x37: {  	[smem:$0x3FA7] =	sst s10  }
0x38: {  	s10 =	sld [smem:$0x3FA8]  }
0x39: {  	_ = 	snop;
	(pc) =	sbr.ind lr, $3  }
0x3a: {  	_ = 	snop  }
0x3b: {  	_ = 	snop  }
0x3c: {  	p2 =	seq.s32 s10, $0x1;
	s10 =	sld [smem:$0x3FA7]  }
0x3d: {  	_ =	shalt  }
0x3e: {  	_ =	shalt  }
0x3f: {  	_ =	shalt  }
0x40: {  	_ =	shalt  }
0x41: {  	_ =	shalt  }
0x42: {  	_ =	shalt  }
0x43: {  	_ =	shalt  }
0x44: {  	_ =	shalt  }
0x45: {  	_ =	shalt  }
0x46: {  	_ =	shalt  }
0x47: {  	_ =	shalt  }
0x48: {  	_ =	shalt  }
0x49: {  	_ =	shalt  }
0x4a: {  	_ =	shalt  }
0x4b: {  	_ =	shalt  }
0x4c: {  	_ =	shalt  }
0x4d: {  	_ =	shalt  }
0x4e: {  	_ =	shalt  }
0x4f: {  	_ =	shalt  }
0x50: {  	_ =	shalt  }
0x51: {  	_ =	shalt  }
0x52: {  	_ =	shalt  }
0x53: {  	_ =	shalt  }
0x54: {  	_ =	shalt  }
0x55: {  	_ =	shalt  }
0x56: {  	_ =	shalt  }
0x57: {  	_ =	shalt  }
0x58: {  	_ =	shalt  }
0x59: {  	_ =	shalt  }
0x5a: {  	_ =	shalt  }
0x5b: {  	_ =	shalt  }
0x5c: {  	_ =	shalt  }
0x5d: {  	_ =	shalt  }
0x5e: {  	_ =	shalt  }
0x5f: {  	_ =	shalt  }
0x60: {  	_ =	shalt  }
0x61: {  	_ =	shalt  }
0x62: {  	_ =	shalt  }
0x63: {  	_ =	shalt  }
0x64: {  	_ =	shalt  }
0x65: {  	_ =	shalt  }
0x66: {  	_ =	shalt  }
0x67: {  	_ =	shalt  }
0x68: {  	_ =	shalt  }
0x69: {  	_ =	shalt  }
0x6a: {  	_ =	shalt  }
0x6b: {  	_ =	shalt  }
0x6c: {  	_ =	shalt  }
0x6d: {  	_ =	shalt  }
0x6e: {  	_ =	shalt  }
0x6f: {  	_ =	shalt  }
0x70: {  	_ =	shalt  }
0x71: {  	_ =	shalt  }
0x72: {  	_ =	shalt  }
0x73: {  	_ =	shalt  }
0x74: {  	_ =	shalt  }
0x75: {  	_ =	shalt  }
0x76: {  	_ =	shalt  }
0x77: {  	_ =	shalt  }
0x78: {  	_ =	shalt  }
0x79: {  	_ =	shalt  }
0x7a: {  	_ =	shalt  }
0x7b: {  	_ =	shalt  }
0x7c: {  	_ =	shalt  }
0x7d: {  	_ =	shalt  }
0x7e: {  	_ =	shalt  }
0x7f: {  	_ =	shalt  }
0x80: {  	_ =	shalt  }
0x81: {  	_ =	shalt  }
0x82: {  	_ =	shalt  }
0x83: {  	_ =	shalt  }
0x84: {  	_ =	shalt  }
0x85: {  	_ =	shalt  }
0x86: {  	_ =	shalt  }
0x87: {  	_ =	shalt  }
.Lfunc_end0:
.L_simem_size_0:
called_computation.6_lowered:
.L_overlay_start_0:
0x88: {  	s2 =	sld [smem:$0x3FD9]  }
0x89: {  	s3 =	sld [smem:$0x3FFE];
	_ =	sdelay $0x1  }
0x8a: {  	s1 =	srdreg.scid  }
0x8b: {  	s0 =	sand.u32 $0x1, s1  }
0x8c: {  	s14 =	sshll.u32 s0, $0xA;
	s2 =	sadd.s32 s3, s2  }
0x8d: {  	s2 =	sadd.s32 s2, s14  }
0x8e: {  	[smem:$0x3FB3] =	sst s2  }
0x8f: {  	_ = 	snop  }
0x90: {  	s2 =	sld [smem:$0x3FD0];
	_ =	sdelay $0x2  }
0x91: {  	s15 =	simm.s32 $0xB;
	s4 =	simm.s32 $0x10  }
0x92: {  	[smem:s4], [sflag:s15] =	dma.local [hbm:s2], $0x1  }
0x93: {  	_ =	swait.eq [sflag:s15], $0x1  }
0x94: {  	[sflag:s15] =	ssyncset.done $0x0  }
0x95: {  	s16 =	sld [smem:$0x13];
	[sflag:s15] =	ssyncadd.s32 $0xFFFFFFFF  }
0x96: {  	s17 =	sld [smem:$0x14];
	(tm) =	ssettm $0x1  }
0x97: {  	s18 =	sld [smem:$0x3FFB];
	_ =	sdelay $0x3  }
0x98: {  	_ =	strace s18  }
0x99: {  	s4 =	sld [smem:$0x3FFC];
	_ =	sdelay $0x3  }
0x9a: {  	_ =	strace s4  }
0x9b: {  	s4 =	sld [smem:$0x3FFD];
	_ =	sdelay $0x3  }
0x9c: {  	_ =	strace s4  }
0x9d: {  	_ =	strace $0x8FFFFFFF  }
0x9e: {  	s19 =	sld [smem:$0x3FDB];
	_ =	sdelay $0x1  }
0x9f: {  	s5 =	simm.s32 $_scs_section_size  }
0xa0: {  	s6 =	simm.s32 $_size__tile_overlayer_lowered;
	s7 =	simm.s32 $_tile_overlayer_lowered  }
0xa1: {  	s22 =	simm.s32 $0x1BFF;
	s21 =	sshll.u32 s7, $0x1;
	s4 =	sadd.s32 s5, s19  }
0xa2: {  	s8 =	simm.s32 $0x0;
	s20 =	sshll.u32 s6, $0x1;
	s6 =	sadd.s32 s21, s4  }
0xa3: {  	[timem:s8], [sflag:s22] =	dma.local [hbm:s6], s20  }
0xa4: {  	_ =	swait.ge [sflag:s22], s20  }
0xa5: {  	s5 =	ssub.s32 $0x0, s20;
	[sflag:s22] =	ssyncset.done $0x0  }
0xa6: {  	[sflag:s22] =	ssyncadd.s32 s5;
	_ =	sdelay $0x1  }
0xa7: {  	s23 =	simm.s32 $0x1B8B  }
0xa8: {  	_ =	swait.ge [sflag:s23], $0x1  }
0xa9: {  	[sflag:s23] =	ssyncset.done $0x0  }
0xaa: {  	s25 =	simm.s32 $0x1B8E;
	s24 =	sld [smem:$0x3FFE];
	[sflag:s23] =	ssyncadd.s32 $0xFFFFFFFF  }
0xab: {  	s26 =	simm.s32 $execute0_lowered;
	[smem:$0x3FD2] =	sst s25  }
0xac: {  	s6 =	sshll.u32 s26, $0x1;
	_ =	strace $0x80000058;
	[dreg:$0x1] =	wrdreg $0xFFFFFFFF  }
0xad: {  	s28 =	simm.s32 $_size_execute0_lowered;
	s4 =	sadd.s32 s4, s6;
	[dreg:$0x0] =	wrdreg $0x0  }
0xae: {  	s6 =	sshll.u32 s28, $0x1;
	[dreg:$0x2] =	wrdreg s4  }
0xaf: {  	[dreg:$0x3] =	wrdreg s6  }
0xb0: {  	[dreg:$0x4] =	wrdreg $0xC0  }
0xb1: {  	_ =	task [dreg:s8], $0x5FFFF  }
0xb2: {  	[dreg:$0x1] =	wrdreg $0xFFFFFFFF  }
0xb3: {  	[dreg:$0x0] =	wrdreg $0x60  }
0xb4: {  	[dreg:$0x2] =	wrdreg s17  }
0xb5: {  	[dreg:$0x3] =	wrdreg s16  }
0xb6: {  	[dreg:$0x4] =	wrdreg s24  }
0xb7: {  	[dreg:$0x5] =	wrdreg $0x9  }
0xb8: {  	_ =	task.clear_ibuf [dreg:s8], $0x6FFFF;
	_ =	strace $0x90000058  }
0xb9: {  	s29 =	simm.s32 $0x9;
	_ =	strace $0x8000005A  }
0xba: {  	_ =	swait.ge [sflag:s29], $0x1  }
0xbb: {  	[sflag:s29] =	ssyncadd.s32 $0xFFFFFFFF  }
0xbc: {  	_ =	strace $0x9000005A  }
0xbd: {  	_ =	sfence  }
0xbe: {  	s30 =	sld [smem:$0x0];
	_ =	sdelay $0x2  }
0xbf: {  	s31 =	sshll.u32 s1, $0xD;
	s1 =	sshrl.u32 s1, $0x2  }
0xc0: {  	s3 =	sand.u32 $0x4000, s31;
	s1 =	sadd.s32 s1, s30  }
0xc1: {  	s0 =	sor.u32 s3, s0;
	s1 =	sshll.u32 s1, $0x11  }
0xc2: {  	s0 =	sor.u32 s1, s0  }
0xc3: {  	s0 =	sadd.s32 $0x8F2B, s0  }
0xc4: {  	[sflag:s0] =	ssyncadd.remote.s32 $0x1  }
0xc5: {  	_ =	sfence.sel $0xFFFF  }
0xc6: {  	[dreg:$0x0] =	wrdreg $0xFFFFFFFF;
	(pc) =	sbr.abs _section_cstart, $3  }
0xc7: {  	[dreg:$0x1] =	wrdreg $0xFFFFFFFF  }
0xc8: {  	_ =	task.clear_ibuf [dreg:s8], $0x2FFFF;
	_ =	strace $0x9FFFFFFF  }
0xc9: {  	(tm) =	ssettm $0x7FFFFFFF  }
tec
execute0_lowered:
.L_overlay_start_1:
0x0: {  	(tag) =	ssettag $0x1  }
0x1: {  	s0 =	srdreg.scid  }
0x2: {  	s2 =	stileid.u32;
	s6 =	sand.u32 $0x1, s0  }
0x3: {  	s7 =	sor.u32 s2, s6  }
0x4: {  	p0 =	sne.s32 s7, $0x0  }
.Ltmp0:
0x5: {  	s1 =	rddreg [dreg:$0x0];
	(pc) =	sbr.rel @p0 .LBB2_7-.Ltmp0, $4  }
0x6: {  	s3 =	rddreg [dreg:$0x1]  }
0x7: {  	s5 =	rddreg [dreg:$0x2];
	s4 =	simm.s32 $0x0  }
0x8: {  	[smem:$0x7FF] =	sst s4  }
0x9: {  	s0 =	rddreg [dreg:$0x3];
	_ =	strace $0x80000059  }
0xa: {  	s6 =	ssub.s32 $0x2, s6;
	s5 =	sadd.s32 $0x37200, s5  }
0xb: {  	s8 =	simm.s32 $0x1;
	s9 =	simm.s32 $0x0;
	s7 =	sshrl.u32 s6, $0x1  }
0xc: {  	v0 =	vlaneseq.u32;
	s10 =	simm.s32 $0x0;
	s6 =	ssub.s32 s6, s7;
	s7 =	simm.s32 $0x400  }
.LBB2_2:
0xd: {  	[tilespmem:s7], [sflag:$0x1] =	stream.linear.gather [hbm4b:s3+s10], $0xF08, $0x38;
	[tilespmem:$0x1308] =	vst v63  }
0xe: {  	_ =	swait.ge [sflag:s8], $0xF08  }
0xf: {  	[sflag:s8] =	ssyncset.done $0x0  }
0x10: {  	s11 =	simm.s32 $0x0;
	s12 =	simm.s32 $0x0;
	[sflag:s8] =	ssyncadd.s32 $0xFFFFF0F8  }
.LBB2_3:
0x11: {  	s13 =	sshll.u32 s12, $0x7  }
0x12: {  	s13 =	sadd.s32 s1, s13  }
0x13: {  	[tilespmem:s10], [sflag:$0x1] =	stream.linear.gather [hbm4b:s13+s10], $0x400, $0x38;
	[tilespmem:$0x1308] =	vst v63  }
0x14: {  	_ =	swait.ge [sflag:s8], $0x400  }
0x15: {  	[sflag:s8] =	ssyncset.done $0x0  }
0x16: {  	s31 =	simm.s32 $0x0;
	[sflag:s8] =	ssyncadd.s32 $0xFFFFFC00  }
0x17: {  	v1 =	vld [tilespmem:s31+$0x0];
	_ =	sdelay $0x6  }
0x18: {  	v2 =	vor.u32 s11, v0  }
0x19: {  	s15 =	simm.s32 $0x10;
	s14 =	simm.s32 $0x80;
	s13 =	smov.u32 s11;
	[tilespmem:v1+s7+$0x0] =	vst.idx.msk $0xffff, v2  }
.LBB2_4:
0x1a: {  	p0 =	sne.s32 s14, $0xFC0;
	v1 =	vld [tilespmem:s15+$0x0];
	_ =	sdelay $0x3  }
.Ltmp1:
0x1b: {  	(pc) =	sbr.rel @p0 .LBB2_4-.Ltmp1, $4  }
0x1c: {  	_ = 	snop  }
0x1d: {  	s13 =	sadd.s32 $0x10, s13  }
0x1e: {  	v2 =	vor.u32 s13, v0  }
0x1f: {  	s15 =	sshra.s32 s14, $0x2;
	s14 =	sadd.s32 $0x40, s14;
	[tilespmem:v1+s7+$0x0] =	vst.idx.msk $0xffff, v2  }
0x20: {  	v1 =	vld [tilespmem:s15+$0x0];
	_ =	sdelay $0x1  }
0x21: {  	s12 =	sadd.s32 $0x1, s12  }
0x22: {  	p0 =	sne.s32 s12, $0x62  }
.Ltmp2:
0x23: {  	_ = 	snop;
	(pc) =	sbr.rel @p0 .LBB2_3-.Ltmp2, $4  }
0x24: {  	_ = 	snop  }
0x25: {  	s13 =	sadd.s32 $0x10, s13  }
0x26: {  	v2 =	vor.u32 s13, v0  }
0x27: {  	s11 =	sadd.s32 $0x400, s11;
	[tilespmem:v1+s7+$0x0] =	vst.idx.msk $0xffff, v2  }
0x28: {  	s9 =	sadd.s32 $0x1, s9  }
0x29: {  	p0 =	sne.s32 s9, s6  }
.Ltmp3:
0x2a: {  	_ = 	snop;
	(pc) =	sbr.rel @p0 .LBB2_2-.Ltmp3, $4  }
0x2b: {  	[hbm4b:s5+s4] =	stream.linear.scatter [tilespmem:s7], [sflag:$0x1], $0xF00, $0x38;
	[tilespmem:$0x1308] =	vst v63  }
0x2c: {  	_ =	swait.ge [sflag:s8], $0xF00  }
0x2d: {  	[sflag:s8] =	ssyncset.done $0x0  }
0x2e: {  	[sflag:s8] =	ssyncadd.s32 $0xFFFFF100  }
.LBB2_7:
0x2f: {  	_ =	sfence.sel $0x180000  }
0x30: {  	[bflag:$0x0] =	sbarrier.arrive $0xFFFF  }
0x31: {  	p0 =	sne.s32 s2, $0x0;
	_ =	strace $0x90000059  }
0x32: {  	s0 =	sadd.s32 @!p0 $0x100000, s0;
	[bflag:$0x2] =	sbarrier.arrive $0xFFFF  }
0x33: {  	[sflag:s0] =	ssyncadd.tile.s32 @!p0 $0x1;
	_ =	shalt  }
.Lfunc_end2:
_tile_overlayer_lowered:
.L_overlay_start_2:
0x34: {  	(tag) =	ssettag $0x2  }
0x35: {  	s0 =	rddreg [dreg:$0x0];
	s2 =	stileid.u32  }
0x36: {  	s1 =	rddreg [dreg:$0x1];
	p0 =	sne.s32 s2, $0x0  }
0x37: {  	s3 =	rddreg [dreg:$0x2];
	[bflag:$0x3] =	sbarrier.arrive $0xFFFF;
	s2 =	simm.s32 @!p0 $0x1C01  }
0x38: {  	[timem:s3], [sflag:s2] =	dma.local @!p0 [hbm:s0], s1  }
0x39: {  	s0 =	simm.s32 @!p0 $0x1  }
0x3a: {  	_ =	swait.ge @!p0 [sflag:s0], s1  }
0x3b: {  	s1 =	ssub.s32 @!p0 $0x0, s1;
	[sflag:s0] =	ssyncset.done @!p0 $0x0  }
0x3c: {  	[sflag:s0] =	ssyncadd.s32 @!p0 s1  }
0x3d: {  	[bflag:$0x3] =	sbarrier.arrive $0xFFFF  }
0x3e: {  	_ =	shalt  }

// kernel: kernel.41.cloned.1.call-start
scs
__scs_entry_jumppad:
0x0: {  	(pc) =	sbr.rel $0x88, $3  }
0x1: {  	(tag) =	ssettag $0x0;
	lr =	simm.s32 $0x1  }
0x2: {  	[smem:$0x3F8C] =	sst lr;
	_ =	strace $0xD0000000  }
0x3: {  	_ = 	snop  }
0x4: {  	_ = 	snop  }
0x5: {  	_ = 	snop  }
0x6: {  	_ = 	snop  }
0x7: {  	_ = 	snop  }
__scs_overlays_trampoline_lowered:
0x8: {  	[smem:$0x3F9B] =	sst s0  }
0x9: {  	[smem:$0x3F9C] =	sst s1  }
0xa: {  	[smem:$0x3F9D] =	sst s2  }
0xb: {  	[smem:$0x3F9E] =	sst s3  }
0xc: {  	[smem:$0x3F9F] =	sst s4  }
0xd: {  	[smem:$0x3FA0] =	sst s5  }
0xe: {  	[smem:$0x3FA1] =	sst s6  }
0xf: {  	[smem:$0x3FA2] =	sst s7  }
0x10: {  	[smem:$0x3FA3] =	sst s8  }
0x11: {  	[smem:$0x3FA4] =	sst s9;
	s0 =	simm.s32 @!p0 $0x0  }
0x12: {  	s1 =	sld [smem:$0x3F8A];
	s0 =	simm.s32 @p0 $0x1  }
0x13: {  	[smem:$0x3FA5] =	sst s0;
	s0 =	simm.s32 @!p1 $0x0  }
0x14: {  	s2 =	sld [smem:$0x3F89];
	s0 =	simm.s32 @p1 $0x1  }
0x15: {  	[smem:$0x3FA6] =	sst s0;
	s0 =	simm.s32 @!p2 $0x0  }
0x16: {  	s3 =	sld [smem:$0x3FDB];
	s0 =	simm.s32 @p2 $0x1  }
0x17: {  	s4 =	simm.s32 $0x1BF5;
	[smem:$0x3FA8] =	sst s0  }
0x18: {  	s0 =	sld [smem:$0x3F8B];
	_ =	swait.ge [sflag:s4], $0x0  }
0x19: {  	s7 =	sld [smem:$0x3F8C]  }
0x1a: {  	s8 =	sadd.s32 $0xFFFFE003, lr  }
0x1b: {  	s9 =	sadd.s32 $0xFFFFFEF7, lr;
	s5 =	simm.s32 $0xFFFFFFFF;
	p2 =	slt.u32 s8, $0xFFFFF086  }
0x1c: {  	p1 =	slt.u32 s9, $0xF7A;
	s5 =	simm.s32 @!p2 $0x0  }
0x1d: {  	s5 =	simm.s32 @p1 $0x1;
	p0 =	seq.s32 s7, s2  }
0x1e: {  	s7 =	smul.u32 @!p0 $0xF7A, s2;
	p2 =	seq.s32 @!p0 s5, $0x0  }
0x1f: {  	s9 =	smul.u32 $0xF7A, s1;
	s8 =	simm.s32 @!p0 $0x1BF5;
	p2 =	por !p2, p0  }
0x20: {  	[sflag:s8] =	ssyncset.s32 @!p0 $0xFFFFF086;
	s6 =	sadd.s32 @!p0 s3, s7;
	s7 =	simm.s32 @!p0 $0x108  }
0x21: {  	s3 =	sadd.s32 s3, s9;
	s6 =	sadd.s32 @!p0 $0x88, s6;
	s7 =	simm.s32 @p2 $0x1082  }
0x22: {  	[simem:s7], [sflag:s8] =	dma.local @!p0 [hbm:s6], $0xF7A  }
0x23: {  	s9 =	sor.u32 $0xD0000000, s2;
	s6 =	simm.s32 $0x108;
	_ =	swait.ge @!p0 [sflag:s8], $0x0  }
0x24: {  	s3 =	sadd.s32 $0x88, s3;
	s6 =	simm.s32 @!p1 $0x1082;
	[sflag:s4] =	ssyncset.s32 $0xFFFFF086  }
0x25: {  	[simem:s6], [sflag:s4] =	dma.local [hbm:s3], $0xF7A  }
0x26: {  	[smem:$0x3F8C] =	sst s1;
	(tag) =	ssettag s2;
	_ =	strace s9  }
0x27: {  	s1 =	sld [smem:$0x3F9C]  }
0x28: {  	s2 =	sld [smem:$0x3F9D]  }
0x29: {  	s4 =	sld [smem:$0x3F9F]  }
0x2a: {  	p0 =	seq.s32 s5, $0x0;
	s5 =	sld [smem:$0x3FA0]  }
0x2b: {  	s6 =	sld [smem:$0x3FA1]  }
0x2c: {  	s7 =	sld [smem:$0x3FA2]  }
0x2d: {  	s3 =	simm.s32 $0x108;
	s8 =	sld [smem:$0x3FA3]  }
0x2e: {  	s3 =	simm.s32 @!p0 $0x1082;
	s9 =	sld [smem:$0x3FA4]  }
0x2f: {  	lr =	sadd.s32 s0, s3;
	s0 =	sld [smem:$0x3F9B]  }
0x30: {  	s3 =	sld [smem:$0x3F9E]  }
0x31: {  	[smem:$0x3FA7] =	sst s10  }
0x32: {  	s10 =	sld [smem:$0x3FA5];
	_ =	sdelay $0x3  }
0x33: {  	p0 =	seq.s32 s10, $0x1;
	s10 =	sld [smem:$0x3FA7];
	_ =	sdelay $0x3  }
0x34: {  	[smem:$0x3FA7] =	sst s10  }
0x35: {  	s10 =	sld [smem:$0x3FA6];
	_ =	sdelay $0x3  }
0x36: {  	p1 =	seq.s32 s10, $0x1;
	s10 =	sld [smem:$0x3FA7];
	_ =	sdelay $0x3  }
0x37: {  	[smem:$0x3FA7] =	sst s10  }
0x38: {  	s10 =	sld [smem:$0x3FA8]  }
0x39: {  	_ = 	snop;
	(pc) =	sbr.ind lr, $3  }
0x3a: {  	_ = 	snop  }
0x3b: {  	_ = 	snop  }
0x3c: {  	p2 =	seq.s32 s10, $0x1;
	s10 =	sld [smem:$0x3FA7]  }
0x3d: {  	_ =	shalt  }
0x3e: {  	_ =	shalt  }
0x3f: {  	_ =	shalt  }
0x40: {  	_ =	shalt  }
0x41: {  	_ =	shalt  }
0x42: {  	_ =	shalt  }
0x43: {  	_ =	shalt  }
0x44: {  	_ =	shalt  }
0x45: {  	_ =	shalt  }
0x46: {  	_ =	shalt  }
0x47: {  	_ =	shalt  }
0x48: {  	_ =	shalt  }
0x49: {  	_ =	shalt  }
0x4a: {  	_ =	shalt  }
0x4b: {  	_ =	shalt  }
0x4c: {  	_ =	shalt  }
0x4d: {  	_ =	shalt  }
0x4e: {  	_ =	shalt  }
0x4f: {  	_ =	shalt  }
0x50: {  	_ =	shalt  }
0x51: {  	_ =	shalt  }
0x52: {  	_ =	shalt  }
0x53: {  	_ =	shalt  }
0x54: {  	_ =	shalt  }
0x55: {  	_ =	shalt  }
0x56: {  	_ =	shalt  }
0x57: {  	_ =	shalt  }
0x58: {  	_ =	shalt  }
0x59: {  	_ =	shalt  }
0x5a: {  	_ =	shalt  }
0x5b: {  	_ =	shalt  }
0x5c: {  	_ =	shalt  }
0x5d: {  	_ =	shalt  }
0x5e: {  	_ =	shalt  }
0x5f: {  	_ =	shalt  }
0x60: {  	_ =	shalt  }
0x61: {  	_ =	shalt  }
0x62: {  	_ =	shalt  }
0x63: {  	_ =	shalt  }
0x64: {  	_ =	shalt  }
0x65: {  	_ =	shalt  }
0x66: {  	_ =	shalt  }
0x67: {  	_ =	shalt  }
0x68: {  	_ =	shalt  }
0x69: {  	_ =	shalt  }
0x6a: {  	_ =	shalt  }
0x6b: {  	_ =	shalt  }
0x6c: {  	_ =	shalt  }
0x6d: {  	_ =	shalt  }
0x6e: {  	_ =	shalt  }
0x6f: {  	_ =	shalt  }
0x70: {  	_ =	shalt  }
0x71: {  	_ =	shalt  }
0x72: {  	_ =	shalt  }
0x73: {  	_ =	shalt  }
0x74: {  	_ =	shalt  }
0x75: {  	_ =	shalt  }
0x76: {  	_ =	shalt  }
0x77: {  	_ =	shalt  }
0x78: {  	_ =	shalt  }
0x79: {  	_ =	shalt  }
0x7a: {  	_ =	shalt  }
0x7b: {  	_ =	shalt  }
0x7c: {  	_ =	shalt  }
0x7d: {  	_ =	shalt  }
0x7e: {  	_ =	shalt  }
0x7f: {  	_ =	shalt  }
0x80: {  	_ =	shalt  }
0x81: {  	_ =	shalt  }
0x82: {  	_ =	shalt  }
0x83: {  	_ =	shalt  }
0x84: {  	_ =	shalt  }
0x85: {  	_ =	shalt  }
0x86: {  	_ =	shalt  }
0x87: {  	_ =	shalt  }
.Lfunc_end0:
.L_simem_size_0:
called_computation.7_lowered:
.L_overlay_start_0:
0x88: {  	s2 =	sld [smem:$0x3FD9]  }
0x89: {  	s3 =	sld [smem:$0x3FFE];
	_ =	sdelay $0x1  }
0x8a: {  	s1 =	srdreg.scid  }
0x8b: {  	s0 =	sand.u32 $0x1, s1  }
0x8c: {  	s14 =	sshll.u32 s0, $0xA;
	s2 =	sadd.s32 s3, s2  }
0x8d: {  	s2 =	sadd.s32 s2, s14  }
0x8e: {  	[smem:$0x3FB3] =	sst s2  }
0x8f: {  	_ = 	snop  }
0x90: {  	s2 =	sld [smem:$0x3FD0];
	_ =	sdelay $0x2  }
0x91: {  	s15 =	simm.s32 $0xB;
	s4 =	simm.s32 $0x10  }
0x92: {  	[smem:s4], [sflag:s15] =	dma.local [hbm:s2], $0x1  }
0x93: {  	_ =	swait.eq [sflag:s15], $0x1  }
0x94: {  	s16 =	sld [smem:$0x10]  }
0x95: {  	s17 =	sld [smem:$0x11]  }
0x96: {  	s5 =	sld [smem:$0x12];
	[sflag:s15] =	ssyncset.done $0x0  }
0x97: {  	s6 =	sld [smem:$0x13];
	[sflag:s15] =	ssyncadd.s32 $0xFFFFFFFF  }
0x98: {  	s18 =	sld [smem:$0x14];
	(tm) =	ssettm $0x1  }
0x99: {  	s7 =	sld [smem:$0x3FFB];
	_ =	sdelay $0x3  }
0x9a: {  	_ =	strace s7  }
0x9b: {  	s7 =	sld [smem:$0x3FFC];
	_ =	sdelay $0x3  }
0x9c: {  	_ =	strace s7  }
0x9d: {  	s7 =	sld [smem:$0x3FFD];
	_ =	sdelay $0x3  }
0x9e: {  	_ =	strace s7  }
0x9f: {  	_ =	strace $0x8FFFFFFF  }
0xa0: {  	s19 =	sld [smem:$0x3FDB];
	_ =	sdelay $0x1  }
0xa1: {  	s8 =	simm.s32 $_scs_section_size  }
0xa2: {  	s9 =	simm.s32 $_size__tile_overlayer_lowered;
	s10 =	simm.s32 $_tile_overlayer_lowered  }
0xa3: {  	s22 =	simm.s32 $0x1BFF;
	s21 =	sshll.u32 s10, $0x1;
	s7 =	sadd.s32 s8, s19  }
0xa4: {  	s11 =	simm.s32 $0x0;
	s20 =	sshll.u32 s9, $0x1;
	s9 =	sadd.s32 s21, s7  }
0xa5: {  	[timem:s11], [sflag:s22] =	dma.local [hbm:s9], s20  }
0xa6: {  	_ =	swait.ge [sflag:s22], s20  }
0xa7: {  	s8 =	ssub.s32 $0x0, s20;
	[sflag:s22] =	ssyncset.done $0x0  }
0xa8: {  	[sflag:s22] =	ssyncadd.s32 s8;
	_ =	sdelay $0x1  }
0xa9: {  	s23 =	simm.s32 $0x1B8B  }
0xaa: {  	_ =	swait.ge [sflag:s23], $0x1  }
0xab: {  	[sflag:s23] =	ssyncset.done $0x0  }
0xac: {  	s25 =	simm.s32 $0x1B8E;
	s24 =	sld [smem:$0x3FFE];
	[sflag:s23] =	ssyncadd.s32 $0xFFFFFFFF  }
0xad: {  	s26 =	simm.s32 $execute0_lowered;
	[smem:$0x3FD2] =	sst s25  }
0xae: {  	s9 =	sshll.u32 s26, $0x1;
	_ =	strace $0x8000005B;
	[dreg:$0x1] =	wrdreg $0xFFFFFFFF  }
0xaf: {  	s28 =	simm.s32 $_size_execute0_lowered;
	s7 =	sadd.s32 s7, s9;
	[dreg:$0x0] =	wrdreg $0x0  }
0xb0: {  	s9 =	sshll.u32 s28, $0x1;
	[dreg:$0x2] =	wrdreg s7  }
0xb1: {  	[dreg:$0x3] =	wrdreg s9  }
0xb2: {  	[dreg:$0x4] =	wrdreg $0xC0  }
0xb3: {  	_ =	task [dreg:s11], $0x5FFFF  }
0xb4: {  	[dreg:$0x1] =	wrdreg $0xFFFFFFFF  }
0xb5: {  	[dreg:$0x0] =	wrdreg $0x60  }
0xb6: {  	[dreg:$0x2] =	wrdreg s24  }
0xb7: {  	[dreg:$0x3] =	wrdreg s18  }
0xb8: {  	[dreg:$0x4] =	wrdreg s6  }
0xb9: {  	[dreg:$0x5] =	wrdreg s5  }
0xba: {  	[dreg:$0x6] =	wrdreg s17  }
0xbb: {  	[dreg:$0x7] =	wrdreg s16  }
0xbc: {  	[dreg:$0x8] =	wrdreg $0x9  }
0xbd: {  	_ =	task.clear_ibuf [dreg:s11], $0x9FFFF;
	_ =	strace $0x9000005B  }
0xbe: {  	s29 =	simm.s32 $0x9;
	_ =	strace $0x8000005D  }
0xbf: {  	_ =	swait.ge [sflag:s29], $0x1  }
0xc0: {  	[sflag:s29] =	ssyncadd.s32 $0xFFFFFFFF  }
0xc1: {  	_ =	strace $0x9000005D  }
0xc2: {  	_ =	sfence  }
0xc3: {  	s30 =	sld [smem:$0x0];
	_ =	sdelay $0x2  }
0xc4: {  	s31 =	sshll.u32 s1, $0xD;
	s1 =	sshrl.u32 s1, $0x2  }
0xc5: {  	s3 =	sand.u32 $0x4000, s31;
	s1 =	sadd.s32 s1, s30  }
0xc6: {  	s0 =	sor.u32 s3, s0;
	s1 =	sshll.u32 s1, $0x11  }
0xc7: {  	s0 =	sor.u32 s1, s0  }
0xc8: {  	s0 =	sadd.s32 $0x8F2B, s0  }
0xc9: {  	[sflag:s0] =	ssyncadd.remote.s32 $0x1  }
0xca: {  	_ =	sfence.sel $0xFFFF  }
0xcb: {  	[dreg:$0x0] =	wrdreg $0xFFFFFFFF;
	(pc) =	sbr.abs _section_cstart, $3  }
0xcc: {  	[dreg:$0x1] =	wrdreg $0xFFFFFFFF  }
0xcd: {  	_ =	task.clear_ibuf [dreg:s11], $0x2FFFF;
	_ =	strace $0x9FFFFFFF  }
0xce: {  	(tm) =	ssettm $0x7FFFFFFF  }
0xcf: {  	_ =	shalt  }
tec
execute0_lowered:
.L_overlay_start_1:
0x0: {  	(tag) =	ssettag $0x1  }
0x1: {  	s19 =	rddreg [dreg:$0x0]  }
0x2: {  	s8 =	rddreg [dreg:$0x1]  }
0x3: {  	s10 =	rddreg [dreg:$0x2]  }
0x4: {  	s1 =	srdreg.scid;
	s0 =	stileid.u32  }
0x5: {  	s12 =	rddreg [dreg:$0x3];
	s20 =	sand.u32 $0x1, s1;
	s30 =	sshll.u32 s0, $0x1  }
0x6: {  	s14 =	rddreg [dreg:$0x4];
	s9 =	sor.u32 s20, s30  }
0x7: {  	s16 =	rddreg [dreg:$0x5];
	s3 =	smul.u32 $0xF, s9  }
0x8: {  	s2 =	simm.s32 $0x0;
	s1 =	rddreg [dreg:$0x6]  }
0x9: {  	[smem:$0x7FF] =	sst s2;
	s3 =	sadd.s32 s3, s19  }
0xa: {  	_ =	strace $0x8000005C;
	s4 =	sadd.s32 $0x37200, s3;
	s3 =	simm.s32 $0x2  }
0xb: {  	[tilespmem:s2], [sflag:$0x2] =	stream.linear.gather [hbm4b:s4+s2], $0x78, $0x38;
	[tilespmem:$0x7F8] =	vst v63  }
0xc: {  	_ =	swait.ge [sflag:s3], $0x78  }
0xd: {  	s6 =	simm.s32 $0x78;
	[sflag:s3] =	ssyncset.done $0x0  }
0xe: {  	s7 =	simm.s32 $0x1;
	s5 =	sadd.s32 $0xCA200, s19;
	[sflag:s3] =	ssyncadd.s32 $0xFFFFFF88  }
0xf: {  	[tilespmem:s6], [sflag:$0x1] =	stream.indirect.gather [hbm4b:s5+s6], $0x10, s2, s6, $0xb8;
	[tilespmem:$0x7F8] =	vst v63  }
0x10: {  	s18 =	smul.u32 $0xF0, s9;
	_ =	swait.ge [sflag:s7], $0x780  }
0x11: {  	[sflag:s7] =	ssyncset.done $0x0  }
0x12: {  	s8 =	sadd.s32 s8, s18;
	[sflag:s7] =	ssyncadd.s32 $0xFFFFF880  }
0x13: {  	[hbm4b:s8+s2] =	stream.linear.scatter [tilespmem:s6], [sflag:$0x2], $0x780, $0x38;
	[tilespmem:$0x7F8] =	vst v63  }
0x14: {  	_ =	swait.ge [sflag:s3], $0x780  }
0x15: {  	[sflag:s3] =	ssyncset.done $0x0  }
0x16: {  	s9 =	sadd.s32 $0xFB200, s19;
	[sflag:s3] =	ssyncadd.s32 $0xFFFFF880  }
0x17: {  	[tilespmem:s6], [sflag:$0x1] =	stream.indirect.gather [hbm4b:s9+s6], $0x10, s2, s6, $0xb8;
	[tilespmem:$0x7F8] =	vst v63  }
0x18: {  	_ =	swait.ge [sflag:s7], $0x780  }
0x19: {  	[sflag:s7] =	ssyncset.done $0x0  }
0x1a: {  	s10 =	sadd.s32 s10, s18;
	[sflag:s7] =	ssyncadd.s32 $0xFFFFF880  }
0x1b: {  	[hbm4b:s10+s2] =	stream.linear.scatter [tilespmem:s6], [sflag:$0x2], $0x780, $0x38;
	[tilespmem:$0x7F8] =	vst v63  }
0x1c: {  	_ =	swait.ge [sflag:s3], $0x780  }
0x1d: {  	[sflag:s3] =	ssyncset.done $0x0  }
0x1e: {  	s11 =	sadd.s32 $0x12C200, s19;
	[sflag:s3] =	ssyncadd.s32 $0xFFFFF880  }
0x1f: {  	[tilespmem:s6], [sflag:$0x1] =	stream.indirect.gather [hbm4b:s11+s6], $0x10, s2, s6, $0xb8;
	[tilespmem:$0x7F8] =	vst v63  }
0x20: {  	_ =	swait.ge [sflag:s7], $0x780  }
0x21: {  	[sflag:s7] =	ssyncset.done $0x0  }
0x22: {  	s12 =	sadd.s32 s12, s18;
	[sflag:s7] =	ssyncadd.s32 $0xFFFFF880  }
0x23: {  	[hbm4b:s12+s2] =	stream.linear.scatter [tilespmem:s6], [sflag:$0x2], $0x780, $0x38;
	[tilespmem:$0x7F8] =	vst v63  }
0x24: {  	_ =	swait.ge [sflag:s3], $0x780  }
0x25: {  	[sflag:s3] =	ssyncset.done $0x0  }
0x26: {  	s13 =	sadd.s32 $0x15D200, s19;
	[sflag:s3] =	ssyncadd.s32 $0xFFFFF880  }
0x27: {  	[tilespmem:s6], [sflag:$0x1] =	stream.indirect.gather [hbm4b:s13+s6], $0x10, s2, s6, $0xb8;
	[tilespmem:$0x7F8] =	vst v63  }
0x28: {  	_ =	swait.ge [sflag:s7], $0x780  }
0x29: {  	[sflag:s7] =	ssyncset.done $0x0  }
0x2a: {  	s14 =	sadd.s32 s14, s18;
	[sflag:s7] =	ssyncadd.s32 $0xFFFFF880  }
0x2b: {  	[hbm4b:s14+s2] =	stream.linear.scatter [tilespmem:s6], [sflag:$0x2], $0x780, $0x38;
	[tilespmem:$0x7F8] =	vst v63  }
0x2c: {  	_ =	swait.ge [sflag:s3], $0x780  }
0x2d: {  	[sflag:s3] =	ssyncset.done $0x0  }
0x2e: {  	s15 =	sadd.s32 $0x18E200, s19;
	[sflag:s3] =	ssyncadd.s32 $0xFFFFF880  }
0x2f: {  	[tilespmem:s6], [sflag:$0x1] =	stream.indirect.gather [hbm4b:s15+s6], $0x10, s2, s6, $0xb8;
	[tilespmem:$0x7F8] =	vst v63  }
0x30: {  	_ =	swait.ge [sflag:s7], $0x780  }
0x31: {  	[sflag:s7] =	ssyncset.done $0x0  }
0x32: {  	s16 =	sadd.s32 s16, s18;
	[sflag:s7] =	ssyncadd.s32 $0xFFFFF880  }
0x33: {  	[hbm4b:s16+s2] =	stream.linear.scatter [tilespmem:s6], [sflag:$0x2], $0x780, $0x38;
	[tilespmem:$0x7F8] =	vst v63  }
0x34: {  	_ =	swait.ge [sflag:s3], $0x780  }
0x35: {  	[sflag:s3] =	ssyncset.done $0x0  }
0x36: {  	s17 =	sadd.s32 $0x1BF200, s19;
	[sflag:s3] =	ssyncadd.s32 $0xFFFFF880  }
0x37: {  	[tilespmem:s6], [sflag:$0x1] =	stream.indirect.gather [hbm4b:s17+s6], $0x10, s2, s6, $0xb8;
	[tilespmem:$0x7F8] =	vst v63  }
0x38: {  	_ =	swait.ge [sflag:s7], $0x780  }
0x39: {  	s21 =	sadd.s32 s18, s19;
	[sflag:s7] =	ssyncset.done $0x0  }
0x3a: {  	s20 =	ssub.s32 $0x2, s20;
	s18 =	sadd.s32 $0x37400, s21;
	[sflag:s7] =	ssyncadd.s32 $0xFFFFF880  }
0x3b: {  	[hbm4b:s18+s2] =	stream.linear.scatter [tilespmem:s6], [sflag:$0x2], $0x780, $0x38;
	[tilespmem:$0x7F8] =	vst v63  }
0x3c: {  	s22 =	sshrl.u32 s20, $0x1;
	_ =	swait.ge [sflag:s3], $0x780  }
0x3d: {  	s22 =	ssub.s32 s20, s22;
	[sflag:s3] =	ssyncset.done $0x0  }
0x3e: {  	s19 =	sadd.s32 $0x6200, s19;
	s31 =	smax.u32 s22, $0x1;
	[sflag:s3] =	ssyncadd.s32 $0xFFFFF880  }
0x3f: {  	[tilespmem:s6], [sflag:$0x1] =	stream.indirect.gather [hbm4b:s19+s6], $0x10, s2, s6, $0xb8;
	[tilespmem:$0x7F8] =	vst v63  }
0x40: {  	p0 =	sne.s32 s31, $0x1;
	_ =	swait.ge [sflag:s7], $0x780  }
.Ltmp0:
0x41: {  	[sflag:s7] =	ssyncset.done $0x0;
	(pc) =	sbr.rel @!p0 .LBB2_2-.Ltmp0, $4  }
0x42: {  	s20 =	sadd.s32 $0x39200, s21;
	[sflag:s7] =	ssyncadd.s32 $0xFFFFF880  }
0x43: {  	[hbm4b:s20+s2] =	stream.linear.scatter [tilespmem:s6], [sflag:$0x2], $0x780, $0x38;
	[tilespmem:$0x7F8] =	vst v63  }
0x44: {  	_ =	swait.ge [sflag:s3], $0x780  }
0x45: {  	s21 =	sadd.s32 $0xFFFFFFFF, s31;
	[sflag:s3] =	ssyncset.done $0x0  }
.LBB2_1:
0x46: {  	p0 =	sne.s32 s21, $0x1;
	s21 =	sadd.s32 $0xFFFFFFFF, s21;
	[sflag:s3] =	ssyncadd.s32 $0xFFFFF880  }
0x47: {  	[tilespmem:s2], [sflag:$0x2] =	stream.linear.gather [hbm4b:s4+s2], $0x78, $0x38;
	[tilespmem:$0x7F8] =	vst v63  }
0x48: {  	_ =	swait.ge [sflag:s3], $0x78  }
0x49: {  	[sflag:s3] =	ssyncset.done $0x0  }
0x4a: {  	[sflag:s3] =	ssyncadd.s32 $0xFFFFFF88  }
0x4b: {  	[tilespmem:s6], [sflag:$0x1] =	stream.indirect.gather [hbm4b:s5+s6], $0x10, s2, s6, $0xb8;
	[tilespmem:$0x7F8] =	vst v63  }
0x4c: {  	_ =	swait.ge [sflag:s7], $0x780  }
0x4d: {  	[sflag:s7] =	ssyncset.done $0x0  }
0x4e: {  	[sflag:s7] =	ssyncadd.s32 $0xFFFFF880  }
0x4f: {  	[hbm4b:s8+s2] =	stream.linear.scatter [tilespmem:s6], [sflag:$0x2], $0x780, $0x38;
	[tilespmem:$0x7F8] =	vst v63  }
0x50: {  	_ =	swait.ge [sflag:s3], $0x780  }
0x51: {  	[sflag:s3] =	ssyncset.done $0x0  }
0x52: {  	[sflag:s3] =	ssyncadd.s32 $0xFFFFF880  }
0x53: {  	[tilespmem:s6], [sflag:$0x1] =	stream.indirect.gather [hbm4b:s9+s6], $0x10, s2, s6, $0xb8;
	[tilespmem:$0x7F8] =	vst v63  }
0x54: {  	_ =	swait.ge [sflag:s7], $0x780  }
0x55: {  	[sflag:s7] =	ssyncset.done $0x0  }
0x56: {  	[sflag:s7] =	ssyncadd.s32 $0xFFFFF880  }
0x57: {  	[hbm4b:s10+s2] =	stream.linear.scatter [tilespmem:s6], [sflag:$0x2], $0x780, $0x38;
	[tilespmem:$0x7F8] =	vst v63  }
0x58: {  	_ =	swait.ge [sflag:s3], $0x780  }
0x59: {  	[sflag:s3] =	ssyncset.done $0x0  }
0x5a: {  	[sflag:s3] =	ssyncadd.s32 $0xFFFFF880  }
0x5b: {  	[tilespmem:s6], [sflag:$0x1] =	stream.indirect.gather [hbm4b:s11+s6], $0x10, s2, s6, $0xb8;
	[tilespmem:$0x7F8] =	vst v63  }
0x5c: {  	_ =	swait.ge [sflag:s7], $0x780  }
0x5d: {  	[sflag:s7] =	ssyncset.done $0x0  }
0x5e: {  	[sflag:s7] =	ssyncadd.s32 $0xFFFFF880  }
0x5f: {  	[hbm4b:s12+s2] =	stream.linear.scatter [tilespmem:s6], [sflag:$0x2], $0x780, $0x38;
	[tilespmem:$0x7F8] =	vst v63  }
0x60: {  	_ =	swait.ge [sflag:s3], $0x780  }
0x61: {  	[sflag:s3] =	ssyncset.done $0x0  }
0x62: {  	[sflag:s3] =	ssyncadd.s32 $0xFFFFF880  }
0x63: {  	[tilespmem:s6], [sflag:$0x1] =	stream.indirect.gather [hbm4b:s13+s6], $0x10, s2, s6, $0xb8;
	[tilespmem:$0x7F8] =	vst v63  }
0x64: {  	_ =	swait.ge [sflag:s7], $0x780  }
0x65: {  	[sflag:s7] =	ssyncset.done $0x0  }
0x66: {  	[sflag:s7] =	ssyncadd.s32 $0xFFFFF880  }
0x67: {  	[hbm4b:s14+s2] =	stream.linear.scatter [tilespmem:s6], [sflag:$0x2], $0x780, $0x38;
	[tilespmem:$0x7F8] =	vst v63  }
0x68: {  	_ =	swait.ge [sflag:s3], $0x780  }
0x69: {  	[sflag:s3] =	ssyncset.done $0x0  }
0x6a: {  	[sflag:s3] =	ssyncadd.s32 $0xFFFFF880  }
0x6b: {  	[tilespmem:s6], [sflag:$0x1] =	stream.indirect.gather [hbm4b:s15+s6], $0x10, s2, s6, $0xb8;
	[tilespmem:$0x7F8] =	vst v63  }
0x6c: {  	_ =	swait.ge [sflag:s7], $0x780  }
0x6d: {  	[sflag:s7] =	ssyncset.done $0x0  }
0x6e: {  	[sflag:s7] =	ssyncadd.s32 $0xFFFFF880  }
0x6f: {  	[hbm4b:s16+s2] =	stream.linear.scatter [tilespmem:s6], [sflag:$0x2], $0x780, $0x38;
	[tilespmem:$0x7F8] =	vst v63  }
0x70: {  	_ =	swait.ge [sflag:s3], $0x780  }
0x71: {  	[sflag:s3] =	ssyncset.done $0x0  }
0x72: {  	[sflag:s3] =	ssyncadd.s32 $0xFFFFF880  }
0x73: {  	[tilespmem:s6], [sflag:$0x1] =	stream.indirect.gather [hbm4b:s17+s6], $0x10, s2, s6, $0xb8;
	[tilespmem:$0x7F8] =	vst v63  }
0x74: {  	_ =	swait.ge [sflag:s7], $0x780  }
0x75: {  	[sflag:s7] =	ssyncset.done $0x0  }
0x76: {  	[sflag:s7] =	ssyncadd.s32 $0xFFFFF880  }
0x77: {  	[hbm4b:s18+s2] =	stream.linear.scatter [tilespmem:s6], [sflag:$0x2], $0x780, $0x38;
	[tilespmem:$0x7F8] =	vst v63  }
0x78: {  	_ =	swait.ge [sflag:s3], $0x780  }
0x79: {  	[sflag:s3] =	ssyncset.done $0x0  }
0x7a: {  	[sflag:s3] =	ssyncadd.s32 $0xFFFFF880  }
0x7b: {  	[tilespmem:s6], [sflag:$0x1] =	stream.indirect.gather [hbm4b:s19+s6], $0x10, s2, s6, $0xb8;
	[tilespmem:$0x7F8] =	vst v63  }
0x7c: {  	_ =	swait.ge [sflag:s7], $0x780  }
.Ltmp1:
0x7d: {  	[sflag:s7] =	ssyncset.done $0x0;
	(pc) =	sbr.rel @p0 .LBB2_1-.Ltmp1, $4  }
0x7e: {  	[sflag:s7] =	ssyncadd.s32 $0xFFFFF880  }
0x7f: {  	[hbm4b:s20+s2] =	stream.linear.scatter [tilespmem:s6], [sflag:$0x2], $0x780, $0x38;
	[tilespmem:$0x7F8] =	vst v63  }
0x80: {  	_ =	swait.ge [sflag:s3], $0x780  }
0x81: {  	[sflag:s3] =	ssyncset.done $0x0  }
.LBB2_2:
0x82: {  	[sflag:s3] =	ssyncadd.s32 $0xFFFFF880  }
0x83: {  	_ =	sfence.sel $0x180000  }
0x84: {  	[bflag:$0x0] =	sbarrier.arrive $0xFFFF  }
0x85: {  	p0 =	sne.s32 s0, $0x0;
	_ =	strace $0x9000005C  }
0x86: {  	s0 =	sadd.s32 @!p0 $0x100000, s1;
	[bflag:$0x2] =	sbarrier.arrive $0xFFFF  }
0x87: {  	[sflag:s0] =	ssyncadd.tile.s32 @!p0 $0x1;
	_ =	shalt  }
.Lfunc_end2:
_tile_overlayer_lowered:
.L_overlay_start_2:
0x88: {  	(tag) =	ssettag $0x2  }
0x89: {  	s0 =	rddreg [dreg:$0x0];
	s2 =	stileid.u32  }
0x8a: {  	s1 =	rddreg [dreg:$0x1];
	p0 =	sne.s32 s2, $0x0  }
0x8b: {  	s3 =	rddreg [dreg:$0x2];
	[bflag:$0x3] =	sbarrier.arrive $0xFFFF;
	s2 =	simm.s32 @!p0 $0x1C02  }
0x8c: {  	[timem:s3], [sflag:s2] =	dma.local @!p0 [hbm:s0], s1  }
0x8d: {  	s0 =	simm.s32 @!p0 $0x2  }
0x8e: {  	_ =	swait.ge @!p0 [sflag:s0], s1  }
0x8f: {  	s1 =	ssub.s32 @!p0 $0x0, s1;
	[sflag:s0] =	ssyncset.done @!p0 $0x0  }
0x90: {  	[sflag:s0] =	ssyncadd.s32 @!p0 s1  }
0x91: {  	[bflag:$0x3] =	sbarrier.arrive $0xFFFF  }
0x92: {  	_ =	shalt  }

</sc_bundles>
